<compile_context>
chip_gen: v7x
topology: tpu7x:2x2x1
jax: 0.10.2.dev20260603
libtpu: 0.0.44.dev20260713+nightly
codegen_flags: <defaults>
</compile_context>

<pallas_src>
import jax
import jax.numpy as jnp
from jax import lax
from jax.experimental import pallas as pl
from jax.experimental.pallas import tpu as pltpu
from jax.experimental.pallas import tpu_sc as plsc

N = 10000
E = 320000
H = 128
R = 10
NB = 4
L = 3

SL = 16
NSL = H // SL
CH = 128
NTILES = 32
NJ = 80
EPAD = NJ * CH * NTILES
NCHUNK = EPAD // CH
NPAD = 10048
ACC_ROWS = R * NPAD
SHARE = ACC_ROWS // 16
ZB = 40
TRASH = N
NBLK = 400
GRID = N // NBLK

_HIGH = lax.Precision.HIGHEST




def _sc_segment_sum(h_all, src2d, sidx2d, with_cnt):
    outs = (jax.ShapeDtypeStruct((2, ACC_ROWS, H), jnp.float32),)
    if with_cnt:
        outs = outs + (jax.ShapeDtypeStruct((2, ACC_ROWS, SL), jnp.float32),)
    nout = len(outs)
    mesh = plsc.VectorSubcoreMesh(core_axis_name="c", subcore_axis_name="s")
    scratch = (
        [
            pltpu.VMEM((NJ, CH), jnp.int32),
            pltpu.VMEM((NJ, CH), jnp.int32),
        ]
        + [pltpu.VMEM((CH, SL), jnp.float32) for _ in range(4)]
        + [
            pltpu.VMEM((ZB, SL), jnp.float32),
            pltpu.VMEM_SHARED((ACC_ROWS, SL), jnp.float32),
        ]
        + [pltpu.SemaphoreType.DMA for _ in range(10)]
    )

    def body(*refs):
        h_hbm, src_hbm, sidx_hbm = refs[0], refs[1], refs[2]
        s_outs = list(refs[3:3 + nout])
        rest = refs[3 + nout:]
        src_v, sidx_v = rest[0], rest[1]
        gs = list(rest[2:6])
        zb, acc = rest[6], rest[7]
        sgs = list(rest[8:12])
        sss = list(rest[12:16])
        semz, semd = rest[16], rest[17]

        ci = lax.axis_index("c")
        si = lax.axis_index("s")
        w = ci * 16 + si

        pltpu.sync_copy(src_hbm.at[pl.ds(w * NJ, NJ)], src_v)
        pltpu.sync_copy(sidx_hbm.at[pl.ds(w * NJ, NJ)], sidx_v)

        @pl.loop(0, ZB)
        def _(i):
            zb[i, :] = jnp.zeros((SL,), jnp.float32)

        def zero_issue():
            @pl.loop(0, SHARE // ZB)
            def _(t):
                pltpu.async_copy(zb, acc.at[pl.ds(si * SHARE + t * ZB, ZB)], semz)

        def zero_drain():
            @pl.loop(0, SHARE // ZB)
            def _(t):
                pltpu.make_async_copy(
                    zb, acc.at[pl.ds(si * SHARE + t * ZB, ZB)], semz).wait()

        def s_dump_issue(col):
            pltpu.async_copy(
                acc.at[pl.ds(si * SHARE, SHARE)],
                s_outs[0].at[ci, pl.ds(si * SHARE, SHARE), pl.ds(col * SL, SL)],
                semd,
            )

        def s_dump_wait(col):
            pltpu.make_async_copy(
                acc.at[pl.ds(si * SHARE, SHARE)],
                s_outs[0].at[ci, pl.ds(si * SHARE, SHARE), pl.ds(col * SL, SL)],
                semd,
            ).wait()

        @pl.loop(0, NSL)
        def _(cs):
            tab = h_hbm.at[cs]

            def do_step(m, k, refill):
                pltpu.make_async_copy(tab.at[src_v.at[m]], gs[k], sgs[k]).wait()
                pltpu.async_copy(gs[k], acc.at[sidx_v.at[m]], sss[k], add=True)
                if refill:
                    kp = (k + 2) % 4
                    pltpu.make_async_copy(
                        gs[kp], acc.at[sidx_v.at[m - 2]], sss[kp]).wait()
                    pltpu.async_copy(tab.at[src_v.at[m + 2]], gs[kp], sgs[kp])

            for k in range(4):
                pltpu.async_copy(tab.at[src_v.at[k]], gs[k], sgs[k])

            @pl.when(cs > 0)
            def _():
                s_dump_wait(cs - 1)

            zero_issue()
            zero_drain()
            plsc.subcore_barrier()

            do_step(0, 0, False)
            do_step(1, 1, False)
            do_step(2, 2, True)
            do_step(3, 3, True)

            @pl.loop(4, NJ - 4, step=4)
            def _(j):
                for k in range(4):
                    do_step(j + k, k, True)

            do_step(NJ - 4, 0, True)
            do_step(NJ - 3, 1, True)
            do_step(NJ - 2, 2, False)
            do_step(NJ - 1, 3, False)
            for k in range(4):
                pltpu.make_async_copy(
                    gs[k], acc.at[sidx_v.at[NJ - 4 + k]], sss[k]).wait()
            plsc.subcore_barrier()
            s_dump_issue(cs)

        s_dump_wait(NSL - 1)
        if with_cnt:
            g0, ss0 = gs[0], sss[0]

            @pl.loop(0, CH)
            def _(i):
                g0[i, :] = jnp.ones((SL,), jnp.float32)

            zero_issue()
            zero_drain()
            plsc.subcore_barrier()

            @pl.loop(0, NJ)
            def _(j):
                pltpu.async_copy(g0, acc.at[sidx_v.at[j]], ss0, add=True)

            @pl.loop(0, NJ)
            def _(j):
                pltpu.make_async_copy(g0, acc.at[sidx_v.at[j]], ss0).wait()

            plsc.subcore_barrier()
            pltpu.sync_copy(
                acc.at[pl.ds(si * SHARE, SHARE)],
                s_outs[1].at[ci, pl.ds(si * SHARE, SHARE)],
            )

    call = pl.kernel(
        body,
        out_type=outs,
        mesh=mesh,
        scratch_types=scratch,
        compiler_params=pltpu.CompilerParams(use_tc_tiling_on_sc=False),
    )
    return call(h_all, src2d, sidx2d)




def _prologue(x, w_in, b_in):

    def body(x_ref, w_ref, b_ref, h_ref, ht_ref):
        hb = jnp.dot(x_ref[...], w_ref[...], precision=_HIGH) + b_ref[...]
        h_ref[...] = hb
        for cs in range(NSL):
            ht_ref[cs, :, :] = hb[:, cs * SL:(cs + 1) * SL]

    out_shape = [
        jax.ShapeDtypeStruct((N, H), jnp.float32),
        jax.ShapeDtypeStruct((NSL, N, SL), jnp.float32),
    ]
    return pl.pallas_call(
        body,
        grid=(GRID,),
        in_specs=[
            pl.BlockSpec((NBLK, H), lambda i: (i, 0)),
            pl.BlockSpec((H, H), lambda i: (0, 0)),
            pl.BlockSpec((1, H), lambda i: (0, 0)),
        ],
        out_specs=[
            pl.BlockSpec((NBLK, H), lambda i: (i, 0)),
            pl.BlockSpec((NSL, NBLK, SL), lambda i: (0, i, 0)),
        ],
        out_shape=out_shape,
    )(x, w_in, b_in)


def _sidx(et2d, dst2d):

    def body(t_ref, d_ref, o_ref):
        o_ref[...] = t_ref[...] * NPAD + d_ref[...]

    blk = NCHUNK // 4
    return pl.pallas_call(
        body,
        grid=(4,),
        in_specs=[
            pl.BlockSpec((blk, CH), lambda i: (i, 0)),
            pl.BlockSpec((blk, CH), lambda i: (i, 0)),
        ],
        out_specs=pl.BlockSpec((blk, CH), lambda i: (i, 0)),
        out_shape=jax.ShapeDtypeStruct((NCHUNK, CH), jnp.int32),
    )(et2d, dst2d)


def _combine(s4, cnt4, h, comp_l, bases_l, root_l, cbias_l, g_l, b_l,
             resid, mlp=None):
    last = mlp is not None

    def body(*refs):
        (s_ref, c_ref, h_ref, comp_ref, bases_ref, root_ref, cb_ref, g_ref,
         b_ref) = refs[:9]
        pos = 9
        if last:
            w1_ref, b1_ref, w2_ref, b2_ref = refs[pos:pos + 4]
            pos += 4
        outs = refs[pos:]

        hi = h_ref[...]
        agg = jnp.dot(hi, root_ref[...], precision=_HIGH) + cb_ref[...]
        scaled = []
        for r in range(R):
            c_r = c_ref[0, r, :, 0:1] + c_ref[1, r, :, 0:1]
            inv = 1.0 / jnp.maximum(c_r, 1.0)
            scaled.append((s_ref[0, r] + s_ref[1, r]) * inv)
        for bb in range(NB):
            u = scaled[0] * comp_ref[0, bb]
            for r in range(1, R):
                u = u + scaled[r] * comp_ref[r, bb]
            agg = agg + jnp.dot(u, bases_ref[bb], precision=_HIGH)
        mu = jnp.mean(agg, axis=-1, keepdims=True)
        d = agg - mu
        var = jnp.mean(d * d, axis=-1, keepdims=True)
        hn = d * lax.rsqrt(var + 1e-5) * g_ref[...] + b_ref[...]
        hn = jnp.maximum(hn, 0.0)
        h_out = hi + hn if resid else hn
        if last:
            hid = jnp.maximum(
                jnp.dot(h_out, w1_ref[...], precision=_HIGH) + b1_ref[...], 0.0)
            outs[0][...] = jnp.dot(hid, w2_ref[...], precision=_HIGH) + b2_ref[...]
        else:
            outs[0][...] = h_out
            for cs in range(NSL):
                outs[1][cs, :, :] = h_out[:, cs * SL:(cs + 1) * SL]

    in_specs = [
        pl.BlockSpec((2, R, NBLK, H), lambda i: (0, 0, i, 0)),
        pl.BlockSpec((2, R, NBLK, SL), lambda i: (0, 0, i, 0)),
        pl.BlockSpec((NBLK, H), lambda i: (i, 0)),
        pl.BlockSpec(memory_space=pltpu.SMEM),
        pl.BlockSpec((NB, H, H), lambda i: (0, 0, 0)),
        pl.BlockSpec((H, H), lambda i: (0, 0)),
        pl.BlockSpec((1, H), lambda i: (0, 0)),
        pl.BlockSpec((1, H), lambda i: (0, 0)),
        pl.BlockSpec((1, H), lambda i: (0, 0)),
    ]
    args = [s4, cnt4, h, comp_l, bases_l, root_l, cbias_l, g_l, b_l]
    if last:
        in_specs += [
            pl.BlockSpec((H, H), lambda i: (0, 0)),
            pl.BlockSpec((1, H), lambda i: (0, 0)),
            pl.BlockSpec((H, H), lambda i: (0, 0)),
            pl.BlockSpec((1, H), lambda i: (0, 0)),
        ]
        args += list(mlp)
        out_specs = pl.BlockSpec((NBLK, H), lambda i: (i, 0))
        out_shape = jax.ShapeDtypeStruct((N, H), jnp.float32)
    else:
        out_specs = [
            pl.BlockSpec((NBLK, H), lambda i: (i, 0)),
            pl.BlockSpec((NSL, NBLK, SL), lambda i: (0, i, 0)),
        ]
        out_shape = [
            jax.ShapeDtypeStruct((N, H), jnp.float32),
            jax.ShapeDtypeStruct((NSL, N, SL), jnp.float32),
        ]
    return pl.pallas_call(
        body,
        grid=(GRID,),
        in_specs=in_specs,
        out_specs=out_specs,
        out_shape=out_shape,
    )(*args)




def kernel(x, edge_index, edge_type, W_in, b_in, bases, comp, root, conv_bias,
           ln_g, ln_b, W1, b1, W2, b2):
    src = edge_index[0].astype(jnp.int32)
    dst = edge_index[1].astype(jnp.int32)
    et = edge_type.astype(jnp.int32)
    pad = EPAD - E
    src2d = jnp.pad(src, (0, pad)).reshape(NCHUNK, CH)
    dst2d = jnp.pad(dst, (0, pad), constant_values=TRASH).reshape(NCHUNK, CH)
    et2d = jnp.pad(et, (0, pad)).reshape(NCHUNK, CH)
    sidx2d = _sidx(et2d, dst2d)

    h, ht = _prologue(x, W_in, b_in.reshape(1, H))

    cnt4 = None
    out = None
    for l in range(L):
        if l == 0:
            s_part, cnt = _sc_segment_sum(ht, src2d, sidx2d, with_cnt=True)
            cnt4 = cnt.reshape(2, R, NPAD, SL)
        else:
            (s_part,) = _sc_segment_sum(ht, src2d, sidx2d, with_cnt=False)
        s4 = s_part.reshape(2, R, NPAD, H)
        common = (s4, cnt4, h, comp[l], bases[l], root[l],
                  conv_bias[l].reshape(1, H), ln_g[l].reshape(1, H),
                  ln_b[l].reshape(1, H))
        if l < L - 1:
            h, ht = _combine(*common, resid=(l > 0))
        else:
            out = _combine(*common, resid=True,
                           mlp=(W1, b1.reshape(1, H), W2, b2.reshape(1, H)))
    return out

# --- scband reference (transcript-rebuilt; emitter-appended) ---
"""Pipeline reference for scband-temporal-rgcn-30236569764192 (READ-ONLY COPY).

The authoritative reference and input builder live on the scoring server;
editing this copy changes nothing except your own understanding.
"""

import jax, jax.numpy as jnp
import numpy as np

N = 10000
E = 320000
F_IN = 128
H = 128
OUT = 128
R = 10
NB = 4
L = 3


def setup_inputs(seed: int = 0) -> dict:
    key = jax.random.key(seed)
    ks = jax.random.split(key, 16)
    s = 0.05
    return {
        "x": jax.random.normal(ks[0], (N, F_IN), dtype=jnp.float32),
        "edge_index": jax.random.randint(ks[1], (2, E), 0, N, dtype=jnp.int64),
        "edge_type": jax.random.randint(ks[2], (E,), 0, R, dtype=jnp.int64),
        "W_in": jax.random.normal(ks[3], (F_IN, H), dtype=jnp.float32) * s,
        "b_in": jnp.zeros((H,), dtype=jnp.float32),
        "bases": jax.random.normal(ks[4], (L, NB, H, H), dtype=jnp.float32) * s,
        "comp": jax.random.normal(ks[5], (L, R, NB), dtype=jnp.float32) * s,
        "root": jax.random.normal(ks[6], (L, H, H), dtype=jnp.float32) * s,
        "conv_bias": jnp.zeros((L, H), dtype=jnp.float32),
        "ln_g": jnp.ones((L, H), dtype=jnp.float32),
        "ln_b": jnp.zeros((L, H), dtype=jnp.float32),
        "W1": jax.random.normal(ks[7], (H, H), dtype=jnp.float32) * s,
        "b1": jnp.zeros((H,), dtype=jnp.float32),
        "W2": jax.random.normal(ks[8], (H, OUT), dtype=jnp.float32) * s,
        "b2": jnp.zeros((OUT,), dtype=jnp.float32),
    }


def _layer_norm(h, g, b):
    mu = jnp.mean(h, axis=-1, keepdims=True)
    var = jnp.var(h, axis=-1, keepdims=True)
    return (h - mu) / jnp.sqrt(var + 1e-5) * g + b


def reference(x, edge_index, edge_type, W_in, b_in, bases, comp, root, conv_bias, ln_g, ln_b, W1, b1, W2, b2):
    # Dropout is inference-mode (identity).
    src = edge_index[0]
    dst = edge_index[1]
    n = x.shape[0]
    h = x @ W_in + b_in
    for l in range(L):
        # basis-decomposed relation weights: [R, H, H]
        weight = jnp.einsum('rb,bio->rio', comp[l], bases[l])
        # per-edge messages with relation-specific transform
        m = jnp.einsum('ed,edo->eo', h[src], weight[edge_type])
        # per-relation mean aggregation (PyG RGCNConv aggr='mean')
        cnt = jnp.zeros((R, n), dtype=jnp.float32).at[edge_type, dst].add(1.0)
        cnt = jnp.maximum(cnt, 1.0)
        m = m / cnt[edge_type, dst][:, None]
        agg = jnp.zeros_like(h).at[dst].add(m)
        h_new = agg + h @ root[l] + conv_bias[l]
        h_new = _layer_norm(h_new, ln_g[l], ln_b[l])
        h_new = jax.nn.relu(h_new)
        h = h + h_new if l > 0 else h_new
    hid = jax.nn.relu(h @ W1 + b1)
    out = hid @ W2 + b2
    return out

if __name__ == "__main__":
    import jax
    _d = setup_inputs()
    print(jax.jit(kernel)(*tuple(_d.values())))

</pallas_src>

<mosaic_0001>
#map = affine_map<(d0, d1) -> (0, 0, 0)>
#map1 = affine_map<(d0, d1) -> (0, 0)>
module attributes {stable_mosaic.version = 14 : i64} {
  func.func @body(%arg0: i32, %arg1: i32, %arg2: memref<8x10000x16xf32, #tpu.memory_space<hbm>>, %arg3: memref<2560x128xi32, #tpu.memory_space<hbm>>, %arg4: memref<2560x128xi32, #tpu.memory_space<hbm>>, %arg5: memref<2x100480x128xf32, #tpu.memory_space<hbm>>, %arg6: memref<80x128xi32, #tpu.memory_space<vmem>>, %arg7: memref<80x128xi32, #tpu.memory_space<vmem>>, %arg8: memref<128x16xf32, #tpu.memory_space<vmem>>, %arg9: memref<128x16xf32, #tpu.memory_space<vmem>>, %arg10: memref<128x16xf32, #tpu.memory_space<vmem>>, %arg11: memref<128x16xf32, #tpu.memory_space<vmem>>, %arg12: memref<40x16xf32, #tpu.memory_space<vmem>>, %arg13: memref<100480x16xf32, #tpu.memory_space<vmem_shared>>, %arg14: memref<!tpu.dma_semaphore, #tpu.memory_space<semaphore_mem>>, %arg15: memref<!tpu.dma_semaphore, #tpu.memory_space<semaphore_mem>>, %arg16: memref<!tpu.dma_semaphore, #tpu.memory_space<semaphore_mem>>, %arg17: memref<!tpu.dma_semaphore, #tpu.memory_space<semaphore_mem>>, %arg18: memref<!tpu.dma_semaphore, #tpu.memory_space<semaphore_mem>>, %arg19: memref<!tpu.dma_semaphore, #tpu.memory_space<semaphore_mem>>, %arg20: memref<!tpu.dma_semaphore, #tpu.memory_space<semaphore_mem>>, %arg21: memref<!tpu.dma_semaphore, #tpu.memory_space<semaphore_mem>>, %arg22: memref<!tpu.dma_semaphore, #tpu.memory_space<semaphore_mem>>, %arg23: memref<!tpu.dma_semaphore, #tpu.memory_space<semaphore_mem>>) attributes {dimension_semantics = [#tpu.dimension_semantics<core_parallel>, #tpu.dimension_semantics<subcore_parallel>], iteration_bounds = array<i64: 2, 16>, scalar_prefetch = 0 : i64, scratch_operands = 18 : i64, tpu.core_type = #tpu.core_type<sc_vector_subcore>, window_params = [{transform_indices = #map}, {transform_indices = #map1}, {transform_indices = #map1}, {transform_indices = #map}]} {
    %mul3A = arith.constant 16 : i32
    %mul3A_0 = arith.muli %arg0, %mul3A : i32
    %add3A = arith.addi %mul3A_0, %arg1 : i32
    %mul3A_1 = arith.constant 80 : i32
    %mul3A_2 = arith.muli %add3A, %mul3A_1 : i32
    "tpu.region"() ({
      %run_scoped3A = tpu.sem_alloc : memref<!tpu.dma_semaphore, #tpu.memory_space<semaphore_mem>>
      %dma_start3A = arith.constant 0 : i32
      %dma_start3A_22 = tpu.memref_slice %arg3[%mul3A_2, %dma_start3A] : memref<2560x128xi32, #tpu.memory_space<hbm>> -> memref<80x128xi32, #tpu.memory_space<hbm>>
      %dma_start3A_23 = arith.constant 0 : i32
      %dma_start3A_24 = tpu.memref_slice %arg3[%mul3A_2, %dma_start3A_23] : memref<2560x128xi32, #tpu.memory_space<hbm>> -> memref<80x128xi32, #tpu.memory_space<hbm>>
      tpu.enqueue_dma source(%dma_start3A_24 : memref<80x128xi32, #tpu.memory_space<hbm>>) target(%arg6 : memref<80x128xi32, #tpu.memory_space<vmem>>) target_semaphore(%run_scoped3A : memref<!tpu.dma_semaphore, #tpu.memory_space<semaphore_mem>>)
      %dma_wait3A_25 = arith.constant 0 : i32
      %dma_wait3A_26 = tpu.memref_slice %arg3[%mul3A_2, %dma_wait3A_25] : memref<2560x128xi32, #tpu.memory_space<hbm>> -> memref<80x128xi32, #tpu.memory_space<hbm>>
      %dma_wait3A_27 = arith.constant 0 : i32
      %dma_wait3A_28 = tpu.memref_slice %arg3[%mul3A_2, %dma_wait3A_27] : memref<2560x128xi32, #tpu.memory_space<hbm>> -> memref<80x128xi32, #tpu.memory_space<hbm>>
      tpu.wait_dma2 semaphore(%run_scoped3A : memref<!tpu.dma_semaphore, #tpu.memory_space<semaphore_mem>>) src(%dma_wait3A_28 : memref<80x128xi32, #tpu.memory_space<hbm>>) dst(%arg6 : memref<80x128xi32, #tpu.memory_space<vmem>>)
      tpu.yield
    }) : () -> ()
    %mul3A_3 = arith.constant 80 : i32
    %mul3A_4 = arith.muli %add3A, %mul3A_3 : i32
    "tpu.region"() ({
      %run_scoped3A = tpu.sem_alloc : memref<!tpu.dma_semaphore, #tpu.memory_space<semaphore_mem>>
      %dma_start3A = arith.constant 0 : i32
      %dma_start3A_22 = tpu.memref_slice %arg4[%mul3A_4, %dma_start3A] : memref<2560x128xi32, #tpu.memory_space<hbm>> -> memref<80x128xi32, #tpu.memory_space<hbm>>
      %dma_start3A_23 = arith.constant 0 : i32
      %dma_start3A_24 = tpu.memref_slice %arg4[%mul3A_4, %dma_start3A_23] : memref<2560x128xi32, #tpu.memory_space<hbm>> -> memref<80x128xi32, #tpu.memory_space<hbm>>
      tpu.enqueue_dma source(%dma_start3A_24 : memref<80x128xi32, #tpu.memory_space<hbm>>) target(%arg7 : memref<80x128xi32, #tpu.memory_space<vmem>>) target_semaphore(%run_scoped3A : memref<!tpu.dma_semaphore, #tpu.memory_space<semaphore_mem>>)
      %dma_wait3A_25 = arith.constant 0 : i32
      %dma_wait3A_26 = tpu.memref_slice %arg4[%mul3A_4, %dma_wait3A_25] : memref<2560x128xi32, #tpu.memory_space<hbm>> -> memref<80x128xi32, #tpu.memory_space<hbm>>
      %dma_wait3A_27 = arith.constant 0 : i32
      %dma_wait3A_28 = tpu.memref_slice %arg4[%mul3A_4, %dma_wait3A_27] : memref<2560x128xi32, #tpu.memory_space<hbm>> -> memref<80x128xi32, #tpu.memory_space<hbm>>
      tpu.wait_dma2 semaphore(%run_scoped3A : memref<!tpu.dma_semaphore, #tpu.memory_space<semaphore_mem>>) src(%dma_wait3A_28 : memref<80x128xi32, #tpu.memory_space<hbm>>) dst(%arg7 : memref<80x128xi32, #tpu.memory_space<vmem>>)
      tpu.yield
    }) : () -> ()
    %scan3A = arith.constant 0 : i32
    %scan3A_5 = arith.constant 40 : i32
    %scan3A_6 = arith.addi %scan3A, %scan3A_5 : i32
    %scan3A_7 = arith.constant 1 : i32
    scf.for %scan3A_22 = %scan3A to %scan3A_6 step %scan3A_7  : i32 {
      %mul3A_23 = arith.constant 1 : i32
      %mul3A_24 = arith.muli %scan3A_22, %mul3A_23 : i32
      %add3A_25 = arith.constant 0 : i32
      %add3A_26 = arith.addi %add3A_25, %mul3A_24 : i32
      %broadcast_in_dim3A = arith.constant 0.000000e+00 : f32
      %broadcast_in_dim3A_27 = vector.broadcast %broadcast_in_dim3A : f32 to vector<16xf32>
      %swap3A = arith.index_cast %add3A_26 : i32 to index
      %swap3A_28 = arith.constant 0 : index
      %swap3A_29 = tpu.vector_load %arg12[%swap3A, %swap3A_28] {strides = array<i32>} : memref<40x16xf32, #tpu.memory_space<vmem>>, vector<1x16xf32>,
      %swap3A_30 = vector.shape_cast %swap3A_29 : vector<1x16xf32> to vector<16xf32>
      %swap3A_31 = vector.shape_cast %broadcast_in_dim3A_27 : vector<16xf32> to vector<1x16xf32>
      tpu.vector_store %arg12[%swap3A, %swap3A_28], %swap3A_31 {strides = array<i32>} : memref<40x16xf32, #tpu.memory_space<vmem>>, vector<1x16xf32>,
    }
    %scan3A_8 = arith.constant 40 : i32
    %scan3A_9 = arith.constant 0 : i32
    %scan3A_10 = arith.constant 8 : i32
    %scan3A_11 = arith.addi %scan3A_9, %scan3A_10 : i32
    %scan3A_12 = arith.constant 1 : i32
    scf.for %scan3A_22 = %scan3A_9 to %scan3A_11 step %scan3A_12  : i32 {
      %mul3A_23 = arith.constant 1 : i32
      %mul3A_24 = arith.muli %scan3A_22, %mul3A_23 : i32
      %add3A_25 = arith.constant 0 : i32
      %add3A_26 = arith.addi %add3A_25, %mul3A_24 : i32
      %dma_start3A = arith.constant 0 : i32
      %dma_start3A_27 = arith.constant 0 : i32
      %dma_start3A_28 = tpu.memref_slice %arg6[%dma_start3A, %dma_start3A_27] : memref<80x128xi32, #tpu.memory_space<vmem>> -> memref<1x128xi32, #tpu.memory_space<vmem>>
      %dma_start3A_29 = tpu.memref_squeeze %dma_start3A_28 : memref<1x128xi32, #tpu.memory_space<vmem>> -> memref<128xi32, #tpu.memory_space<vmem>>
      %dma_start3A_30 = arith.constant 0 : i32
      %dma_start3A_31 = arith.constant 0 : i32
      %dma_start3A_32 = tpu.memref_slice %arg2[%add3A_26, %dma_start3A_30, %dma_start3A_31] : memref<8x10000x16xf32, #tpu.memory_space<hbm>> -> memref<1x10000x16xf32, #tpu.memory_space<hbm>>
      %dma_start3A_33 = tpu.memref_squeeze %dma_start3A_32 : memref<1x10000x16xf32, #tpu.memory_space<hbm>> -> memref<10000x16xf32, #tpu.memory_space<hbm>>
      %dma_start3A_34 = arith.constant 0 : i32
      %dma_start3A_35 = arith.constant 0 : i32
      %dma_start3A_36 = tpu.memref_slice %dma_start3A_33[%dma_start3A_34, %dma_start3A_35] : memref<10000x16xf32, #tpu.memory_space<hbm>> -> memref<10000x16xf32, #tpu.memory_space<hbm>>
      tpu.enqueue_indirect_dma source(%dma_start3A_36 : memref<10000x16xf32, #tpu.memory_space<hbm>>) target(%arg8 : memref<128x16xf32, #tpu.memory_space<vmem>>) offsets(%dma_start3A_29 : memref<128xi32, #tpu.memory_space<vmem>>) semaphore(%arg14 : memref<!tpu.dma_semaphore, #tpu.memory_space<semaphore_mem>>)
      %dma_start3A_37 = arith.constant 1 : i32
      %dma_start3A_38 = arith.constant 0 : i32
      %dma_start3A_39 = tpu.memref_slice %arg6[%dma_start3A_37, %dma_start3A_38] : memref<80x128xi32, #tpu.memory_space<vmem>> -> memref<1x128xi32, #tpu.memory_space<vmem>>
      %dma_start3A_40 = tpu.memref_squeeze %dma_start3A_39 : memref<1x128xi32, #tpu.memory_space<vmem>> -> memref<128xi32, #tpu.memory_space<vmem>>
      %dma_start3A_41 = arith.constant 0 : i32
      %dma_start3A_42 = arith.constant 0 : i32
      %dma_start3A_43 = tpu.memref_slice %arg2[%add3A_26, %dma_start3A_41, %dma_start3A_42] : memref<8x10000x16xf32, #tpu.memory_space<hbm>> -> memref<1x10000x16xf32, #tpu.memory_space<hbm>>
      %dma_start3A_44 = tpu.memref_squeeze %dma_start3A_43 : memref<1x10000x16xf32, #tpu.memory_space<hbm>> -> memref<10000x16xf32, #tpu.memory_space<hbm>>
      %dma_start3A_45 = arith.constant 0 : i32
      %dma_start3A_46 = arith.constant 0 : i32
      %dma_start3A_47 = tpu.memref_slice %dma_start3A_44[%dma_start3A_45, %dma_start3A_46] : memref<10000x16xf32, #tpu.memory_space<hbm>> -> memref<10000x16xf32, #tpu.memory_space<hbm>>
      tpu.enqueue_indirect_dma source(%dma_start3A_47 : memref<10000x16xf32, #tpu.memory_space<hbm>>) target(%arg9 : memref<128x16xf32, #tpu.memory_space<vmem>>) offsets(%dma_start3A_40 : memref<128xi32, #tpu.memory_space<vmem>>) semaphore(%arg15 : memref<!tpu.dma_semaphore, #tpu.memory_space<semaphore_mem>>)
      %dma_start3A_48 = arith.constant 2 : i32
      %dma_start3A_49 = arith.constant 0 : i32
      %dma_start3A_50 = tpu.memref_slice %arg6[%dma_start3A_48, %dma_start3A_49] : memref<80x128xi32, #tpu.memory_space<vmem>> -> memref<1x128xi32, #tpu.memory_space<vmem>>
      %dma_start3A_51 = tpu.memref_squeeze %dma_start3A_50 : memref<1x128xi32, #tpu.memory_space<vmem>> -> memref<128xi32, #tpu.memory_space<vmem>>
      %dma_start3A_52 = arith.constant 0 : i32
      %dma_start3A_53 = arith.constant 0 : i32
      %dma_start3A_54 = tpu.memref_slice %arg2[%add3A_26, %dma_start3A_52, %dma_start3A_53] : memref<8x10000x16xf32, #tpu.memory_space<hbm>> -> memref<1x10000x16xf32, #tpu.memory_space<hbm>>
      %dma_start3A_55 = tpu.memref_squeeze %dma_start3A_54 : memref<1x10000x16xf32, #tpu.memory_space<hbm>> -> memref<10000x16xf32, #tpu.memory_space<hbm>>
      %dma_start3A_56 = arith.constant 0 : i32
      %dma_start3A_57 = arith.constant 0 : i32
      %dma_start3A_58 = tpu.memref_slice %dma_start3A_55[%dma_start3A_56, %dma_start3A_57] : memref<10000x16xf32, #tpu.memory_space<hbm>> -> memref<10000x16xf32, #tpu.memory_space<hbm>>
      tpu.enqueue_indirect_dma source(%dma_start3A_58 : memref<10000x16xf32, #tpu.memory_space<hbm>>) target(%arg10 : memref<128x16xf32, #tpu.memory_space<vmem>>) offsets(%dma_start3A_51 : memref<128xi32, #tpu.memory_space<vmem>>) semaphore(%arg16 : memref<!tpu.dma_semaphore, #tpu.memory_space<semaphore_mem>>)
      %dma_start3A_59 = arith.constant 3 : i32
      %dma_start3A_60 = arith.constant 0 : i32
      %dma_start3A_61 = tpu.memref_slice %arg6[%dma_start3A_59, %dma_start3A_60] : memref<80x128xi32, #tpu.memory_space<vmem>> -> memref<1x128xi32, #tpu.memory_space<vmem>>
      %dma_start3A_62 = tpu.memref_squeeze %dma_start3A_61 : memref<1x128xi32, #tpu.memory_space<vmem>> -> memref<128xi32, #tpu.memory_space<vmem>>
      %dma_start3A_63 = arith.constant 0 : i32
      %dma_start3A_64 = arith.constant 0 : i32
      %dma_start3A_65 = tpu.memref_slice %arg2[%add3A_26, %dma_start3A_63, %dma_start3A_64] : memref<8x10000x16xf32, #tpu.memory_space<hbm>> -> memref<1x10000x16xf32, #tpu.memory_space<hbm>>
      %dma_start3A_66 = tpu.memref_squeeze %dma_start3A_65 : memref<1x10000x16xf32, #tpu.memory_space<hbm>> -> memref<10000x16xf32, #tpu.memory_space<hbm>>
      %dma_start3A_67 = arith.constant 0 : i32
      %dma_start3A_68 = arith.constant 0 : i32
      %dma_start3A_69 = tpu.memref_slice %dma_start3A_66[%dma_start3A_67, %dma_start3A_68] : memref<10000x16xf32, #tpu.memory_space<hbm>> -> memref<10000x16xf32, #tpu.memory_space<hbm>>
      tpu.enqueue_indirect_dma source(%dma_start3A_69 : memref<10000x16xf32, #tpu.memory_space<hbm>>) target(%arg11 : memref<128x16xf32, #tpu.memory_space<vmem>>) offsets(%dma_start3A_62 : memref<128xi32, #tpu.memory_space<vmem>>) semaphore(%arg17 : memref<!tpu.dma_semaphore, #tpu.memory_space<semaphore_mem>>)
      %gt3A = arith.constant 0 : i32
      %gt3A_70 = arith.cmpi sgt, %add3A_26, %gt3A : i32
      %convert_element_type3A = arith.extui %gt3A_70 : i1 to i32
      %cond3A = arith.constant 0 : i32
      %cond3A_71 = arith.cmpi ne, %convert_element_type3A, %cond3A : i32
      scf.if %cond3A_71 {
        %sub3A = arith.constant 1 : i32
        %sub3A_342 = arith.subi %add3A_26, %sub3A : i32
        %mul3A_343 = arith.constant 6280 : i32
        %mul3A_344 = arith.muli %arg1, %mul3A_343 : i32
        %mul3A_345 = arith.constant 6280 : i32
        %mul3A_346 = arith.muli %arg1, %mul3A_345 : i32
        %mul3A_347 = arith.constant 16 : i32
        %mul3A_348 = arith.muli %sub3A_342, %mul3A_347 : i32
        %dma_wait3A_349 = tpu.memref_slice %arg5[%arg0, %mul3A_346, %mul3A_348] : memref<2x100480x128xf32, #tpu.memory_space<hbm>> -> memref<1x6280x16xf32, #tpu.memory_space<hbm>>
        %dma_wait3A_350 = tpu.memref_squeeze %dma_wait3A_349 : memref<1x6280x16xf32, #tpu.memory_space<hbm>> -> memref<6280x16xf32, #tpu.memory_space<hbm>>
        %dma_wait3A_351 = arith.constant 0 : i32
        %dma_wait3A_352 = tpu.memref_slice %arg13[%mul3A_344, %dma_wait3A_351] : memref<100480x16xf32, #tpu.memory_space<vmem_shared>> -> memref<6280x16xf32, #tpu.memory_space<vmem_shared>>
        tpu.wait_dma2 semaphore(%arg23 : memref<!tpu.dma_semaphore, #tpu.memory_space<semaphore_mem>>) src(%dma_wait3A_352 : memref<6280x16xf32, #tpu.memory_space<vmem_shared>>) dst(%dma_wait3A_350 : memref<6280x16xf32, #tpu.memory_space<hbm>>)
      } else {
      }
      %scan3A_72 = arith.constant 0 : i32
      %scan3A_73 = arith.constant 157 : i32
      %scan3A_74 = arith.addi %scan3A_72, %scan3A_73 : i32
      %scan3A_75 = arith.constant 1 : i32
      scf.for %scan3A_342 = %scan3A_72 to %scan3A_74 step %scan3A_75  : i32 {
        %mul3A_343 = arith.constant 1 : i32
        %mul3A_344 = arith.muli %scan3A_342, %mul3A_343 : i32
        %add3A_345 = arith.constant 0 : i32
        %add3A_346 = arith.addi %add3A_345, %mul3A_344 : i32
        %mul3A_347 = arith.constant 6280 : i32
        %mul3A_348 = arith.muli %arg1, %mul3A_347 : i32
        %mul3A_349 = arith.constant 40 : i32
        %mul3A_350 = arith.muli %add3A_346, %mul3A_349 : i32
        %add3A_351 = arith.addi %mul3A_348, %mul3A_350 : i32
        %dma_start3A_352 = arith.constant 0 : i32
        %dma_start3A_353 = tpu.memref_slice %arg13[%add3A_351, %dma_start3A_352] : memref<100480x16xf32, #tpu.memory_space<vmem_shared>> -> memref<40x16xf32, #tpu.memory_space<vmem_shared>>
        %dma_start3A_354 = arith.constant 0 : i32
        %dma_start3A_355 = tpu.memref_slice %arg13[%add3A_351, %dma_start3A_354] : memref<100480x16xf32, #tpu.memory_space<vmem_shared>> -> memref<40x16xf32, #tpu.memory_space<vmem_shared>>
        tpu.enqueue_dma source(%arg12 : memref<40x16xf32, #tpu.memory_space<vmem>>) target(%dma_start3A_355 : memref<40x16xf32, #tpu.memory_space<vmem_shared>>) target_semaphore(%arg22 : memref<!tpu.dma_semaphore, #tpu.memory_space<semaphore_mem>>)
      }
      %scan3A_76 = arith.constant 157 : i32
      %scan3A_77 = arith.constant 0 : i32
      %scan3A_78 = arith.constant 157 : i32
      %scan3A_79 = arith.addi %scan3A_77, %scan3A_78 : i32
      %scan3A_80 = arith.constant 1 : i32
      scf.for %scan3A_342 = %scan3A_77 to %scan3A_79 step %scan3A_80  : i32 {
        %mul3A_343 = arith.constant 1 : i32
        %mul3A_344 = arith.muli %scan3A_342, %mul3A_343 : i32
        %add3A_345 = arith.constant 0 : i32
        %add3A_346 = arith.addi %add3A_345, %mul3A_344 : i32
        %mul3A_347 = arith.constant 6280 : i32
        %mul3A_348 = arith.muli %arg1, %mul3A_347 : i32
        %mul3A_349 = arith.constant 40 : i32
        %mul3A_350 = arith.muli %add3A_346, %mul3A_349 : i32
        %add3A_351 = arith.addi %mul3A_348, %mul3A_350 : i32
        %dma_wait3A_352 = arith.constant 0 : i32
        %dma_wait3A_353 = tpu.memref_slice %arg13[%add3A_351, %dma_wait3A_352] : memref<100480x16xf32, #tpu.memory_space<vmem_shared>> -> memref<40x16xf32, #tpu.memory_space<vmem_shared>>
        %dma_wait3A_354 = arith.constant 0 : i32
        %dma_wait3A_355 = tpu.memref_slice %arg13[%add3A_351, %dma_wait3A_354] : memref<100480x16xf32, #tpu.memory_space<vmem_shared>> -> memref<40x16xf32, #tpu.memory_space<vmem_shared>>
        tpu.wait_dma2 semaphore(%arg22 : memref<!tpu.dma_semaphore, #tpu.memory_space<semaphore_mem>>) src(%arg12 : memref<40x16xf32, #tpu.memory_space<vmem>>) dst(%dma_wait3A_355 : memref<40x16xf32, #tpu.memory_space<vmem_shared>>)
      }
      %scan3A_81 = arith.constant 157 : i32
      %barrier3A = arith.constant 0 : index
      tpu.barrier barrier_id(%barrier3A)
      %dma_wait3A_82 = arith.constant 0 : i32
      %dma_wait3A_83 = arith.constant 0 : i32
      %dma_wait3A_84 = tpu.memref_slice %arg6[%dma_wait3A_82, %dma_wait3A_83] : memref<80x128xi32, #tpu.memory_space<vmem>> -> memref<1x128xi32, #tpu.memory_space<vmem>>
      %dma_wait3A_85 = tpu.memref_squeeze %dma_wait3A_84 : memref<1x128xi32, #tpu.memory_space<vmem>> -> memref<128xi32, #tpu.memory_space<vmem>>
      %dma_wait3A_86 = arith.constant 0 : i32
      %dma_wait3A_87 = arith.constant 0 : i32
      %dma_wait3A_88 = tpu.memref_slice %arg2[%add3A_26, %dma_wait3A_86, %dma_wait3A_87] : memref<8x10000x16xf32, #tpu.memory_space<hbm>> -> memref<1x10000x16xf32, #tpu.memory_space<hbm>>
      %dma_wait3A_89 = tpu.memref_squeeze %dma_wait3A_88 : memref<1x10000x16xf32, #tpu.memory_space<hbm>> -> memref<10000x16xf32, #tpu.memory_space<hbm>>
      %dma_wait3A_90 = arith.constant 0 : i32
      %dma_wait3A_91 = arith.constant 0 : i32
      %dma_wait3A_92 = tpu.memref_slice %dma_wait3A_89[%dma_wait3A_90, %dma_wait3A_91] : memref<10000x16xf32, #tpu.memory_space<hbm>> -> memref<10000x16xf32, #tpu.memory_space<hbm>>
      tpu.wait_indirect_dma semaphore(%arg14 : memref<!tpu.dma_semaphore, #tpu.memory_space<semaphore_mem>>) src(%dma_wait3A_92 : memref<10000x16xf32, #tpu.memory_space<hbm>>) dst(%arg8 : memref<128x16xf32, #tpu.memory_space<vmem>>)
      %dma_start3A_93 = arith.constant 0 : i32
      %dma_start3A_94 = arith.constant 0 : i32
      %dma_start3A_95 = tpu.memref_slice %arg7[%dma_start3A_93, %dma_start3A_94] : memref<80x128xi32, #tpu.memory_space<vmem>> -> memref<1x128xi32, #tpu.memory_space<vmem>>
      %dma_start3A_96 = tpu.memref_squeeze %dma_start3A_95 : memref<1x128xi32, #tpu.memory_space<vmem>> -> memref<128xi32, #tpu.memory_space<vmem>>
      %dma_start3A_97 = arith.constant 0 : i32
      %dma_start3A_98 = arith.constant 0 : i32
      %dma_start3A_99 = tpu.memref_slice %arg13[%dma_start3A_97, %dma_start3A_98] : memref<100480x16xf32, #tpu.memory_space<vmem_shared>> -> memref<100480x16xf32, #tpu.memory_space<vmem_shared>>
      tpu.enqueue_indirect_dma source(%arg8 : memref<128x16xf32, #tpu.memory_space<vmem>>) target(%dma_start3A_99 : memref<100480x16xf32, #tpu.memory_space<vmem_shared>>) offsets(%dma_start3A_96 : memref<128xi32, #tpu.memory_space<vmem>>) semaphore(%arg18 : memref<!tpu.dma_semaphore, #tpu.memory_space<semaphore_mem>>) {add = true}
      %dma_wait3A_100 = arith.constant 1 : i32
      %dma_wait3A_101 = arith.constant 0 : i32
      %dma_wait3A_102 = tpu.memref_slice %arg6[%dma_wait3A_100, %dma_wait3A_101] : memref<80x128xi32, #tpu.memory_space<vmem>> -> memref<1x128xi32, #tpu.memory_space<vmem>>
      %dma_wait3A_103 = tpu.memref_squeeze %dma_wait3A_102 : memref<1x128xi32, #tpu.memory_space<vmem>> -> memref<128xi32, #tpu.memory_space<vmem>>
      %dma_wait3A_104 = arith.constant 0 : i32
      %dma_wait3A_105 = arith.constant 0 : i32
      %dma_wait3A_106 = tpu.memref_slice %arg2[%add3A_26, %dma_wait3A_104, %dma_wait3A_105] : memref<8x10000x16xf32, #tpu.memory_space<hbm>> -> memref<1x10000x16xf32, #tpu.memory_space<hbm>>
      %dma_wait3A_107 = tpu.memref_squeeze %dma_wait3A_106 : memref<1x10000x16xf32, #tpu.memory_space<hbm>> -> memref<10000x16xf32, #tpu.memory_space<hbm>>
      %dma_wait3A_108 = arith.constant 0 : i32
      %dma_wait3A_109 = arith.constant 0 : i32
      %dma_wait3A_110 = tpu.memref_slice %dma_wait3A_107[%dma_wait3A_108, %dma_wait3A_109] : memref<10000x16xf32, #tpu.memory_space<hbm>> -> memref<10000x16xf32, #tpu.memory_space<hbm>>
      tpu.wait_indirect_dma semaphore(%arg15 : memref<!tpu.dma_semaphore, #tpu.memory_space<semaphore_mem>>) src(%dma_wait3A_110 : memref<10000x16xf32, #tpu.memory_space<hbm>>) dst(%arg9 : memref<128x16xf32, #tpu.memory_space<vmem>>)
      %dma_start3A_111 = arith.constant 1 : i32
      %dma_start3A_112 = arith.constant 0 : i32
      %dma_start3A_113 = tpu.memref_slice %arg7[%dma_start3A_111, %dma_start3A_112] : memref<80x128xi32, #tpu.memory_space<vmem>> -> memref<1x128xi32, #tpu.memory_space<vmem>>
      %dma_start3A_114 = tpu.memref_squeeze %dma_start3A_113 : memref<1x128xi32, #tpu.memory_space<vmem>> -> memref<128xi32, #tpu.memory_space<vmem>>
      %dma_start3A_115 = arith.constant 0 : i32
      %dma_start3A_116 = arith.constant 0 : i32
      %dma_start3A_117 = tpu.memref_slice %arg13[%dma_start3A_115, %dma_start3A_116] : memref<100480x16xf32, #tpu.memory_space<vmem_shared>> -> memref<100480x16xf32, #tpu.memory_space<vmem_shared>>
      tpu.enqueue_indirect_dma source(%arg9 : memref<128x16xf32, #tpu.memory_space<vmem>>) target(%dma_start3A_117 : memref<100480x16xf32, #tpu.memory_space<vmem_shared>>) offsets(%dma_start3A_114 : memref<128xi32, #tpu.memory_space<vmem>>) semaphore(%arg19 : memref<!tpu.dma_semaphore, #tpu.memory_space<semaphore_mem>>) {add = true}
      %dma_wait3A_118 = arith.constant 2 : i32
      %dma_wait3A_119 = arith.constant 0 : i32
      %dma_wait3A_120 = tpu.memref_slice %arg6[%dma_wait3A_118, %dma_wait3A_119] : memref<80x128xi32, #tpu.memory_space<vmem>> -> memref<1x128xi32, #tpu.memory_space<vmem>>
      %dma_wait3A_121 = tpu.memref_squeeze %dma_wait3A_120 : memref<1x128xi32, #tpu.memory_space<vmem>> -> memref<128xi32, #tpu.memory_space<vmem>>
      %dma_wait3A_122 = arith.constant 0 : i32
      %dma_wait3A_123 = arith.constant 0 : i32
      %dma_wait3A_124 = tpu.memref_slice %arg2[%add3A_26, %dma_wait3A_122, %dma_wait3A_123] : memref<8x10000x16xf32, #tpu.memory_space<hbm>> -> memref<1x10000x16xf32, #tpu.memory_space<hbm>>
      %dma_wait3A_125 = tpu.memref_squeeze %dma_wait3A_124 : memref<1x10000x16xf32, #tpu.memory_space<hbm>> -> memref<10000x16xf32, #tpu.memory_space<hbm>>
      %dma_wait3A_126 = arith.constant 0 : i32
      %dma_wait3A_127 = arith.constant 0 : i32
      %dma_wait3A_128 = tpu.memref_slice %dma_wait3A_125[%dma_wait3A_126, %dma_wait3A_127] : memref<10000x16xf32, #tpu.memory_space<hbm>> -> memref<10000x16xf32, #tpu.memory_space<hbm>>
      tpu.wait_indirect_dma semaphore(%arg16 : memref<!tpu.dma_semaphore, #tpu.memory_space<semaphore_mem>>) src(%dma_wait3A_128 : memref<10000x16xf32, #tpu.memory_space<hbm>>) dst(%arg10 : memref<128x16xf32, #tpu.memory_space<vmem>>)
      %dma_start3A_129 = arith.constant 2 : i32
      %dma_start3A_130 = arith.constant 0 : i32
      %dma_start3A_131 = tpu.memref_slice %arg7[%dma_start3A_129, %dma_start3A_130] : memref<80x128xi32, #tpu.memory_space<vmem>> -> memref<1x128xi32, #tpu.memory_space<vmem>>
      %dma_start3A_132 = tpu.memref_squeeze %dma_start3A_131 : memref<1x128xi32, #tpu.memory_space<vmem>> -> memref<128xi32, #tpu.memory_space<vmem>>
      %dma_start3A_133 = arith.constant 0 : i32
      %dma_start3A_134 = arith.constant 0 : i32
      %dma_start3A_135 = tpu.memref_slice %arg13[%dma_start3A_133, %dma_start3A_134] : memref<100480x16xf32, #tpu.memory_space<vmem_shared>> -> memref<100480x16xf32, #tpu.memory_space<vmem_shared>>
      tpu.enqueue_indirect_dma source(%arg10 : memref<128x16xf32, #tpu.memory_space<vmem>>) target(%dma_start3A_135 : memref<100480x16xf32, #tpu.memory_space<vmem_shared>>) offsets(%dma_start3A_132 : memref<128xi32, #tpu.memory_space<vmem>>) semaphore(%arg20 : memref<!tpu.dma_semaphore, #tpu.memory_space<semaphore_mem>>) {add = true}
      %dma_wait3A_136 = arith.constant 0 : i32
      %dma_wait3A_137 = arith.constant 0 : i32
      %dma_wait3A_138 = tpu.memref_slice %arg7[%dma_wait3A_136, %dma_wait3A_137] : memref<80x128xi32, #tpu.memory_space<vmem>> -> memref<1x128xi32, #tpu.memory_space<vmem>>
      %dma_wait3A_139 = tpu.memref_squeeze %dma_wait3A_138 : memref<1x128xi32, #tpu.memory_space<vmem>> -> memref<128xi32, #tpu.memory_space<vmem>>
      %dma_wait3A_140 = arith.constant 0 : i32
      %dma_wait3A_141 = arith.constant 0 : i32
      %dma_wait3A_142 = tpu.memref_slice %arg13[%dma_wait3A_140, %dma_wait3A_141] : memref<100480x16xf32, #tpu.memory_space<vmem_shared>> -> memref<100480x16xf32, #tpu.memory_space<vmem_shared>>
      tpu.wait_indirect_dma semaphore(%arg18 : memref<!tpu.dma_semaphore, #tpu.memory_space<semaphore_mem>>) src(%arg8 : memref<128x16xf32, #tpu.memory_space<vmem>>) dst(%dma_wait3A_142 : memref<100480x16xf32, #tpu.memory_space<vmem_shared>>)
      %dma_start3A_143 = arith.constant 4 : i32
      %dma_start3A_144 = arith.constant 0 : i32
      %dma_start3A_145 = tpu.memref_slice %arg6[%dma_start3A_143, %dma_start3A_144] : memref<80x128xi32, #tpu.memory_space<vmem>> -> memref<1x128xi32, #tpu.memory_space<vmem>>
      %dma_start3A_146 = tpu.memref_squeeze %dma_start3A_145 : memref<1x128xi32, #tpu.memory_space<vmem>> -> memref<128xi32, #tpu.memory_space<vmem>>
      %dma_start3A_147 = arith.constant 0 : i32
      %dma_start3A_148 = arith.constant 0 : i32
      %dma_start3A_149 = tpu.memref_slice %arg2[%add3A_26, %dma_start3A_147, %dma_start3A_148] : memref<8x10000x16xf32, #tpu.memory_space<hbm>> -> memref<1x10000x16xf32, #tpu.memory_space<hbm>>
      %dma_start3A_150 = tpu.memref_squeeze %dma_start3A_149 : memref<1x10000x16xf32, #tpu.memory_space<hbm>> -> memref<10000x16xf32, #tpu.memory_space<hbm>>
      %dma_start3A_151 = arith.constant 0 : i32
      %dma_start3A_152 = arith.constant 0 : i32
      %dma_start3A_153 = tpu.memref_slice %dma_start3A_150[%dma_start3A_151, %dma_start3A_152] : memref<10000x16xf32, #tpu.memory_space<hbm>> -> memref<10000x16xf32, #tpu.memory_space<hbm>>
      tpu.enqueue_indirect_dma source(%dma_start3A_153 : memref<10000x16xf32, #tpu.memory_space<hbm>>) target(%arg8 : memref<128x16xf32, #tpu.memory_space<vmem>>) offsets(%dma_start3A_146 : memref<128xi32, #tpu.memory_space<vmem>>) semaphore(%arg14 : memref<!tpu.dma_semaphore, #tpu.memory_space<semaphore_mem>>)
      %dma_wait3A_154 = arith.constant 3 : i32
      %dma_wait3A_155 = arith.constant 0 : i32
      %dma_wait3A_156 = tpu.memref_slice %arg6[%dma_wait3A_154, %dma_wait3A_155] : memref<80x128xi32, #tpu.memory_space<vmem>> -> memref<1x128xi32, #tpu.memory_space<vmem>>
      %dma_wait3A_157 = tpu.memref_squeeze %dma_wait3A_156 : memref<1x128xi32, #tpu.memory_space<vmem>> -> memref<128xi32, #tpu.memory_space<vmem>>
      %dma_wait3A_158 = arith.constant 0 : i32
      %dma_wait3A_159 = arith.constant 0 : i32
      %dma_wait3A_160 = tpu.memref_slice %arg2[%add3A_26, %dma_wait3A_158, %dma_wait3A_159] : memref<8x10000x16xf32, #tpu.memory_space<hbm>> -> memref<1x10000x16xf32, #tpu.memory_space<hbm>>
      %dma_wait3A_161 = tpu.memref_squeeze %dma_wait3A_160 : memref<1x10000x16xf32, #tpu.memory_space<hbm>> -> memref<10000x16xf32, #tpu.memory_space<hbm>>
      %dma_wait3A_162 = arith.constant 0 : i32
      %dma_wait3A_163 = arith.constant 0 : i32
      %dma_wait3A_164 = tpu.memref_slice %dma_wait3A_161[%dma_wait3A_162, %dma_wait3A_163] : memref<10000x16xf32, #tpu.memory_space<hbm>> -> memref<10000x16xf32, #tpu.memory_space<hbm>>
      tpu.wait_indirect_dma semaphore(%arg17 : memref<!tpu.dma_semaphore, #tpu.memory_space<semaphore_mem>>) src(%dma_wait3A_164 : memref<10000x16xf32, #tpu.memory_space<hbm>>) dst(%arg11 : memref<128x16xf32, #tpu.memory_space<vmem>>)
      %dma_start3A_165 = arith.constant 3 : i32
      %dma_start3A_166 = arith.constant 0 : i32
      %dma_start3A_167 = tpu.memref_slice %arg7[%dma_start3A_165, %dma_start3A_166] : memref<80x128xi32, #tpu.memory_space<vmem>> -> memref<1x128xi32, #tpu.memory_space<vmem>>
      %dma_start3A_168 = tpu.memref_squeeze %dma_start3A_167 : memref<1x128xi32, #tpu.memory_space<vmem>> -> memref<128xi32, #tpu.memory_space<vmem>>
      %dma_start3A_169 = arith.constant 0 : i32
      %dma_start3A_170 = arith.constant 0 : i32
      %dma_start3A_171 = tpu.memref_slice %arg13[%dma_start3A_169, %dma_start3A_170] : memref<100480x16xf32, #tpu.memory_space<vmem_shared>> -> memref<100480x16xf32, #tpu.memory_space<vmem_shared>>
      tpu.enqueue_indirect_dma source(%arg11 : memref<128x16xf32, #tpu.memory_space<vmem>>) target(%dma_start3A_171 : memref<100480x16xf32, #tpu.memory_space<vmem_shared>>) offsets(%dma_start3A_168 : memref<128xi32, #tpu.memory_space<vmem>>) semaphore(%arg21 : memref<!tpu.dma_semaphore, #tpu.memory_space<semaphore_mem>>) {add = true}
      %dma_wait3A_172 = arith.constant 1 : i32
      %dma_wait3A_173 = arith.constant 0 : i32
      %dma_wait3A_174 = tpu.memref_slice %arg7[%dma_wait3A_172, %dma_wait3A_173] : memref<80x128xi32, #tpu.memory_space<vmem>> -> memref<1x128xi32, #tpu.memory_space<vmem>>
      %dma_wait3A_175 = tpu.memref_squeeze %dma_wait3A_174 : memref<1x128xi32, #tpu.memory_space<vmem>> -> memref<128xi32, #tpu.memory_space<vmem>>
      %dma_wait3A_176 = arith.constant 0 : i32
      %dma_wait3A_177 = arith.constant 0 : i32
      %dma_wait3A_178 = tpu.memref_slice %arg13[%dma_wait3A_176, %dma_wait3A_177] : memref<100480x16xf32, #tpu.memory_space<vmem_shared>> -> memref<100480x16xf32, #tpu.memory_space<vmem_shared>>
      tpu.wait_indirect_dma semaphore(%arg19 : memref<!tpu.dma_semaphore, #tpu.memory_space<semaphore_mem>>) src(%arg9 : memref<128x16xf32, #tpu.memory_space<vmem>>) dst(%dma_wait3A_178 : memref<100480x16xf32, #tpu.memory_space<vmem_shared>>)
      %dma_start3A_179 = arith.constant 5 : i32
      %dma_start3A_180 = arith.constant 0 : i32
      %dma_start3A_181 = tpu.memref_slice %arg6[%dma_start3A_179, %dma_start3A_180] : memref<80x128xi32, #tpu.memory_space<vmem>> -> memref<1x128xi32, #tpu.memory_space<vmem>>
      %dma_start3A_182 = tpu.memref_squeeze %dma_start3A_181 : memref<1x128xi32, #tpu.memory_space<vmem>> -> memref<128xi32, #tpu.memory_space<vmem>>
      %dma_start3A_183 = arith.constant 0 : i32
      %dma_start3A_184 = arith.constant 0 : i32
      %dma_start3A_185 = tpu.memref_slice %arg2[%add3A_26, %dma_start3A_183, %dma_start3A_184] : memref<8x10000x16xf32, #tpu.memory_space<hbm>> -> memref<1x10000x16xf32, #tpu.memory_space<hbm>>
      %dma_start3A_186 = tpu.memref_squeeze %dma_start3A_185 : memref<1x10000x16xf32, #tpu.memory_space<hbm>> -> memref<10000x16xf32, #tpu.memory_space<hbm>>
      %dma_start3A_187 = arith.constant 0 : i32
      %dma_start3A_188 = arith.constant 0 : i32
      %dma_start3A_189 = tpu.memref_slice %dma_start3A_186[%dma_start3A_187, %dma_start3A_188] : memref<10000x16xf32, #tpu.memory_space<hbm>> -> memref<10000x16xf32, #tpu.memory_space<hbm>>
      tpu.enqueue_indirect_dma source(%dma_start3A_189 : memref<10000x16xf32, #tpu.memory_space<hbm>>) target(%arg9 : memref<128x16xf32, #tpu.memory_space<vmem>>) offsets(%dma_start3A_182 : memref<128xi32, #tpu.memory_space<vmem>>) semaphore(%arg15 : memref<!tpu.dma_semaphore, #tpu.memory_space<semaphore_mem>>)
      %scan3A_190 = arith.constant 0 : i32
      %scan3A_191 = arith.constant 18 : i32
      %scan3A_192 = arith.addi %scan3A_190, %scan3A_191 : i32
      %scan3A_193 = arith.constant 1 : i32
      scf.for %scan3A_342 = %scan3A_190 to %scan3A_192 step %scan3A_193  : i32 {
        %mul3A_343 = arith.constant 4 : i32
        %mul3A_344 = arith.muli %scan3A_342, %mul3A_343 : i32
        %add3A_345 = arith.constant 4 : i32
        %add3A_346 = arith.addi %add3A_345, %mul3A_344 : i32
        %add3A_347 = arith.constant 0 : i32
        %add3A_348 = arith.addi %add3A_346, %add3A_347 : i32
        %dma_wait3A_349 = arith.constant 0 : i32
        %dma_wait3A_350 = tpu.memref_slice %arg6[%add3A_348, %dma_wait3A_349] : memref<80x128xi32, #tpu.memory_space<vmem>> -> memref<1x128xi32, #tpu.memory_space<vmem>>
        %dma_wait3A_351 = tpu.memref_squeeze %dma_wait3A_350 : memref<1x128xi32, #tpu.memory_space<vmem>> -> memref<128xi32, #tpu.memory_space<vmem>>
        %dma_wait3A_352 = arith.constant 0 : i32
        %dma_wait3A_353 = arith.constant 0 : i32
        %dma_wait3A_354 = tpu.memref_slice %arg2[%add3A_26, %dma_wait3A_352, %dma_wait3A_353] : memref<8x10000x16xf32, #tpu.memory_space<hbm>> -> memref<1x10000x16xf32, #tpu.memory_space<hbm>>
        %dma_wait3A_355 = tpu.memref_squeeze %dma_wait3A_354 : memref<1x10000x16xf32, #tpu.memory_space<hbm>> -> memref<10000x16xf32, #tpu.memory_space<hbm>>
        %dma_wait3A_356 = arith.constant 0 : i32
        %dma_wait3A_357 = arith.constant 0 : i32
        %dma_wait3A_358 = tpu.memref_slice %dma_wait3A_355[%dma_wait3A_356, %dma_wait3A_357] : memref<10000x16xf32, #tpu.memory_space<hbm>> -> memref<10000x16xf32, #tpu.memory_space<hbm>>
        tpu.wait_indirect_dma semaphore(%arg14 : memref<!tpu.dma_semaphore, #tpu.memory_space<semaphore_mem>>) src(%dma_wait3A_358 : memref<10000x16xf32, #tpu.memory_space<hbm>>) dst(%arg8 : memref<128x16xf32, #tpu.memory_space<vmem>>)
        %dma_start3A_359 = arith.constant 0 : i32
        %dma_start3A_360 = tpu.memref_slice %arg7[%add3A_348, %dma_start3A_359] : memref<80x128xi32, #tpu.memory_space<vmem>> -> memref<1x128xi32, #tpu.memory_space<vmem>>
        %dma_start3A_361 = tpu.memref_squeeze %dma_start3A_360 : memref<1x128xi32, #tpu.memory_space<vmem>> -> memref<128xi32, #tpu.memory_space<vmem>>
        %dma_start3A_362 = arith.constant 0 : i32
        %dma_start3A_363 = arith.constant 0 : i32
        %dma_start3A_364 = tpu.memref_slice %arg13[%dma_start3A_362, %dma_start3A_363] : memref<100480x16xf32, #tpu.memory_space<vmem_shared>> -> memref<100480x16xf32, #tpu.memory_space<vmem_shared>>
        tpu.enqueue_indirect_dma source(%arg8 : memref<128x16xf32, #tpu.memory_space<vmem>>) target(%dma_start3A_364 : memref<100480x16xf32, #tpu.memory_space<vmem_shared>>) offsets(%dma_start3A_361 : memref<128xi32, #tpu.memory_space<vmem>>) semaphore(%arg18 : memref<!tpu.dma_semaphore, #tpu.memory_space<semaphore_mem>>) {add = true}
        %sub3A = arith.constant 2 : i32
        %sub3A_365 = arith.subi %add3A_348, %sub3A : i32
        %dma_wait3A_366 = arith.constant 0 : i32
        %dma_wait3A_367 = tpu.memref_slice %arg7[%sub3A_365, %dma_wait3A_366] : memref<80x128xi32, #tpu.memory_space<vmem>> -> memref<1x128xi32, #tpu.memory_space<vmem>>
        %dma_wait3A_368 = tpu.memref_squeeze %dma_wait3A_367 : memref<1x128xi32, #tpu.memory_space<vmem>> -> memref<128xi32, #tpu.memory_space<vmem>>
        %dma_wait3A_369 = arith.constant 0 : i32
        %dma_wait3A_370 = arith.constant 0 : i32
        %dma_wait3A_371 = tpu.memref_slice %arg13[%dma_wait3A_369, %dma_wait3A_370] : memref<100480x16xf32, #tpu.memory_space<vmem_shared>> -> memref<100480x16xf32, #tpu.memory_space<vmem_shared>>
        tpu.wait_indirect_dma semaphore(%arg20 : memref<!tpu.dma_semaphore, #tpu.memory_space<semaphore_mem>>) src(%arg10 : memref<128x16xf32, #tpu.memory_space<vmem>>) dst(%dma_wait3A_371 : memref<100480x16xf32, #tpu.memory_space<vmem_shared>>)
        %add3A_372 = arith.constant 2 : i32
        %add3A_373 = arith.addi %add3A_348, %add3A_372 : i32
        %dma_start3A_374 = arith.constant 0 : i32
        %dma_start3A_375 = tpu.memref_slice %arg6[%add3A_373, %dma_start3A_374] : memref<80x128xi32, #tpu.memory_space<vmem>> -> memref<1x128xi32, #tpu.memory_space<vmem>>
        %dma_start3A_376 = tpu.memref_squeeze %dma_start3A_375 : memref<1x128xi32, #tpu.memory_space<vmem>> -> memref<128xi32, #tpu.memory_space<vmem>>
        %dma_start3A_377 = arith.constant 0 : i32
        %dma_start3A_378 = arith.constant 0 : i32
        %dma_start3A_379 = tpu.memref_slice %arg2[%add3A_26, %dma_start3A_377, %dma_start3A_378] : memref<8x10000x16xf32, #tpu.memory_space<hbm>> -> memref<1x10000x16xf32, #tpu.memory_space<hbm>>
        %dma_start3A_380 = tpu.memref_squeeze %dma_start3A_379 : memref<1x10000x16xf32, #tpu.memory_space<hbm>> -> memref<10000x16xf32, #tpu.memory_space<hbm>>
        %dma_start3A_381 = arith.constant 0 : i32
        %dma_start3A_382 = arith.constant 0 : i32
        %dma_start3A_383 = tpu.memref_slice %dma_start3A_380[%dma_start3A_381, %dma_start3A_382] : memref<10000x16xf32, #tpu.memory_space<hbm>> -> memref<10000x16xf32, #tpu.memory_space<hbm>>
        tpu.enqueue_indirect_dma source(%dma_start3A_383 : memref<10000x16xf32, #tpu.memory_space<hbm>>) target(%arg10 : memref<128x16xf32, #tpu.memory_space<vmem>>) offsets(%dma_start3A_376 : memref<128xi32, #tpu.memory_space<vmem>>) semaphore(%arg16 : memref<!tpu.dma_semaphore, #tpu.memory_space<semaphore_mem>>)
        %add3A_384 = arith.constant 1 : i32
        %add3A_385 = arith.addi %add3A_346, %add3A_384 : i32
        %dma_wait3A_386 = arith.constant 0 : i32
        %dma_wait3A_387 = tpu.memref_slice %arg6[%add3A_385, %dma_wait3A_386] : memref<80x128xi32, #tpu.memory_space<vmem>> -> memref<1x128xi32, #tpu.memory_space<vmem>>
        %dma_wait3A_388 = tpu.memref_squeeze %dma_wait3A_387 : memref<1x128xi32, #tpu.memory_space<vmem>> -> memref<128xi32, #tpu.memory_space<vmem>>
        %dma_wait3A_389 = arith.constant 0 : i32
        %dma_wait3A_390 = arith.constant 0 : i32
        %dma_wait3A_391 = tpu.memref_slice %arg2[%add3A_26, %dma_wait3A_389, %dma_wait3A_390] : memref<8x10000x16xf32, #tpu.memory_space<hbm>> -> memref<1x10000x16xf32, #tpu.memory_space<hbm>>
        %dma_wait3A_392 = tpu.memref_squeeze %dma_wait3A_391 : memref<1x10000x16xf32, #tpu.memory_space<hbm>> -> memref<10000x16xf32, #tpu.memory_space<hbm>>
        %dma_wait3A_393 = arith.constant 0 : i32
        %dma_wait3A_394 = arith.constant 0 : i32
        %dma_wait3A_395 = tpu.memref_slice %dma_wait3A_392[%dma_wait3A_393, %dma_wait3A_394] : memref<10000x16xf32, #tpu.memory_space<hbm>> -> memref<10000x16xf32, #tpu.memory_space<hbm>>
        tpu.wait_indirect_dma semaphore(%arg15 : memref<!tpu.dma_semaphore, #tpu.memory_space<semaphore_mem>>) src(%dma_wait3A_395 : memref<10000x16xf32, #tpu.memory_space<hbm>>) dst(%arg9 : memref<128x16xf32, #tpu.memory_space<vmem>>)
        %dma_start3A_396 = arith.constant 0 : i32
        %dma_start3A_397 = tpu.memref_slice %arg7[%add3A_385, %dma_start3A_396] : memref<80x128xi32, #tpu.memory_space<vmem>> -> memref<1x128xi32, #tpu.memory_space<vmem>>
        %dma_start3A_398 = tpu.memref_squeeze %dma_start3A_397 : memref<1x128xi32, #tpu.memory_space<vmem>> -> memref<128xi32, #tpu.memory_space<vmem>>
        %dma_start3A_399 = arith.constant 0 : i32
        %dma_start3A_400 = arith.constant 0 : i32
        %dma_start3A_401 = tpu.memref_slice %arg13[%dma_start3A_399, %dma_start3A_400] : memref<100480x16xf32, #tpu.memory_space<vmem_shared>> -> memref<100480x16xf32, #tpu.memory_space<vmem_shared>>
        tpu.enqueue_indirect_dma source(%arg9 : memref<128x16xf32, #tpu.memory_space<vmem>>) target(%dma_start3A_401 : memref<100480x16xf32, #tpu.memory_space<vmem_shared>>) offsets(%dma_start3A_398 : memref<128xi32, #tpu.memory_space<vmem>>) semaphore(%arg19 : memref<!tpu.dma_semaphore, #tpu.memory_space<semaphore_mem>>) {add = true}
        %sub3A_402 = arith.constant 2 : i32
        %sub3A_403 = arith.subi %add3A_385, %sub3A_402 : i32
        %dma_wait3A_404 = arith.constant 0 : i32
        %dma_wait3A_405 = tpu.memref_slice %arg7[%sub3A_403, %dma_wait3A_404] : memref<80x128xi32, #tpu.memory_space<vmem>> -> memref<1x128xi32, #tpu.memory_space<vmem>>
        %dma_wait3A_406 = tpu.memref_squeeze %dma_wait3A_405 : memref<1x128xi32, #tpu.memory_space<vmem>> -> memref<128xi32, #tpu.memory_space<vmem>>
        %dma_wait3A_407 = arith.constant 0 : i32
        %dma_wait3A_408 = arith.constant 0 : i32
        %dma_wait3A_409 = tpu.memref_slice %arg13[%dma_wait3A_407, %dma_wait3A_408] : memref<100480x16xf32, #tpu.memory_space<vmem_shared>> -> memref<100480x16xf32, #tpu.memory_space<vmem_shared>>
        tpu.wait_indirect_dma semaphore(%arg21 : memref<!tpu.dma_semaphore, #tpu.memory_space<semaphore_mem>>) src(%arg11 : memref<128x16xf32, #tpu.memory_space<vmem>>) dst(%dma_wait3A_409 : memref<100480x16xf32, #tpu.memory_space<vmem_shared>>)
        %add3A_410 = arith.constant 2 : i32
        %add3A_411 = arith.addi %add3A_385, %add3A_410 : i32
        %dma_start3A_412 = arith.constant 0 : i32
        %dma_start3A_413 = tpu.memref_slice %arg6[%add3A_411, %dma_start3A_412] : memref<80x128xi32, #tpu.memory_space<vmem>> -> memref<1x128xi32, #tpu.memory_space<vmem>>
        %dma_start3A_414 = tpu.memref_squeeze %dma_start3A_413 : memref<1x128xi32, #tpu.memory_space<vmem>> -> memref<128xi32, #tpu.memory_space<vmem>>
        %dma_start3A_415 = arith.constant 0 : i32
        %dma_start3A_416 = arith.constant 0 : i32
        %dma_start3A_417 = tpu.memref_slice %arg2[%add3A_26, %dma_start3A_415, %dma_start3A_416] : memref<8x10000x16xf32, #tpu.memory_space<hbm>> -> memref<1x10000x16xf32, #tpu.memory_space<hbm>>
        %dma_start3A_418 = tpu.memref_squeeze %dma_start3A_417 : memref<1x10000x16xf32, #tpu.memory_space<hbm>> -> memref<10000x16xf32, #tpu.memory_space<hbm>>
        %dma_start3A_419 = arith.constant 0 : i32
        %dma_start3A_420 = arith.constant 0 : i32
        %dma_start3A_421 = tpu.memref_slice %dma_start3A_418[%dma_start3A_419, %dma_start3A_420] : memref<10000x16xf32, #tpu.memory_space<hbm>> -> memref<10000x16xf32, #tpu.memory_space<hbm>>
        tpu.enqueue_indirect_dma source(%dma_start3A_421 : memref<10000x16xf32, #tpu.memory_space<hbm>>) target(%arg11 : memref<128x16xf32, #tpu.memory_space<vmem>>) offsets(%dma_start3A_414 : memref<128xi32, #tpu.memory_space<vmem>>) semaphore(%arg17 : memref<!tpu.dma_semaphore, #tpu.memory_space<semaphore_mem>>)
        %add3A_422 = arith.constant 2 : i32
        %add3A_423 = arith.addi %add3A_346, %add3A_422 : i32
        %dma_wait3A_424 = arith.constant 0 : i32
        %dma_wait3A_425 = tpu.memref_slice %arg6[%add3A_423, %dma_wait3A_424] : memref<80x128xi32, #tpu.memory_space<vmem>> -> memref<1x128xi32, #tpu.memory_space<vmem>>
        %dma_wait3A_426 = tpu.memref_squeeze %dma_wait3A_425 : memref<1x128xi32, #tpu.memory_space<vmem>> -> memref<128xi32, #tpu.memory_space<vmem>>
        %dma_wait3A_427 = arith.constant 0 : i32
        %dma_wait3A_428 = arith.constant 0 : i32
        %dma_wait3A_429 = tpu.memref_slice %arg2[%add3A_26, %dma_wait3A_427, %dma_wait3A_428] : memref<8x10000x16xf32, #tpu.memory_space<hbm>> -> memref<1x10000x16xf32, #tpu.memory_space<hbm>>
        %dma_wait3A_430 = tpu.memref_squeeze %dma_wait3A_429 : memref<1x10000x16xf32, #tpu.memory_space<hbm>> -> memref<10000x16xf32, #tpu.memory_space<hbm>>
        %dma_wait3A_431 = arith.constant 0 : i32
        %dma_wait3A_432 = arith.constant 0 : i32
        %dma_wait3A_433 = tpu.memref_slice %dma_wait3A_430[%dma_wait3A_431, %dma_wait3A_432] : memref<10000x16xf32, #tpu.memory_space<hbm>> -> memref<10000x16xf32, #tpu.memory_space<hbm>>
        tpu.wait_indirect_dma semaphore(%arg16 : memref<!tpu.dma_semaphore, #tpu.memory_space<semaphore_mem>>) src(%dma_wait3A_433 : memref<10000x16xf32, #tpu.memory_space<hbm>>) dst(%arg10 : memref<128x16xf32, #tpu.memory_space<vmem>>)
        %dma_start3A_434 = arith.constant 0 : i32
        %dma_start3A_435 = tpu.memref_slice %arg7[%add3A_423, %dma_start3A_434] : memref<80x128xi32, #tpu.memory_space<vmem>> -> memref<1x128xi32, #tpu.memory_space<vmem>>
        %dma_start3A_436 = tpu.memref_squeeze %dma_start3A_435 : memref<1x128xi32, #tpu.memory_space<vmem>> -> memref<128xi32, #tpu.memory_space<vmem>>
        %dma_start3A_437 = arith.constant 0 : i32
        %dma_start3A_438 = arith.constant 0 : i32
        %dma_start3A_439 = tpu.memref_slice %arg13[%dma_start3A_437, %dma_start3A_438] : memref<100480x16xf32, #tpu.memory_space<vmem_shared>> -> memref<100480x16xf32, #tpu.memory_space<vmem_shared>>
        tpu.enqueue_indirect_dma source(%arg10 : memref<128x16xf32, #tpu.memory_space<vmem>>) target(%dma_start3A_439 : memref<100480x16xf32, #tpu.memory_space<vmem_shared>>) offsets(%dma_start3A_436 : memref<128xi32, #tpu.memory_space<vmem>>) semaphore(%arg20 : memref<!tpu.dma_semaphore, #tpu.memory_space<semaphore_mem>>) {add = true}
        %sub3A_440 = arith.constant 2 : i32
        %sub3A_441 = arith.subi %add3A_423, %sub3A_440 : i32
        %dma_wait3A_442 = arith.constant 0 : i32
        %dma_wait3A_443 = tpu.memref_slice %arg7[%sub3A_441, %dma_wait3A_442] : memref<80x128xi32, #tpu.memory_space<vmem>> -> memref<1x128xi32, #tpu.memory_space<vmem>>
        %dma_wait3A_444 = tpu.memref_squeeze %dma_wait3A_443 : memref<1x128xi32, #tpu.memory_space<vmem>> -> memref<128xi32, #tpu.memory_space<vmem>>
        %dma_wait3A_445 = arith.constant 0 : i32
        %dma_wait3A_446 = arith.constant 0 : i32
        %dma_wait3A_447 = tpu.memref_slice %arg13[%dma_wait3A_445, %dma_wait3A_446] : memref<100480x16xf32, #tpu.memory_space<vmem_shared>> -> memref<100480x16xf32, #tpu.memory_space<vmem_shared>>
        tpu.wait_indirect_dma semaphore(%arg18 : memref<!tpu.dma_semaphore, #tpu.memory_space<semaphore_mem>>) src(%arg8 : memref<128x16xf32, #tpu.memory_space<vmem>>) dst(%dma_wait3A_447 : memref<100480x16xf32, #tpu.memory_space<vmem_shared>>)
        %add3A_448 = arith.constant 2 : i32
        %add3A_449 = arith.addi %add3A_423, %add3A_448 : i32
        %dma_start3A_450 = arith.constant 0 : i32
        %dma_start3A_451 = tpu.memref_slice %arg6[%add3A_449, %dma_start3A_450] : memref<80x128xi32, #tpu.memory_space<vmem>> -> memref<1x128xi32, #tpu.memory_space<vmem>>
        %dma_start3A_452 = tpu.memref_squeeze %dma_start3A_451 : memref<1x128xi32, #tpu.memory_space<vmem>> -> memref<128xi32, #tpu.memory_space<vmem>>
        %dma_start3A_453 = arith.constant 0 : i32
        %dma_start3A_454 = arith.constant 0 : i32
        %dma_start3A_455 = tpu.memref_slice %arg2[%add3A_26, %dma_start3A_453, %dma_start3A_454] : memref<8x10000x16xf32, #tpu.memory_space<hbm>> -> memref<1x10000x16xf32, #tpu.memory_space<hbm>>
        %dma_start3A_456 = tpu.memref_squeeze %dma_start3A_455 : memref<1x10000x16xf32, #tpu.memory_space<hbm>> -> memref<10000x16xf32, #tpu.memory_space<hbm>>
        %dma_start3A_457 = arith.constant 0 : i32
        %dma_start3A_458 = arith.constant 0 : i32
        %dma_start3A_459 = tpu.memref_slice %dma_start3A_456[%dma_start3A_457, %dma_start3A_458] : memref<10000x16xf32, #tpu.memory_space<hbm>> -> memref<10000x16xf32, #tpu.memory_space<hbm>>
        tpu.enqueue_indirect_dma source(%dma_start3A_459 : memref<10000x16xf32, #tpu.memory_space<hbm>>) target(%arg8 : memref<128x16xf32, #tpu.memory_space<vmem>>) offsets(%dma_start3A_452 : memref<128xi32, #tpu.memory_space<vmem>>) semaphore(%arg14 : memref<!tpu.dma_semaphore, #tpu.memory_space<semaphore_mem>>)
        %add3A_460 = arith.constant 3 : i32
        %add3A_461 = arith.addi %add3A_346, %add3A_460 : i32
        %dma_wait3A_462 = arith.constant 0 : i32
        %dma_wait3A_463 = tpu.memref_slice %arg6[%add3A_461, %dma_wait3A_462] : memref<80x128xi32, #tpu.memory_space<vmem>> -> memref<1x128xi32, #tpu.memory_space<vmem>>
        %dma_wait3A_464 = tpu.memref_squeeze %dma_wait3A_463 : memref<1x128xi32, #tpu.memory_space<vmem>> -> memref<128xi32, #tpu.memory_space<vmem>>
        %dma_wait3A_465 = arith.constant 0 : i32
        %dma_wait3A_466 = arith.constant 0 : i32
        %dma_wait3A_467 = tpu.memref_slice %arg2[%add3A_26, %dma_wait3A_465, %dma_wait3A_466] : memref<8x10000x16xf32, #tpu.memory_space<hbm>> -> memref<1x10000x16xf32, #tpu.memory_space<hbm>>
        %dma_wait3A_468 = tpu.memref_squeeze %dma_wait3A_467 : memref<1x10000x16xf32, #tpu.memory_space<hbm>> -> memref<10000x16xf32, #tpu.memory_space<hbm>>
        %dma_wait3A_469 = arith.constant 0 : i32
        %dma_wait3A_470 = arith.constant 0 : i32
        %dma_wait3A_471 = tpu.memref_slice %dma_wait3A_468[%dma_wait3A_469, %dma_wait3A_470] : memref<10000x16xf32, #tpu.memory_space<hbm>> -> memref<10000x16xf32, #tpu.memory_space<hbm>>
        tpu.wait_indirect_dma semaphore(%arg17 : memref<!tpu.dma_semaphore, #tpu.memory_space<semaphore_mem>>) src(%dma_wait3A_471 : memref<10000x16xf32, #tpu.memory_space<hbm>>) dst(%arg11 : memref<128x16xf32, #tpu.memory_space<vmem>>)
        %dma_start3A_472 = arith.constant 0 : i32
        %dma_start3A_473 = tpu.memref_slice %arg7[%add3A_461, %dma_start3A_472] : memref<80x128xi32, #tpu.memory_space<vmem>> -> memref<1x128xi32, #tpu.memory_space<vmem>>
        %dma_start3A_474 = tpu.memref_squeeze %dma_start3A_473 : memref<1x128xi32, #tpu.memory_space<vmem>> -> memref<128xi32, #tpu.memory_space<vmem>>
        %dma_start3A_475 = arith.constant 0 : i32
        %dma_start3A_476 = arith.constant 0 : i32
        %dma_start3A_477 = tpu.memref_slice %arg13[%dma_start3A_475, %dma_start3A_476] : memref<100480x16xf32, #tpu.memory_space<vmem_shared>> -> memref<100480x16xf32, #tpu.memory_space<vmem_shared>>
        tpu.enqueue_indirect_dma source(%arg11 : memref<128x16xf32, #tpu.memory_space<vmem>>) target(%dma_start3A_477 : memref<100480x16xf32, #tpu.memory_space<vmem_shared>>) offsets(%dma_start3A_474 : memref<128xi32, #tpu.memory_space<vmem>>) semaphore(%arg21 : memref<!tpu.dma_semaphore, #tpu.memory_space<semaphore_mem>>) {add = true}
        %sub3A_478 = arith.constant 2 : i32
        %sub3A_479 = arith.subi %add3A_461, %sub3A_478 : i32
        %dma_wait3A_480 = arith.constant 0 : i32
        %dma_wait3A_481 = tpu.memref_slice %arg7[%sub3A_479, %dma_wait3A_480] : memref<80x128xi32, #tpu.memory_space<vmem>> -> memref<1x128xi32, #tpu.memory_space<vmem>>
        %dma_wait3A_482 = tpu.memref_squeeze %dma_wait3A_481 : memref<1x128xi32, #tpu.memory_space<vmem>> -> memref<128xi32, #tpu.memory_space<vmem>>
        %dma_wait3A_483 = arith.constant 0 : i32
        %dma_wait3A_484 = arith.constant 0 : i32
        %dma_wait3A_485 = tpu.memref_slice %arg13[%dma_wait3A_483, %dma_wait3A_484] : memref<100480x16xf32, #tpu.memory_space<vmem_shared>> -> memref<100480x16xf32, #tpu.memory_space<vmem_shared>>
        tpu.wait_indirect_dma semaphore(%arg19 : memref<!tpu.dma_semaphore, #tpu.memory_space<semaphore_mem>>) src(%arg9 : memref<128x16xf32, #tpu.memory_space<vmem>>) dst(%dma_wait3A_485 : memref<100480x16xf32, #tpu.memory_space<vmem_shared>>)
        %add3A_486 = arith.constant 2 : i32
        %add3A_487 = arith.addi %add3A_461, %add3A_486 : i32
        %dma_start3A_488 = arith.constant 0 : i32
        %dma_start3A_489 = tpu.memref_slice %arg6[%add3A_487, %dma_start3A_488] : memref<80x128xi32, #tpu.memory_space<vmem>> -> memref<1x128xi32, #tpu.memory_space<vmem>>
        %dma_start3A_490 = tpu.memref_squeeze %dma_start3A_489 : memref<1x128xi32, #tpu.memory_space<vmem>> -> memref<128xi32, #tpu.memory_space<vmem>>
        %dma_start3A_491 = arith.constant 0 : i32
        %dma_start3A_492 = arith.constant 0 : i32
        %dma_start3A_493 = tpu.memref_slice %arg2[%add3A_26, %dma_start3A_491, %dma_start3A_492] : memref<8x10000x16xf32, #tpu.memory_space<hbm>> -> memref<1x10000x16xf32, #tpu.memory_space<hbm>>
        %dma_start3A_494 = tpu.memref_squeeze %dma_start3A_493 : memref<1x10000x16xf32, #tpu.memory_space<hbm>> -> memref<10000x16xf32, #tpu.memory_space<hbm>>
        %dma_start3A_495 = arith.constant 0 : i32
        %dma_start3A_496 = arith.constant 0 : i32
        %dma_start3A_497 = tpu.memref_slice %dma_start3A_494[%dma_start3A_495, %dma_start3A_496] : memref<10000x16xf32, #tpu.memory_space<hbm>> -> memref<10000x16xf32, #tpu.memory_space<hbm>>
        tpu.enqueue_indirect_dma source(%dma_start3A_497 : memref<10000x16xf32, #tpu.memory_space<hbm>>) target(%arg9 : memref<128x16xf32, #tpu.memory_space<vmem>>) offsets(%dma_start3A_490 : memref<128xi32, #tpu.memory_space<vmem>>) semaphore(%arg15 : memref<!tpu.dma_semaphore, #tpu.memory_space<semaphore_mem>>)
      }
      %scan3A_194 = arith.constant 18 : i32
      %dma_wait3A_195 = arith.constant 76 : i32
      %dma_wait3A_196 = arith.constant 0 : i32
      %dma_wait3A_197 = tpu.memref_slice %arg6[%dma_wait3A_195, %dma_wait3A_196] : memref<80x128xi32, #tpu.memory_space<vmem>> -> memref<1x128xi32, #tpu.memory_space<vmem>>
      %dma_wait3A_198 = tpu.memref_squeeze %dma_wait3A_197 : memref<1x128xi32, #tpu.memory_space<vmem>> -> memref<128xi32, #tpu.memory_space<vmem>>
      %dma_wait3A_199 = arith.constant 0 : i32
      %dma_wait3A_200 = arith.constant 0 : i32
      %dma_wait3A_201 = tpu.memref_slice %arg2[%add3A_26, %dma_wait3A_199, %dma_wait3A_200] : memref<8x10000x16xf32, #tpu.memory_space<hbm>> -> memref<1x10000x16xf32, #tpu.memory_space<hbm>>
      %dma_wait3A_202 = tpu.memref_squeeze %dma_wait3A_201 : memref<1x10000x16xf32, #tpu.memory_space<hbm>> -> memref<10000x16xf32, #tpu.memory_space<hbm>>
      %dma_wait3A_203 = arith.constant 0 : i32
      %dma_wait3A_204 = arith.constant 0 : i32
      %dma_wait3A_205 = tpu.memref_slice %dma_wait3A_202[%dma_wait3A_203, %dma_wait3A_204] : memref<10000x16xf32, #tpu.memory_space<hbm>> -> memref<10000x16xf32, #tpu.memory_space<hbm>>
      tpu.wait_indirect_dma semaphore(%arg14 : memref<!tpu.dma_semaphore, #tpu.memory_space<semaphore_mem>>) src(%dma_wait3A_205 : memref<10000x16xf32, #tpu.memory_space<hbm>>) dst(%arg8 : memref<128x16xf32, #tpu.memory_space<vmem>>)
      %dma_start3A_206 = arith.constant 76 : i32
      %dma_start3A_207 = arith.constant 0 : i32
      %dma_start3A_208 = tpu.memref_slice %arg7[%dma_start3A_206, %dma_start3A_207] : memref<80x128xi32, #tpu.memory_space<vmem>> -> memref<1x128xi32, #tpu.memory_space<vmem>>
      %dma_start3A_209 = tpu.memref_squeeze %dma_start3A_208 : memref<1x128xi32, #tpu.memory_space<vmem>> -> memref<128xi32, #tpu.memory_space<vmem>>
      %dma_start3A_210 = arith.constant 0 : i32
      %dma_start3A_211 = arith.constant 0 : i32
      %dma_start3A_212 = tpu.memref_slice %arg13[%dma_start3A_210, %dma_start3A_211] : memref<100480x16xf32, #tpu.memory_space<vmem_shared>> -> memref<100480x16xf32, #tpu.memory_space<vmem_shared>>
      tpu.enqueue_indirect_dma source(%arg8 : memref<128x16xf32, #tpu.memory_space<vmem>>) target(%dma_start3A_212 : memref<100480x16xf32, #tpu.memory_space<vmem_shared>>) offsets(%dma_start3A_209 : memref<128xi32, #tpu.memory_space<vmem>>) semaphore(%arg18 : memref<!tpu.dma_semaphore, #tpu.memory_space<semaphore_mem>>) {add = true}
      %dma_wait3A_213 = arith.constant 74 : i32
      %dma_wait3A_214 = arith.constant 0 : i32
      %dma_wait3A_215 = tpu.memref_slice %arg7[%dma_wait3A_213, %dma_wait3A_214] : memref<80x128xi32, #tpu.memory_space<vmem>> -> memref<1x128xi32, #tpu.memory_space<vmem>>
      %dma_wait3A_216 = tpu.memref_squeeze %dma_wait3A_215 : memref<1x128xi32, #tpu.memory_space<vmem>> -> memref<128xi32, #tpu.memory_space<vmem>>
      %dma_wait3A_217 = arith.constant 0 : i32
      %dma_wait3A_218 = arith.constant 0 : i32
      %dma_wait3A_219 = tpu.memref_slice %arg13[%dma_wait3A_217, %dma_wait3A_218] : memref<100480x16xf32, #tpu.memory_space<vmem_shared>> -> memref<100480x16xf32, #tpu.memory_space<vmem_shared>>
      tpu.wait_indirect_dma semaphore(%arg20 : memref<!tpu.dma_semaphore, #tpu.memory_space<semaphore_mem>>) src(%arg10 : memref<128x16xf32, #tpu.memory_space<vmem>>) dst(%dma_wait3A_219 : memref<100480x16xf32, #tpu.memory_space<vmem_shared>>)
      %dma_start3A_220 = arith.constant 78 : i32
      %dma_start3A_221 = arith.constant 0 : i32
      %dma_start3A_222 = tpu.memref_slice %arg6[%dma_start3A_220, %dma_start3A_221] : memref<80x128xi32, #tpu.memory_space<vmem>> -> memref<1x128xi32, #tpu.memory_space<vmem>>
      %dma_start3A_223 = tpu.memref_squeeze %dma_start3A_222 : memref<1x128xi32, #tpu.memory_space<vmem>> -> memref<128xi32, #tpu.memory_space<vmem>>
      %dma_start3A_224 = arith.constant 0 : i32
      %dma_start3A_225 = arith.constant 0 : i32
      %dma_start3A_226 = tpu.memref_slice %arg2[%add3A_26, %dma_start3A_224, %dma_start3A_225] : memref<8x10000x16xf32, #tpu.memory_space<hbm>> -> memref<1x10000x16xf32, #tpu.memory_space<hbm>>
      %dma_start3A_227 = tpu.memref_squeeze %dma_start3A_226 : memref<1x10000x16xf32, #tpu.memory_space<hbm>> -> memref<10000x16xf32, #tpu.memory_space<hbm>>
      %dma_start3A_228 = arith.constant 0 : i32
      %dma_start3A_229 = arith.constant 0 : i32
      %dma_start3A_230 = tpu.memref_slice %dma_start3A_227[%dma_start3A_228, %dma_start3A_229] : memref<10000x16xf32, #tpu.memory_space<hbm>> -> memref<10000x16xf32, #tpu.memory_space<hbm>>
      tpu.enqueue_indirect_dma source(%dma_start3A_230 : memref<10000x16xf32, #tpu.memory_space<hbm>>) target(%arg10 : memref<128x16xf32, #tpu.memory_space<vmem>>) offsets(%dma_start3A_223 : memref<128xi32, #tpu.memory_space<vmem>>) semaphore(%arg16 : memref<!tpu.dma_semaphore, #tpu.memory_space<semaphore_mem>>)
      %dma_wait3A_231 = arith.constant 77 : i32
      %dma_wait3A_232 = arith.constant 0 : i32
      %dma_wait3A_233 = tpu.memref_slice %arg6[%dma_wait3A_231, %dma_wait3A_232] : memref<80x128xi32, #tpu.memory_space<vmem>> -> memref<1x128xi32, #tpu.memory_space<vmem>>
      %dma_wait3A_234 = tpu.memref_squeeze %dma_wait3A_233 : memref<1x128xi32, #tpu.memory_space<vmem>> -> memref<128xi32, #tpu.memory_space<vmem>>
      %dma_wait3A_235 = arith.constant 0 : i32
      %dma_wait3A_236 = arith.constant 0 : i32
      %dma_wait3A_237 = tpu.memref_slice %arg2[%add3A_26, %dma_wait3A_235, %dma_wait3A_236] : memref<8x10000x16xf32, #tpu.memory_space<hbm>> -> memref<1x10000x16xf32, #tpu.memory_space<hbm>>
      %dma_wait3A_238 = tpu.memref_squeeze %dma_wait3A_237 : memref<1x10000x16xf32, #tpu.memory_space<hbm>> -> memref<10000x16xf32, #tpu.memory_space<hbm>>
      %dma_wait3A_239 = arith.constant 0 : i32
      %dma_wait3A_240 = arith.constant 0 : i32
      %dma_wait3A_241 = tpu.memref_slice %dma_wait3A_238[%dma_wait3A_239, %dma_wait3A_240] : memref<10000x16xf32, #tpu.memory_space<hbm>> -> memref<10000x16xf32, #tpu.memory_space<hbm>>
      tpu.wait_indirect_dma semaphore(%arg15 : memref<!tpu.dma_semaphore, #tpu.memory_space<semaphore_mem>>) src(%dma_wait3A_241 : memref<10000x16xf32, #tpu.memory_space<hbm>>) dst(%arg9 : memref<128x16xf32, #tpu.memory_space<vmem>>)
      %dma_start3A_242 = arith.constant 77 : i32
      %dma_start3A_243 = arith.constant 0 : i32
      %dma_start3A_244 = tpu.memref_slice %arg7[%dma_start3A_242, %dma_start3A_243] : memref<80x128xi32, #tpu.memory_space<vmem>> -> memref<1x128xi32, #tpu.memory_space<vmem>>
      %dma_start3A_245 = tpu.memref_squeeze %dma_start3A_244 : memref<1x128xi32, #tpu.memory_space<vmem>> -> memref<128xi32, #tpu.memory_space<vmem>>
      %dma_start3A_246 = arith.constant 0 : i32
      %dma_start3A_247 = arith.constant 0 : i32
      %dma_start3A_248 = tpu.memref_slice %arg13[%dma_start3A_246, %dma_start3A_247] : memref<100480x16xf32, #tpu.memory_space<vmem_shared>> -> memref<100480x16xf32, #tpu.memory_space<vmem_shared>>
      tpu.enqueue_indirect_dma source(%arg9 : memref<128x16xf32, #tpu.memory_space<vmem>>) target(%dma_start3A_248 : memref<100480x16xf32, #tpu.memory_space<vmem_shared>>) offsets(%dma_start3A_245 : memref<128xi32, #tpu.memory_space<vmem>>) semaphore(%arg19 : memref<!tpu.dma_semaphore, #tpu.memory_space<semaphore_mem>>) {add = true}
      %dma_wait3A_249 = arith.constant 75 : i32
      %dma_wait3A_250 = arith.constant 0 : i32
      %dma_wait3A_251 = tpu.memref_slice %arg7[%dma_wait3A_249, %dma_wait3A_250] : memref<80x128xi32, #tpu.memory_space<vmem>> -> memref<1x128xi32, #tpu.memory_space<vmem>>
      %dma_wait3A_252 = tpu.memref_squeeze %dma_wait3A_251 : memref<1x128xi32, #tpu.memory_space<vmem>> -> memref<128xi32, #tpu.memory_space<vmem>>
      %dma_wait3A_253 = arith.constant 0 : i32
      %dma_wait3A_254 = arith.constant 0 : i32
      %dma_wait3A_255 = tpu.memref_slice %arg13[%dma_wait3A_253, %dma_wait3A_254] : memref<100480x16xf32, #tpu.memory_space<vmem_shared>> -> memref<100480x16xf32, #tpu.memory_space<vmem_shared>>
      tpu.wait_indirect_dma semaphore(%arg21 : memref<!tpu.dma_semaphore, #tpu.memory_space<semaphore_mem>>) src(%arg11 : memref<128x16xf32, #tpu.memory_space<vmem>>) dst(%dma_wait3A_255 : memref<100480x16xf32, #tpu.memory_space<vmem_shared>>)
      %dma_start3A_256 = arith.constant 79 : i32
      %dma_start3A_257 = arith.constant 0 : i32
      %dma_start3A_258 = tpu.memref_slice %arg6[%dma_start3A_256, %dma_start3A_257] : memref<80x128xi32, #tpu.memory_space<vmem>> -> memref<1x128xi32, #tpu.memory_space<vmem>>
      %dma_start3A_259 = tpu.memref_squeeze %dma_start3A_258 : memref<1x128xi32, #tpu.memory_space<vmem>> -> memref<128xi32, #tpu.memory_space<vmem>>
      %dma_start3A_260 = arith.constant 0 : i32
      %dma_start3A_261 = arith.constant 0 : i32
      %dma_start3A_262 = tpu.memref_slice %arg2[%add3A_26, %dma_start3A_260, %dma_start3A_261] : memref<8x10000x16xf32, #tpu.memory_space<hbm>> -> memref<1x10000x16xf32, #tpu.memory_space<hbm>>
      %dma_start3A_263 = tpu.memref_squeeze %dma_start3A_262 : memref<1x10000x16xf32, #tpu.memory_space<hbm>> -> memref<10000x16xf32, #tpu.memory_space<hbm>>
      %dma_start3A_264 = arith.constant 0 : i32
      %dma_start3A_265 = arith.constant 0 : i32
      %dma_start3A_266 = tpu.memref_slice %dma_start3A_263[%dma_start3A_264, %dma_start3A_265] : memref<10000x16xf32, #tpu.memory_space<hbm>> -> memref<10000x16xf32, #tpu.memory_space<hbm>>
      tpu.enqueue_indirect_dma source(%dma_start3A_266 : memref<10000x16xf32, #tpu.memory_space<hbm>>) target(%arg11 : memref<128x16xf32, #tpu.memory_space<vmem>>) offsets(%dma_start3A_259 : memref<128xi32, #tpu.memory_space<vmem>>) semaphore(%arg17 : memref<!tpu.dma_semaphore, #tpu.memory_space<semaphore_mem>>)
      %dma_wait3A_267 = arith.constant 78 : i32
      %dma_wait3A_268 = arith.constant 0 : i32
      %dma_wait3A_269 = tpu.memref_slice %arg6[%dma_wait3A_267, %dma_wait3A_268] : memref<80x128xi32, #tpu.memory_space<vmem>> -> memref<1x128xi32, #tpu.memory_space<vmem>>
      %dma_wait3A_270 = tpu.memref_squeeze %dma_wait3A_269 : memref<1x128xi32, #tpu.memory_space<vmem>> -> memref<128xi32, #tpu.memory_space<vmem>>
      %dma_wait3A_271 = arith.constant 0 : i32
      %dma_wait3A_272 = arith.constant 0 : i32
      %dma_wait3A_273 = tpu.memref_slice %arg2[%add3A_26, %dma_wait3A_271, %dma_wait3A_272] : memref<8x10000x16xf32, #tpu.memory_space<hbm>> -> memref<1x10000x16xf32, #tpu.memory_space<hbm>>
      %dma_wait3A_274 = tpu.memref_squeeze %dma_wait3A_273 : memref<1x10000x16xf32, #tpu.memory_space<hbm>> -> memref<10000x16xf32, #tpu.memory_space<hbm>>
      %dma_wait3A_275 = arith.constant 0 : i32
      %dma_wait3A_276 = arith.constant 0 : i32
      %dma_wait3A_277 = tpu.memref_slice %dma_wait3A_274[%dma_wait3A_275, %dma_wait3A_276] : memref<10000x16xf32, #tpu.memory_space<hbm>> -> memref<10000x16xf32, #tpu.memory_space<hbm>>
      tpu.wait_indirect_dma semaphore(%arg16 : memref<!tpu.dma_semaphore, #tpu.memory_space<semaphore_mem>>) src(%dma_wait3A_277 : memref<10000x16xf32, #tpu.memory_space<hbm>>) dst(%arg10 : memref<128x16xf32, #tpu.memory_space<vmem>>)
      %dma_start3A_278 = arith.constant 78 : i32
      %dma_start3A_279 = arith.constant 0 : i32
      %dma_start3A_280 = tpu.memref_slice %arg7[%dma_start3A_278, %dma_start3A_279] : memref<80x128xi32, #tpu.memory_space<vmem>> -> memref<1x128xi32, #tpu.memory_space<vmem>>
      %dma_start3A_281 = tpu.memref_squeeze %dma_start3A_280 : memref<1x128xi32, #tpu.memory_space<vmem>> -> memref<128xi32, #tpu.memory_space<vmem>>
      %dma_start3A_282 = arith.constant 0 : i32
      %dma_start3A_283 = arith.constant 0 : i32
      %dma_start3A_284 = tpu.memref_slice %arg13[%dma_start3A_282, %dma_start3A_283] : memref<100480x16xf32, #tpu.memory_space<vmem_shared>> -> memref<100480x16xf32, #tpu.memory_space<vmem_shared>>
      tpu.enqueue_indirect_dma source(%arg10 : memref<128x16xf32, #tpu.memory_space<vmem>>) target(%dma_start3A_284 : memref<100480x16xf32, #tpu.memory_space<vmem_shared>>) offsets(%dma_start3A_281 : memref<128xi32, #tpu.memory_space<vmem>>) semaphore(%arg20 : memref<!tpu.dma_semaphore, #tpu.memory_space<semaphore_mem>>) {add = true}
      %dma_wait3A_285 = arith.constant 79 : i32
      %dma_wait3A_286 = arith.constant 0 : i32
      %dma_wait3A_287 = tpu.memref_slice %arg6[%dma_wait3A_285, %dma_wait3A_286] : memref<80x128xi32, #tpu.memory_space<vmem>> -> memref<1x128xi32, #tpu.memory_space<vmem>>
      %dma_wait3A_288 = tpu.memref_squeeze %dma_wait3A_287 : memref<1x128xi32, #tpu.memory_space<vmem>> -> memref<128xi32, #tpu.memory_space<vmem>>
      %dma_wait3A_289 = arith.constant 0 : i32
      %dma_wait3A_290 = arith.constant 0 : i32
      %dma_wait3A_291 = tpu.memref_slice %arg2[%add3A_26, %dma_wait3A_289, %dma_wait3A_290] : memref<8x10000x16xf32, #tpu.memory_space<hbm>> -> memref<1x10000x16xf32, #tpu.memory_space<hbm>>
      %dma_wait3A_292 = tpu.memref_squeeze %dma_wait3A_291 : memref<1x10000x16xf32, #tpu.memory_space<hbm>> -> memref<10000x16xf32, #tpu.memory_space<hbm>>
      %dma_wait3A_293 = arith.constant 0 : i32
      %dma_wait3A_294 = arith.constant 0 : i32
      %dma_wait3A_295 = tpu.memref_slice %dma_wait3A_292[%dma_wait3A_293, %dma_wait3A_294] : memref<10000x16xf32, #tpu.memory_space<hbm>> -> memref<10000x16xf32, #tpu.memory_space<hbm>>
      tpu.wait_indirect_dma semaphore(%arg17 : memref<!tpu.dma_semaphore, #tpu.memory_space<semaphore_mem>>) src(%dma_wait3A_295 : memref<10000x16xf32, #tpu.memory_space<hbm>>) dst(%arg11 : memref<128x16xf32, #tpu.memory_space<vmem>>)
      %dma_start3A_296 = arith.constant 79 : i32
      %dma_start3A_297 = arith.constant 0 : i32
      %dma_start3A_298 = tpu.memref_slice %arg7[%dma_start3A_296, %dma_start3A_297] : memref<80x128xi32, #tpu.memory_space<vmem>> -> memref<1x128xi32, #tpu.memory_space<vmem>>
      %dma_start3A_299 = tpu.memref_squeeze %dma_start3A_298 : memref<1x128xi32, #tpu.memory_space<vmem>> -> memref<128xi32, #tpu.memory_space<vmem>>
      %dma_start3A_300 = arith.constant 0 : i32
      %dma_start3A_301 = arith.constant 0 : i32
      %dma_start3A_302 = tpu.memref_slice %arg13[%dma_start3A_300, %dma_start3A_301] : memref<100480x16xf32, #tpu.memory_space<vmem_shared>> -> memref<100480x16xf32, #tpu.memory_space<vmem_shared>>
      tpu.enqueue_indirect_dma source(%arg11 : memref<128x16xf32, #tpu.memory_space<vmem>>) target(%dma_start3A_302 : memref<100480x16xf32, #tpu.memory_space<vmem_shared>>) offsets(%dma_start3A_299 : memref<128xi32, #tpu.memory_space<vmem>>) semaphore(%arg21 : memref<!tpu.dma_semaphore, #tpu.memory_space<semaphore_mem>>) {add = true}
      %dma_wait3A_303 = arith.constant 76 : i32
      %dma_wait3A_304 = arith.constant 0 : i32
      %dma_wait3A_305 = tpu.memref_slice %arg7[%dma_wait3A_303, %dma_wait3A_304] : memref<80x128xi32, #tpu.memory_space<vmem>> -> memref<1x128xi32, #tpu.memory_space<vmem>>
      %dma_wait3A_306 = tpu.memref_squeeze %dma_wait3A_305 : memref<1x128xi32, #tpu.memory_space<vmem>> -> memref<128xi32, #tpu.memory_space<vmem>>
      %dma_wait3A_307 = arith.constant 0 : i32
      %dma_wait3A_308 = arith.constant 0 : i32
      %dma_wait3A_309 = tpu.memref_slice %arg13[%dma_wait3A_307, %dma_wait3A_308] : memref<100480x16xf32, #tpu.memory_space<vmem_shared>> -> memref<100480x16xf32, #tpu.memory_space<vmem_shared>>
      tpu.wait_indirect_dma semaphore(%arg18 : memref<!tpu.dma_semaphore, #tpu.memory_space<semaphore_mem>>) src(%arg8 : memref<128x16xf32, #tpu.memory_space<vmem>>) dst(%dma_wait3A_309 : memref<100480x16xf32, #tpu.memory_space<vmem_shared>>)
      %dma_wait3A_310 = arith.constant 77 : i32
      %dma_wait3A_311 = arith.constant 0 : i32
      %dma_wait3A_312 = tpu.memref_slice %arg7[%dma_wait3A_310, %dma_wait3A_311] : memref<80x128xi32, #tpu.memory_space<vmem>> -> memref<1x128xi32, #tpu.memory_space<vmem>>
      %dma_wait3A_313 = tpu.memref_squeeze %dma_wait3A_312 : memref<1x128xi32, #tpu.memory_space<vmem>> -> memref<128xi32, #tpu.memory_space<vmem>>
      %dma_wait3A_314 = arith.constant 0 : i32
      %dma_wait3A_315 = arith.constant 0 : i32
      %dma_wait3A_316 = tpu.memref_slice %arg13[%dma_wait3A_314, %dma_wait3A_315] : memref<100480x16xf32, #tpu.memory_space<vmem_shared>> -> memref<100480x16xf32, #tpu.memory_space<vmem_shared>>
      tpu.wait_indirect_dma semaphore(%arg19 : memref<!tpu.dma_semaphore, #tpu.memory_space<semaphore_mem>>) src(%arg9 : memref<128x16xf32, #tpu.memory_space<vmem>>) dst(%dma_wait3A_316 : memref<100480x16xf32, #tpu.memory_space<vmem_shared>>)
      %dma_wait3A_317 = arith.constant 78 : i32
      %dma_wait3A_318 = arith.constant 0 : i32
      %dma_wait3A_319 = tpu.memref_slice %arg7[%dma_wait3A_317, %dma_wait3A_318] : memref<80x128xi32, #tpu.memory_space<vmem>> -> memref<1x128xi32, #tpu.memory_space<vmem>>
      %dma_wait3A_320 = tpu.memref_squeeze %dma_wait3A_319 : memref<1x128xi32, #tpu.memory_space<vmem>> -> memref<128xi32, #tpu.memory_space<vmem>>
      %dma_wait3A_321 = arith.constant 0 : i32
      %dma_wait3A_322 = arith.constant 0 : i32
      %dma_wait3A_323 = tpu.memref_slice %arg13[%dma_wait3A_321, %dma_wait3A_322] : memref<100480x16xf32, #tpu.memory_space<vmem_shared>> -> memref<100480x16xf32, #tpu.memory_space<vmem_shared>>
      tpu.wait_indirect_dma semaphore(%arg20 : memref<!tpu.dma_semaphore, #tpu.memory_space<semaphore_mem>>) src(%arg10 : memref<128x16xf32, #tpu.memory_space<vmem>>) dst(%dma_wait3A_323 : memref<100480x16xf32, #tpu.memory_space<vmem_shared>>)
      %dma_wait3A_324 = arith.constant 79 : i32
      %dma_wait3A_325 = arith.constant 0 : i32
      %dma_wait3A_326 = tpu.memref_slice %arg7[%dma_wait3A_324, %dma_wait3A_325] : memref<80x128xi32, #tpu.memory_space<vmem>> -> memref<1x128xi32, #tpu.memory_space<vmem>>
      %dma_wait3A_327 = tpu.memref_squeeze %dma_wait3A_326 : memref<1x128xi32, #tpu.memory_space<vmem>> -> memref<128xi32, #tpu.memory_space<vmem>>
      %dma_wait3A_328 = arith.constant 0 : i32
      %dma_wait3A_329 = arith.constant 0 : i32
      %dma_wait3A_330 = tpu.memref_slice %arg13[%dma_wait3A_328, %dma_wait3A_329] : memref<100480x16xf32, #tpu.memory_space<vmem_shared>> -> memref<100480x16xf32, #tpu.memory_space<vmem_shared>>
      tpu.wait_indirect_dma semaphore(%arg21 : memref<!tpu.dma_semaphore, #tpu.memory_space<semaphore_mem>>) src(%arg11 : memref<128x16xf32, #tpu.memory_space<vmem>>) dst(%dma_wait3A_330 : memref<100480x16xf32, #tpu.memory_space<vmem_shared>>)
      %barrier3A_331 = arith.constant 0 : index
      tpu.barrier barrier_id(%barrier3A_331)
      %mul3A_332 = arith.constant 6280 : i32
      %mul3A_333 = arith.muli %arg1, %mul3A_332 : i32
      %mul3A_334 = arith.constant 6280 : i32
      %mul3A_335 = arith.muli %arg1, %mul3A_334 : i32
      %mul3A_336 = arith.constant 16 : i32
      %mul3A_337 = arith.muli %add3A_26, %mul3A_336 : i32
      %dma_start3A_338 = tpu.memref_slice %arg5[%arg0, %mul3A_335, %mul3A_337] : memref<2x100480x128xf32, #tpu.memory_space<hbm>> -> memref<1x6280x16xf32, #tpu.memory_space<hbm>>
      %dma_start3A_339 = tpu.memref_squeeze %dma_start3A_338 : memref<1x6280x16xf32, #tpu.memory_space<hbm>> -> memref<6280x16xf32, #tpu.memory_space<hbm>>
      %dma_start3A_340 = arith.constant 0 : i32
      %dma_start3A_341 = tpu.memref_slice %arg13[%mul3A_333, %dma_start3A_340] : memref<100480x16xf32, #tpu.memory_space<vmem_shared>> -> memref<6280x16xf32, #tpu.memory_space<vmem_shared>>
      tpu.enqueue_dma source(%dma_start3A_341 : memref<6280x16xf32, #tpu.memory_space<vmem_shared>>) target(%dma_start3A_339 : memref<6280x16xf32, #tpu.memory_space<hbm>>) target_semaphore(%arg23 : memref<!tpu.dma_semaphore, #tpu.memory_space<semaphore_mem>>)
    }
    %scan3A_13 = arith.constant 8 : i32
    %mul3A_14 = arith.constant 6280 : i32
    %mul3A_15 = arith.muli %arg1, %mul3A_14 : i32
    %mul3A_16 = arith.constant 6280 : i32
    %mul3A_17 = arith.muli %arg1, %mul3A_16 : i32
    %dma_wait3A = arith.constant 112 : i32
    %dma_wait3A_18 = tpu.memref_slice %arg5[%arg0, %mul3A_17, %dma_wait3A] : memref<2x100480x128xf32, #tpu.memory_space<hbm>> -> memref<1x6280x16xf32, #tpu.memory_space<hbm>>
    %dma_wait3A_19 = tpu.memref_squeeze %dma_wait3A_18 : memref<1x6280x16xf32, #tpu.memory_space<hbm>> -> memref<6280x16xf32, #tpu.memory_space<hbm>>
    %dma_wait3A_20 = arith.constant 0 : i32
    %dma_wait3A_21 = tpu.memref_slice %arg13[%mul3A_15, %dma_wait3A_20] : memref<100480x16xf32, #tpu.memory_space<vmem_shared>> -> memref<6280x16xf32, #tpu.memory_space<vmem_shared>>
    tpu.wait_dma2 semaphore(%arg23 : memref<!tpu.dma_semaphore, #tpu.memory_space<semaphore_mem>>) src(%dma_wait3A_21 : memref<6280x16xf32, #tpu.memory_space<vmem_shared>>) dst(%dma_wait3A_19 : memref<6280x16xf32, #tpu.memory_space<hbm>>)
    return
  }
}

#map = affine_map<(d0, d1) -> (0, 0, 0)>
#map1 = affine_map<(d0, d1) -> (0, 0)>
module attributes {stable_mosaic.version = 14 : i64} {
  func.func @body(%arg0: i32, %arg1: i32, %arg2: memref<8x10000x16xf32, #tpu.memory_space<hbm>>, %arg3: memref<2560x128xi32, #tpu.memory_space<hbm>>, %arg4: memref<2560x128xi32, #tpu.memory_space<hbm>>, %arg5: memref<2x100480x128xf32, #tpu.memory_space<hbm>>, %arg6: memref<2x100480x16xf32, #tpu.memory_space<hbm>>, %arg7: memref<80x128xi32, #tpu.memory_space<vmem>>, %arg8: memref<80x128xi32, #tpu.memory_space<vmem>>, %arg9: memref<128x16xf32, #tpu.memory_space<vmem>>, %arg10: memref<128x16xf32, #tpu.memory_space<vmem>>, %arg11: memref<128x16xf32, #tpu.memory_space<vmem>>, %arg12: memref<128x16xf32, #tpu.memory_space<vmem>>, %arg13: memref<40x16xf32, #tpu.memory_space<vmem>>, %arg14: memref<100480x16xf32, #tpu.memory_space<vmem_shared>>, %arg15: memref<!tpu.dma_semaphore, #tpu.memory_space<semaphore_mem>>, %arg16: memref<!tpu.dma_semaphore, #tpu.memory_space<semaphore_mem>>, %arg17: memref<!tpu.dma_semaphore, #tpu.memory_space<semaphore_mem>>, %arg18: memref<!tpu.dma_semaphore, #tpu.memory_space<semaphore_mem>>, %arg19: memref<!tpu.dma_semaphore, #tpu.memory_space<semaphore_mem>>, %arg20: memref<!tpu.dma_semaphore, #tpu.memory_space<semaphore_mem>>, %arg21: memref<!tpu.dma_semaphore, #tpu.memory_space<semaphore_mem>>, %arg22: memref<!tpu.dma_semaphore, #tpu.memory_space<semaphore_mem>>, %arg23: memref<!tpu.dma_semaphore, #tpu.memory_space<semaphore_mem>>, %arg24: memref<!tpu.dma_semaphore, #tpu.memory_space<semaphore_mem>>) attributes {dimension_semantics = [#tpu.dimension_semantics<core_parallel>, #tpu.dimension_semantics<subcore_parallel>], iteration_bounds = array<i64: 2, 16>, scalar_prefetch = 0 : i64, scratch_operands = 18 : i64, tpu.core_type = #tpu.core_type<sc_vector_subcore>, window_params = [{transform_indices = #map}, {transform_indices = #map1}, {transform_indices = #map1}, {transform_indices = #map}, {transform_indices = #map}]} {
    %mul3A = arith.constant 16 : i32
    %mul3A_0 = arith.muli %arg0, %mul3A : i32
    %add3A = arith.addi %mul3A_0, %arg1 : i32
    %mul3A_1 = arith.constant 80 : i32
    %mul3A_2 = arith.muli %add3A, %mul3A_1 : i32
    "tpu.region"() ({
      %run_scoped3A = tpu.sem_alloc : memref<!tpu.dma_semaphore, #tpu.memory_space<semaphore_mem>>
      %dma_start3A = arith.constant 0 : i32
      %dma_start3A_52 = tpu.memref_slice %arg3[%mul3A_2, %dma_start3A] : memref<2560x128xi32, #tpu.memory_space<hbm>> -> memref<80x128xi32, #tpu.memory_space<hbm>>
      %dma_start3A_53 = arith.constant 0 : i32
      %dma_start3A_54 = tpu.memref_slice %arg3[%mul3A_2, %dma_start3A_53] : memref<2560x128xi32, #tpu.memory_space<hbm>> -> memref<80x128xi32, #tpu.memory_space<hbm>>
      tpu.enqueue_dma source(%dma_start3A_54 : memref<80x128xi32, #tpu.memory_space<hbm>>) target(%arg7 : memref<80x128xi32, #tpu.memory_space<vmem>>) target_semaphore(%run_scoped3A : memref<!tpu.dma_semaphore, #tpu.memory_space<semaphore_mem>>)
      %dma_wait3A_55 = arith.constant 0 : i32
      %dma_wait3A_56 = tpu.memref_slice %arg3[%mul3A_2, %dma_wait3A_55] : memref<2560x128xi32, #tpu.memory_space<hbm>> -> memref<80x128xi32, #tpu.memory_space<hbm>>
      %dma_wait3A_57 = arith.constant 0 : i32
      %dma_wait3A_58 = tpu.memref_slice %arg3[%mul3A_2, %dma_wait3A_57] : memref<2560x128xi32, #tpu.memory_space<hbm>> -> memref<80x128xi32, #tpu.memory_space<hbm>>
      tpu.wait_dma2 semaphore(%run_scoped3A : memref<!tpu.dma_semaphore, #tpu.memory_space<semaphore_mem>>) src(%dma_wait3A_58 : memref<80x128xi32, #tpu.memory_space<hbm>>) dst(%arg7 : memref<80x128xi32, #tpu.memory_space<vmem>>)
      tpu.yield
    }) : () -> ()
    %mul3A_3 = arith.constant 80 : i32
    %mul3A_4 = arith.muli %add3A, %mul3A_3 : i32
    "tpu.region"() ({
      %run_scoped3A = tpu.sem_alloc : memref<!tpu.dma_semaphore, #tpu.memory_space<semaphore_mem>>
      %dma_start3A = arith.constant 0 : i32
      %dma_start3A_52 = tpu.memref_slice %arg4[%mul3A_4, %dma_start3A] : memref<2560x128xi32, #tpu.memory_space<hbm>> -> memref<80x128xi32, #tpu.memory_space<hbm>>
      %dma_start3A_53 = arith.constant 0 : i32
      %dma_start3A_54 = tpu.memref_slice %arg4[%mul3A_4, %dma_start3A_53] : memref<2560x128xi32, #tpu.memory_space<hbm>> -> memref<80x128xi32, #tpu.memory_space<hbm>>
      tpu.enqueue_dma source(%dma_start3A_54 : memref<80x128xi32, #tpu.memory_space<hbm>>) target(%arg8 : memref<80x128xi32, #tpu.memory_space<vmem>>) target_semaphore(%run_scoped3A : memref<!tpu.dma_semaphore, #tpu.memory_space<semaphore_mem>>)
      %dma_wait3A_55 = arith.constant 0 : i32
      %dma_wait3A_56 = tpu.memref_slice %arg4[%mul3A_4, %dma_wait3A_55] : memref<2560x128xi32, #tpu.memory_space<hbm>> -> memref<80x128xi32, #tpu.memory_space<hbm>>
      %dma_wait3A_57 = arith.constant 0 : i32
      %dma_wait3A_58 = tpu.memref_slice %arg4[%mul3A_4, %dma_wait3A_57] : memref<2560x128xi32, #tpu.memory_space<hbm>> -> memref<80x128xi32, #tpu.memory_space<hbm>>
      tpu.wait_dma2 semaphore(%run_scoped3A : memref<!tpu.dma_semaphore, #tpu.memory_space<semaphore_mem>>) src(%dma_wait3A_58 : memref<80x128xi32, #tpu.memory_space<hbm>>) dst(%arg8 : memref<80x128xi32, #tpu.memory_space<vmem>>)
      tpu.yield
    }) : () -> ()
    %scan3A = arith.constant 0 : i32
    %scan3A_5 = arith.constant 40 : i32
    %scan3A_6 = arith.addi %scan3A, %scan3A_5 : i32
    %scan3A_7 = arith.constant 1 : i32
    scf.for %scan3A_52 = %scan3A to %scan3A_6 step %scan3A_7  : i32 {
      %mul3A_53 = arith.constant 1 : i32
      %mul3A_54 = arith.muli %scan3A_52, %mul3A_53 : i32
      %add3A_55 = arith.constant 0 : i32
      %add3A_56 = arith.addi %add3A_55, %mul3A_54 : i32
      %broadcast_in_dim3A = arith.constant 0.000000e+00 : f32
      %broadcast_in_dim3A_57 = vector.broadcast %broadcast_in_dim3A : f32 to vector<16xf32>
      %swap3A = arith.index_cast %add3A_56 : i32 to index
      %swap3A_58 = arith.constant 0 : index
      %swap3A_59 = tpu.vector_load %arg13[%swap3A, %swap3A_58] {strides = array<i32>} : memref<40x16xf32, #tpu.memory_space<vmem>>, vector<1x16xf32>,
      %swap3A_60 = vector.shape_cast %swap3A_59 : vector<1x16xf32> to vector<16xf32>
      %swap3A_61 = vector.shape_cast %broadcast_in_dim3A_57 : vector<16xf32> to vector<1x16xf32>
      tpu.vector_store %arg13[%swap3A, %swap3A_58], %swap3A_61 {strides = array<i32>} : memref<40x16xf32, #tpu.memory_space<vmem>>, vector<1x16xf32>,
    }
    %scan3A_8 = arith.constant 40 : i32
    %scan3A_9 = arith.constant 0 : i32
    %scan3A_10 = arith.constant 8 : i32
    %scan3A_11 = arith.addi %scan3A_9, %scan3A_10 : i32
    %scan3A_12 = arith.constant 1 : i32
    scf.for %scan3A_52 = %scan3A_9 to %scan3A_11 step %scan3A_12  : i32 {
      %mul3A_53 = arith.constant 1 : i32
      %mul3A_54 = arith.muli %scan3A_52, %mul3A_53 : i32
      %add3A_55 = arith.constant 0 : i32
      %add3A_56 = arith.addi %add3A_55, %mul3A_54 : i32
      %dma_start3A = arith.constant 0 : i32
      %dma_start3A_57 = arith.constant 0 : i32
      %dma_start3A_58 = tpu.memref_slice %arg7[%dma_start3A, %dma_start3A_57] : memref<80x128xi32, #tpu.memory_space<vmem>> -> memref<1x128xi32, #tpu.memory_space<vmem>>
      %dma_start3A_59 = tpu.memref_squeeze %dma_start3A_58 : memref<1x128xi32, #tpu.memory_space<vmem>> -> memref<128xi32, #tpu.memory_space<vmem>>
      %dma_start3A_60 = arith.constant 0 : i32
      %dma_start3A_61 = arith.constant 0 : i32
      %dma_start3A_62 = tpu.memref_slice %arg2[%add3A_56, %dma_start3A_60, %dma_start3A_61] : memref<8x10000x16xf32, #tpu.memory_space<hbm>> -> memref<1x10000x16xf32, #tpu.memory_space<hbm>>
      %dma_start3A_63 = tpu.memref_squeeze %dma_start3A_62 : memref<1x10000x16xf32, #tpu.memory_space<hbm>> -> memref<10000x16xf32, #tpu.memory_space<hbm>>
      %dma_start3A_64 = arith.constant 0 : i32
      %dma_start3A_65 = arith.constant 0 : i32
      %dma_start3A_66 = tpu.memref_slice %dma_start3A_63[%dma_start3A_64, %dma_start3A_65] : memref<10000x16xf32, #tpu.memory_space<hbm>> -> memref<10000x16xf32, #tpu.memory_space<hbm>>
      tpu.enqueue_indirect_dma source(%dma_start3A_66 : memref<10000x16xf32, #tpu.memory_space<hbm>>) target(%arg9 : memref<128x16xf32, #tpu.memory_space<vmem>>) offsets(%dma_start3A_59 : memref<128xi32, #tpu.memory_space<vmem>>) semaphore(%arg15 : memref<!tpu.dma_semaphore, #tpu.memory_space<semaphore_mem>>)
      %dma_start3A_67 = arith.constant 1 : i32
      %dma_start3A_68 = arith.constant 0 : i32
      %dma_start3A_69 = tpu.memref_slice %arg7[%dma_start3A_67, %dma_start3A_68] : memref<80x128xi32, #tpu.memory_space<vmem>> -> memref<1x128xi32, #tpu.memory_space<vmem>>
      %dma_start3A_70 = tpu.memref_squeeze %dma_start3A_69 : memref<1x128xi32, #tpu.memory_space<vmem>> -> memref<128xi32, #tpu.memory_space<vmem>>
      %dma_start3A_71 = arith.constant 0 : i32
      %dma_start3A_72 = arith.constant 0 : i32
      %dma_start3A_73 = tpu.memref_slice %arg2[%add3A_56, %dma_start3A_71, %dma_start3A_72] : memref<8x10000x16xf32, #tpu.memory_space<hbm>> -> memref<1x10000x16xf32, #tpu.memory_space<hbm>>
      %dma_start3A_74 = tpu.memref_squeeze %dma_start3A_73 : memref<1x10000x16xf32, #tpu.memory_space<hbm>> -> memref<10000x16xf32, #tpu.memory_space<hbm>>
      %dma_start3A_75 = arith.constant 0 : i32
      %dma_start3A_76 = arith.constant 0 : i32
      %dma_start3A_77 = tpu.memref_slice %dma_start3A_74[%dma_start3A_75, %dma_start3A_76] : memref<10000x16xf32, #tpu.memory_space<hbm>> -> memref<10000x16xf32, #tpu.memory_space<hbm>>
      tpu.enqueue_indirect_dma source(%dma_start3A_77 : memref<10000x16xf32, #tpu.memory_space<hbm>>) target(%arg10 : memref<128x16xf32, #tpu.memory_space<vmem>>) offsets(%dma_start3A_70 : memref<128xi32, #tpu.memory_space<vmem>>) semaphore(%arg16 : memref<!tpu.dma_semaphore, #tpu.memory_space<semaphore_mem>>)
      %dma_start3A_78 = arith.constant 2 : i32
      %dma_start3A_79 = arith.constant 0 : i32
      %dma_start3A_80 = tpu.memref_slice %arg7[%dma_start3A_78, %dma_start3A_79] : memref<80x128xi32, #tpu.memory_space<vmem>> -> memref<1x128xi32, #tpu.memory_space<vmem>>
      %dma_start3A_81 = tpu.memref_squeeze %dma_start3A_80 : memref<1x128xi32, #tpu.memory_space<vmem>> -> memref<128xi32, #tpu.memory_space<vmem>>
      %dma_start3A_82 = arith.constant 0 : i32
      %dma_start3A_83 = arith.constant 0 : i32
      %dma_start3A_84 = tpu.memref_slice %arg2[%add3A_56, %dma_start3A_82, %dma_start3A_83] : memref<8x10000x16xf32, #tpu.memory_space<hbm>> -> memref<1x10000x16xf32, #tpu.memory_space<hbm>>
      %dma_start3A_85 = tpu.memref_squeeze %dma_start3A_84 : memref<1x10000x16xf32, #tpu.memory_space<hbm>> -> memref<10000x16xf32, #tpu.memory_space<hbm>>
      %dma_start3A_86 = arith.constant 0 : i32
      %dma_start3A_87 = arith.constant 0 : i32
      %dma_start3A_88 = tpu.memref_slice %dma_start3A_85[%dma_start3A_86, %dma_start3A_87] : memref<10000x16xf32, #tpu.memory_space<hbm>> -> memref<10000x16xf32, #tpu.memory_space<hbm>>
      tpu.enqueue_indirect_dma source(%dma_start3A_88 : memref<10000x16xf32, #tpu.memory_space<hbm>>) target(%arg11 : memref<128x16xf32, #tpu.memory_space<vmem>>) offsets(%dma_start3A_81 : memref<128xi32, #tpu.memory_space<vmem>>) semaphore(%arg17 : memref<!tpu.dma_semaphore, #tpu.memory_space<semaphore_mem>>)
      %dma_start3A_89 = arith.constant 3 : i32
      %dma_start3A_90 = arith.constant 0 : i32
      %dma_start3A_91 = tpu.memref_slice %arg7[%dma_start3A_89, %dma_start3A_90] : memref<80x128xi32, #tpu.memory_space<vmem>> -> memref<1x128xi32, #tpu.memory_space<vmem>>
      %dma_start3A_92 = tpu.memref_squeeze %dma_start3A_91 : memref<1x128xi32, #tpu.memory_space<vmem>> -> memref<128xi32, #tpu.memory_space<vmem>>
      %dma_start3A_93 = arith.constant 0 : i32
      %dma_start3A_94 = arith.constant 0 : i32
      %dma_start3A_95 = tpu.memref_slice %arg2[%add3A_56, %dma_start3A_93, %dma_start3A_94] : memref<8x10000x16xf32, #tpu.memory_space<hbm>> -> memref<1x10000x16xf32, #tpu.memory_space<hbm>>
      %dma_start3A_96 = tpu.memref_squeeze %dma_start3A_95 : memref<1x10000x16xf32, #tpu.memory_space<hbm>> -> memref<10000x16xf32, #tpu.memory_space<hbm>>
      %dma_start3A_97 = arith.constant 0 : i32
      %dma_start3A_98 = arith.constant 0 : i32
      %dma_start3A_99 = tpu.memref_slice %dma_start3A_96[%dma_start3A_97, %dma_start3A_98] : memref<10000x16xf32, #tpu.memory_space<hbm>> -> memref<10000x16xf32, #tpu.memory_space<hbm>>
      tpu.enqueue_indirect_dma source(%dma_start3A_99 : memref<10000x16xf32, #tpu.memory_space<hbm>>) target(%arg12 : memref<128x16xf32, #tpu.memory_space<vmem>>) offsets(%dma_start3A_92 : memref<128xi32, #tpu.memory_space<vmem>>) semaphore(%arg18 : memref<!tpu.dma_semaphore, #tpu.memory_space<semaphore_mem>>)
      %gt3A = arith.constant 0 : i32
      %gt3A_100 = arith.cmpi sgt, %add3A_56, %gt3A : i32
      %convert_element_type3A = arith.extui %gt3A_100 : i1 to i32
      %cond3A = arith.constant 0 : i32
      %cond3A_101 = arith.cmpi ne, %convert_element_type3A, %cond3A : i32
      scf.if %cond3A_101 {
        %sub3A = arith.constant 1 : i32
        %sub3A_373 = arith.subi %add3A_56, %sub3A : i32
        %mul3A_374 = arith.constant 6280 : i32
        %mul3A_375 = arith.muli %arg1, %mul3A_374 : i32
        %mul3A_376 = arith.constant 6280 : i32
        %mul3A_377 = arith.muli %arg1, %mul3A_376 : i32
        %mul3A_378 = arith.constant 16 : i32
        %mul3A_379 = arith.muli %sub3A_373, %mul3A_378 : i32
        %dma_wait3A_380 = tpu.memref_slice %arg5[%arg0, %mul3A_377, %mul3A_379] : memref<2x100480x128xf32, #tpu.memory_space<hbm>> -> memref<1x6280x16xf32, #tpu.memory_space<hbm>>
        %dma_wait3A_381 = tpu.memref_squeeze %dma_wait3A_380 : memref<1x6280x16xf32, #tpu.memory_space<hbm>> -> memref<6280x16xf32, #tpu.memory_space<hbm>>
        %dma_wait3A_382 = arith.constant 0 : i32
        %dma_wait3A_383 = tpu.memref_slice %arg14[%mul3A_375, %dma_wait3A_382] : memref<100480x16xf32, #tpu.memory_space<vmem_shared>> -> memref<6280x16xf32, #tpu.memory_space<vmem_shared>>
        tpu.wait_dma2 semaphore(%arg24 : memref<!tpu.dma_semaphore, #tpu.memory_space<semaphore_mem>>) src(%dma_wait3A_383 : memref<6280x16xf32, #tpu.memory_space<vmem_shared>>) dst(%dma_wait3A_381 : memref<6280x16xf32, #tpu.memory_space<hbm>>)
      } else {
      }
      %scan3A_102 = arith.constant 0 : i32
      %scan3A_103 = arith.constant 157 : i32
      %scan3A_104 = arith.addi %scan3A_102, %scan3A_103 : i32
      %scan3A_105 = arith.constant 1 : i32
      scf.for %scan3A_373 = %scan3A_102 to %scan3A_104 step %scan3A_105  : i32 {
        %mul3A_374 = arith.constant 1 : i32
        %mul3A_375 = arith.muli %scan3A_373, %mul3A_374 : i32
        %add3A_376 = arith.constant 0 : i32
        %add3A_377 = arith.addi %add3A_376, %mul3A_375 : i32
        %mul3A_378 = arith.constant 6280 : i32
        %mul3A_379 = arith.muli %arg1, %mul3A_378 : i32
        %mul3A_380 = arith.constant 40 : i32
        %mul3A_381 = arith.muli %add3A_377, %mul3A_380 : i32
        %add3A_382 = arith.addi %mul3A_379, %mul3A_381 : i32
        %dma_start3A_383 = arith.constant 0 : i32
        %dma_start3A_384 = tpu.memref_slice %arg14[%add3A_382, %dma_start3A_383] : memref<100480x16xf32, #tpu.memory_space<vmem_shared>> -> memref<40x16xf32, #tpu.memory_space<vmem_shared>>
        %dma_start3A_385 = arith.constant 0 : i32
        %dma_start3A_386 = tpu.memref_slice %arg14[%add3A_382, %dma_start3A_385] : memref<100480x16xf32, #tpu.memory_space<vmem_shared>> -> memref<40x16xf32, #tpu.memory_space<vmem_shared>>
        tpu.enqueue_dma source(%arg13 : memref<40x16xf32, #tpu.memory_space<vmem>>) target(%dma_start3A_386 : memref<40x16xf32, #tpu.memory_space<vmem_shared>>) target_semaphore(%arg23 : memref<!tpu.dma_semaphore, #tpu.memory_space<semaphore_mem>>)
      }
      %scan3A_106 = arith.constant 157 : i32
      %scan3A_107 = arith.constant 0 : i32
      %scan3A_108 = arith.constant 157 : i32
      %scan3A_109 = arith.addi %scan3A_107, %scan3A_108 : i32
      %scan3A_110 = arith.constant 1 : i32
      scf.for %scan3A_373 = %scan3A_107 to %scan3A_109 step %scan3A_110  : i32 {
        %mul3A_374 = arith.constant 1 : i32
        %mul3A_375 = arith.muli %scan3A_373, %mul3A_374 : i32
        %add3A_376 = arith.constant 0 : i32
        %add3A_377 = arith.addi %add3A_376, %mul3A_375 : i32
        %mul3A_378 = arith.constant 6280 : i32
        %mul3A_379 = arith.muli %arg1, %mul3A_378 : i32
        %mul3A_380 = arith.constant 40 : i32
        %mul3A_381 = arith.muli %add3A_377, %mul3A_380 : i32
        %add3A_382 = arith.addi %mul3A_379, %mul3A_381 : i32
        %dma_wait3A_383 = arith.constant 0 : i32
        %dma_wait3A_384 = tpu.memref_slice %arg14[%add3A_382, %dma_wait3A_383] : memref<100480x16xf32, #tpu.memory_space<vmem_shared>> -> memref<40x16xf32, #tpu.memory_space<vmem_shared>>
        %dma_wait3A_385 = arith.constant 0 : i32
        %dma_wait3A_386 = tpu.memref_slice %arg14[%add3A_382, %dma_wait3A_385] : memref<100480x16xf32, #tpu.memory_space<vmem_shared>> -> memref<40x16xf32, #tpu.memory_space<vmem_shared>>
        tpu.wait_dma2 semaphore(%arg23 : memref<!tpu.dma_semaphore, #tpu.memory_space<semaphore_mem>>) src(%arg13 : memref<40x16xf32, #tpu.memory_space<vmem>>) dst(%dma_wait3A_386 : memref<40x16xf32, #tpu.memory_space<vmem_shared>>)
      }
      %scan3A_111 = arith.constant 157 : i32
      %barrier3A_112 = arith.constant 0 : index
      tpu.barrier barrier_id(%barrier3A_112)
      %dma_wait3A_113 = arith.constant 0 : i32
      %dma_wait3A_114 = arith.constant 0 : i32
      %dma_wait3A_115 = tpu.memref_slice %arg7[%dma_wait3A_113, %dma_wait3A_114] : memref<80x128xi32, #tpu.memory_space<vmem>> -> memref<1x128xi32, #tpu.memory_space<vmem>>
      %dma_wait3A_116 = tpu.memref_squeeze %dma_wait3A_115 : memref<1x128xi32, #tpu.memory_space<vmem>> -> memref<128xi32, #tpu.memory_space<vmem>>
      %dma_wait3A_117 = arith.constant 0 : i32
      %dma_wait3A_118 = arith.constant 0 : i32
      %dma_wait3A_119 = tpu.memref_slice %arg2[%add3A_56, %dma_wait3A_117, %dma_wait3A_118] : memref<8x10000x16xf32, #tpu.memory_space<hbm>> -> memref<1x10000x16xf32, #tpu.memory_space<hbm>>
      %dma_wait3A_120 = tpu.memref_squeeze %dma_wait3A_119 : memref<1x10000x16xf32, #tpu.memory_space<hbm>> -> memref<10000x16xf32, #tpu.memory_space<hbm>>
      %dma_wait3A_121 = arith.constant 0 : i32
      %dma_wait3A_122 = arith.constant 0 : i32
      %dma_wait3A_123 = tpu.memref_slice %dma_wait3A_120[%dma_wait3A_121, %dma_wait3A_122] : memref<10000x16xf32, #tpu.memory_space<hbm>> -> memref<10000x16xf32, #tpu.memory_space<hbm>>
      tpu.wait_indirect_dma semaphore(%arg15 : memref<!tpu.dma_semaphore, #tpu.memory_space<semaphore_mem>>) src(%dma_wait3A_123 : memref<10000x16xf32, #tpu.memory_space<hbm>>) dst(%arg9 : memref<128x16xf32, #tpu.memory_space<vmem>>)
      %dma_start3A_124 = arith.constant 0 : i32
      %dma_start3A_125 = arith.constant 0 : i32
      %dma_start3A_126 = tpu.memref_slice %arg8[%dma_start3A_124, %dma_start3A_125] : memref<80x128xi32, #tpu.memory_space<vmem>> -> memref<1x128xi32, #tpu.memory_space<vmem>>
      %dma_start3A_127 = tpu.memref_squeeze %dma_start3A_126 : memref<1x128xi32, #tpu.memory_space<vmem>> -> memref<128xi32, #tpu.memory_space<vmem>>
      %dma_start3A_128 = arith.constant 0 : i32
      %dma_start3A_129 = arith.constant 0 : i32
      %dma_start3A_130 = tpu.memref_slice %arg14[%dma_start3A_128, %dma_start3A_129] : memref<100480x16xf32, #tpu.memory_space<vmem_shared>> -> memref<100480x16xf32, #tpu.memory_space<vmem_shared>>
      tpu.enqueue_indirect_dma source(%arg9 : memref<128x16xf32, #tpu.memory_space<vmem>>) target(%dma_start3A_130 : memref<100480x16xf32, #tpu.memory_space<vmem_shared>>) offsets(%dma_start3A_127 : memref<128xi32, #tpu.memory_space<vmem>>) semaphore(%arg19 : memref<!tpu.dma_semaphore, #tpu.memory_space<semaphore_mem>>) {add = true}
      %dma_wait3A_131 = arith.constant 1 : i32
      %dma_wait3A_132 = arith.constant 0 : i32
      %dma_wait3A_133 = tpu.memref_slice %arg7[%dma_wait3A_131, %dma_wait3A_132] : memref<80x128xi32, #tpu.memory_space<vmem>> -> memref<1x128xi32, #tpu.memory_space<vmem>>
      %dma_wait3A_134 = tpu.memref_squeeze %dma_wait3A_133 : memref<1x128xi32, #tpu.memory_space<vmem>> -> memref<128xi32, #tpu.memory_space<vmem>>
      %dma_wait3A_135 = arith.constant 0 : i32
      %dma_wait3A_136 = arith.constant 0 : i32
      %dma_wait3A_137 = tpu.memref_slice %arg2[%add3A_56, %dma_wait3A_135, %dma_wait3A_136] : memref<8x10000x16xf32, #tpu.memory_space<hbm>> -> memref<1x10000x16xf32, #tpu.memory_space<hbm>>
      %dma_wait3A_138 = tpu.memref_squeeze %dma_wait3A_137 : memref<1x10000x16xf32, #tpu.memory_space<hbm>> -> memref<10000x16xf32, #tpu.memory_space<hbm>>
      %dma_wait3A_139 = arith.constant 0 : i32
      %dma_wait3A_140 = arith.constant 0 : i32
      %dma_wait3A_141 = tpu.memref_slice %dma_wait3A_138[%dma_wait3A_139, %dma_wait3A_140] : memref<10000x16xf32, #tpu.memory_space<hbm>> -> memref<10000x16xf32, #tpu.memory_space<hbm>>
      tpu.wait_indirect_dma semaphore(%arg16 : memref<!tpu.dma_semaphore, #tpu.memory_space<semaphore_mem>>) src(%dma_wait3A_141 : memref<10000x16xf32, #tpu.memory_space<hbm>>) dst(%arg10 : memref<128x16xf32, #tpu.memory_space<vmem>>)
      %dma_start3A_142 = arith.constant 1 : i32
      %dma_start3A_143 = arith.constant 0 : i32
      %dma_start3A_144 = tpu.memref_slice %arg8[%dma_start3A_142, %dma_start3A_143] : memref<80x128xi32, #tpu.memory_space<vmem>> -> memref<1x128xi32, #tpu.memory_space<vmem>>
      %dma_start3A_145 = tpu.memref_squeeze %dma_start3A_144 : memref<1x128xi32, #tpu.memory_space<vmem>> -> memref<128xi32, #tpu.memory_space<vmem>>
      %dma_start3A_146 = arith.constant 0 : i32
      %dma_start3A_147 = arith.constant 0 : i32
      %dma_start3A_148 = tpu.memref_slice %arg14[%dma_start3A_146, %dma_start3A_147] : memref<100480x16xf32, #tpu.memory_space<vmem_shared>> -> memref<100480x16xf32, #tpu.memory_space<vmem_shared>>
      tpu.enqueue_indirect_dma source(%arg10 : memref<128x16xf32, #tpu.memory_space<vmem>>) target(%dma_start3A_148 : memref<100480x16xf32, #tpu.memory_space<vmem_shared>>) offsets(%dma_start3A_145 : memref<128xi32, #tpu.memory_space<vmem>>) semaphore(%arg20 : memref<!tpu.dma_semaphore, #tpu.memory_space<semaphore_mem>>) {add = true}
      %dma_wait3A_149 = arith.constant 2 : i32
      %dma_wait3A_150 = arith.constant 0 : i32
      %dma_wait3A_151 = tpu.memref_slice %arg7[%dma_wait3A_149, %dma_wait3A_150] : memref<80x128xi32, #tpu.memory_space<vmem>> -> memref<1x128xi32, #tpu.memory_space<vmem>>
      %dma_wait3A_152 = tpu.memref_squeeze %dma_wait3A_151 : memref<1x128xi32, #tpu.memory_space<vmem>> -> memref<128xi32, #tpu.memory_space<vmem>>
      %dma_wait3A_153 = arith.constant 0 : i32
      %dma_wait3A_154 = arith.constant 0 : i32
      %dma_wait3A_155 = tpu.memref_slice %arg2[%add3A_56, %dma_wait3A_153, %dma_wait3A_154] : memref<8x10000x16xf32, #tpu.memory_space<hbm>> -> memref<1x10000x16xf32, #tpu.memory_space<hbm>>
      %dma_wait3A_156 = tpu.memref_squeeze %dma_wait3A_155 : memref<1x10000x16xf32, #tpu.memory_space<hbm>> -> memref<10000x16xf32, #tpu.memory_space<hbm>>
      %dma_wait3A_157 = arith.constant 0 : i32
      %dma_wait3A_158 = arith.constant 0 : i32
      %dma_wait3A_159 = tpu.memref_slice %dma_wait3A_156[%dma_wait3A_157, %dma_wait3A_158] : memref<10000x16xf32, #tpu.memory_space<hbm>> -> memref<10000x16xf32, #tpu.memory_space<hbm>>
      tpu.wait_indirect_dma semaphore(%arg17 : memref<!tpu.dma_semaphore, #tpu.memory_space<semaphore_mem>>) src(%dma_wait3A_159 : memref<10000x16xf32, #tpu.memory_space<hbm>>) dst(%arg11 : memref<128x16xf32, #tpu.memory_space<vmem>>)
      %dma_start3A_160 = arith.constant 2 : i32
      %dma_start3A_161 = arith.constant 0 : i32
      %dma_start3A_162 = tpu.memref_slice %arg8[%dma_start3A_160, %dma_start3A_161] : memref<80x128xi32, #tpu.memory_space<vmem>> -> memref<1x128xi32, #tpu.memory_space<vmem>>
      %dma_start3A_163 = tpu.memref_squeeze %dma_start3A_162 : memref<1x128xi32, #tpu.memory_space<vmem>> -> memref<128xi32, #tpu.memory_space<vmem>>
      %dma_start3A_164 = arith.constant 0 : i32
      %dma_start3A_165 = arith.constant 0 : i32
      %dma_start3A_166 = tpu.memref_slice %arg14[%dma_start3A_164, %dma_start3A_165] : memref<100480x16xf32, #tpu.memory_space<vmem_shared>> -> memref<100480x16xf32, #tpu.memory_space<vmem_shared>>
      tpu.enqueue_indirect_dma source(%arg11 : memref<128x16xf32, #tpu.memory_space<vmem>>) target(%dma_start3A_166 : memref<100480x16xf32, #tpu.memory_space<vmem_shared>>) offsets(%dma_start3A_163 : memref<128xi32, #tpu.memory_space<vmem>>) semaphore(%arg21 : memref<!tpu.dma_semaphore, #tpu.memory_space<semaphore_mem>>) {add = true}
      %dma_wait3A_167 = arith.constant 0 : i32
      %dma_wait3A_168 = arith.constant 0 : i32
      %dma_wait3A_169 = tpu.memref_slice %arg8[%dma_wait3A_167, %dma_wait3A_168] : memref<80x128xi32, #tpu.memory_space<vmem>> -> memref<1x128xi32, #tpu.memory_space<vmem>>
      %dma_wait3A_170 = tpu.memref_squeeze %dma_wait3A_169 : memref<1x128xi32, #tpu.memory_space<vmem>> -> memref<128xi32, #tpu.memory_space<vmem>>
      %dma_wait3A_171 = arith.constant 0 : i32
      %dma_wait3A_172 = arith.constant 0 : i32
      %dma_wait3A_173 = tpu.memref_slice %arg14[%dma_wait3A_171, %dma_wait3A_172] : memref<100480x16xf32, #tpu.memory_space<vmem_shared>> -> memref<100480x16xf32, #tpu.memory_space<vmem_shared>>
      tpu.wait_indirect_dma semaphore(%arg19 : memref<!tpu.dma_semaphore, #tpu.memory_space<semaphore_mem>>) src(%arg9 : memref<128x16xf32, #tpu.memory_space<vmem>>) dst(%dma_wait3A_173 : memref<100480x16xf32, #tpu.memory_space<vmem_shared>>)
      %dma_start3A_174 = arith.constant 4 : i32
      %dma_start3A_175 = arith.constant 0 : i32
      %dma_start3A_176 = tpu.memref_slice %arg7[%dma_start3A_174, %dma_start3A_175] : memref<80x128xi32, #tpu.memory_space<vmem>> -> memref<1x128xi32, #tpu.memory_space<vmem>>
      %dma_start3A_177 = tpu.memref_squeeze %dma_start3A_176 : memref<1x128xi32, #tpu.memory_space<vmem>> -> memref<128xi32, #tpu.memory_space<vmem>>
      %dma_start3A_178 = arith.constant 0 : i32
      %dma_start3A_179 = arith.constant 0 : i32
      %dma_start3A_180 = tpu.memref_slice %arg2[%add3A_56, %dma_start3A_178, %dma_start3A_179] : memref<8x10000x16xf32, #tpu.memory_space<hbm>> -> memref<1x10000x16xf32, #tpu.memory_space<hbm>>
      %dma_start3A_181 = tpu.memref_squeeze %dma_start3A_180 : memref<1x10000x16xf32, #tpu.memory_space<hbm>> -> memref<10000x16xf32, #tpu.memory_space<hbm>>
      %dma_start3A_182 = arith.constant 0 : i32
      %dma_start3A_183 = arith.constant 0 : i32
      %dma_start3A_184 = tpu.memref_slice %dma_start3A_181[%dma_start3A_182, %dma_start3A_183] : memref<10000x16xf32, #tpu.memory_space<hbm>> -> memref<10000x16xf32, #tpu.memory_space<hbm>>
      tpu.enqueue_indirect_dma source(%dma_start3A_184 : memref<10000x16xf32, #tpu.memory_space<hbm>>) target(%arg9 : memref<128x16xf32, #tpu.memory_space<vmem>>) offsets(%dma_start3A_177 : memref<128xi32, #tpu.memory_space<vmem>>) semaphore(%arg15 : memref<!tpu.dma_semaphore, #tpu.memory_space<semaphore_mem>>)
      %dma_wait3A_185 = arith.constant 3 : i32
      %dma_wait3A_186 = arith.constant 0 : i32
      %dma_wait3A_187 = tpu.memref_slice %arg7[%dma_wait3A_185, %dma_wait3A_186] : memref<80x128xi32, #tpu.memory_space<vmem>> -> memref<1x128xi32, #tpu.memory_space<vmem>>
      %dma_wait3A_188 = tpu.memref_squeeze %dma_wait3A_187 : memref<1x128xi32, #tpu.memory_space<vmem>> -> memref<128xi32, #tpu.memory_space<vmem>>
      %dma_wait3A_189 = arith.constant 0 : i32
      %dma_wait3A_190 = arith.constant 0 : i32
      %dma_wait3A_191 = tpu.memref_slice %arg2[%add3A_56, %dma_wait3A_189, %dma_wait3A_190] : memref<8x10000x16xf32, #tpu.memory_space<hbm>> -> memref<1x10000x16xf32, #tpu.memory_space<hbm>>
      %dma_wait3A_192 = tpu.memref_squeeze %dma_wait3A_191 : memref<1x10000x16xf32, #tpu.memory_space<hbm>> -> memref<10000x16xf32, #tpu.memory_space<hbm>>
      %dma_wait3A_193 = arith.constant 0 : i32
      %dma_wait3A_194 = arith.constant 0 : i32
      %dma_wait3A_195 = tpu.memref_slice %dma_wait3A_192[%dma_wait3A_193, %dma_wait3A_194] : memref<10000x16xf32, #tpu.memory_space<hbm>> -> memref<10000x16xf32, #tpu.memory_space<hbm>>
      tpu.wait_indirect_dma semaphore(%arg18 : memref<!tpu.dma_semaphore, #tpu.memory_space<semaphore_mem>>) src(%dma_wait3A_195 : memref<10000x16xf32, #tpu.memory_space<hbm>>) dst(%arg12 : memref<128x16xf32, #tpu.memory_space<vmem>>)
      %dma_start3A_196 = arith.constant 3 : i32
      %dma_start3A_197 = arith.constant 0 : i32
      %dma_start3A_198 = tpu.memref_slice %arg8[%dma_start3A_196, %dma_start3A_197] : memref<80x128xi32, #tpu.memory_space<vmem>> -> memref<1x128xi32, #tpu.memory_space<vmem>>
      %dma_start3A_199 = tpu.memref_squeeze %dma_start3A_198 : memref<1x128xi32, #tpu.memory_space<vmem>> -> memref<128xi32, #tpu.memory_space<vmem>>
      %dma_start3A_200 = arith.constant 0 : i32
      %dma_start3A_201 = arith.constant 0 : i32
      %dma_start3A_202 = tpu.memref_slice %arg14[%dma_start3A_200, %dma_start3A_201] : memref<100480x16xf32, #tpu.memory_space<vmem_shared>> -> memref<100480x16xf32, #tpu.memory_space<vmem_shared>>
      tpu.enqueue_indirect_dma source(%arg12 : memref<128x16xf32, #tpu.memory_space<vmem>>) target(%dma_start3A_202 : memref<100480x16xf32, #tpu.memory_space<vmem_shared>>) offsets(%dma_start3A_199 : memref<128xi32, #tpu.memory_space<vmem>>) semaphore(%arg22 : memref<!tpu.dma_semaphore, #tpu.memory_space<semaphore_mem>>) {add = true}
      %dma_wait3A_203 = arith.constant 1 : i32
      %dma_wait3A_204 = arith.constant 0 : i32
      %dma_wait3A_205 = tpu.memref_slice %arg8[%dma_wait3A_203, %dma_wait3A_204] : memref<80x128xi32, #tpu.memory_space<vmem>> -> memref<1x128xi32, #tpu.memory_space<vmem>>
      %dma_wait3A_206 = tpu.memref_squeeze %dma_wait3A_205 : memref<1x128xi32, #tpu.memory_space<vmem>> -> memref<128xi32, #tpu.memory_space<vmem>>
      %dma_wait3A_207 = arith.constant 0 : i32
      %dma_wait3A_208 = arith.constant 0 : i32
      %dma_wait3A_209 = tpu.memref_slice %arg14[%dma_wait3A_207, %dma_wait3A_208] : memref<100480x16xf32, #tpu.memory_space<vmem_shared>> -> memref<100480x16xf32, #tpu.memory_space<vmem_shared>>
      tpu.wait_indirect_dma semaphore(%arg20 : memref<!tpu.dma_semaphore, #tpu.memory_space<semaphore_mem>>) src(%arg10 : memref<128x16xf32, #tpu.memory_space<vmem>>) dst(%dma_wait3A_209 : memref<100480x16xf32, #tpu.memory_space<vmem_shared>>)
      %dma_start3A_210 = arith.constant 5 : i32
      %dma_start3A_211 = arith.constant 0 : i32
      %dma_start3A_212 = tpu.memref_slice %arg7[%dma_start3A_210, %dma_start3A_211] : memref<80x128xi32, #tpu.memory_space<vmem>> -> memref<1x128xi32, #tpu.memory_space<vmem>>
      %dma_start3A_213 = tpu.memref_squeeze %dma_start3A_212 : memref<1x128xi32, #tpu.memory_space<vmem>> -> memref<128xi32, #tpu.memory_space<vmem>>
      %dma_start3A_214 = arith.constant 0 : i32
      %dma_start3A_215 = arith.constant 0 : i32
      %dma_start3A_216 = tpu.memref_slice %arg2[%add3A_56, %dma_start3A_214, %dma_start3A_215] : memref<8x10000x16xf32, #tpu.memory_space<hbm>> -> memref<1x10000x16xf32, #tpu.memory_space<hbm>>
      %dma_start3A_217 = tpu.memref_squeeze %dma_start3A_216 : memref<1x10000x16xf32, #tpu.memory_space<hbm>> -> memref<10000x16xf32, #tpu.memory_space<hbm>>
      %dma_start3A_218 = arith.constant 0 : i32
      %dma_start3A_219 = arith.constant 0 : i32
      %dma_start3A_220 = tpu.memref_slice %dma_start3A_217[%dma_start3A_218, %dma_start3A_219] : memref<10000x16xf32, #tpu.memory_space<hbm>> -> memref<10000x16xf32, #tpu.memory_space<hbm>>
      tpu.enqueue_indirect_dma source(%dma_start3A_220 : memref<10000x16xf32, #tpu.memory_space<hbm>>) target(%arg10 : memref<128x16xf32, #tpu.memory_space<vmem>>) offsets(%dma_start3A_213 : memref<128xi32, #tpu.memory_space<vmem>>) semaphore(%arg16 : memref<!tpu.dma_semaphore, #tpu.memory_space<semaphore_mem>>)
      %scan3A_221 = arith.constant 0 : i32
      %scan3A_222 = arith.constant 18 : i32
      %scan3A_223 = arith.addi %scan3A_221, %scan3A_222 : i32
      %scan3A_224 = arith.constant 1 : i32
      scf.for %scan3A_373 = %scan3A_221 to %scan3A_223 step %scan3A_224  : i32 {
        %mul3A_374 = arith.constant 4 : i32
        %mul3A_375 = arith.muli %scan3A_373, %mul3A_374 : i32
        %add3A_376 = arith.constant 4 : i32
        %add3A_377 = arith.addi %add3A_376, %mul3A_375 : i32
        %add3A_378 = arith.constant 0 : i32
        %add3A_379 = arith.addi %add3A_377, %add3A_378 : i32
        %dma_wait3A_380 = arith.constant 0 : i32
        %dma_wait3A_381 = tpu.memref_slice %arg7[%add3A_379, %dma_wait3A_380] : memref<80x128xi32, #tpu.memory_space<vmem>> -> memref<1x128xi32, #tpu.memory_space<vmem>>
        %dma_wait3A_382 = tpu.memref_squeeze %dma_wait3A_381 : memref<1x128xi32, #tpu.memory_space<vmem>> -> memref<128xi32, #tpu.memory_space<vmem>>
        %dma_wait3A_383 = arith.constant 0 : i32
        %dma_wait3A_384 = arith.constant 0 : i32
        %dma_wait3A_385 = tpu.memref_slice %arg2[%add3A_56, %dma_wait3A_383, %dma_wait3A_384] : memref<8x10000x16xf32, #tpu.memory_space<hbm>> -> memref<1x10000x16xf32, #tpu.memory_space<hbm>>
        %dma_wait3A_386 = tpu.memref_squeeze %dma_wait3A_385 : memref<1x10000x16xf32, #tpu.memory_space<hbm>> -> memref<10000x16xf32, #tpu.memory_space<hbm>>
        %dma_wait3A_387 = arith.constant 0 : i32
        %dma_wait3A_388 = arith.constant 0 : i32
        %dma_wait3A_389 = tpu.memref_slice %dma_wait3A_386[%dma_wait3A_387, %dma_wait3A_388] : memref<10000x16xf32, #tpu.memory_space<hbm>> -> memref<10000x16xf32, #tpu.memory_space<hbm>>
        tpu.wait_indirect_dma semaphore(%arg15 : memref<!tpu.dma_semaphore, #tpu.memory_space<semaphore_mem>>) src(%dma_wait3A_389 : memref<10000x16xf32, #tpu.memory_space<hbm>>) dst(%arg9 : memref<128x16xf32, #tpu.memory_space<vmem>>)
        %dma_start3A_390 = arith.constant 0 : i32
        %dma_start3A_391 = tpu.memref_slice %arg8[%add3A_379, %dma_start3A_390] : memref<80x128xi32, #tpu.memory_space<vmem>> -> memref<1x128xi32, #tpu.memory_space<vmem>>
        %dma_start3A_392 = tpu.memref_squeeze %dma_start3A_391 : memref<1x128xi32, #tpu.memory_space<vmem>> -> memref<128xi32, #tpu.memory_space<vmem>>
        %dma_start3A_393 = arith.constant 0 : i32
        %dma_start3A_394 = arith.constant 0 : i32
        %dma_start3A_395 = tpu.memref_slice %arg14[%dma_start3A_393, %dma_start3A_394] : memref<100480x16xf32, #tpu.memory_space<vmem_shared>> -> memref<100480x16xf32, #tpu.memory_space<vmem_shared>>
        tpu.enqueue_indirect_dma source(%arg9 : memref<128x16xf32, #tpu.memory_space<vmem>>) target(%dma_start3A_395 : memref<100480x16xf32, #tpu.memory_space<vmem_shared>>) offsets(%dma_start3A_392 : memref<128xi32, #tpu.memory_space<vmem>>) semaphore(%arg19 : memref<!tpu.dma_semaphore, #tpu.memory_space<semaphore_mem>>) {add = true}
        %sub3A = arith.constant 2 : i32
        %sub3A_396 = arith.subi %add3A_379, %sub3A : i32
        %dma_wait3A_397 = arith.constant 0 : i32
        %dma_wait3A_398 = tpu.memref_slice %arg8[%sub3A_396, %dma_wait3A_397] : memref<80x128xi32, #tpu.memory_space<vmem>> -> memref<1x128xi32, #tpu.memory_space<vmem>>
        %dma_wait3A_399 = tpu.memref_squeeze %dma_wait3A_398 : memref<1x128xi32, #tpu.memory_space<vmem>> -> memref<128xi32, #tpu.memory_space<vmem>>
        %dma_wait3A_400 = arith.constant 0 : i32
        %dma_wait3A_401 = arith.constant 0 : i32
        %dma_wait3A_402 = tpu.memref_slice %arg14[%dma_wait3A_400, %dma_wait3A_401] : memref<100480x16xf32, #tpu.memory_space<vmem_shared>> -> memref<100480x16xf32, #tpu.memory_space<vmem_shared>>
        tpu.wait_indirect_dma semaphore(%arg21 : memref<!tpu.dma_semaphore, #tpu.memory_space<semaphore_mem>>) src(%arg11 : memref<128x16xf32, #tpu.memory_space<vmem>>) dst(%dma_wait3A_402 : memref<100480x16xf32, #tpu.memory_space<vmem_shared>>)
        %add3A_403 = arith.constant 2 : i32
        %add3A_404 = arith.addi %add3A_379, %add3A_403 : i32
        %dma_start3A_405 = arith.constant 0 : i32
        %dma_start3A_406 = tpu.memref_slice %arg7[%add3A_404, %dma_start3A_405] : memref<80x128xi32, #tpu.memory_space<vmem>> -> memref<1x128xi32, #tpu.memory_space<vmem>>
        %dma_start3A_407 = tpu.memref_squeeze %dma_start3A_406 : memref<1x128xi32, #tpu.memory_space<vmem>> -> memref<128xi32, #tpu.memory_space<vmem>>
        %dma_start3A_408 = arith.constant 0 : i32
        %dma_start3A_409 = arith.constant 0 : i32
        %dma_start3A_410 = tpu.memref_slice %arg2[%add3A_56, %dma_start3A_408, %dma_start3A_409] : memref<8x10000x16xf32, #tpu.memory_space<hbm>> -> memref<1x10000x16xf32, #tpu.memory_space<hbm>>
        %dma_start3A_411 = tpu.memref_squeeze %dma_start3A_410 : memref<1x10000x16xf32, #tpu.memory_space<hbm>> -> memref<10000x16xf32, #tpu.memory_space<hbm>>
        %dma_start3A_412 = arith.constant 0 : i32
        %dma_start3A_413 = arith.constant 0 : i32
        %dma_start3A_414 = tpu.memref_slice %dma_start3A_411[%dma_start3A_412, %dma_start3A_413] : memref<10000x16xf32, #tpu.memory_space<hbm>> -> memref<10000x16xf32, #tpu.memory_space<hbm>>
        tpu.enqueue_indirect_dma source(%dma_start3A_414 : memref<10000x16xf32, #tpu.memory_space<hbm>>) target(%arg11 : memref<128x16xf32, #tpu.memory_space<vmem>>) offsets(%dma_start3A_407 : memref<128xi32, #tpu.memory_space<vmem>>) semaphore(%arg17 : memref<!tpu.dma_semaphore, #tpu.memory_space<semaphore_mem>>)
        %add3A_415 = arith.constant 1 : i32
        %add3A_416 = arith.addi %add3A_377, %add3A_415 : i32
        %dma_wait3A_417 = arith.constant 0 : i32
        %dma_wait3A_418 = tpu.memref_slice %arg7[%add3A_416, %dma_wait3A_417] : memref<80x128xi32, #tpu.memory_space<vmem>> -> memref<1x128xi32, #tpu.memory_space<vmem>>
        %dma_wait3A_419 = tpu.memref_squeeze %dma_wait3A_418 : memref<1x128xi32, #tpu.memory_space<vmem>> -> memref<128xi32, #tpu.memory_space<vmem>>
        %dma_wait3A_420 = arith.constant 0 : i32
        %dma_wait3A_421 = arith.constant 0 : i32
        %dma_wait3A_422 = tpu.memref_slice %arg2[%add3A_56, %dma_wait3A_420, %dma_wait3A_421] : memref<8x10000x16xf32, #tpu.memory_space<hbm>> -> memref<1x10000x16xf32, #tpu.memory_space<hbm>>
        %dma_wait3A_423 = tpu.memref_squeeze %dma_wait3A_422 : memref<1x10000x16xf32, #tpu.memory_space<hbm>> -> memref<10000x16xf32, #tpu.memory_space<hbm>>
        %dma_wait3A_424 = arith.constant 0 : i32
        %dma_wait3A_425 = arith.constant 0 : i32
        %dma_wait3A_426 = tpu.memref_slice %dma_wait3A_423[%dma_wait3A_424, %dma_wait3A_425] : memref<10000x16xf32, #tpu.memory_space<hbm>> -> memref<10000x16xf32, #tpu.memory_space<hbm>>
        tpu.wait_indirect_dma semaphore(%arg16 : memref<!tpu.dma_semaphore, #tpu.memory_space<semaphore_mem>>) src(%dma_wait3A_426 : memref<10000x16xf32, #tpu.memory_space<hbm>>) dst(%arg10 : memref<128x16xf32, #tpu.memory_space<vmem>>)
        %dma_start3A_427 = arith.constant 0 : i32
        %dma_start3A_428 = tpu.memref_slice %arg8[%add3A_416, %dma_start3A_427] : memref<80x128xi32, #tpu.memory_space<vmem>> -> memref<1x128xi32, #tpu.memory_space<vmem>>
        %dma_start3A_429 = tpu.memref_squeeze %dma_start3A_428 : memref<1x128xi32, #tpu.memory_space<vmem>> -> memref<128xi32, #tpu.memory_space<vmem>>
        %dma_start3A_430 = arith.constant 0 : i32
        %dma_start3A_431 = arith.constant 0 : i32
        %dma_start3A_432 = tpu.memref_slice %arg14[%dma_start3A_430, %dma_start3A_431] : memref<100480x16xf32, #tpu.memory_space<vmem_shared>> -> memref<100480x16xf32, #tpu.memory_space<vmem_shared>>
        tpu.enqueue_indirect_dma source(%arg10 : memref<128x16xf32, #tpu.memory_space<vmem>>) target(%dma_start3A_432 : memref<100480x16xf32, #tpu.memory_space<vmem_shared>>) offsets(%dma_start3A_429 : memref<128xi32, #tpu.memory_space<vmem>>) semaphore(%arg20 : memref<!tpu.dma_semaphore, #tpu.memory_space<semaphore_mem>>) {add = true}
        %sub3A_433 = arith.constant 2 : i32
        %sub3A_434 = arith.subi %add3A_416, %sub3A_433 : i32
        %dma_wait3A_435 = arith.constant 0 : i32
        %dma_wait3A_436 = tpu.memref_slice %arg8[%sub3A_434, %dma_wait3A_435] : memref<80x128xi32, #tpu.memory_space<vmem>> -> memref<1x128xi32, #tpu.memory_space<vmem>>
        %dma_wait3A_437 = tpu.memref_squeeze %dma_wait3A_436 : memref<1x128xi32, #tpu.memory_space<vmem>> -> memref<128xi32, #tpu.memory_space<vmem>>
        %dma_wait3A_438 = arith.constant 0 : i32
        %dma_wait3A_439 = arith.constant 0 : i32
        %dma_wait3A_440 = tpu.memref_slice %arg14[%dma_wait3A_438, %dma_wait3A_439] : memref<100480x16xf32, #tpu.memory_space<vmem_shared>> -> memref<100480x16xf32, #tpu.memory_space<vmem_shared>>
        tpu.wait_indirect_dma semaphore(%arg22 : memref<!tpu.dma_semaphore, #tpu.memory_space<semaphore_mem>>) src(%arg12 : memref<128x16xf32, #tpu.memory_space<vmem>>) dst(%dma_wait3A_440 : memref<100480x16xf32, #tpu.memory_space<vmem_shared>>)
        %add3A_441 = arith.constant 2 : i32
        %add3A_442 = arith.addi %add3A_416, %add3A_441 : i32
        %dma_start3A_443 = arith.constant 0 : i32
        %dma_start3A_444 = tpu.memref_slice %arg7[%add3A_442, %dma_start3A_443] : memref<80x128xi32, #tpu.memory_space<vmem>> -> memref<1x128xi32, #tpu.memory_space<vmem>>
        %dma_start3A_445 = tpu.memref_squeeze %dma_start3A_444 : memref<1x128xi32, #tpu.memory_space<vmem>> -> memref<128xi32, #tpu.memory_space<vmem>>
        %dma_start3A_446 = arith.constant 0 : i32
        %dma_start3A_447 = arith.constant 0 : i32
        %dma_start3A_448 = tpu.memref_slice %arg2[%add3A_56, %dma_start3A_446, %dma_start3A_447] : memref<8x10000x16xf32, #tpu.memory_space<hbm>> -> memref<1x10000x16xf32, #tpu.memory_space<hbm>>
        %dma_start3A_449 = tpu.memref_squeeze %dma_start3A_448 : memref<1x10000x16xf32, #tpu.memory_space<hbm>> -> memref<10000x16xf32, #tpu.memory_space<hbm>>
        %dma_start3A_450 = arith.constant 0 : i32
        %dma_start3A_451 = arith.constant 0 : i32
        %dma_start3A_452 = tpu.memref_slice %dma_start3A_449[%dma_start3A_450, %dma_start3A_451] : memref<10000x16xf32, #tpu.memory_space<hbm>> -> memref<10000x16xf32, #tpu.memory_space<hbm>>
        tpu.enqueue_indirect_dma source(%dma_start3A_452 : memref<10000x16xf32, #tpu.memory_space<hbm>>) target(%arg12 : memref<128x16xf32, #tpu.memory_space<vmem>>) offsets(%dma_start3A_445 : memref<128xi32, #tpu.memory_space<vmem>>) semaphore(%arg18 : memref<!tpu.dma_semaphore, #tpu.memory_space<semaphore_mem>>)
        %add3A_453 = arith.constant 2 : i32
        %add3A_454 = arith.addi %add3A_377, %add3A_453 : i32
        %dma_wait3A_455 = arith.constant 0 : i32
        %dma_wait3A_456 = tpu.memref_slice %arg7[%add3A_454, %dma_wait3A_455] : memref<80x128xi32, #tpu.memory_space<vmem>> -> memref<1x128xi32, #tpu.memory_space<vmem>>
        %dma_wait3A_457 = tpu.memref_squeeze %dma_wait3A_456 : memref<1x128xi32, #tpu.memory_space<vmem>> -> memref<128xi32, #tpu.memory_space<vmem>>
        %dma_wait3A_458 = arith.constant 0 : i32
        %dma_wait3A_459 = arith.constant 0 : i32
        %dma_wait3A_460 = tpu.memref_slice %arg2[%add3A_56, %dma_wait3A_458, %dma_wait3A_459] : memref<8x10000x16xf32, #tpu.memory_space<hbm>> -> memref<1x10000x16xf32, #tpu.memory_space<hbm>>
        %dma_wait3A_461 = tpu.memref_squeeze %dma_wait3A_460 : memref<1x10000x16xf32, #tpu.memory_space<hbm>> -> memref<10000x16xf32, #tpu.memory_space<hbm>>
        %dma_wait3A_462 = arith.constant 0 : i32
        %dma_wait3A_463 = arith.constant 0 : i32
        %dma_wait3A_464 = tpu.memref_slice %dma_wait3A_461[%dma_wait3A_462, %dma_wait3A_463] : memref<10000x16xf32, #tpu.memory_space<hbm>> -> memref<10000x16xf32, #tpu.memory_space<hbm>>
        tpu.wait_indirect_dma semaphore(%arg17 : memref<!tpu.dma_semaphore, #tpu.memory_space<semaphore_mem>>) src(%dma_wait3A_464 : memref<10000x16xf32, #tpu.memory_space<hbm>>) dst(%arg11 : memref<128x16xf32, #tpu.memory_space<vmem>>)
        %dma_start3A_465 = arith.constant 0 : i32
        %dma_start3A_466 = tpu.memref_slice %arg8[%add3A_454, %dma_start3A_465] : memref<80x128xi32, #tpu.memory_space<vmem>> -> memref<1x128xi32, #tpu.memory_space<vmem>>
        %dma_start3A_467 = tpu.memref_squeeze %dma_start3A_466 : memref<1x128xi32, #tpu.memory_space<vmem>> -> memref<128xi32, #tpu.memory_space<vmem>>
        %dma_start3A_468 = arith.constant 0 : i32
        %dma_start3A_469 = arith.constant 0 : i32
        %dma_start3A_470 = tpu.memref_slice %arg14[%dma_start3A_468, %dma_start3A_469] : memref<100480x16xf32, #tpu.memory_space<vmem_shared>> -> memref<100480x16xf32, #tpu.memory_space<vmem_shared>>
        tpu.enqueue_indirect_dma source(%arg11 : memref<128x16xf32, #tpu.memory_space<vmem>>) target(%dma_start3A_470 : memref<100480x16xf32, #tpu.memory_space<vmem_shared>>) offsets(%dma_start3A_467 : memref<128xi32, #tpu.memory_space<vmem>>) semaphore(%arg21 : memref<!tpu.dma_semaphore, #tpu.memory_space<semaphore_mem>>) {add = true}
        %sub3A_471 = arith.constant 2 : i32
        %sub3A_472 = arith.subi %add3A_454, %sub3A_471 : i32
        %dma_wait3A_473 = arith.constant 0 : i32
        %dma_wait3A_474 = tpu.memref_slice %arg8[%sub3A_472, %dma_wait3A_473] : memref<80x128xi32, #tpu.memory_space<vmem>> -> memref<1x128xi32, #tpu.memory_space<vmem>>
        %dma_wait3A_475 = tpu.memref_squeeze %dma_wait3A_474 : memref<1x128xi32, #tpu.memory_space<vmem>> -> memref<128xi32, #tpu.memory_space<vmem>>
        %dma_wait3A_476 = arith.constant 0 : i32
        %dma_wait3A_477 = arith.constant 0 : i32
        %dma_wait3A_478 = tpu.memref_slice %arg14[%dma_wait3A_476, %dma_wait3A_477] : memref<100480x16xf32, #tpu.memory_space<vmem_shared>> -> memref<100480x16xf32, #tpu.memory_space<vmem_shared>>
        tpu.wait_indirect_dma semaphore(%arg19 : memref<!tpu.dma_semaphore, #tpu.memory_space<semaphore_mem>>) src(%arg9 : memref<128x16xf32, #tpu.memory_space<vmem>>) dst(%dma_wait3A_478 : memref<100480x16xf32, #tpu.memory_space<vmem_shared>>)
        %add3A_479 = arith.constant 2 : i32
        %add3A_480 = arith.addi %add3A_454, %add3A_479 : i32
        %dma_start3A_481 = arith.constant 0 : i32
        %dma_start3A_482 = tpu.memref_slice %arg7[%add3A_480, %dma_start3A_481] : memref<80x128xi32, #tpu.memory_space<vmem>> -> memref<1x128xi32, #tpu.memory_space<vmem>>
        %dma_start3A_483 = tpu.memref_squeeze %dma_start3A_482 : memref<1x128xi32, #tpu.memory_space<vmem>> -> memref<128xi32, #tpu.memory_space<vmem>>
        %dma_start3A_484 = arith.constant 0 : i32
        %dma_start3A_485 = arith.constant 0 : i32
        %dma_start3A_486 = tpu.memref_slice %arg2[%add3A_56, %dma_start3A_484, %dma_start3A_485] : memref<8x10000x16xf32, #tpu.memory_space<hbm>> -> memref<1x10000x16xf32, #tpu.memory_space<hbm>>
        %dma_start3A_487 = tpu.memref_squeeze %dma_start3A_486 : memref<1x10000x16xf32, #tpu.memory_space<hbm>> -> memref<10000x16xf32, #tpu.memory_space<hbm>>
        %dma_start3A_488 = arith.constant 0 : i32
        %dma_start3A_489 = arith.constant 0 : i32
        %dma_start3A_490 = tpu.memref_slice %dma_start3A_487[%dma_start3A_488, %dma_start3A_489] : memref<10000x16xf32, #tpu.memory_space<hbm>> -> memref<10000x16xf32, #tpu.memory_space<hbm>>
        tpu.enqueue_indirect_dma source(%dma_start3A_490 : memref<10000x16xf32, #tpu.memory_space<hbm>>) target(%arg9 : memref<128x16xf32, #tpu.memory_space<vmem>>) offsets(%dma_start3A_483 : memref<128xi32, #tpu.memory_space<vmem>>) semaphore(%arg15 : memref<!tpu.dma_semaphore, #tpu.memory_space<semaphore_mem>>)
        %add3A_491 = arith.constant 3 : i32
        %add3A_492 = arith.addi %add3A_377, %add3A_491 : i32
        %dma_wait3A_493 = arith.constant 0 : i32
        %dma_wait3A_494 = tpu.memref_slice %arg7[%add3A_492, %dma_wait3A_493] : memref<80x128xi32, #tpu.memory_space<vmem>> -> memref<1x128xi32, #tpu.memory_space<vmem>>
        %dma_wait3A_495 = tpu.memref_squeeze %dma_wait3A_494 : memref<1x128xi32, #tpu.memory_space<vmem>> -> memref<128xi32, #tpu.memory_space<vmem>>
        %dma_wait3A_496 = arith.constant 0 : i32
        %dma_wait3A_497 = arith.constant 0 : i32
        %dma_wait3A_498 = tpu.memref_slice %arg2[%add3A_56, %dma_wait3A_496, %dma_wait3A_497] : memref<8x10000x16xf32, #tpu.memory_space<hbm>> -> memref<1x10000x16xf32, #tpu.memory_space<hbm>>
        %dma_wait3A_499 = tpu.memref_squeeze %dma_wait3A_498 : memref<1x10000x16xf32, #tpu.memory_space<hbm>> -> memref<10000x16xf32, #tpu.memory_space<hbm>>
        %dma_wait3A_500 = arith.constant 0 : i32
        %dma_wait3A_501 = arith.constant 0 : i32
        %dma_wait3A_502 = tpu.memref_slice %dma_wait3A_499[%dma_wait3A_500, %dma_wait3A_501] : memref<10000x16xf32, #tpu.memory_space<hbm>> -> memref<10000x16xf32, #tpu.memory_space<hbm>>
        tpu.wait_indirect_dma semaphore(%arg18 : memref<!tpu.dma_semaphore, #tpu.memory_space<semaphore_mem>>) src(%dma_wait3A_502 : memref<10000x16xf32, #tpu.memory_space<hbm>>) dst(%arg12 : memref<128x16xf32, #tpu.memory_space<vmem>>)
        %dma_start3A_503 = arith.constant 0 : i32
        %dma_start3A_504 = tpu.memref_slice %arg8[%add3A_492, %dma_start3A_503] : memref<80x128xi32, #tpu.memory_space<vmem>> -> memref<1x128xi32, #tpu.memory_space<vmem>>
        %dma_start3A_505 = tpu.memref_squeeze %dma_start3A_504 : memref<1x128xi32, #tpu.memory_space<vmem>> -> memref<128xi32, #tpu.memory_space<vmem>>
        %dma_start3A_506 = arith.constant 0 : i32
        %dma_start3A_507 = arith.constant 0 : i32
        %dma_start3A_508 = tpu.memref_slice %arg14[%dma_start3A_506, %dma_start3A_507] : memref<100480x16xf32, #tpu.memory_space<vmem_shared>> -> memref<100480x16xf32, #tpu.memory_space<vmem_shared>>
        tpu.enqueue_indirect_dma source(%arg12 : memref<128x16xf32, #tpu.memory_space<vmem>>) target(%dma_start3A_508 : memref<100480x16xf32, #tpu.memory_space<vmem_shared>>) offsets(%dma_start3A_505 : memref<128xi32, #tpu.memory_space<vmem>>) semaphore(%arg22 : memref<!tpu.dma_semaphore, #tpu.memory_space<semaphore_mem>>) {add = true}
        %sub3A_509 = arith.constant 2 : i32
        %sub3A_510 = arith.subi %add3A_492, %sub3A_509 : i32
        %dma_wait3A_511 = arith.constant 0 : i32
        %dma_wait3A_512 = tpu.memref_slice %arg8[%sub3A_510, %dma_wait3A_511] : memref<80x128xi32, #tpu.memory_space<vmem>> -> memref<1x128xi32, #tpu.memory_space<vmem>>
        %dma_wait3A_513 = tpu.memref_squeeze %dma_wait3A_512 : memref<1x128xi32, #tpu.memory_space<vmem>> -> memref<128xi32, #tpu.memory_space<vmem>>
        %dma_wait3A_514 = arith.constant 0 : i32
        %dma_wait3A_515 = arith.constant 0 : i32
        %dma_wait3A_516 = tpu.memref_slice %arg14[%dma_wait3A_514, %dma_wait3A_515] : memref<100480x16xf32, #tpu.memory_space<vmem_shared>> -> memref<100480x16xf32, #tpu.memory_space<vmem_shared>>
        tpu.wait_indirect_dma semaphore(%arg20 : memref<!tpu.dma_semaphore, #tpu.memory_space<semaphore_mem>>) src(%arg10 : memref<128x16xf32, #tpu.memory_space<vmem>>) dst(%dma_wait3A_516 : memref<100480x16xf32, #tpu.memory_space<vmem_shared>>)
        %add3A_517 = arith.constant 2 : i32
        %add3A_518 = arith.addi %add3A_492, %add3A_517 : i32
        %dma_start3A_519 = arith.constant 0 : i32
        %dma_start3A_520 = tpu.memref_slice %arg7[%add3A_518, %dma_start3A_519] : memref<80x128xi32, #tpu.memory_space<vmem>> -> memref<1x128xi32, #tpu.memory_space<vmem>>
        %dma_start3A_521 = tpu.memref_squeeze %dma_start3A_520 : memref<1x128xi32, #tpu.memory_space<vmem>> -> memref<128xi32, #tpu.memory_space<vmem>>
        %dma_start3A_522 = arith.constant 0 : i32
        %dma_start3A_523 = arith.constant 0 : i32
        %dma_start3A_524 = tpu.memref_slice %arg2[%add3A_56, %dma_start3A_522, %dma_start3A_523] : memref<8x10000x16xf32, #tpu.memory_space<hbm>> -> memref<1x10000x16xf32, #tpu.memory_space<hbm>>
        %dma_start3A_525 = tpu.memref_squeeze %dma_start3A_524 : memref<1x10000x16xf32, #tpu.memory_space<hbm>> -> memref<10000x16xf32, #tpu.memory_space<hbm>>
        %dma_start3A_526 = arith.constant 0 : i32
        %dma_start3A_527 = arith.constant 0 : i32
        %dma_start3A_528 = tpu.memref_slice %dma_start3A_525[%dma_start3A_526, %dma_start3A_527] : memref<10000x16xf32, #tpu.memory_space<hbm>> -> memref<10000x16xf32, #tpu.memory_space<hbm>>
        tpu.enqueue_indirect_dma source(%dma_start3A_528 : memref<10000x16xf32, #tpu.memory_space<hbm>>) target(%arg10 : memref<128x16xf32, #tpu.memory_space<vmem>>) offsets(%dma_start3A_521 : memref<128xi32, #tpu.memory_space<vmem>>) semaphore(%arg16 : memref<!tpu.dma_semaphore, #tpu.memory_space<semaphore_mem>>)
      }
      %scan3A_225 = arith.constant 18 : i32
      %dma_wait3A_226 = arith.constant 76 : i32
      %dma_wait3A_227 = arith.constant 0 : i32
      %dma_wait3A_228 = tpu.memref_slice %arg7[%dma_wait3A_226, %dma_wait3A_227] : memref<80x128xi32, #tpu.memory_space<vmem>> -> memref<1x128xi32, #tpu.memory_space<vmem>>
      %dma_wait3A_229 = tpu.memref_squeeze %dma_wait3A_228 : memref<1x128xi32, #tpu.memory_space<vmem>> -> memref<128xi32, #tpu.memory_space<vmem>>
      %dma_wait3A_230 = arith.constant 0 : i32
      %dma_wait3A_231 = arith.constant 0 : i32
      %dma_wait3A_232 = tpu.memref_slice %arg2[%add3A_56, %dma_wait3A_230, %dma_wait3A_231] : memref<8x10000x16xf32, #tpu.memory_space<hbm>> -> memref<1x10000x16xf32, #tpu.memory_space<hbm>>
      %dma_wait3A_233 = tpu.memref_squeeze %dma_wait3A_232 : memref<1x10000x16xf32, #tpu.memory_space<hbm>> -> memref<10000x16xf32, #tpu.memory_space<hbm>>
      %dma_wait3A_234 = arith.constant 0 : i32
      %dma_wait3A_235 = arith.constant 0 : i32
      %dma_wait3A_236 = tpu.memref_slice %dma_wait3A_233[%dma_wait3A_234, %dma_wait3A_235] : memref<10000x16xf32, #tpu.memory_space<hbm>> -> memref<10000x16xf32, #tpu.memory_space<hbm>>
      tpu.wait_indirect_dma semaphore(%arg15 : memref<!tpu.dma_semaphore, #tpu.memory_space<semaphore_mem>>) src(%dma_wait3A_236 : memref<10000x16xf32, #tpu.memory_space<hbm>>) dst(%arg9 : memref<128x16xf32, #tpu.memory_space<vmem>>)
      %dma_start3A_237 = arith.constant 76 : i32
      %dma_start3A_238 = arith.constant 0 : i32
      %dma_start3A_239 = tpu.memref_slice %arg8[%dma_start3A_237, %dma_start3A_238] : memref<80x128xi32, #tpu.memory_space<vmem>> -> memref<1x128xi32, #tpu.memory_space<vmem>>
      %dma_start3A_240 = tpu.memref_squeeze %dma_start3A_239 : memref<1x128xi32, #tpu.memory_space<vmem>> -> memref<128xi32, #tpu.memory_space<vmem>>
      %dma_start3A_241 = arith.constant 0 : i32
      %dma_start3A_242 = arith.constant 0 : i32
      %dma_start3A_243 = tpu.memref_slice %arg14[%dma_start3A_241, %dma_start3A_242] : memref<100480x16xf32, #tpu.memory_space<vmem_shared>> -> memref<100480x16xf32, #tpu.memory_space<vmem_shared>>
      tpu.enqueue_indirect_dma source(%arg9 : memref<128x16xf32, #tpu.memory_space<vmem>>) target(%dma_start3A_243 : memref<100480x16xf32, #tpu.memory_space<vmem_shared>>) offsets(%dma_start3A_240 : memref<128xi32, #tpu.memory_space<vmem>>) semaphore(%arg19 : memref<!tpu.dma_semaphore, #tpu.memory_space<semaphore_mem>>) {add = true}
      %dma_wait3A_244 = arith.constant 74 : i32
      %dma_wait3A_245 = arith.constant 0 : i32
      %dma_wait3A_246 = tpu.memref_slice %arg8[%dma_wait3A_244, %dma_wait3A_245] : memref<80x128xi32, #tpu.memory_space<vmem>> -> memref<1x128xi32, #tpu.memory_space<vmem>>
      %dma_wait3A_247 = tpu.memref_squeeze %dma_wait3A_246 : memref<1x128xi32, #tpu.memory_space<vmem>> -> memref<128xi32, #tpu.memory_space<vmem>>
      %dma_wait3A_248 = arith.constant 0 : i32
      %dma_wait3A_249 = arith.constant 0 : i32
      %dma_wait3A_250 = tpu.memref_slice %arg14[%dma_wait3A_248, %dma_wait3A_249] : memref<100480x16xf32, #tpu.memory_space<vmem_shared>> -> memref<100480x16xf32, #tpu.memory_space<vmem_shared>>
      tpu.wait_indirect_dma semaphore(%arg21 : memref<!tpu.dma_semaphore, #tpu.memory_space<semaphore_mem>>) src(%arg11 : memref<128x16xf32, #tpu.memory_space<vmem>>) dst(%dma_wait3A_250 : memref<100480x16xf32, #tpu.memory_space<vmem_shared>>)
      %dma_start3A_251 = arith.constant 78 : i32
      %dma_start3A_252 = arith.constant 0 : i32
      %dma_start3A_253 = tpu.memref_slice %arg7[%dma_start3A_251, %dma_start3A_252] : memref<80x128xi32, #tpu.memory_space<vmem>> -> memref<1x128xi32, #tpu.memory_space<vmem>>
      %dma_start3A_254 = tpu.memref_squeeze %dma_start3A_253 : memref<1x128xi32, #tpu.memory_space<vmem>> -> memref<128xi32, #tpu.memory_space<vmem>>
      %dma_start3A_255 = arith.constant 0 : i32
      %dma_start3A_256 = arith.constant 0 : i32
      %dma_start3A_257 = tpu.memref_slice %arg2[%add3A_56, %dma_start3A_255, %dma_start3A_256] : memref<8x10000x16xf32, #tpu.memory_space<hbm>> -> memref<1x10000x16xf32, #tpu.memory_space<hbm>>
      %dma_start3A_258 = tpu.memref_squeeze %dma_start3A_257 : memref<1x10000x16xf32, #tpu.memory_space<hbm>> -> memref<10000x16xf32, #tpu.memory_space<hbm>>
      %dma_start3A_259 = arith.constant 0 : i32
      %dma_start3A_260 = arith.constant 0 : i32
      %dma_start3A_261 = tpu.memref_slice %dma_start3A_258[%dma_start3A_259, %dma_start3A_260] : memref<10000x16xf32, #tpu.memory_space<hbm>> -> memref<10000x16xf32, #tpu.memory_space<hbm>>
      tpu.enqueue_indirect_dma source(%dma_start3A_261 : memref<10000x16xf32, #tpu.memory_space<hbm>>) target(%arg11 : memref<128x16xf32, #tpu.memory_space<vmem>>) offsets(%dma_start3A_254 : memref<128xi32, #tpu.memory_space<vmem>>) semaphore(%arg17 : memref<!tpu.dma_semaphore, #tpu.memory_space<semaphore_mem>>)
      %dma_wait3A_262 = arith.constant 77 : i32
      %dma_wait3A_263 = arith.constant 0 : i32
      %dma_wait3A_264 = tpu.memref_slice %arg7[%dma_wait3A_262, %dma_wait3A_263] : memref<80x128xi32, #tpu.memory_space<vmem>> -> memref<1x128xi32, #tpu.memory_space<vmem>>
      %dma_wait3A_265 = tpu.memref_squeeze %dma_wait3A_264 : memref<1x128xi32, #tpu.memory_space<vmem>> -> memref<128xi32, #tpu.memory_space<vmem>>
      %dma_wait3A_266 = arith.constant 0 : i32
      %dma_wait3A_267 = arith.constant 0 : i32
      %dma_wait3A_268 = tpu.memref_slice %arg2[%add3A_56, %dma_wait3A_266, %dma_wait3A_267] : memref<8x10000x16xf32, #tpu.memory_space<hbm>> -> memref<1x10000x16xf32, #tpu.memory_space<hbm>>
      %dma_wait3A_269 = tpu.memref_squeeze %dma_wait3A_268 : memref<1x10000x16xf32, #tpu.memory_space<hbm>> -> memref<10000x16xf32, #tpu.memory_space<hbm>>
      %dma_wait3A_270 = arith.constant 0 : i32
      %dma_wait3A_271 = arith.constant 0 : i32
      %dma_wait3A_272 = tpu.memref_slice %dma_wait3A_269[%dma_wait3A_270, %dma_wait3A_271] : memref<10000x16xf32, #tpu.memory_space<hbm>> -> memref<10000x16xf32, #tpu.memory_space<hbm>>
      tpu.wait_indirect_dma semaphore(%arg16 : memref<!tpu.dma_semaphore, #tpu.memory_space<semaphore_mem>>) src(%dma_wait3A_272 : memref<10000x16xf32, #tpu.memory_space<hbm>>) dst(%arg10 : memref<128x16xf32, #tpu.memory_space<vmem>>)
      %dma_start3A_273 = arith.constant 77 : i32
      %dma_start3A_274 = arith.constant 0 : i32
      %dma_start3A_275 = tpu.memref_slice %arg8[%dma_start3A_273, %dma_start3A_274] : memref<80x128xi32, #tpu.memory_space<vmem>> -> memref<1x128xi32, #tpu.memory_space<vmem>>
      %dma_start3A_276 = tpu.memref_squeeze %dma_start3A_275 : memref<1x128xi32, #tpu.memory_space<vmem>> -> memref<128xi32, #tpu.memory_space<vmem>>
      %dma_start3A_277 = arith.constant 0 : i32
      %dma_start3A_278 = arith.constant 0 : i32
      %dma_start3A_279 = tpu.memref_slice %arg14[%dma_start3A_277, %dma_start3A_278] : memref<100480x16xf32, #tpu.memory_space<vmem_shared>> -> memref<100480x16xf32, #tpu.memory_space<vmem_shared>>
      tpu.enqueue_indirect_dma source(%arg10 : memref<128x16xf32, #tpu.memory_space<vmem>>) target(%dma_start3A_279 : memref<100480x16xf32, #tpu.memory_space<vmem_shared>>) offsets(%dma_start3A_276 : memref<128xi32, #tpu.memory_space<vmem>>) semaphore(%arg20 : memref<!tpu.dma_semaphore, #tpu.memory_space<semaphore_mem>>) {add = true}
      %dma_wait3A_280 = arith.constant 75 : i32
      %dma_wait3A_281 = arith.constant 0 : i32
      %dma_wait3A_282 = tpu.memref_slice %arg8[%dma_wait3A_280, %dma_wait3A_281] : memref<80x128xi32, #tpu.memory_space<vmem>> -> memref<1x128xi32, #tpu.memory_space<vmem>>
      %dma_wait3A_283 = tpu.memref_squeeze %dma_wait3A_282 : memref<1x128xi32, #tpu.memory_space<vmem>> -> memref<128xi32, #tpu.memory_space<vmem>>
      %dma_wait3A_284 = arith.constant 0 : i32
      %dma_wait3A_285 = arith.constant 0 : i32
      %dma_wait3A_286 = tpu.memref_slice %arg14[%dma_wait3A_284, %dma_wait3A_285] : memref<100480x16xf32, #tpu.memory_space<vmem_shared>> -> memref<100480x16xf32, #tpu.memory_space<vmem_shared>>
      tpu.wait_indirect_dma semaphore(%arg22 : memref<!tpu.dma_semaphore, #tpu.memory_space<semaphore_mem>>) src(%arg12 : memref<128x16xf32, #tpu.memory_space<vmem>>) dst(%dma_wait3A_286 : memref<100480x16xf32, #tpu.memory_space<vmem_shared>>)
      %dma_start3A_287 = arith.constant 79 : i32
      %dma_start3A_288 = arith.constant 0 : i32
      %dma_start3A_289 = tpu.memref_slice %arg7[%dma_start3A_287, %dma_start3A_288] : memref<80x128xi32, #tpu.memory_space<vmem>> -> memref<1x128xi32, #tpu.memory_space<vmem>>
      %dma_start3A_290 = tpu.memref_squeeze %dma_start3A_289 : memref<1x128xi32, #tpu.memory_space<vmem>> -> memref<128xi32, #tpu.memory_space<vmem>>
      %dma_start3A_291 = arith.constant 0 : i32
      %dma_start3A_292 = arith.constant 0 : i32
      %dma_start3A_293 = tpu.memref_slice %arg2[%add3A_56, %dma_start3A_291, %dma_start3A_292] : memref<8x10000x16xf32, #tpu.memory_space<hbm>> -> memref<1x10000x16xf32, #tpu.memory_space<hbm>>
      %dma_start3A_294 = tpu.memref_squeeze %dma_start3A_293 : memref<1x10000x16xf32, #tpu.memory_space<hbm>> -> memref<10000x16xf32, #tpu.memory_space<hbm>>
      %dma_start3A_295 = arith.constant 0 : i32
      %dma_start3A_296 = arith.constant 0 : i32
      %dma_start3A_297 = tpu.memref_slice %dma_start3A_294[%dma_start3A_295, %dma_start3A_296] : memref<10000x16xf32, #tpu.memory_space<hbm>> -> memref<10000x16xf32, #tpu.memory_space<hbm>>
      tpu.enqueue_indirect_dma source(%dma_start3A_297 : memref<10000x16xf32, #tpu.memory_space<hbm>>) target(%arg12 : memref<128x16xf32, #tpu.memory_space<vmem>>) offsets(%dma_start3A_290 : memref<128xi32, #tpu.memory_space<vmem>>) semaphore(%arg18 : memref<!tpu.dma_semaphore, #tpu.memory_space<semaphore_mem>>)
      %dma_wait3A_298 = arith.constant 78 : i32
      %dma_wait3A_299 = arith.constant 0 : i32
      %dma_wait3A_300 = tpu.memref_slice %arg7[%dma_wait3A_298, %dma_wait3A_299] : memref<80x128xi32, #tpu.memory_space<vmem>> -> memref<1x128xi32, #tpu.memory_space<vmem>>
      %dma_wait3A_301 = tpu.memref_squeeze %dma_wait3A_300 : memref<1x128xi32, #tpu.memory_space<vmem>> -> memref<128xi32, #tpu.memory_space<vmem>>
      %dma_wait3A_302 = arith.constant 0 : i32
      %dma_wait3A_303 = arith.constant 0 : i32
      %dma_wait3A_304 = tpu.memref_slice %arg2[%add3A_56, %dma_wait3A_302, %dma_wait3A_303] : memref<8x10000x16xf32, #tpu.memory_space<hbm>> -> memref<1x10000x16xf32, #tpu.memory_space<hbm>>
      %dma_wait3A_305 = tpu.memref_squeeze %dma_wait3A_304 : memref<1x10000x16xf32, #tpu.memory_space<hbm>> -> memref<10000x16xf32, #tpu.memory_space<hbm>>
      %dma_wait3A_306 = arith.constant 0 : i32
      %dma_wait3A_307 = arith.constant 0 : i32
      %dma_wait3A_308 = tpu.memref_slice %dma_wait3A_305[%dma_wait3A_306, %dma_wait3A_307] : memref<10000x16xf32, #tpu.memory_space<hbm>> -> memref<10000x16xf32, #tpu.memory_space<hbm>>
      tpu.wait_indirect_dma semaphore(%arg17 : memref<!tpu.dma_semaphore, #tpu.memory_space<semaphore_mem>>) src(%dma_wait3A_308 : memref<10000x16xf32, #tpu.memory_space<hbm>>) dst(%arg11 : memref<128x16xf32, #tpu.memory_space<vmem>>)
      %dma_start3A_309 = arith.constant 78 : i32
      %dma_start3A_310 = arith.constant 0 : i32
      %dma_start3A_311 = tpu.memref_slice %arg8[%dma_start3A_309, %dma_start3A_310] : memref<80x128xi32, #tpu.memory_space<vmem>> -> memref<1x128xi32, #tpu.memory_space<vmem>>
      %dma_start3A_312 = tpu.memref_squeeze %dma_start3A_311 : memref<1x128xi32, #tpu.memory_space<vmem>> -> memref<128xi32, #tpu.memory_space<vmem>>
      %dma_start3A_313 = arith.constant 0 : i32
      %dma_start3A_314 = arith.constant 0 : i32
      %dma_start3A_315 = tpu.memref_slice %arg14[%dma_start3A_313, %dma_start3A_314] : memref<100480x16xf32, #tpu.memory_space<vmem_shared>> -> memref<100480x16xf32, #tpu.memory_space<vmem_shared>>
      tpu.enqueue_indirect_dma source(%arg11 : memref<128x16xf32, #tpu.memory_space<vmem>>) target(%dma_start3A_315 : memref<100480x16xf32, #tpu.memory_space<vmem_shared>>) offsets(%dma_start3A_312 : memref<128xi32, #tpu.memory_space<vmem>>) semaphore(%arg21 : memref<!tpu.dma_semaphore, #tpu.memory_space<semaphore_mem>>) {add = true}
      %dma_wait3A_316 = arith.constant 79 : i32
      %dma_wait3A_317 = arith.constant 0 : i32
      %dma_wait3A_318 = tpu.memref_slice %arg7[%dma_wait3A_316, %dma_wait3A_317] : memref<80x128xi32, #tpu.memory_space<vmem>> -> memref<1x128xi32, #tpu.memory_space<vmem>>
      %dma_wait3A_319 = tpu.memref_squeeze %dma_wait3A_318 : memref<1x128xi32, #tpu.memory_space<vmem>> -> memref<128xi32, #tpu.memory_space<vmem>>
      %dma_wait3A_320 = arith.constant 0 : i32
      %dma_wait3A_321 = arith.constant 0 : i32
      %dma_wait3A_322 = tpu.memref_slice %arg2[%add3A_56, %dma_wait3A_320, %dma_wait3A_321] : memref<8x10000x16xf32, #tpu.memory_space<hbm>> -> memref<1x10000x16xf32, #tpu.memory_space<hbm>>
      %dma_wait3A_323 = tpu.memref_squeeze %dma_wait3A_322 : memref<1x10000x16xf32, #tpu.memory_space<hbm>> -> memref<10000x16xf32, #tpu.memory_space<hbm>>
      %dma_wait3A_324 = arith.constant 0 : i32
      %dma_wait3A_325 = arith.constant 0 : i32
      %dma_wait3A_326 = tpu.memref_slice %dma_wait3A_323[%dma_wait3A_324, %dma_wait3A_325] : memref<10000x16xf32, #tpu.memory_space<hbm>> -> memref<10000x16xf32, #tpu.memory_space<hbm>>
      tpu.wait_indirect_dma semaphore(%arg18 : memref<!tpu.dma_semaphore, #tpu.memory_space<semaphore_mem>>) src(%dma_wait3A_326 : memref<10000x16xf32, #tpu.memory_space<hbm>>) dst(%arg12 : memref<128x16xf32, #tpu.memory_space<vmem>>)
      %dma_start3A_327 = arith.constant 79 : i32
      %dma_start3A_328 = arith.constant 0 : i32
      %dma_start3A_329 = tpu.memref_slice %arg8[%dma_start3A_327, %dma_start3A_328] : memref<80x128xi32, #tpu.memory_space<vmem>> -> memref<1x128xi32, #tpu.memory_space<vmem>>
      %dma_start3A_330 = tpu.memref_squeeze %dma_start3A_329 : memref<1x128xi32, #tpu.memory_space<vmem>> -> memref<128xi32, #tpu.memory_space<vmem>>
      %dma_start3A_331 = arith.constant 0 : i32
      %dma_start3A_332 = arith.constant 0 : i32
      %dma_start3A_333 = tpu.memref_slice %arg14[%dma_start3A_331, %dma_start3A_332] : memref<100480x16xf32, #tpu.memory_space<vmem_shared>> -> memref<100480x16xf32, #tpu.memory_space<vmem_shared>>
      tpu.enqueue_indirect_dma source(%arg12 : memref<128x16xf32, #tpu.memory_space<vmem>>) target(%dma_start3A_333 : memref<100480x16xf32, #tpu.memory_space<vmem_shared>>) offsets(%dma_start3A_330 : memref<128xi32, #tpu.memory_space<vmem>>) semaphore(%arg22 : memref<!tpu.dma_semaphore, #tpu.memory_space<semaphore_mem>>) {add = true}
      %dma_wait3A_334 = arith.constant 76 : i32
      %dma_wait3A_335 = arith.constant 0 : i32
      %dma_wait3A_336 = tpu.memref_slice %arg8[%dma_wait3A_334, %dma_wait3A_335] : memref<80x128xi32, #tpu.memory_space<vmem>> -> memref<1x128xi32, #tpu.memory_space<vmem>>
      %dma_wait3A_337 = tpu.memref_squeeze %dma_wait3A_336 : memref<1x128xi32, #tpu.memory_space<vmem>> -> memref<128xi32, #tpu.memory_space<vmem>>
      %dma_wait3A_338 = arith.constant 0 : i32
      %dma_wait3A_339 = arith.constant 0 : i32
      %dma_wait3A_340 = tpu.memref_slice %arg14[%dma_wait3A_338, %dma_wait3A_339] : memref<100480x16xf32, #tpu.memory_space<vmem_shared>> -> memref<100480x16xf32, #tpu.memory_space<vmem_shared>>
      tpu.wait_indirect_dma semaphore(%arg19 : memref<!tpu.dma_semaphore, #tpu.memory_space<semaphore_mem>>) src(%arg9 : memref<128x16xf32, #tpu.memory_space<vmem>>) dst(%dma_wait3A_340 : memref<100480x16xf32, #tpu.memory_space<vmem_shared>>)
      %dma_wait3A_341 = arith.constant 77 : i32
      %dma_wait3A_342 = arith.constant 0 : i32
      %dma_wait3A_343 = tpu.memref_slice %arg8[%dma_wait3A_341, %dma_wait3A_342] : memref<80x128xi32, #tpu.memory_space<vmem>> -> memref<1x128xi32, #tpu.memory_space<vmem>>
      %dma_wait3A_344 = tpu.memref_squeeze %dma_wait3A_343 : memref<1x128xi32, #tpu.memory_space<vmem>> -> memref<128xi32, #tpu.memory_space<vmem>>
      %dma_wait3A_345 = arith.constant 0 : i32
      %dma_wait3A_346 = arith.constant 0 : i32
      %dma_wait3A_347 = tpu.memref_slice %arg14[%dma_wait3A_345, %dma_wait3A_346] : memref<100480x16xf32, #tpu.memory_space<vmem_shared>> -> memref<100480x16xf32, #tpu.memory_space<vmem_shared>>
      tpu.wait_indirect_dma semaphore(%arg20 : memref<!tpu.dma_semaphore, #tpu.memory_space<semaphore_mem>>) src(%arg10 : memref<128x16xf32, #tpu.memory_space<vmem>>) dst(%dma_wait3A_347 : memref<100480x16xf32, #tpu.memory_space<vmem_shared>>)
      %dma_wait3A_348 = arith.constant 78 : i32
      %dma_wait3A_349 = arith.constant 0 : i32
      %dma_wait3A_350 = tpu.memref_slice %arg8[%dma_wait3A_348, %dma_wait3A_349] : memref<80x128xi32, #tpu.memory_space<vmem>> -> memref<1x128xi32, #tpu.memory_space<vmem>>
      %dma_wait3A_351 = tpu.memref_squeeze %dma_wait3A_350 : memref<1x128xi32, #tpu.memory_space<vmem>> -> memref<128xi32, #tpu.memory_space<vmem>>
      %dma_wait3A_352 = arith.constant 0 : i32
      %dma_wait3A_353 = arith.constant 0 : i32
      %dma_wait3A_354 = tpu.memref_slice %arg14[%dma_wait3A_352, %dma_wait3A_353] : memref<100480x16xf32, #tpu.memory_space<vmem_shared>> -> memref<100480x16xf32, #tpu.memory_space<vmem_shared>>
      tpu.wait_indirect_dma semaphore(%arg21 : memref<!tpu.dma_semaphore, #tpu.memory_space<semaphore_mem>>) src(%arg11 : memref<128x16xf32, #tpu.memory_space<vmem>>) dst(%dma_wait3A_354 : memref<100480x16xf32, #tpu.memory_space<vmem_shared>>)
      %dma_wait3A_355 = arith.constant 79 : i32
      %dma_wait3A_356 = arith.constant 0 : i32
      %dma_wait3A_357 = tpu.memref_slice %arg8[%dma_wait3A_355, %dma_wait3A_356] : memref<80x128xi32, #tpu.memory_space<vmem>> -> memref<1x128xi32, #tpu.memory_space<vmem>>
      %dma_wait3A_358 = tpu.memref_squeeze %dma_wait3A_357 : memref<1x128xi32, #tpu.memory_space<vmem>> -> memref<128xi32, #tpu.memory_space<vmem>>
      %dma_wait3A_359 = arith.constant 0 : i32
      %dma_wait3A_360 = arith.constant 0 : i32
      %dma_wait3A_361 = tpu.memref_slice %arg14[%dma_wait3A_359, %dma_wait3A_360] : memref<100480x16xf32, #tpu.memory_space<vmem_shared>> -> memref<100480x16xf32, #tpu.memory_space<vmem_shared>>
      tpu.wait_indirect_dma semaphore(%arg22 : memref<!tpu.dma_semaphore, #tpu.memory_space<semaphore_mem>>) src(%arg12 : memref<128x16xf32, #tpu.memory_space<vmem>>) dst(%dma_wait3A_361 : memref<100480x16xf32, #tpu.memory_space<vmem_shared>>)
      %barrier3A_362 = arith.constant 0 : index
      tpu.barrier barrier_id(%barrier3A_362)
      %mul3A_363 = arith.constant 6280 : i32
      %mul3A_364 = arith.muli %arg1, %mul3A_363 : i32
      %mul3A_365 = arith.constant 6280 : i32
      %mul3A_366 = arith.muli %arg1, %mul3A_365 : i32
      %mul3A_367 = arith.constant 16 : i32
      %mul3A_368 = arith.muli %add3A_56, %mul3A_367 : i32
      %dma_start3A_369 = tpu.memref_slice %arg5[%arg0, %mul3A_366, %mul3A_368] : memref<2x100480x128xf32, #tpu.memory_space<hbm>> -> memref<1x6280x16xf32, #tpu.memory_space<hbm>>
      %dma_start3A_370 = tpu.memref_squeeze %dma_start3A_369 : memref<1x6280x16xf32, #tpu.memory_space<hbm>> -> memref<6280x16xf32, #tpu.memory_space<hbm>>
      %dma_start3A_371 = arith.constant 0 : i32
      %dma_start3A_372 = tpu.memref_slice %arg14[%mul3A_364, %dma_start3A_371] : memref<100480x16xf32, #tpu.memory_space<vmem_shared>> -> memref<6280x16xf32, #tpu.memory_space<vmem_shared>>
      tpu.enqueue_dma source(%dma_start3A_372 : memref<6280x16xf32, #tpu.memory_space<vmem_shared>>) target(%dma_start3A_370 : memref<6280x16xf32, #tpu.memory_space<hbm>>) target_semaphore(%arg24 : memref<!tpu.dma_semaphore, #tpu.memory_space<semaphore_mem>>)
    }
    %scan3A_13 = arith.constant 8 : i32
    %mul3A_14 = arith.constant 6280 : i32
    %mul3A_15 = arith.muli %arg1, %mul3A_14 : i32
    %mul3A_16 = arith.constant 6280 : i32
    %mul3A_17 = arith.muli %arg1, %mul3A_16 : i32
    %dma_wait3A = arith.constant 112 : i32
    %dma_wait3A_18 = tpu.memref_slice %arg5[%arg0, %mul3A_17, %dma_wait3A] : memref<2x100480x128xf32, #tpu.memory_space<hbm>> -> memref<1x6280x16xf32, #tpu.memory_space<hbm>>
    %dma_wait3A_19 = tpu.memref_squeeze %dma_wait3A_18 : memref<1x6280x16xf32, #tpu.memory_space<hbm>> -> memref<6280x16xf32, #tpu.memory_space<hbm>>
    %dma_wait3A_20 = arith.constant 0 : i32
    %dma_wait3A_21 = tpu.memref_slice %arg14[%mul3A_15, %dma_wait3A_20] : memref<100480x16xf32, #tpu.memory_space<vmem_shared>> -> memref<6280x16xf32, #tpu.memory_space<vmem_shared>>
    tpu.wait_dma2 semaphore(%arg24 : memref<!tpu.dma_semaphore, #tpu.memory_space<semaphore_mem>>) src(%dma_wait3A_21 : memref<6280x16xf32, #tpu.memory_space<vmem_shared>>) dst(%dma_wait3A_19 : memref<6280x16xf32, #tpu.memory_space<hbm>>)
    %scan3A_22 = arith.constant 0 : i32
    %scan3A_23 = arith.constant 128 : i32
    %scan3A_24 = arith.addi %scan3A_22, %scan3A_23 : i32
    %scan3A_25 = arith.constant 1 : i32
    scf.for %scan3A_52 = %scan3A_22 to %scan3A_24 step %scan3A_25  : i32 {
      %mul3A_53 = arith.constant 1 : i32
      %mul3A_54 = arith.muli %scan3A_52, %mul3A_53 : i32
      %add3A_55 = arith.constant 0 : i32
      %add3A_56 = arith.addi %add3A_55, %mul3A_54 : i32
      %broadcast_in_dim3A = arith.constant 1.000000e+00 : f32
      %broadcast_in_dim3A_57 = vector.broadcast %broadcast_in_dim3A : f32 to vector<16xf32>
      %swap3A = arith.index_cast %add3A_56 : i32 to index
      %swap3A_58 = arith.constant 0 : index
      %swap3A_59 = tpu.vector_load %arg9[%swap3A, %swap3A_58] {strides = array<i32>} : memref<128x16xf32, #tpu.memory_space<vmem>>, vector<1x16xf32>,
      %swap3A_60 = vector.shape_cast %swap3A_59 : vector<1x16xf32> to vector<16xf32>
      %swap3A_61 = vector.shape_cast %broadcast_in_dim3A_57 : vector<16xf32> to vector<1x16xf32>
      tpu.vector_store %arg9[%swap3A, %swap3A_58], %swap3A_61 {strides = array<i32>} : memref<128x16xf32, #tpu.memory_space<vmem>>, vector<1x16xf32>,
    }
    %scan3A_26 = arith.constant 128 : i32
    %scan3A_27 = arith.constant 0 : i32
    %scan3A_28 = arith.constant 157 : i32
    %scan3A_29 = arith.addi %scan3A_27, %scan3A_28 : i32
    %scan3A_30 = arith.constant 1 : i32
    scf.for %scan3A_52 = %scan3A_27 to %scan3A_29 step %scan3A_30  : i32 {
      %mul3A_53 = arith.constant 1 : i32
      %mul3A_54 = arith.muli %scan3A_52, %mul3A_53 : i32
      %add3A_55 = arith.constant 0 : i32
      %add3A_56 = arith.addi %add3A_55, %mul3A_54 : i32
      %mul3A_57 = arith.constant 6280 : i32
      %mul3A_58 = arith.muli %arg1, %mul3A_57 : i32
      %mul3A_59 = arith.constant 40 : i32
      %mul3A_60 = arith.muli %add3A_56, %mul3A_59 : i32
      %add3A_61 = arith.addi %mul3A_58, %mul3A_60 : i32
      %dma_start3A = arith.constant 0 : i32
      %dma_start3A_62 = tpu.memref_slice %arg14[%add3A_61, %dma_start3A] : memref<100480x16xf32, #tpu.memory_space<vmem_shared>> -> memref<40x16xf32, #tpu.memory_space<vmem_shared>>
      %dma_start3A_63 = arith.constant 0 : i32
      %dma_start3A_64 = tpu.memref_slice %arg14[%add3A_61, %dma_start3A_63] : memref<100480x16xf32, #tpu.memory_space<vmem_shared>> -> memref<40x16xf32, #tpu.memory_space<vmem_shared>>
      tpu.enqueue_dma source(%arg13 : memref<40x16xf32, #tpu.memory_space<vmem>>) target(%dma_start3A_64 : memref<40x16xf32, #tpu.memory_space<vmem_shared>>) target_semaphore(%arg23 : memref<!tpu.dma_semaphore, #tpu.memory_space<semaphore_mem>>)
    }
    %scan3A_31 = arith.constant 157 : i32
    %scan3A_32 = arith.constant 0 : i32
    %scan3A_33 = arith.constant 157 : i32
    %scan3A_34 = arith.addi %scan3A_32, %scan3A_33 : i32
    %scan3A_35 = arith.constant 1 : i32
    scf.for %scan3A_52 = %scan3A_32 to %scan3A_34 step %scan3A_35  : i32 {
      %mul3A_53 = arith.constant 1 : i32
      %mul3A_54 = arith.muli %scan3A_52, %mul3A_53 : i32
      %add3A_55 = arith.constant 0 : i32
      %add3A_56 = arith.addi %add3A_55, %mul3A_54 : i32
      %mul3A_57 = arith.constant 6280 : i32
      %mul3A_58 = arith.muli %arg1, %mul3A_57 : i32
      %mul3A_59 = arith.constant 40 : i32
      %mul3A_60 = arith.muli %add3A_56, %mul3A_59 : i32
      %add3A_61 = arith.addi %mul3A_58, %mul3A_60 : i32
      %dma_wait3A_62 = arith.constant 0 : i32
      %dma_wait3A_63 = tpu.memref_slice %arg14[%add3A_61, %dma_wait3A_62] : memref<100480x16xf32, #tpu.memory_space<vmem_shared>> -> memref<40x16xf32, #tpu.memory_space<vmem_shared>>
      %dma_wait3A_64 = arith.constant 0 : i32
      %dma_wait3A_65 = tpu.memref_slice %arg14[%add3A_61, %dma_wait3A_64] : memref<100480x16xf32, #tpu.memory_space<vmem_shared>> -> memref<40x16xf32, #tpu.memory_space<vmem_shared>>
      tpu.wait_dma2 semaphore(%arg23 : memref<!tpu.dma_semaphore, #tpu.memory_space<semaphore_mem>>) src(%arg13 : memref<40x16xf32, #tpu.memory_space<vmem>>) dst(%dma_wait3A_65 : memref<40x16xf32, #tpu.memory_space<vmem_shared>>)
    }
    %scan3A_36 = arith.constant 157 : i32
    %barrier3A = arith.constant 0 : index
    tpu.barrier barrier_id(%barrier3A)
    %scan3A_37 = arith.constant 0 : i32
    %scan3A_38 = arith.constant 80 : i32
    %scan3A_39 = arith.addi %scan3A_37, %scan3A_38 : i32
    %scan3A_40 = arith.constant 1 : i32
    scf.for %scan3A_52 = %scan3A_37 to %scan3A_39 step %scan3A_40  : i32 {
      %mul3A_53 = arith.constant 1 : i32
      %mul3A_54 = arith.muli %scan3A_52, %mul3A_53 : i32
      %add3A_55 = arith.constant 0 : i32
      %add3A_56 = arith.addi %add3A_55, %mul3A_54 : i32
      %dma_start3A = arith.constant 0 : i32
      %dma_start3A_57 = tpu.memref_slice %arg8[%add3A_56, %dma_start3A] : memref<80x128xi32, #tpu.memory_space<vmem>> -> memref<1x128xi32, #tpu.memory_space<vmem>>
      %dma_start3A_58 = tpu.memref_squeeze %dma_start3A_57 : memref<1x128xi32, #tpu.memory_space<vmem>> -> memref<128xi32, #tpu.memory_space<vmem>>
      %dma_start3A_59 = arith.constant 0 : i32
      %dma_start3A_60 = arith.constant 0 : i32
      %dma_start3A_61 = tpu.memref_slice %arg14[%dma_start3A_59, %dma_start3A_60] : memref<100480x16xf32, #tpu.memory_space<vmem_shared>> -> memref<100480x16xf32, #tpu.memory_space<vmem_shared>>
      tpu.enqueue_indirect_dma source(%arg9 : memref<128x16xf32, #tpu.memory_space<vmem>>) target(%dma_start3A_61 : memref<100480x16xf32, #tpu.memory_space<vmem_shared>>) offsets(%dma_start3A_58 : memref<128xi32, #tpu.memory_space<vmem>>) semaphore(%arg19 : memref<!tpu.dma_semaphore, #tpu.memory_space<semaphore_mem>>) {add = true}
    }
    %scan3A_41 = arith.constant 80 : i32
    %scan3A_42 = arith.constant 0 : i32
    %scan3A_43 = arith.constant 80 : i32
    %scan3A_44 = arith.addi %scan3A_42, %scan3A_43 : i32
    %scan3A_45 = arith.constant 1 : i32
    scf.for %scan3A_52 = %scan3A_42 to %scan3A_44 step %scan3A_45  : i32 {
      %mul3A_53 = arith.constant 1 : i32
      %mul3A_54 = arith.muli %scan3A_52, %mul3A_53 : i32
      %add3A_55 = arith.constant 0 : i32
      %add3A_56 = arith.addi %add3A_55, %mul3A_54 : i32
      %dma_wait3A_57 = arith.constant 0 : i32
      %dma_wait3A_58 = tpu.memref_slice %arg8[%add3A_56, %dma_wait3A_57] : memref<80x128xi32, #tpu.memory_space<vmem>> -> memref<1x128xi32, #tpu.memory_space<vmem>>
      %dma_wait3A_59 = tpu.memref_squeeze %dma_wait3A_58 : memref<1x128xi32, #tpu.memory_space<vmem>> -> memref<128xi32, #tpu.memory_space<vmem>>
      %dma_wait3A_60 = arith.constant 0 : i32
      %dma_wait3A_61 = arith.constant 0 : i32
      %dma_wait3A_62 = tpu.memref_slice %arg14[%dma_wait3A_60, %dma_wait3A_61] : memref<100480x16xf32, #tpu.memory_space<vmem_shared>> -> memref<100480x16xf32, #tpu.memory_space<vmem_shared>>
      tpu.wait_indirect_dma semaphore(%arg19 : memref<!tpu.dma_semaphore, #tpu.memory_space<semaphore_mem>>) src(%arg9 : memref<128x16xf32, #tpu.memory_space<vmem>>) dst(%dma_wait3A_62 : memref<100480x16xf32, #tpu.memory_space<vmem_shared>>)
    }
    %scan3A_46 = arith.constant 80 : i32
    %barrier3A_47 = arith.constant 0 : index
    tpu.barrier barrier_id(%barrier3A_47)
    %mul3A_48 = arith.constant 6280 : i32
    %mul3A_49 = arith.muli %arg1, %mul3A_48 : i32
    %mul3A_50 = arith.constant 6280 : i32
    %mul3A_51 = arith.muli %arg1, %mul3A_50 : i32
    "tpu.region"() ({
      %run_scoped3A = tpu.sem_alloc : memref<!tpu.dma_semaphore, #tpu.memory_space<semaphore_mem>>
      %dma_start3A = arith.constant 0 : i32
      %dma_start3A_52 = tpu.memref_slice %arg6[%arg0, %mul3A_51, %dma_start3A] : memref<2x100480x16xf32, #tpu.memory_space<hbm>> -> memref<1x6280x16xf32, #tpu.memory_space<hbm>>
      %dma_start3A_53 = tpu.memref_squeeze %dma_start3A_52 : memref<1x6280x16xf32, #tpu.memory_space<hbm>> -> memref<6280x16xf32, #tpu.memory_space<hbm>>
      %dma_start3A_54 = arith.constant 0 : i32
      %dma_start3A_55 = tpu.memref_slice %arg14[%mul3A_49, %dma_start3A_54] : memref<100480x16xf32, #tpu.memory_space<vmem_shared>> -> memref<6280x16xf32, #tpu.memory_space<vmem_shared>>
      tpu.enqueue_dma source(%dma_start3A_55 : memref<6280x16xf32, #tpu.memory_space<vmem_shared>>) target(%dma_start3A_53 : memref<6280x16xf32, #tpu.memory_space<hbm>>) target_semaphore(%run_scoped3A : memref<!tpu.dma_semaphore, #tpu.memory_space<semaphore_mem>>)
      %dma_wait3A_56 = arith.constant 0 : i32
      %dma_wait3A_57 = tpu.memref_slice %arg6[%arg0, %mul3A_51, %dma_wait3A_56] : memref<2x100480x16xf32, #tpu.memory_space<hbm>> -> memref<1x6280x16xf32, #tpu.memory_space<hbm>>
      %dma_wait3A_58 = tpu.memref_squeeze %dma_wait3A_57 : memref<1x6280x16xf32, #tpu.memory_space<hbm>> -> memref<6280x16xf32, #tpu.memory_space<hbm>>
      %dma_wait3A_59 = arith.constant 0 : i32
      %dma_wait3A_60 = tpu.memref_slice %arg14[%mul3A_49, %dma_wait3A_59] : memref<100480x16xf32, #tpu.memory_space<vmem_shared>> -> memref<6280x16xf32, #tpu.memory_space<vmem_shared>>
      tpu.wait_dma2 semaphore(%run_scoped3A : memref<!tpu.dma_semaphore, #tpu.memory_space<semaphore_mem>>) src(%dma_wait3A_60 : memref<6280x16xf32, #tpu.memory_space<vmem_shared>>) dst(%dma_wait3A_58 : memref<6280x16xf32, #tpu.memory_space<hbm>>)
      tpu.yield
    }) : () -> ()
    return
  }
}

#map = affine_map<(d0, d1) -> (0, 0, 0)>
#map1 = affine_map<(d0, d1) -> (0, 0)>
module attributes {stable_mosaic.version = 14 : i64} {
  func.func @body(%arg0: i32, %arg1: i32, %arg2: memref<8x10000x16xf32, #tpu.memory_space<hbm>>, %arg3: memref<2560x128xi32, #tpu.memory_space<hbm>>, %arg4: memref<2560x128xi32, #tpu.memory_space<hbm>>, %arg5: memref<2x100480x128xf32, #tpu.memory_space<hbm>>, %arg6: memref<80x128xi32, #tpu.memory_space<vmem>>, %arg7: memref<80x128xi32, #tpu.memory_space<vmem>>, %arg8: memref<128x16xf32, #tpu.memory_space<vmem>>, %arg9: memref<128x16xf32, #tpu.memory_space<vmem>>, %arg10: memref<128x16xf32, #tpu.memory_space<vmem>>, %arg11: memref<128x16xf32, #tpu.memory_space<vmem>>, %arg12: memref<40x16xf32, #tpu.memory_space<vmem>>, %arg13: memref<100480x16xf32, #tpu.memory_space<vmem_shared>>, %arg14: memref<!tpu.dma_semaphore, #tpu.memory_space<semaphore_mem>>, %arg15: memref<!tpu.dma_semaphore, #tpu.memory_space<semaphore_mem>>, %arg16: memref<!tpu.dma_semaphore, #tpu.memory_space<semaphore_mem>>, %arg17: memref<!tpu.dma_semaphore, #tpu.memory_space<semaphore_mem>>, %arg18: memref<!tpu.dma_semaphore, #tpu.memory_space<semaphore_mem>>, %arg19: memref<!tpu.dma_semaphore, #tpu.memory_space<semaphore_mem>>, %arg20: memref<!tpu.dma_semaphore, #tpu.memory_space<semaphore_mem>>, %arg21: memref<!tpu.dma_semaphore, #tpu.memory_space<semaphore_mem>>, %arg22: memref<!tpu.dma_semaphore, #tpu.memory_space<semaphore_mem>>, %arg23: memref<!tpu.dma_semaphore, #tpu.memory_space<semaphore_mem>>) attributes {dimension_semantics = [#tpu.dimension_semantics<core_parallel>, #tpu.dimension_semantics<subcore_parallel>], iteration_bounds = array<i64: 2, 16>, scalar_prefetch = 0 : i64, scratch_operands = 18 : i64, tpu.core_type = #tpu.core_type<sc_vector_subcore>, window_params = [{transform_indices = #map}, {transform_indices = #map1}, {transform_indices = #map1}, {transform_indices = #map}]} {
    %mul3A = arith.constant 16 : i32
    %mul3A_0 = arith.muli %arg0, %mul3A : i32
    %add3A = arith.addi %mul3A_0, %arg1 : i32
    %mul3A_1 = arith.constant 80 : i32
    %mul3A_2 = arith.muli %add3A, %mul3A_1 : i32
    "tpu.region"() ({
      %run_scoped3A = tpu.sem_alloc : memref<!tpu.dma_semaphore, #tpu.memory_space<semaphore_mem>>
      %dma_start3A = arith.constant 0 : i32
      %dma_start3A_22 = tpu.memref_slice %arg3[%mul3A_2, %dma_start3A] : memref<2560x128xi32, #tpu.memory_space<hbm>> -> memref<80x128xi32, #tpu.memory_space<hbm>>
      %dma_start3A_23 = arith.constant 0 : i32
      %dma_start3A_24 = tpu.memref_slice %arg3[%mul3A_2, %dma_start3A_23] : memref<2560x128xi32, #tpu.memory_space<hbm>> -> memref<80x128xi32, #tpu.memory_space<hbm>>
      tpu.enqueue_dma source(%dma_start3A_24 : memref<80x128xi32, #tpu.memory_space<hbm>>) target(%arg6 : memref<80x128xi32, #tpu.memory_space<vmem>>) target_semaphore(%run_scoped3A : memref<!tpu.dma_semaphore, #tpu.memory_space<semaphore_mem>>)
      %dma_wait3A_25 = arith.constant 0 : i32
      %dma_wait3A_26 = tpu.memref_slice %arg3[%mul3A_2, %dma_wait3A_25] : memref<2560x128xi32, #tpu.memory_space<hbm>> -> memref<80x128xi32, #tpu.memory_space<hbm>>
      %dma_wait3A_27 = arith.constant 0 : i32
      %dma_wait3A_28 = tpu.memref_slice %arg3[%mul3A_2, %dma_wait3A_27] : memref<2560x128xi32, #tpu.memory_space<hbm>> -> memref<80x128xi32, #tpu.memory_space<hbm>>
      tpu.wait_dma2 semaphore(%run_scoped3A : memref<!tpu.dma_semaphore, #tpu.memory_space<semaphore_mem>>) src(%dma_wait3A_28 : memref<80x128xi32, #tpu.memory_space<hbm>>) dst(%arg6 : memref<80x128xi32, #tpu.memory_space<vmem>>)
      tpu.yield
    }) : () -> ()
    %mul3A_3 = arith.constant 80 : i32
    %mul3A_4 = arith.muli %add3A, %mul3A_3 : i32
    "tpu.region"() ({
      %run_scoped3A = tpu.sem_alloc : memref<!tpu.dma_semaphore, #tpu.memory_space<semaphore_mem>>
      %dma_start3A = arith.constant 0 : i32
      %dma_start3A_22 = tpu.memref_slice %arg4[%mul3A_4, %dma_start3A] : memref<2560x128xi32, #tpu.memory_space<hbm>> -> memref<80x128xi32, #tpu.memory_space<hbm>>
      %dma_start3A_23 = arith.constant 0 : i32
      %dma_start3A_24 = tpu.memref_slice %arg4[%mul3A_4, %dma_start3A_23] : memref<2560x128xi32, #tpu.memory_space<hbm>> -> memref<80x128xi32, #tpu.memory_space<hbm>>
      tpu.enqueue_dma source(%dma_start3A_24 : memref<80x128xi32, #tpu.memory_space<hbm>>) target(%arg7 : memref<80x128xi32, #tpu.memory_space<vmem>>) target_semaphore(%run_scoped3A : memref<!tpu.dma_semaphore, #tpu.memory_space<semaphore_mem>>)
      %dma_wait3A_25 = arith.constant 0 : i32
      %dma_wait3A_26 = tpu.memref_slice %arg4[%mul3A_4, %dma_wait3A_25] : memref<2560x128xi32, #tpu.memory_space<hbm>> -> memref<80x128xi32, #tpu.memory_space<hbm>>
      %dma_wait3A_27 = arith.constant 0 : i32
      %dma_wait3A_28 = tpu.memref_slice %arg4[%mul3A_4, %dma_wait3A_27] : memref<2560x128xi32, #tpu.memory_space<hbm>> -> memref<80x128xi32, #tpu.memory_space<hbm>>
      tpu.wait_dma2 semaphore(%run_scoped3A : memref<!tpu.dma_semaphore, #tpu.memory_space<semaphore_mem>>) src(%dma_wait3A_28 : memref<80x128xi32, #tpu.memory_space<hbm>>) dst(%arg7 : memref<80x128xi32, #tpu.memory_space<vmem>>)
      tpu.yield
    }) : () -> ()
    %scan3A = arith.constant 0 : i32
    %scan3A_5 = arith.constant 40 : i32
    %scan3A_6 = arith.addi %scan3A, %scan3A_5 : i32
    %scan3A_7 = arith.constant 1 : i32
    scf.for %scan3A_22 = %scan3A to %scan3A_6 step %scan3A_7  : i32 {
      %mul3A_23 = arith.constant 1 : i32
      %mul3A_24 = arith.muli %scan3A_22, %mul3A_23 : i32
      %add3A_25 = arith.constant 0 : i32
      %add3A_26 = arith.addi %add3A_25, %mul3A_24 : i32
      %broadcast_in_dim3A = arith.constant 0.000000e+00 : f32
      %broadcast_in_dim3A_27 = vector.broadcast %broadcast_in_dim3A : f32 to vector<16xf32>
      %swap3A = arith.index_cast %add3A_26 : i32 to index
      %swap3A_28 = arith.constant 0 : index
      %swap3A_29 = tpu.vector_load %arg12[%swap3A, %swap3A_28] {strides = array<i32>} : memref<40x16xf32, #tpu.memory_space<vmem>>, vector<1x16xf32>,
      %swap3A_30 = vector.shape_cast %swap3A_29 : vector<1x16xf32> to vector<16xf32>
      %swap3A_31 = vector.shape_cast %broadcast_in_dim3A_27 : vector<16xf32> to vector<1x16xf32>
      tpu.vector_store %arg12[%swap3A, %swap3A_28], %swap3A_31 {strides = array<i32>} : memref<40x16xf32, #tpu.memory_space<vmem>>, vector<1x16xf32>,
    }
    %scan3A_8 = arith.constant 40 : i32
    %scan3A_9 = arith.constant 0 : i32
    %scan3A_10 = arith.constant 8 : i32
    %scan3A_11 = arith.addi %scan3A_9, %scan3A_10 : i32
    %scan3A_12 = arith.constant 1 : i32
    scf.for %scan3A_22 = %scan3A_9 to %scan3A_11 step %scan3A_12  : i32 {
      %mul3A_23 = arith.constant 1 : i32
      %mul3A_24 = arith.muli %scan3A_22, %mul3A_23 : i32
      %add3A_25 = arith.constant 0 : i32
      %add3A_26 = arith.addi %add3A_25, %mul3A_24 : i32
      %dma_start3A = arith.constant 0 : i32
      %dma_start3A_27 = arith.constant 0 : i32
      %dma_start3A_28 = tpu.memref_slice %arg6[%dma_start3A, %dma_start3A_27] : memref<80x128xi32, #tpu.memory_space<vmem>> -> memref<1x128xi32, #tpu.memory_space<vmem>>
      %dma_start3A_29 = tpu.memref_squeeze %dma_start3A_28 : memref<1x128xi32, #tpu.memory_space<vmem>> -> memref<128xi32, #tpu.memory_space<vmem>>
      %dma_start3A_30 = arith.constant 0 : i32
      %dma_start3A_31 = arith.constant 0 : i32
      %dma_start3A_32 = tpu.memref_slice %arg2[%add3A_26, %dma_start3A_30, %dma_start3A_31] : memref<8x10000x16xf32, #tpu.memory_space<hbm>> -> memref<1x10000x16xf32, #tpu.memory_space<hbm>>
      %dma_start3A_33 = tpu.memref_squeeze %dma_start3A_32 : memref<1x10000x16xf32, #tpu.memory_space<hbm>> -> memref<10000x16xf32, #tpu.memory_space<hbm>>
      %dma_start3A_34 = arith.constant 0 : i32
      %dma_start3A_35 = arith.constant 0 : i32
      %dma_start3A_36 = tpu.memref_slice %dma_start3A_33[%dma_start3A_34, %dma_start3A_35] : memref<10000x16xf32, #tpu.memory_space<hbm>> -> memref<10000x16xf32, #tpu.memory_space<hbm>>
      tpu.enqueue_indirect_dma source(%dma_start3A_36 : memref<10000x16xf32, #tpu.memory_space<hbm>>) target(%arg8 : memref<128x16xf32, #tpu.memory_space<vmem>>) offsets(%dma_start3A_29 : memref<128xi32, #tpu.memory_space<vmem>>) semaphore(%arg14 : memref<!tpu.dma_semaphore, #tpu.memory_space<semaphore_mem>>)
      %dma_start3A_37 = arith.constant 1 : i32
      %dma_start3A_38 = arith.constant 0 : i32
      %dma_start3A_39 = tpu.memref_slice %arg6[%dma_start3A_37, %dma_start3A_38] : memref<80x128xi32, #tpu.memory_space<vmem>> -> memref<1x128xi32, #tpu.memory_space<vmem>>
      %dma_start3A_40 = tpu.memref_squeeze %dma_start3A_39 : memref<1x128xi32, #tpu.memory_space<vmem>> -> memref<128xi32, #tpu.memory_space<vmem>>
      %dma_start3A_41 = arith.constant 0 : i32
      %dma_start3A_42 = arith.constant 0 : i32
      %dma_start3A_43 = tpu.memref_slice %arg2[%add3A_26, %dma_start3A_41, %dma_start3A_42] : memref<8x10000x16xf32, #tpu.memory_space<hbm>> -> memref<1x10000x16xf32, #tpu.memory_space<hbm>>
      %dma_start3A_44 = tpu.memref_squeeze %dma_start3A_43 : memref<1x10000x16xf32, #tpu.memory_space<hbm>> -> memref<10000x16xf32, #tpu.memory_space<hbm>>
      %dma_start3A_45 = arith.constant 0 : i32
      %dma_start3A_46 = arith.constant 0 : i32
      %dma_start3A_47 = tpu.memref_slice %dma_start3A_44[%dma_start3A_45, %dma_start3A_46] : memref<10000x16xf32, #tpu.memory_space<hbm>> -> memref<10000x16xf32, #tpu.memory_space<hbm>>
      tpu.enqueue_indirect_dma source(%dma_start3A_47 : memref<10000x16xf32, #tpu.memory_space<hbm>>) target(%arg9 : memref<128x16xf32, #tpu.memory_space<vmem>>) offsets(%dma_start3A_40 : memref<128xi32, #tpu.memory_space<vmem>>) semaphore(%arg15 : memref<!tpu.dma_semaphore, #tpu.memory_space<semaphore_mem>>)
      %dma_start3A_48 = arith.constant 2 : i32
      %dma_start3A_49 = arith.constant 0 : i32
      %dma_start3A_50 = tpu.memref_slice %arg6[%dma_start3A_48, %dma_start3A_49] : memref<80x128xi32, #tpu.memory_space<vmem>> -> memref<1x128xi32, #tpu.memory_space<vmem>>
      %dma_start3A_51 = tpu.memref_squeeze %dma_start3A_50 : memref<1x128xi32, #tpu.memory_space<vmem>> -> memref<128xi32, #tpu.memory_space<vmem>>
      %dma_start3A_52 = arith.constant 0 : i32
      %dma_start3A_53 = arith.constant 0 : i32
      %dma_start3A_54 = tpu.memref_slice %arg2[%add3A_26, %dma_start3A_52, %dma_start3A_53] : memref<8x10000x16xf32, #tpu.memory_space<hbm>> -> memref<1x10000x16xf32, #tpu.memory_space<hbm>>
      %dma_start3A_55 = tpu.memref_squeeze %dma_start3A_54 : memref<1x10000x16xf32, #tpu.memory_space<hbm>> -> memref<10000x16xf32, #tpu.memory_space<hbm>>
      %dma_start3A_56 = arith.constant 0 : i32
      %dma_start3A_57 = arith.constant 0 : i32
      %dma_start3A_58 = tpu.memref_slice %dma_start3A_55[%dma_start3A_56, %dma_start3A_57] : memref<10000x16xf32, #tpu.memory_space<hbm>> -> memref<10000x16xf32, #tpu.memory_space<hbm>>
      tpu.enqueue_indirect_dma source(%dma_start3A_58 : memref<10000x16xf32, #tpu.memory_space<hbm>>) target(%arg10 : memref<128x16xf32, #tpu.memory_space<vmem>>) offsets(%dma_start3A_51 : memref<128xi32, #tpu.memory_space<vmem>>) semaphore(%arg16 : memref<!tpu.dma_semaphore, #tpu.memory_space<semaphore_mem>>)
      %dma_start3A_59 = arith.constant 3 : i32
      %dma_start3A_60 = arith.constant 0 : i32
      %dma_start3A_61 = tpu.memref_slice %arg6[%dma_start3A_59, %dma_start3A_60] : memref<80x128xi32, #tpu.memory_space<vmem>> -> memref<1x128xi32, #tpu.memory_space<vmem>>
      %dma_start3A_62 = tpu.memref_squeeze %dma_start3A_61 : memref<1x128xi32, #tpu.memory_space<vmem>> -> memref<128xi32, #tpu.memory_space<vmem>>
      %dma_start3A_63 = arith.constant 0 : i32
      %dma_start3A_64 = arith.constant 0 : i32
      %dma_start3A_65 = tpu.memref_slice %arg2[%add3A_26, %dma_start3A_63, %dma_start3A_64] : memref<8x10000x16xf32, #tpu.memory_space<hbm>> -> memref<1x10000x16xf32, #tpu.memory_space<hbm>>
      %dma_start3A_66 = tpu.memref_squeeze %dma_start3A_65 : memref<1x10000x16xf32, #tpu.memory_space<hbm>> -> memref<10000x16xf32, #tpu.memory_space<hbm>>
      %dma_start3A_67 = arith.constant 0 : i32
      %dma_start3A_68 = arith.constant 0 : i32
      %dma_start3A_69 = tpu.memref_slice %dma_start3A_66[%dma_start3A_67, %dma_start3A_68] : memref<10000x16xf32, #tpu.memory_space<hbm>> -> memref<10000x16xf32, #tpu.memory_space<hbm>>
      tpu.enqueue_indirect_dma source(%dma_start3A_69 : memref<10000x16xf32, #tpu.memory_space<hbm>>) target(%arg11 : memref<128x16xf32, #tpu.memory_space<vmem>>) offsets(%dma_start3A_62 : memref<128xi32, #tpu.memory_space<vmem>>) semaphore(%arg17 : memref<!tpu.dma_semaphore, #tpu.memory_space<semaphore_mem>>)
      %gt3A = arith.constant 0 : i32
      %gt3A_70 = arith.cmpi sgt, %add3A_26, %gt3A : i32
      %convert_element_type3A = arith.extui %gt3A_70 : i1 to i32
      %cond3A = arith.constant 0 : i32
      %cond3A_71 = arith.cmpi ne, %convert_element_type3A, %cond3A : i32
      scf.if %cond3A_71 {
        %sub3A = arith.constant 1 : i32
        %sub3A_342 = arith.subi %add3A_26, %sub3A : i32
        %mul3A_343 = arith.constant 6280 : i32
        %mul3A_344 = arith.muli %arg1, %mul3A_343 : i32
        %mul3A_345 = arith.constant 6280 : i32
        %mul3A_346 = arith.muli %arg1, %mul3A_345 : i32
        %mul3A_347 = arith.constant 16 : i32
        %mul3A_348 = arith.muli %sub3A_342, %mul3A_347 : i32
        %dma_wait3A_349 = tpu.memref_slice %arg5[%arg0, %mul3A_346, %mul3A_348] : memref<2x100480x128xf32, #tpu.memory_space<hbm>> -> memref<1x6280x16xf32, #tpu.memory_space<hbm>>
        %dma_wait3A_350 = tpu.memref_squeeze %dma_wait3A_349 : memref<1x6280x16xf32, #tpu.memory_space<hbm>> -> memref<6280x16xf32, #tpu.memory_space<hbm>>
        %dma_wait3A_351 = arith.constant 0 : i32
        %dma_wait3A_352 = tpu.memref_slice %arg13[%mul3A_344, %dma_wait3A_351] : memref<100480x16xf32, #tpu.memory_space<vmem_shared>> -> memref<6280x16xf32, #tpu.memory_space<vmem_shared>>
        tpu.wait_dma2 semaphore(%arg23 : memref<!tpu.dma_semaphore, #tpu.memory_space<semaphore_mem>>) src(%dma_wait3A_352 : memref<6280x16xf32, #tpu.memory_space<vmem_shared>>) dst(%dma_wait3A_350 : memref<6280x16xf32, #tpu.memory_space<hbm>>)
      } else {
      }
      %scan3A_72 = arith.constant 0 : i32
      %scan3A_73 = arith.constant 157 : i32
      %scan3A_74 = arith.addi %scan3A_72, %scan3A_73 : i32
      %scan3A_75 = arith.constant 1 : i32
      scf.for %scan3A_342 = %scan3A_72 to %scan3A_74 step %scan3A_75  : i32 {
        %mul3A_343 = arith.constant 1 : i32
        %mul3A_344 = arith.muli %scan3A_342, %mul3A_343 : i32
        %add3A_345 = arith.constant 0 : i32
        %add3A_346 = arith.addi %add3A_345, %mul3A_344 : i32
        %mul3A_347 = arith.constant 6280 : i32
        %mul3A_348 = arith.muli %arg1, %mul3A_347 : i32
        %mul3A_349 = arith.constant 40 : i32
        %mul3A_350 = arith.muli %add3A_346, %mul3A_349 : i32
        %add3A_351 = arith.addi %mul3A_348, %mul3A_350 : i32
        %dma_start3A_352 = arith.constant 0 : i32
        %dma_start3A_353 = tpu.memref_slice %arg13[%add3A_351, %dma_start3A_352] : memref<100480x16xf32, #tpu.memory_space<vmem_shared>> -> memref<40x16xf32, #tpu.memory_space<vmem_shared>>
        %dma_start3A_354 = arith.constant 0 : i32
        %dma_start3A_355 = tpu.memref_slice %arg13[%add3A_351, %dma_start3A_354] : memref<100480x16xf32, #tpu.memory_space<vmem_shared>> -> memref<40x16xf32, #tpu.memory_space<vmem_shared>>
        tpu.enqueue_dma source(%arg12 : memref<40x16xf32, #tpu.memory_space<vmem>>) target(%dma_start3A_355 : memref<40x16xf32, #tpu.memory_space<vmem_shared>>) target_semaphore(%arg22 : memref<!tpu.dma_semaphore, #tpu.memory_space<semaphore_mem>>)
      }
      %scan3A_76 = arith.constant 157 : i32
      %scan3A_77 = arith.constant 0 : i32
      %scan3A_78 = arith.constant 157 : i32
      %scan3A_79 = arith.addi %scan3A_77, %scan3A_78 : i32
      %scan3A_80 = arith.constant 1 : i32
      scf.for %scan3A_342 = %scan3A_77 to %scan3A_79 step %scan3A_80  : i32 {
        %mul3A_343 = arith.constant 1 : i32
        %mul3A_344 = arith.muli %scan3A_342, %mul3A_343 : i32
        %add3A_345 = arith.constant 0 : i32
        %add3A_346 = arith.addi %add3A_345, %mul3A_344 : i32
        %mul3A_347 = arith.constant 6280 : i32
        %mul3A_348 = arith.muli %arg1, %mul3A_347 : i32
        %mul3A_349 = arith.constant 40 : i32
        %mul3A_350 = arith.muli %add3A_346, %mul3A_349 : i32
        %add3A_351 = arith.addi %mul3A_348, %mul3A_350 : i32
        %dma_wait3A_352 = arith.constant 0 : i32
        %dma_wait3A_353 = tpu.memref_slice %arg13[%add3A_351, %dma_wait3A_352] : memref<100480x16xf32, #tpu.memory_space<vmem_shared>> -> memref<40x16xf32, #tpu.memory_space<vmem_shared>>
        %dma_wait3A_354 = arith.constant 0 : i32
        %dma_wait3A_355 = tpu.memref_slice %arg13[%add3A_351, %dma_wait3A_354] : memref<100480x16xf32, #tpu.memory_space<vmem_shared>> -> memref<40x16xf32, #tpu.memory_space<vmem_shared>>
        tpu.wait_dma2 semaphore(%arg22 : memref<!tpu.dma_semaphore, #tpu.memory_space<semaphore_mem>>) src(%arg12 : memref<40x16xf32, #tpu.memory_space<vmem>>) dst(%dma_wait3A_355 : memref<40x16xf32, #tpu.memory_space<vmem_shared>>)
      }
      %scan3A_81 = arith.constant 157 : i32
      %barrier3A = arith.constant 0 : index
      tpu.barrier barrier_id(%barrier3A)
      %dma_wait3A_82 = arith.constant 0 : i32
      %dma_wait3A_83 = arith.constant 0 : i32
      %dma_wait3A_84 = tpu.memref_slice %arg6[%dma_wait3A_82, %dma_wait3A_83] : memref<80x128xi32, #tpu.memory_space<vmem>> -> memref<1x128xi32, #tpu.memory_space<vmem>>
      %dma_wait3A_85 = tpu.memref_squeeze %dma_wait3A_84 : memref<1x128xi32, #tpu.memory_space<vmem>> -> memref<128xi32, #tpu.memory_space<vmem>>
      %dma_wait3A_86 = arith.constant 0 : i32
      %dma_wait3A_87 = arith.constant 0 : i32
      %dma_wait3A_88 = tpu.memref_slice %arg2[%add3A_26, %dma_wait3A_86, %dma_wait3A_87] : memref<8x10000x16xf32, #tpu.memory_space<hbm>> -> memref<1x10000x16xf32, #tpu.memory_space<hbm>>
      %dma_wait3A_89 = tpu.memref_squeeze %dma_wait3A_88 : memref<1x10000x16xf32, #tpu.memory_space<hbm>> -> memref<10000x16xf32, #tpu.memory_space<hbm>>
      %dma_wait3A_90 = arith.constant 0 : i32
      %dma_wait3A_91 = arith.constant 0 : i32
      %dma_wait3A_92 = tpu.memref_slice %dma_wait3A_89[%dma_wait3A_90, %dma_wait3A_91] : memref<10000x16xf32, #tpu.memory_space<hbm>> -> memref<10000x16xf32, #tpu.memory_space<hbm>>
      tpu.wait_indirect_dma semaphore(%arg14 : memref<!tpu.dma_semaphore, #tpu.memory_space<semaphore_mem>>) src(%dma_wait3A_92 : memref<10000x16xf32, #tpu.memory_space<hbm>>) dst(%arg8 : memref<128x16xf32, #tpu.memory_space<vmem>>)
      %dma_start3A_93 = arith.constant 0 : i32
      %dma_start3A_94 = arith.constant 0 : i32
      %dma_start3A_95 = tpu.memref_slice %arg7[%dma_start3A_93, %dma_start3A_94] : memref<80x128xi32, #tpu.memory_space<vmem>> -> memref<1x128xi32, #tpu.memory_space<vmem>>
      %dma_start3A_96 = tpu.memref_squeeze %dma_start3A_95 : memref<1x128xi32, #tpu.memory_space<vmem>> -> memref<128xi32, #tpu.memory_space<vmem>>
      %dma_start3A_97 = arith.constant 0 : i32
      %dma_start3A_98 = arith.constant 0 : i32
      %dma_start3A_99 = tpu.memref_slice %arg13[%dma_start3A_97, %dma_start3A_98] : memref<100480x16xf32, #tpu.memory_space<vmem_shared>> -> memref<100480x16xf32, #tpu.memory_space<vmem_shared>>
      tpu.enqueue_indirect_dma source(%arg8 : memref<128x16xf32, #tpu.memory_space<vmem>>) target(%dma_start3A_99 : memref<100480x16xf32, #tpu.memory_space<vmem_shared>>) offsets(%dma_start3A_96 : memref<128xi32, #tpu.memory_space<vmem>>) semaphore(%arg18 : memref<!tpu.dma_semaphore, #tpu.memory_space<semaphore_mem>>) {add = true}
      %dma_wait3A_100 = arith.constant 1 : i32
      %dma_wait3A_101 = arith.constant 0 : i32
      %dma_wait3A_102 = tpu.memref_slice %arg6[%dma_wait3A_100, %dma_wait3A_101] : memref<80x128xi32, #tpu.memory_space<vmem>> -> memref<1x128xi32, #tpu.memory_space<vmem>>
      %dma_wait3A_103 = tpu.memref_squeeze %dma_wait3A_102 : memref<1x128xi32, #tpu.memory_space<vmem>> -> memref<128xi32, #tpu.memory_space<vmem>>
      %dma_wait3A_104 = arith.constant 0 : i32
      %dma_wait3A_105 = arith.constant 0 : i32
      %dma_wait3A_106 = tpu.memref_slice %arg2[%add3A_26, %dma_wait3A_104, %dma_wait3A_105] : memref<8x10000x16xf32, #tpu.memory_space<hbm>> -> memref<1x10000x16xf32, #tpu.memory_space<hbm>>
      %dma_wait3A_107 = tpu.memref_squeeze %dma_wait3A_106 : memref<1x10000x16xf32, #tpu.memory_space<hbm>> -> memref<10000x16xf32, #tpu.memory_space<hbm>>
      %dma_wait3A_108 = arith.constant 0 : i32
      %dma_wait3A_109 = arith.constant 0 : i32
      %dma_wait3A_110 = tpu.memref_slice %dma_wait3A_107[%dma_wait3A_108, %dma_wait3A_109] : memref<10000x16xf32, #tpu.memory_space<hbm>> -> memref<10000x16xf32, #tpu.memory_space<hbm>>
      tpu.wait_indirect_dma semaphore(%arg15 : memref<!tpu.dma_semaphore, #tpu.memory_space<semaphore_mem>>) src(%dma_wait3A_110 : memref<10000x16xf32, #tpu.memory_space<hbm>>) dst(%arg9 : memref<128x16xf32, #tpu.memory_space<vmem>>)
      %dma_start3A_111 = arith.constant 1 : i32
      %dma_start3A_112 = arith.constant 0 : i32
      %dma_start3A_113 = tpu.memref_slice %arg7[%dma_start3A_111, %dma_start3A_112] : memref<80x128xi32, #tpu.memory_space<vmem>> -> memref<1x128xi32, #tpu.memory_space<vmem>>
      %dma_start3A_114 = tpu.memref_squeeze %dma_start3A_113 : memref<1x128xi32, #tpu.memory_space<vmem>> -> memref<128xi32, #tpu.memory_space<vmem>>
      %dma_start3A_115 = arith.constant 0 : i32
      %dma_start3A_116 = arith.constant 0 : i32
      %dma_start3A_117 = tpu.memref_slice %arg13[%dma_start3A_115, %dma_start3A_116] : memref<100480x16xf32, #tpu.memory_space<vmem_shared>> -> memref<100480x16xf32, #tpu.memory_space<vmem_shared>>
      tpu.enqueue_indirect_dma source(%arg9 : memref<128x16xf32, #tpu.memory_space<vmem>>) target(%dma_start3A_117 : memref<100480x16xf32, #tpu.memory_space<vmem_shared>>) offsets(%dma_start3A_114 : memref<128xi32, #tpu.memory_space<vmem>>) semaphore(%arg19 : memref<!tpu.dma_semaphore, #tpu.memory_space<semaphore_mem>>) {add = true}
      %dma_wait3A_118 = arith.constant 2 : i32
      %dma_wait3A_119 = arith.constant 0 : i32
      %dma_wait3A_120 = tpu.memref_slice %arg6[%dma_wait3A_118, %dma_wait3A_119] : memref<80x128xi32, #tpu.memory_space<vmem>> -> memref<1x128xi32, #tpu.memory_space<vmem>>
      %dma_wait3A_121 = tpu.memref_squeeze %dma_wait3A_120 : memref<1x128xi32, #tpu.memory_space<vmem>> -> memref<128xi32, #tpu.memory_space<vmem>>
      %dma_wait3A_122 = arith.constant 0 : i32
      %dma_wait3A_123 = arith.constant 0 : i32
      %dma_wait3A_124 = tpu.memref_slice %arg2[%add3A_26, %dma_wait3A_122, %dma_wait3A_123] : memref<8x10000x16xf32, #tpu.memory_space<hbm>> -> memref<1x10000x16xf32, #tpu.memory_space<hbm>>
      %dma_wait3A_125 = tpu.memref_squeeze %dma_wait3A_124 : memref<1x10000x16xf32, #tpu.memory_space<hbm>> -> memref<10000x16xf32, #tpu.memory_space<hbm>>
      %dma_wait3A_126 = arith.constant 0 : i32
      %dma_wait3A_127 = arith.constant 0 : i32
      %dma_wait3A_128 = tpu.memref_slice %dma_wait3A_125[%dma_wait3A_126, %dma_wait3A_127] : memref<10000x16xf32, #tpu.memory_space<hbm>> -> memref<10000x16xf32, #tpu.memory_space<hbm>>
      tpu.wait_indirect_dma semaphore(%arg16 : memref<!tpu.dma_semaphore, #tpu.memory_space<semaphore_mem>>) src(%dma_wait3A_128 : memref<10000x16xf32, #tpu.memory_space<hbm>>) dst(%arg10 : memref<128x16xf32, #tpu.memory_space<vmem>>)
      %dma_start3A_129 = arith.constant 2 : i32
      %dma_start3A_130 = arith.constant 0 : i32
      %dma_start3A_131 = tpu.memref_slice %arg7[%dma_start3A_129, %dma_start3A_130] : memref<80x128xi32, #tpu.memory_space<vmem>> -> memref<1x128xi32, #tpu.memory_space<vmem>>
      %dma_start3A_132 = tpu.memref_squeeze %dma_start3A_131 : memref<1x128xi32, #tpu.memory_space<vmem>> -> memref<128xi32, #tpu.memory_space<vmem>>
      %dma_start3A_133 = arith.constant 0 : i32
      %dma_start3A_134 = arith.constant 0 : i32
      %dma_start3A_135 = tpu.memref_slice %arg13[%dma_start3A_133, %dma_start3A_134] : memref<100480x16xf32, #tpu.memory_space<vmem_shared>> -> memref<100480x16xf32, #tpu.memory_space<vmem_shared>>
      tpu.enqueue_indirect_dma source(%arg10 : memref<128x16xf32, #tpu.memory_space<vmem>>) target(%dma_start3A_135 : memref<100480x16xf32, #tpu.memory_space<vmem_shared>>) offsets(%dma_start3A_132 : memref<128xi32, #tpu.memory_space<vmem>>) semaphore(%arg20 : memref<!tpu.dma_semaphore, #tpu.memory_space<semaphore_mem>>) {add = true}
      %dma_wait3A_136 = arith.constant 0 : i32
      %dma_wait3A_137 = arith.constant 0 : i32
      %dma_wait3A_138 = tpu.memref_slice %arg7[%dma_wait3A_136, %dma_wait3A_137] : memref<80x128xi32, #tpu.memory_space<vmem>> -> memref<1x128xi32, #tpu.memory_space<vmem>>
      %dma_wait3A_139 = tpu.memref_squeeze %dma_wait3A_138 : memref<1x128xi32, #tpu.memory_space<vmem>> -> memref<128xi32, #tpu.memory_space<vmem>>
      %dma_wait3A_140 = arith.constant 0 : i32
      %dma_wait3A_141 = arith.constant 0 : i32
      %dma_wait3A_142 = tpu.memref_slice %arg13[%dma_wait3A_140, %dma_wait3A_141] : memref<100480x16xf32, #tpu.memory_space<vmem_shared>> -> memref<100480x16xf32, #tpu.memory_space<vmem_shared>>
      tpu.wait_indirect_dma semaphore(%arg18 : memref<!tpu.dma_semaphore, #tpu.memory_space<semaphore_mem>>) src(%arg8 : memref<128x16xf32, #tpu.memory_space<vmem>>) dst(%dma_wait3A_142 : memref<100480x16xf32, #tpu.memory_space<vmem_shared>>)
      %dma_start3A_143 = arith.constant 4 : i32
      %dma_start3A_144 = arith.constant 0 : i32
      %dma_start3A_145 = tpu.memref_slice %arg6[%dma_start3A_143, %dma_start3A_144] : memref<80x128xi32, #tpu.memory_space<vmem>> -> memref<1x128xi32, #tpu.memory_space<vmem>>
      %dma_start3A_146 = tpu.memref_squeeze %dma_start3A_145 : memref<1x128xi32, #tpu.memory_space<vmem>> -> memref<128xi32, #tpu.memory_space<vmem>>
      %dma_start3A_147 = arith.constant 0 : i32
      %dma_start3A_148 = arith.constant 0 : i32
      %dma_start3A_149 = tpu.memref_slice %arg2[%add3A_26, %dma_start3A_147, %dma_start3A_148] : memref<8x10000x16xf32, #tpu.memory_space<hbm>> -> memref<1x10000x16xf32, #tpu.memory_space<hbm>>
      %dma_start3A_150 = tpu.memref_squeeze %dma_start3A_149 : memref<1x10000x16xf32, #tpu.memory_space<hbm>> -> memref<10000x16xf32, #tpu.memory_space<hbm>>
      %dma_start3A_151 = arith.constant 0 : i32
      %dma_start3A_152 = arith.constant 0 : i32
      %dma_start3A_153 = tpu.memref_slice %dma_start3A_150[%dma_start3A_151, %dma_start3A_152] : memref<10000x16xf32, #tpu.memory_space<hbm>> -> memref<10000x16xf32, #tpu.memory_space<hbm>>
      tpu.enqueue_indirect_dma source(%dma_start3A_153 : memref<10000x16xf32, #tpu.memory_space<hbm>>) target(%arg8 : memref<128x16xf32, #tpu.memory_space<vmem>>) offsets(%dma_start3A_146 : memref<128xi32, #tpu.memory_space<vmem>>) semaphore(%arg14 : memref<!tpu.dma_semaphore, #tpu.memory_space<semaphore_mem>>)
      %dma_wait3A_154 = arith.constant 3 : i32
      %dma_wait3A_155 = arith.constant 0 : i32
      %dma_wait3A_156 = tpu.memref_slice %arg6[%dma_wait3A_154, %dma_wait3A_155] : memref<80x128xi32, #tpu.memory_space<vmem>> -> memref<1x128xi32, #tpu.memory_space<vmem>>
      %dma_wait3A_157 = tpu.memref_squeeze %dma_wait3A_156 : memref<1x128xi32, #tpu.memory_space<vmem>> -> memref<128xi32, #tpu.memory_space<vmem>>
      %dma_wait3A_158 = arith.constant 0 : i32
      %dma_wait3A_159 = arith.constant 0 : i32
      %dma_wait3A_160 = tpu.memref_slice %arg2[%add3A_26, %dma_wait3A_158, %dma_wait3A_159] : memref<8x10000x16xf32, #tpu.memory_space<hbm>> -> memref<1x10000x16xf32, #tpu.memory_space<hbm>>
      %dma_wait3A_161 = tpu.memref_squeeze %dma_wait3A_160 : memref<1x10000x16xf32, #tpu.memory_space<hbm>> -> memref<10000x16xf32, #tpu.memory_space<hbm>>
      %dma_wait3A_162 = arith.constant 0 : i32
      %dma_wait3A_163 = arith.constant 0 : i32
      %dma_wait3A_164 = tpu.memref_slice %dma_wait3A_161[%dma_wait3A_162, %dma_wait3A_163] : memref<10000x16xf32, #tpu.memory_space<hbm>> -> memref<10000x16xf32, #tpu.memory_space<hbm>>
      tpu.wait_indirect_dma semaphore(%arg17 : memref<!tpu.dma_semaphore, #tpu.memory_space<semaphore_mem>>) src(%dma_wait3A_164 : memref<10000x16xf32, #tpu.memory_space<hbm>>) dst(%arg11 : memref<128x16xf32, #tpu.memory_space<vmem>>)
      %dma_start3A_165 = arith.constant 3 : i32
      %dma_start3A_166 = arith.constant 0 : i32
      %dma_start3A_167 = tpu.memref_slice %arg7[%dma_start3A_165, %dma_start3A_166] : memref<80x128xi32, #tpu.memory_space<vmem>> -> memref<1x128xi32, #tpu.memory_space<vmem>>
      %dma_start3A_168 = tpu.memref_squeeze %dma_start3A_167 : memref<1x128xi32, #tpu.memory_space<vmem>> -> memref<128xi32, #tpu.memory_space<vmem>>
      %dma_start3A_169 = arith.constant 0 : i32
      %dma_start3A_170 = arith.constant 0 : i32
      %dma_start3A_171 = tpu.memref_slice %arg13[%dma_start3A_169, %dma_start3A_170] : memref<100480x16xf32, #tpu.memory_space<vmem_shared>> -> memref<100480x16xf32, #tpu.memory_space<vmem_shared>>
      tpu.enqueue_indirect_dma source(%arg11 : memref<128x16xf32, #tpu.memory_space<vmem>>) target(%dma_start3A_171 : memref<100480x16xf32, #tpu.memory_space<vmem_shared>>) offsets(%dma_start3A_168 : memref<128xi32, #tpu.memory_space<vmem>>) semaphore(%arg21 : memref<!tpu.dma_semaphore, #tpu.memory_space<semaphore_mem>>) {add = true}
      %dma_wait3A_172 = arith.constant 1 : i32
      %dma_wait3A_173 = arith.constant 0 : i32
      %dma_wait3A_174 = tpu.memref_slice %arg7[%dma_wait3A_172, %dma_wait3A_173] : memref<80x128xi32, #tpu.memory_space<vmem>> -> memref<1x128xi32, #tpu.memory_space<vmem>>
      %dma_wait3A_175 = tpu.memref_squeeze %dma_wait3A_174 : memref<1x128xi32, #tpu.memory_space<vmem>> -> memref<128xi32, #tpu.memory_space<vmem>>
      %dma_wait3A_176 = arith.constant 0 : i32
      %dma_wait3A_177 = arith.constant 0 : i32
      %dma_wait3A_178 = tpu.memref_slice %arg13[%dma_wait3A_176, %dma_wait3A_177] : memref<100480x16xf32, #tpu.memory_space<vmem_shared>> -> memref<100480x16xf32, #tpu.memory_space<vmem_shared>>
      tpu.wait_indirect_dma semaphore(%arg19 : memref<!tpu.dma_semaphore, #tpu.memory_space<semaphore_mem>>) src(%arg9 : memref<128x16xf32, #tpu.memory_space<vmem>>) dst(%dma_wait3A_178 : memref<100480x16xf32, #tpu.memory_space<vmem_shared>>)
      %dma_start3A_179 = arith.constant 5 : i32
      %dma_start3A_180 = arith.constant 0 : i32
      %dma_start3A_181 = tpu.memref_slice %arg6[%dma_start3A_179, %dma_start3A_180] : memref<80x128xi32, #tpu.memory_space<vmem>> -> memref<1x128xi32, #tpu.memory_space<vmem>>
      %dma_start3A_182 = tpu.memref_squeeze %dma_start3A_181 : memref<1x128xi32, #tpu.memory_space<vmem>> -> memref<128xi32, #tpu.memory_space<vmem>>
      %dma_start3A_183 = arith.constant 0 : i32
      %dma_start3A_184 = arith.constant 0 : i32
      %dma_start3A_185 = tpu.memref_slice %arg2[%add3A_26, %dma_start3A_183, %dma_start3A_184] : memref<8x10000x16xf32, #tpu.memory_space<hbm>> -> memref<1x10000x16xf32, #tpu.memory_space<hbm>>
      %dma_start3A_186 = tpu.memref_squeeze %dma_start3A_185 : memref<1x10000x16xf32, #tpu.memory_space<hbm>> -> memref<10000x16xf32, #tpu.memory_space<hbm>>
      %dma_start3A_187 = arith.constant 0 : i32
      %dma_start3A_188 = arith.constant 0 : i32
      %dma_start3A_189 = tpu.memref_slice %dma_start3A_186[%dma_start3A_187, %dma_start3A_188] : memref<10000x16xf32, #tpu.memory_space<hbm>> -> memref<10000x16xf32, #tpu.memory_space<hbm>>
      tpu.enqueue_indirect_dma source(%dma_start3A_189 : memref<10000x16xf32, #tpu.memory_space<hbm>>) target(%arg9 : memref<128x16xf32, #tpu.memory_space<vmem>>) offsets(%dma_start3A_182 : memref<128xi32, #tpu.memory_space<vmem>>) semaphore(%arg15 : memref<!tpu.dma_semaphore, #tpu.memory_space<semaphore_mem>>)
      %scan3A_190 = arith.constant 0 : i32
      %scan3A_191 = arith.constant 18 : i32
      %scan3A_192 = arith.addi %scan3A_190, %scan3A_191 : i32
      %scan3A_193 = arith.constant 1 : i32
      scf.for %scan3A_342 = %scan3A_190 to %scan3A_192 step %scan3A_193  : i32 {
        %mul3A_343 = arith.constant 4 : i32
        %mul3A_344 = arith.muli %scan3A_342, %mul3A_343 : i32
        %add3A_345 = arith.constant 4 : i32
        %add3A_346 = arith.addi %add3A_345, %mul3A_344 : i32
        %add3A_347 = arith.constant 0 : i32
        %add3A_348 = arith.addi %add3A_346, %add3A_347 : i32
        %dma_wait3A_349 = arith.constant 0 : i32
        %dma_wait3A_350 = tpu.memref_slice %arg6[%add3A_348, %dma_wait3A_349] : memref<80x128xi32, #tpu.memory_space<vmem>> -> memref<1x128xi32, #tpu.memory_space<vmem>>
        %dma_wait3A_351 = tpu.memref_squeeze %dma_wait3A_350 : memref<1x128xi32, #tpu.memory_space<vmem>> -> memref<128xi32, #tpu.memory_space<vmem>>
        %dma_wait3A_352 = arith.constant 0 : i32
        %dma_wait3A_353 = arith.constant 0 : i32
        %dma_wait3A_354 = tpu.memref_slice %arg2[%add3A_26, %dma_wait3A_352, %dma_wait3A_353] : memref<8x10000x16xf32, #tpu.memory_space<hbm>> -> memref<1x10000x16xf32, #tpu.memory_space<hbm>>
        %dma_wait3A_355 = tpu.memref_squeeze %dma_wait3A_354 : memref<1x10000x16xf32, #tpu.memory_space<hbm>> -> memref<10000x16xf32, #tpu.memory_space<hbm>>
        %dma_wait3A_356 = arith.constant 0 : i32
        %dma_wait3A_357 = arith.constant 0 : i32
        %dma_wait3A_358 = tpu.memref_slice %dma_wait3A_355[%dma_wait3A_356, %dma_wait3A_357] : memref<10000x16xf32, #tpu.memory_space<hbm>> -> memref<10000x16xf32, #tpu.memory_space<hbm>>
        tpu.wait_indirect_dma semaphore(%arg14 : memref<!tpu.dma_semaphore, #tpu.memory_space<semaphore_mem>>) src(%dma_wait3A_358 : memref<10000x16xf32, #tpu.memory_space<hbm>>) dst(%arg8 : memref<128x16xf32, #tpu.memory_space<vmem>>)
        %dma_start3A_359 = arith.constant 0 : i32
        %dma_start3A_360 = tpu.memref_slice %arg7[%add3A_348, %dma_start3A_359] : memref<80x128xi32, #tpu.memory_space<vmem>> -> memref<1x128xi32, #tpu.memory_space<vmem>>
        %dma_start3A_361 = tpu.memref_squeeze %dma_start3A_360 : memref<1x128xi32, #tpu.memory_space<vmem>> -> memref<128xi32, #tpu.memory_space<vmem>>
        %dma_start3A_362 = arith.constant 0 : i32
        %dma_start3A_363 = arith.constant 0 : i32
        %dma_start3A_364 = tpu.memref_slice %arg13[%dma_start3A_362, %dma_start3A_363] : memref<100480x16xf32, #tpu.memory_space<vmem_shared>> -> memref<100480x16xf32, #tpu.memory_space<vmem_shared>>
        tpu.enqueue_indirect_dma source(%arg8 : memref<128x16xf32, #tpu.memory_space<vmem>>) target(%dma_start3A_364 : memref<100480x16xf32, #tpu.memory_space<vmem_shared>>) offsets(%dma_start3A_361 : memref<128xi32, #tpu.memory_space<vmem>>) semaphore(%arg18 : memref<!tpu.dma_semaphore, #tpu.memory_space<semaphore_mem>>) {add = true}
        %sub3A = arith.constant 2 : i32
        %sub3A_365 = arith.subi %add3A_348, %sub3A : i32
        %dma_wait3A_366 = arith.constant 0 : i32
        %dma_wait3A_367 = tpu.memref_slice %arg7[%sub3A_365, %dma_wait3A_366] : memref<80x128xi32, #tpu.memory_space<vmem>> -> memref<1x128xi32, #tpu.memory_space<vmem>>
        %dma_wait3A_368 = tpu.memref_squeeze %dma_wait3A_367 : memref<1x128xi32, #tpu.memory_space<vmem>> -> memref<128xi32, #tpu.memory_space<vmem>>
        %dma_wait3A_369 = arith.constant 0 : i32
        %dma_wait3A_370 = arith.constant 0 : i32
        %dma_wait3A_371 = tpu.memref_slice %arg13[%dma_wait3A_369, %dma_wait3A_370] : memref<100480x16xf32, #tpu.memory_space<vmem_shared>> -> memref<100480x16xf32, #tpu.memory_space<vmem_shared>>
        tpu.wait_indirect_dma semaphore(%arg20 : memref<!tpu.dma_semaphore, #tpu.memory_space<semaphore_mem>>) src(%arg10 : memref<128x16xf32, #tpu.memory_space<vmem>>) dst(%dma_wait3A_371 : memref<100480x16xf32, #tpu.memory_space<vmem_shared>>)
        %add3A_372 = arith.constant 2 : i32
        %add3A_373 = arith.addi %add3A_348, %add3A_372 : i32
        %dma_start3A_374 = arith.constant 0 : i32
        %dma_start3A_375 = tpu.memref_slice %arg6[%add3A_373, %dma_start3A_374] : memref<80x128xi32, #tpu.memory_space<vmem>> -> memref<1x128xi32, #tpu.memory_space<vmem>>
        %dma_start3A_376 = tpu.memref_squeeze %dma_start3A_375 : memref<1x128xi32, #tpu.memory_space<vmem>> -> memref<128xi32, #tpu.memory_space<vmem>>
        %dma_start3A_377 = arith.constant 0 : i32
        %dma_start3A_378 = arith.constant 0 : i32
        %dma_start3A_379 = tpu.memref_slice %arg2[%add3A_26, %dma_start3A_377, %dma_start3A_378] : memref<8x10000x16xf32, #tpu.memory_space<hbm>> -> memref<1x10000x16xf32, #tpu.memory_space<hbm>>
        %dma_start3A_380 = tpu.memref_squeeze %dma_start3A_379 : memref<1x10000x16xf32, #tpu.memory_space<hbm>> -> memref<10000x16xf32, #tpu.memory_space<hbm>>
        %dma_start3A_381 = arith.constant 0 : i32
        %dma_start3A_382 = arith.constant 0 : i32
        %dma_start3A_383 = tpu.memref_slice %dma_start3A_380[%dma_start3A_381, %dma_start3A_382] : memref<10000x16xf32, #tpu.memory_space<hbm>> -> memref<10000x16xf32, #tpu.memory_space<hbm>>
        tpu.enqueue_indirect_dma source(%dma_start3A_383 : memref<10000x16xf32, #tpu.memory_space<hbm>>) target(%arg10 : memref<128x16xf32, #tpu.memory_space<vmem>>) offsets(%dma_start3A_376 : memref<128xi32, #tpu.memory_space<vmem>>) semaphore(%arg16 : memref<!tpu.dma_semaphore, #tpu.memory_space<semaphore_mem>>)
        %add3A_384 = arith.constant 1 : i32
        %add3A_385 = arith.addi %add3A_346, %add3A_384 : i32
        %dma_wait3A_386 = arith.constant 0 : i32
        %dma_wait3A_387 = tpu.memref_slice %arg6[%add3A_385, %dma_wait3A_386] : memref<80x128xi32, #tpu.memory_space<vmem>> -> memref<1x128xi32, #tpu.memory_space<vmem>>
        %dma_wait3A_388 = tpu.memref_squeeze %dma_wait3A_387 : memref<1x128xi32, #tpu.memory_space<vmem>> -> memref<128xi32, #tpu.memory_space<vmem>>
        %dma_wait3A_389 = arith.constant 0 : i32
        %dma_wait3A_390 = arith.constant 0 : i32
        %dma_wait3A_391 = tpu.memref_slice %arg2[%add3A_26, %dma_wait3A_389, %dma_wait3A_390] : memref<8x10000x16xf32, #tpu.memory_space<hbm>> -> memref<1x10000x16xf32, #tpu.memory_space<hbm>>
        %dma_wait3A_392 = tpu.memref_squeeze %dma_wait3A_391 : memref<1x10000x16xf32, #tpu.memory_space<hbm>> -> memref<10000x16xf32, #tpu.memory_space<hbm>>
        %dma_wait3A_393 = arith.constant 0 : i32
        %dma_wait3A_394 = arith.constant 0 : i32
        %dma_wait3A_395 = tpu.memref_slice %dma_wait3A_392[%dma_wait3A_393, %dma_wait3A_394] : memref<10000x16xf32, #tpu.memory_space<hbm>> -> memref<10000x16xf32, #tpu.memory_space<hbm>>
        tpu.wait_indirect_dma semaphore(%arg15 : memref<!tpu.dma_semaphore, #tpu.memory_space<semaphore_mem>>) src(%dma_wait3A_395 : memref<10000x16xf32, #tpu.memory_space<hbm>>) dst(%arg9 : memref<128x16xf32, #tpu.memory_space<vmem>>)
        %dma_start3A_396 = arith.constant 0 : i32
        %dma_start3A_397 = tpu.memref_slice %arg7[%add3A_385, %dma_start3A_396] : memref<80x128xi32, #tpu.memory_space<vmem>> -> memref<1x128xi32, #tpu.memory_space<vmem>>
        %dma_start3A_398 = tpu.memref_squeeze %dma_start3A_397 : memref<1x128xi32, #tpu.memory_space<vmem>> -> memref<128xi32, #tpu.memory_space<vmem>>
        %dma_start3A_399 = arith.constant 0 : i32
        %dma_start3A_400 = arith.constant 0 : i32
        %dma_start3A_401 = tpu.memref_slice %arg13[%dma_start3A_399, %dma_start3A_400] : memref<100480x16xf32, #tpu.memory_space<vmem_shared>> -> memref<100480x16xf32, #tpu.memory_space<vmem_shared>>
        tpu.enqueue_indirect_dma source(%arg9 : memref<128x16xf32, #tpu.memory_space<vmem>>) target(%dma_start3A_401 : memref<100480x16xf32, #tpu.memory_space<vmem_shared>>) offsets(%dma_start3A_398 : memref<128xi32, #tpu.memory_space<vmem>>) semaphore(%arg19 : memref<!tpu.dma_semaphore, #tpu.memory_space<semaphore_mem>>) {add = true}
        %sub3A_402 = arith.constant 2 : i32
        %sub3A_403 = arith.subi %add3A_385, %sub3A_402 : i32
        %dma_wait3A_404 = arith.constant 0 : i32
        %dma_wait3A_405 = tpu.memref_slice %arg7[%sub3A_403, %dma_wait3A_404] : memref<80x128xi32, #tpu.memory_space<vmem>> -> memref<1x128xi32, #tpu.memory_space<vmem>>
        %dma_wait3A_406 = tpu.memref_squeeze %dma_wait3A_405 : memref<1x128xi32, #tpu.memory_space<vmem>> -> memref<128xi32, #tpu.memory_space<vmem>>
        %dma_wait3A_407 = arith.constant 0 : i32
        %dma_wait3A_408 = arith.constant 0 : i32
        %dma_wait3A_409 = tpu.memref_slice %arg13[%dma_wait3A_407, %dma_wait3A_408] : memref<100480x16xf32, #tpu.memory_space<vmem_shared>> -> memref<100480x16xf32, #tpu.memory_space<vmem_shared>>
        tpu.wait_indirect_dma semaphore(%arg21 : memref<!tpu.dma_semaphore, #tpu.memory_space<semaphore_mem>>) src(%arg11 : memref<128x16xf32, #tpu.memory_space<vmem>>) dst(%dma_wait3A_409 : memref<100480x16xf32, #tpu.memory_space<vmem_shared>>)
        %add3A_410 = arith.constant 2 : i32
        %add3A_411 = arith.addi %add3A_385, %add3A_410 : i32
        %dma_start3A_412 = arith.constant 0 : i32
        %dma_start3A_413 = tpu.memref_slice %arg6[%add3A_411, %dma_start3A_412] : memref<80x128xi32, #tpu.memory_space<vmem>> -> memref<1x128xi32, #tpu.memory_space<vmem>>
        %dma_start3A_414 = tpu.memref_squeeze %dma_start3A_413 : memref<1x128xi32, #tpu.memory_space<vmem>> -> memref<128xi32, #tpu.memory_space<vmem>>
        %dma_start3A_415 = arith.constant 0 : i32
        %dma_start3A_416 = arith.constant 0 : i32
        %dma_start3A_417 = tpu.memref_slice %arg2[%add3A_26, %dma_start3A_415, %dma_start3A_416] : memref<8x10000x16xf32, #tpu.memory_space<hbm>> -> memref<1x10000x16xf32, #tpu.memory_space<hbm>>
        %dma_start3A_418 = tpu.memref_squeeze %dma_start3A_417 : memref<1x10000x16xf32, #tpu.memory_space<hbm>> -> memref<10000x16xf32, #tpu.memory_space<hbm>>
        %dma_start3A_419 = arith.constant 0 : i32
        %dma_start3A_420 = arith.constant 0 : i32
        %dma_start3A_421 = tpu.memref_slice %dma_start3A_418[%dma_start3A_419, %dma_start3A_420] : memref<10000x16xf32, #tpu.memory_space<hbm>> -> memref<10000x16xf32, #tpu.memory_space<hbm>>
        tpu.enqueue_indirect_dma source(%dma_start3A_421 : memref<10000x16xf32, #tpu.memory_space<hbm>>) target(%arg11 : memref<128x16xf32, #tpu.memory_space<vmem>>) offsets(%dma_start3A_414 : memref<128xi32, #tpu.memory_space<vmem>>) semaphore(%arg17 : memref<!tpu.dma_semaphore, #tpu.memory_space<semaphore_mem>>)
        %add3A_422 = arith.constant 2 : i32
        %add3A_423 = arith.addi %add3A_346, %add3A_422 : i32
        %dma_wait3A_424 = arith.constant 0 : i32
        %dma_wait3A_425 = tpu.memref_slice %arg6[%add3A_423, %dma_wait3A_424] : memref<80x128xi32, #tpu.memory_space<vmem>> -> memref<1x128xi32, #tpu.memory_space<vmem>>
        %dma_wait3A_426 = tpu.memref_squeeze %dma_wait3A_425 : memref<1x128xi32, #tpu.memory_space<vmem>> -> memref<128xi32, #tpu.memory_space<vmem>>
        %dma_wait3A_427 = arith.constant 0 : i32
        %dma_wait3A_428 = arith.constant 0 : i32
        %dma_wait3A_429 = tpu.memref_slice %arg2[%add3A_26, %dma_wait3A_427, %dma_wait3A_428] : memref<8x10000x16xf32, #tpu.memory_space<hbm>> -> memref<1x10000x16xf32, #tpu.memory_space<hbm>>
        %dma_wait3A_430 = tpu.memref_squeeze %dma_wait3A_429 : memref<1x10000x16xf32, #tpu.memory_space<hbm>> -> memref<10000x16xf32, #tpu.memory_space<hbm>>
        %dma_wait3A_431 = arith.constant 0 : i32
        %dma_wait3A_432 = arith.constant 0 : i32
        %dma_wait3A_433 = tpu.memref_slice %dma_wait3A_430[%dma_wait3A_431, %dma_wait3A_432] : memref<10000x16xf32, #tpu.memory_space<hbm>> -> memref<10000x16xf32, #tpu.memory_space<hbm>>
        tpu.wait_indirect_dma semaphore(%arg16 : memref<!tpu.dma_semaphore, #tpu.memory_space<semaphore_mem>>) src(%dma_wait3A_433 : memref<10000x16xf32, #tpu.memory_space<hbm>>) dst(%arg10 : memref<128x16xf32, #tpu.memory_space<vmem>>)
        %dma_start3A_434 = arith.constant 0 : i32
        %dma_start3A_435 = tpu.memref_slice %arg7[%add3A_423, %dma_start3A_434] : memref<80x128xi32, #tpu.memory_space<vmem>> -> memref<1x128xi32, #tpu.memory_space<vmem>>
        %dma_start3A_436 = tpu.memref_squeeze %dma_start3A_435 : memref<1x128xi32, #tpu.memory_space<vmem>> -> memref<128xi32, #tpu.memory_space<vmem>>
        %dma_start3A_437 = arith.constant 0 : i32
        %dma_start3A_438 = arith.constant 0 : i32
        %dma_start3A_439 = tpu.memref_slice %arg13[%dma_start3A_437, %dma_start3A_438] : memref<100480x16xf32, #tpu.memory_space<vmem_shared>> -> memref<100480x16xf32, #tpu.memory_space<vmem_shared>>
        tpu.enqueue_indirect_dma source(%arg10 : memref<128x16xf32, #tpu.memory_space<vmem>>) target(%dma_start3A_439 : memref<100480x16xf32, #tpu.memory_space<vmem_shared>>) offsets(%dma_start3A_436 : memref<128xi32, #tpu.memory_space<vmem>>) semaphore(%arg20 : memref<!tpu.dma_semaphore, #tpu.memory_space<semaphore_mem>>) {add = true}
        %sub3A_440 = arith.constant 2 : i32
        %sub3A_441 = arith.subi %add3A_423, %sub3A_440 : i32
        %dma_wait3A_442 = arith.constant 0 : i32
        %dma_wait3A_443 = tpu.memref_slice %arg7[%sub3A_441, %dma_wait3A_442] : memref<80x128xi32, #tpu.memory_space<vmem>> -> memref<1x128xi32, #tpu.memory_space<vmem>>
        %dma_wait3A_444 = tpu.memref_squeeze %dma_wait3A_443 : memref<1x128xi32, #tpu.memory_space<vmem>> -> memref<128xi32, #tpu.memory_space<vmem>>
        %dma_wait3A_445 = arith.constant 0 : i32
        %dma_wait3A_446 = arith.constant 0 : i32
        %dma_wait3A_447 = tpu.memref_slice %arg13[%dma_wait3A_445, %dma_wait3A_446] : memref<100480x16xf32, #tpu.memory_space<vmem_shared>> -> memref<100480x16xf32, #tpu.memory_space<vmem_shared>>
        tpu.wait_indirect_dma semaphore(%arg18 : memref<!tpu.dma_semaphore, #tpu.memory_space<semaphore_mem>>) src(%arg8 : memref<128x16xf32, #tpu.memory_space<vmem>>) dst(%dma_wait3A_447 : memref<100480x16xf32, #tpu.memory_space<vmem_shared>>)
        %add3A_448 = arith.constant 2 : i32
        %add3A_449 = arith.addi %add3A_423, %add3A_448 : i32
        %dma_start3A_450 = arith.constant 0 : i32
        %dma_start3A_451 = tpu.memref_slice %arg6[%add3A_449, %dma_start3A_450] : memref<80x128xi32, #tpu.memory_space<vmem>> -> memref<1x128xi32, #tpu.memory_space<vmem>>
        %dma_start3A_452 = tpu.memref_squeeze %dma_start3A_451 : memref<1x128xi32, #tpu.memory_space<vmem>> -> memref<128xi32, #tpu.memory_space<vmem>>
        %dma_start3A_453 = arith.constant 0 : i32
        %dma_start3A_454 = arith.constant 0 : i32
        %dma_start3A_455 = tpu.memref_slice %arg2[%add3A_26, %dma_start3A_453, %dma_start3A_454] : memref<8x10000x16xf32, #tpu.memory_space<hbm>> -> memref<1x10000x16xf32, #tpu.memory_space<hbm>>
        %dma_start3A_456 = tpu.memref_squeeze %dma_start3A_455 : memref<1x10000x16xf32, #tpu.memory_space<hbm>> -> memref<10000x16xf32, #tpu.memory_space<hbm>>
        %dma_start3A_457 = arith.constant 0 : i32
        %dma_start3A_458 = arith.constant 0 : i32
        %dma_start3A_459 = tpu.memref_slice %dma_start3A_456[%dma_start3A_457, %dma_start3A_458] : memref<10000x16xf32, #tpu.memory_space<hbm>> -> memref<10000x16xf32, #tpu.memory_space<hbm>>
        tpu.enqueue_indirect_dma source(%dma_start3A_459 : memref<10000x16xf32, #tpu.memory_space<hbm>>) target(%arg8 : memref<128x16xf32, #tpu.memory_space<vmem>>) offsets(%dma_start3A_452 : memref<128xi32, #tpu.memory_space<vmem>>) semaphore(%arg14 : memref<!tpu.dma_semaphore, #tpu.memory_space<semaphore_mem>>)
        %add3A_460 = arith.constant 3 : i32
        %add3A_461 = arith.addi %add3A_346, %add3A_460 : i32
        %dma_wait3A_462 = arith.constant 0 : i32
        %dma_wait3A_463 = tpu.memref_slice %arg6[%add3A_461, %dma_wait3A_462] : memref<80x128xi32, #tpu.memory_space<vmem>> -> memref<1x128xi32, #tpu.memory_space<vmem>>
        %dma_wait3A_464 = tpu.memref_squeeze %dma_wait3A_463 : memref<1x128xi32, #tpu.memory_space<vmem>> -> memref<128xi32, #tpu.memory_space<vmem>>
        %dma_wait3A_465 = arith.constant 0 : i32
        %dma_wait3A_466 = arith.constant 0 : i32
        %dma_wait3A_467 = tpu.memref_slice %arg2[%add3A_26, %dma_wait3A_465, %dma_wait3A_466] : memref<8x10000x16xf32, #tpu.memory_space<hbm>> -> memref<1x10000x16xf32, #tpu.memory_space<hbm>>
        %dma_wait3A_468 = tpu.memref_squeeze %dma_wait3A_467 : memref<1x10000x16xf32, #tpu.memory_space<hbm>> -> memref<10000x16xf32, #tpu.memory_space<hbm>>
        %dma_wait3A_469 = arith.constant 0 : i32
        %dma_wait3A_470 = arith.constant 0 : i32
        %dma_wait3A_471 = tpu.memref_slice %dma_wait3A_468[%dma_wait3A_469, %dma_wait3A_470] : memref<10000x16xf32, #tpu.memory_space<hbm>> -> memref<10000x16xf32, #tpu.memory_space<hbm>>
        tpu.wait_indirect_dma semaphore(%arg17 : memref<!tpu.dma_semaphore, #tpu.memory_space<semaphore_mem>>) src(%dma_wait3A_471 : memref<10000x16xf32, #tpu.memory_space<hbm>>) dst(%arg11 : memref<128x16xf32, #tpu.memory_space<vmem>>)
        %dma_start3A_472 = arith.constant 0 : i32
        %dma_start3A_473 = tpu.memref_slice %arg7[%add3A_461, %dma_start3A_472] : memref<80x128xi32, #tpu.memory_space<vmem>> -> memref<1x128xi32, #tpu.memory_space<vmem>>
        %dma_start3A_474 = tpu.memref_squeeze %dma_start3A_473 : memref<1x128xi32, #tpu.memory_space<vmem>> -> memref<128xi32, #tpu.memory_space<vmem>>
        %dma_start3A_475 = arith.constant 0 : i32
        %dma_start3A_476 = arith.constant 0 : i32
        %dma_start3A_477 = tpu.memref_slice %arg13[%dma_start3A_475, %dma_start3A_476] : memref<100480x16xf32, #tpu.memory_space<vmem_shared>> -> memref<100480x16xf32, #tpu.memory_space<vmem_shared>>
        tpu.enqueue_indirect_dma source(%arg11 : memref<128x16xf32, #tpu.memory_space<vmem>>) target(%dma_start3A_477 : memref<100480x16xf32, #tpu.memory_space<vmem_shared>>) offsets(%dma_start3A_474 : memref<128xi32, #tpu.memory_space<vmem>>) semaphore(%arg21 : memref<!tpu.dma_semaphore, #tpu.memory_space<semaphore_mem>>) {add = true}
        %sub3A_478 = arith.constant 2 : i32
        %sub3A_479 = arith.subi %add3A_461, %sub3A_478 : i32
        %dma_wait3A_480 = arith.constant 0 : i32
        %dma_wait3A_481 = tpu.memref_slice %arg7[%sub3A_479, %dma_wait3A_480] : memref<80x128xi32, #tpu.memory_space<vmem>> -> memref<1x128xi32, #tpu.memory_space<vmem>>
        %dma_wait3A_482 = tpu.memref_squeeze %dma_wait3A_481 : memref<1x128xi32, #tpu.memory_space<vmem>> -> memref<128xi32, #tpu.memory_space<vmem>>
        %dma_wait3A_483 = arith.constant 0 : i32
        %dma_wait3A_484 = arith.constant 0 : i32
        %dma_wait3A_485 = tpu.memref_slice %arg13[%dma_wait3A_483, %dma_wait3A_484] : memref<100480x16xf32, #tpu.memory_space<vmem_shared>> -> memref<100480x16xf32, #tpu.memory_space<vmem_shared>>
        tpu.wait_indirect_dma semaphore(%arg19 : memref<!tpu.dma_semaphore, #tpu.memory_space<semaphore_mem>>) src(%arg9 : memref<128x16xf32, #tpu.memory_space<vmem>>) dst(%dma_wait3A_485 : memref<100480x16xf32, #tpu.memory_space<vmem_shared>>)
        %add3A_486 = arith.constant 2 : i32
        %add3A_487 = arith.addi %add3A_461, %add3A_486 : i32
        %dma_start3A_488 = arith.constant 0 : i32
        %dma_start3A_489 = tpu.memref_slice %arg6[%add3A_487, %dma_start3A_488] : memref<80x128xi32, #tpu.memory_space<vmem>> -> memref<1x128xi32, #tpu.memory_space<vmem>>
        %dma_start3A_490 = tpu.memref_squeeze %dma_start3A_489 : memref<1x128xi32, #tpu.memory_space<vmem>> -> memref<128xi32, #tpu.memory_space<vmem>>
        %dma_start3A_491 = arith.constant 0 : i32
        %dma_start3A_492 = arith.constant 0 : i32
        %dma_start3A_493 = tpu.memref_slice %arg2[%add3A_26, %dma_start3A_491, %dma_start3A_492] : memref<8x10000x16xf32, #tpu.memory_space<hbm>> -> memref<1x10000x16xf32, #tpu.memory_space<hbm>>
        %dma_start3A_494 = tpu.memref_squeeze %dma_start3A_493 : memref<1x10000x16xf32, #tpu.memory_space<hbm>> -> memref<10000x16xf32, #tpu.memory_space<hbm>>
        %dma_start3A_495 = arith.constant 0 : i32
        %dma_start3A_496 = arith.constant 0 : i32
        %dma_start3A_497 = tpu.memref_slice %dma_start3A_494[%dma_start3A_495, %dma_start3A_496] : memref<10000x16xf32, #tpu.memory_space<hbm>> -> memref<10000x16xf32, #tpu.memory_space<hbm>>
        tpu.enqueue_indirect_dma source(%dma_start3A_497 : memref<10000x16xf32, #tpu.memory_space<hbm>>) target(%arg9 : memref<128x16xf32, #tpu.memory_space<vmem>>) offsets(%dma_start3A_490 : memref<128xi32, #tpu.memory_space<vmem>>) semaphore(%arg15 : memref<!tpu.dma_semaphore, #tpu.memory_space<semaphore_mem>>)
      }
      %scan3A_194 = arith.constant 18 : i32
      %dma_wait3A_195 = arith.constant 76 : i32
      %dma_wait3A_196 = arith.constant 0 : i32
      %dma_wait3A_197 = tpu.memref_slice %arg6[%dma_wait3A_195, %dma_wait3A_196] : memref<80x128xi32, #tpu.memory_space<vmem>> -> memref<1x128xi32, #tpu.memory_space<vmem>>
      %dma_wait3A_198 = tpu.memref_squeeze %dma_wait3A_197 : memref<1x128xi32, #tpu.memory_space<vmem>> -> memref<128xi32, #tpu.memory_space<vmem>>
      %dma_wait3A_199 = arith.constant 0 : i32
      %dma_wait3A_200 = arith.constant 0 : i32
      %dma_wait3A_201 = tpu.memref_slice %arg2[%add3A_26, %dma_wait3A_199, %dma_wait3A_200] : memref<8x10000x16xf32, #tpu.memory_space<hbm>> -> memref<1x10000x16xf32, #tpu.memory_space<hbm>>
      %dma_wait3A_202 = tpu.memref_squeeze %dma_wait3A_201 : memref<1x10000x16xf32, #tpu.memory_space<hbm>> -> memref<10000x16xf32, #tpu.memory_space<hbm>>
      %dma_wait3A_203 = arith.constant 0 : i32
      %dma_wait3A_204 = arith.constant 0 : i32
      %dma_wait3A_205 = tpu.memref_slice %dma_wait3A_202[%dma_wait3A_203, %dma_wait3A_204] : memref<10000x16xf32, #tpu.memory_space<hbm>> -> memref<10000x16xf32, #tpu.memory_space<hbm>>
      tpu.wait_indirect_dma semaphore(%arg14 : memref<!tpu.dma_semaphore, #tpu.memory_space<semaphore_mem>>) src(%dma_wait3A_205 : memref<10000x16xf32, #tpu.memory_space<hbm>>) dst(%arg8 : memref<128x16xf32, #tpu.memory_space<vmem>>)
      %dma_start3A_206 = arith.constant 76 : i32
      %dma_start3A_207 = arith.constant 0 : i32
      %dma_start3A_208 = tpu.memref_slice %arg7[%dma_start3A_206, %dma_start3A_207] : memref<80x128xi32, #tpu.memory_space<vmem>> -> memref<1x128xi32, #tpu.memory_space<vmem>>
      %dma_start3A_209 = tpu.memref_squeeze %dma_start3A_208 : memref<1x128xi32, #tpu.memory_space<vmem>> -> memref<128xi32, #tpu.memory_space<vmem>>
      %dma_start3A_210 = arith.constant 0 : i32
      %dma_start3A_211 = arith.constant 0 : i32
      %dma_start3A_212 = tpu.memref_slice %arg13[%dma_start3A_210, %dma_start3A_211] : memref<100480x16xf32, #tpu.memory_space<vmem_shared>> -> memref<100480x16xf32, #tpu.memory_space<vmem_shared>>
      tpu.enqueue_indirect_dma source(%arg8 : memref<128x16xf32, #tpu.memory_space<vmem>>) target(%dma_start3A_212 : memref<100480x16xf32, #tpu.memory_space<vmem_shared>>) offsets(%dma_start3A_209 : memref<128xi32, #tpu.memory_space<vmem>>) semaphore(%arg18 : memref<!tpu.dma_semaphore, #tpu.memory_space<semaphore_mem>>) {add = true}
      %dma_wait3A_213 = arith.constant 74 : i32
      %dma_wait3A_214 = arith.constant 0 : i32
      %dma_wait3A_215 = tpu.memref_slice %arg7[%dma_wait3A_213, %dma_wait3A_214] : memref<80x128xi32, #tpu.memory_space<vmem>> -> memref<1x128xi32, #tpu.memory_space<vmem>>
      %dma_wait3A_216 = tpu.memref_squeeze %dma_wait3A_215 : memref<1x128xi32, #tpu.memory_space<vmem>> -> memref<128xi32, #tpu.memory_space<vmem>>
      %dma_wait3A_217 = arith.constant 0 : i32
      %dma_wait3A_218 = arith.constant 0 : i32
      %dma_wait3A_219 = tpu.memref_slice %arg13[%dma_wait3A_217, %dma_wait3A_218] : memref<100480x16xf32, #tpu.memory_space<vmem_shared>> -> memref<100480x16xf32, #tpu.memory_space<vmem_shared>>
      tpu.wait_indirect_dma semaphore(%arg20 : memref<!tpu.dma_semaphore, #tpu.memory_space<semaphore_mem>>) src(%arg10 : memref<128x16xf32, #tpu.memory_space<vmem>>) dst(%dma_wait3A_219 : memref<100480x16xf32, #tpu.memory_space<vmem_shared>>)
      %dma_start3A_220 = arith.constant 78 : i32
      %dma_start3A_221 = arith.constant 0 : i32
      %dma_start3A_222 = tpu.memref_slice %arg6[%dma_start3A_220, %dma_start3A_221] : memref<80x128xi32, #tpu.memory_space<vmem>> -> memref<1x128xi32, #tpu.memory_space<vmem>>
      %dma_start3A_223 = tpu.memref_squeeze %dma_start3A_222 : memref<1x128xi32, #tpu.memory_space<vmem>> -> memref<128xi32, #tpu.memory_space<vmem>>
      %dma_start3A_224 = arith.constant 0 : i32
      %dma_start3A_225 = arith.constant 0 : i32
      %dma_start3A_226 = tpu.memref_slice %arg2[%add3A_26, %dma_start3A_224, %dma_start3A_225] : memref<8x10000x16xf32, #tpu.memory_space<hbm>> -> memref<1x10000x16xf32, #tpu.memory_space<hbm>>
      %dma_start3A_227 = tpu.memref_squeeze %dma_start3A_226 : memref<1x10000x16xf32, #tpu.memory_space<hbm>> -> memref<10000x16xf32, #tpu.memory_space<hbm>>
      %dma_start3A_228 = arith.constant 0 : i32
      %dma_start3A_229 = arith.constant 0 : i32
      %dma_start3A_230 = tpu.memref_slice %dma_start3A_227[%dma_start3A_228, %dma_start3A_229] : memref<10000x16xf32, #tpu.memory_space<hbm>> -> memref<10000x16xf32, #tpu.memory_space<hbm>>
      tpu.enqueue_indirect_dma source(%dma_start3A_230 : memref<10000x16xf32, #tpu.memory_space<hbm>>) target(%arg10 : memref<128x16xf32, #tpu.memory_space<vmem>>) offsets(%dma_start3A_223 : memref<128xi32, #tpu.memory_space<vmem>>) semaphore(%arg16 : memref<!tpu.dma_semaphore, #tpu.memory_space<semaphore_mem>>)
      %dma_wait3A_231 = arith.constant 77 : i32
      %dma_wait3A_232 = arith.constant 0 : i32
      %dma_wait3A_233 = tpu.memref_slice %arg6[%dma_wait3A_231, %dma_wait3A_232] : memref<80x128xi32, #tpu.memory_space<vmem>> -> memref<1x128xi32, #tpu.memory_space<vmem>>
      %dma_wait3A_234 = tpu.memref_squeeze %dma_wait3A_233 : memref<1x128xi32, #tpu.memory_space<vmem>> -> memref<128xi32, #tpu.memory_space<vmem>>
      %dma_wait3A_235 = arith.constant 0 : i32
      %dma_wait3A_236 = arith.constant 0 : i32
      %dma_wait3A_237 = tpu.memref_slice %arg2[%add3A_26, %dma_wait3A_235, %dma_wait3A_236] : memref<8x10000x16xf32, #tpu.memory_space<hbm>> -> memref<1x10000x16xf32, #tpu.memory_space<hbm>>
      %dma_wait3A_238 = tpu.memref_squeeze %dma_wait3A_237 : memref<1x10000x16xf32, #tpu.memory_space<hbm>> -> memref<10000x16xf32, #tpu.memory_space<hbm>>
      %dma_wait3A_239 = arith.constant 0 : i32
      %dma_wait3A_240 = arith.constant 0 : i32
      %dma_wait3A_241 = tpu.memref_slice %dma_wait3A_238[%dma_wait3A_239, %dma_wait3A_240] : memref<10000x16xf32, #tpu.memory_space<hbm>> -> memref<10000x16xf32, #tpu.memory_space<hbm>>
      tpu.wait_indirect_dma semaphore(%arg15 : memref<!tpu.dma_semaphore, #tpu.memory_space<semaphore_mem>>) src(%dma_wait3A_241 : memref<10000x16xf32, #tpu.memory_space<hbm>>) dst(%arg9 : memref<128x16xf32, #tpu.memory_space<vmem>>)
      %dma_start3A_242 = arith.constant 77 : i32
      %dma_start3A_243 = arith.constant 0 : i32
      %dma_start3A_244 = tpu.memref_slice %arg7[%dma_start3A_242, %dma_start3A_243] : memref<80x128xi32, #tpu.memory_space<vmem>> -> memref<1x128xi32, #tpu.memory_space<vmem>>
      %dma_start3A_245 = tpu.memref_squeeze %dma_start3A_244 : memref<1x128xi32, #tpu.memory_space<vmem>> -> memref<128xi32, #tpu.memory_space<vmem>>
      %dma_start3A_246 = arith.constant 0 : i32
      %dma_start3A_247 = arith.constant 0 : i32
      %dma_start3A_248 = tpu.memref_slice %arg13[%dma_start3A_246, %dma_start3A_247] : memref<100480x16xf32, #tpu.memory_space<vmem_shared>> -> memref<100480x16xf32, #tpu.memory_space<vmem_shared>>
      tpu.enqueue_indirect_dma source(%arg9 : memref<128x16xf32, #tpu.memory_space<vmem>>) target(%dma_start3A_248 : memref<100480x16xf32, #tpu.memory_space<vmem_shared>>) offsets(%dma_start3A_245 : memref<128xi32, #tpu.memory_space<vmem>>) semaphore(%arg19 : memref<!tpu.dma_semaphore, #tpu.memory_space<semaphore_mem>>) {add = true}
      %dma_wait3A_249 = arith.constant 75 : i32
      %dma_wait3A_250 = arith.constant 0 : i32
      %dma_wait3A_251 = tpu.memref_slice %arg7[%dma_wait3A_249, %dma_wait3A_250] : memref<80x128xi32, #tpu.memory_space<vmem>> -> memref<1x128xi32, #tpu.memory_space<vmem>>
      %dma_wait3A_252 = tpu.memref_squeeze %dma_wait3A_251 : memref<1x128xi32, #tpu.memory_space<vmem>> -> memref<128xi32, #tpu.memory_space<vmem>>
      %dma_wait3A_253 = arith.constant 0 : i32
      %dma_wait3A_254 = arith.constant 0 : i32
      %dma_wait3A_255 = tpu.memref_slice %arg13[%dma_wait3A_253, %dma_wait3A_254] : memref<100480x16xf32, #tpu.memory_space<vmem_shared>> -> memref<100480x16xf32, #tpu.memory_space<vmem_shared>>
      tpu.wait_indirect_dma semaphore(%arg21 : memref<!tpu.dma_semaphore, #tpu.memory_space<semaphore_mem>>) src(%arg11 : memref<128x16xf32, #tpu.memory_space<vmem>>) dst(%dma_wait3A_255 : memref<100480x16xf32, #tpu.memory_space<vmem_shared>>)
      %dma_start3A_256 = arith.constant 79 : i32
      %dma_start3A_257 = arith.constant 0 : i32
      %dma_start3A_258 = tpu.memref_slice %arg6[%dma_start3A_256, %dma_start3A_257] : memref<80x128xi32, #tpu.memory_space<vmem>> -> memref<1x128xi32, #tpu.memory_space<vmem>>
      %dma_start3A_259 = tpu.memref_squeeze %dma_start3A_258 : memref<1x128xi32, #tpu.memory_space<vmem>> -> memref<128xi32, #tpu.memory_space<vmem>>
      %dma_start3A_260 = arith.constant 0 : i32
      %dma_start3A_261 = arith.constant 0 : i32
      %dma_start3A_262 = tpu.memref_slice %arg2[%add3A_26, %dma_start3A_260, %dma_start3A_261] : memref<8x10000x16xf32, #tpu.memory_space<hbm>> -> memref<1x10000x16xf32, #tpu.memory_space<hbm>>
      %dma_start3A_263 = tpu.memref_squeeze %dma_start3A_262 : memref<1x10000x16xf32, #tpu.memory_space<hbm>> -> memref<10000x16xf32, #tpu.memory_space<hbm>>
      %dma_start3A_264 = arith.constant 0 : i32
      %dma_start3A_265 = arith.constant 0 : i32
      %dma_start3A_266 = tpu.memref_slice %dma_start3A_263[%dma_start3A_264, %dma_start3A_265] : memref<10000x16xf32, #tpu.memory_space<hbm>> -> memref<10000x16xf32, #tpu.memory_space<hbm>>
      tpu.enqueue_indirect_dma source(%dma_start3A_266 : memref<10000x16xf32, #tpu.memory_space<hbm>>) target(%arg11 : memref<128x16xf32, #tpu.memory_space<vmem>>) offsets(%dma_start3A_259 : memref<128xi32, #tpu.memory_space<vmem>>) semaphore(%arg17 : memref<!tpu.dma_semaphore, #tpu.memory_space<semaphore_mem>>)
      %dma_wait3A_267 = arith.constant 78 : i32
      %dma_wait3A_268 = arith.constant 0 : i32
      %dma_wait3A_269 = tpu.memref_slice %arg6[%dma_wait3A_267, %dma_wait3A_268] : memref<80x128xi32, #tpu.memory_space<vmem>> -> memref<1x128xi32, #tpu.memory_space<vmem>>
      %dma_wait3A_270 = tpu.memref_squeeze %dma_wait3A_269 : memref<1x128xi32, #tpu.memory_space<vmem>> -> memref<128xi32, #tpu.memory_space<vmem>>
      %dma_wait3A_271 = arith.constant 0 : i32
      %dma_wait3A_272 = arith.constant 0 : i32
      %dma_wait3A_273 = tpu.memref_slice %arg2[%add3A_26, %dma_wait3A_271, %dma_wait3A_272] : memref<8x10000x16xf32, #tpu.memory_space<hbm>> -> memref<1x10000x16xf32, #tpu.memory_space<hbm>>
      %dma_wait3A_274 = tpu.memref_squeeze %dma_wait3A_273 : memref<1x10000x16xf32, #tpu.memory_space<hbm>> -> memref<10000x16xf32, #tpu.memory_space<hbm>>
      %dma_wait3A_275 = arith.constant 0 : i32
      %dma_wait3A_276 = arith.constant 0 : i32
      %dma_wait3A_277 = tpu.memref_slice %dma_wait3A_274[%dma_wait3A_275, %dma_wait3A_276] : memref<10000x16xf32, #tpu.memory_space<hbm>> -> memref<10000x16xf32, #tpu.memory_space<hbm>>
      tpu.wait_indirect_dma semaphore(%arg16 : memref<!tpu.dma_semaphore, #tpu.memory_space<semaphore_mem>>) src(%dma_wait3A_277 : memref<10000x16xf32, #tpu.memory_space<hbm>>) dst(%arg10 : memref<128x16xf32, #tpu.memory_space<vmem>>)
      %dma_start3A_278 = arith.constant 78 : i32
      %dma_start3A_279 = arith.constant 0 : i32
      %dma_start3A_280 = tpu.memref_slice %arg7[%dma_start3A_278, %dma_start3A_279] : memref<80x128xi32, #tpu.memory_space<vmem>> -> memref<1x128xi32, #tpu.memory_space<vmem>>
      %dma_start3A_281 = tpu.memref_squeeze %dma_start3A_280 : memref<1x128xi32, #tpu.memory_space<vmem>> -> memref<128xi32, #tpu.memory_space<vmem>>
      %dma_start3A_282 = arith.constant 0 : i32
      %dma_start3A_283 = arith.constant 0 : i32
      %dma_start3A_284 = tpu.memref_slice %arg13[%dma_start3A_282, %dma_start3A_283] : memref<100480x16xf32, #tpu.memory_space<vmem_shared>> -> memref<100480x16xf32, #tpu.memory_space<vmem_shared>>
      tpu.enqueue_indirect_dma source(%arg10 : memref<128x16xf32, #tpu.memory_space<vmem>>) target(%dma_start3A_284 : memref<100480x16xf32, #tpu.memory_space<vmem_shared>>) offsets(%dma_start3A_281 : memref<128xi32, #tpu.memory_space<vmem>>) semaphore(%arg20 : memref<!tpu.dma_semaphore, #tpu.memory_space<semaphore_mem>>) {add = true}
      %dma_wait3A_285 = arith.constant 79 : i32
      %dma_wait3A_286 = arith.constant 0 : i32
      %dma_wait3A_287 = tpu.memref_slice %arg6[%dma_wait3A_285, %dma_wait3A_286] : memref<80x128xi32, #tpu.memory_space<vmem>> -> memref<1x128xi32, #tpu.memory_space<vmem>>
      %dma_wait3A_288 = tpu.memref_squeeze %dma_wait3A_287 : memref<1x128xi32, #tpu.memory_space<vmem>> -> memref<128xi32, #tpu.memory_space<vmem>>
      %dma_wait3A_289 = arith.constant 0 : i32
      %dma_wait3A_290 = arith.constant 0 : i32
      %dma_wait3A_291 = tpu.memref_slice %arg2[%add3A_26, %dma_wait3A_289, %dma_wait3A_290] : memref<8x10000x16xf32, #tpu.memory_space<hbm>> -> memref<1x10000x16xf32, #tpu.memory_space<hbm>>
      %dma_wait3A_292 = tpu.memref_squeeze %dma_wait3A_291 : memref<1x10000x16xf32, #tpu.memory_space<hbm>> -> memref<10000x16xf32, #tpu.memory_space<hbm>>
      %dma_wait3A_293 = arith.constant 0 : i32
      %dma_wait3A_294 = arith.constant 0 : i32
      %dma_wait3A_295 = tpu.memref_slice %dma_wait3A_292[%dma_wait3A_293, %dma_wait3A_294] : memref<10000x16xf32, #tpu.memory_space<hbm>> -> memref<10000x16xf32, #tpu.memory_space<hbm>>
      tpu.wait_indirect_dma semaphore(%arg17 : memref<!tpu.dma_semaphore, #tpu.memory_space<semaphore_mem>>) src(%dma_wait3A_295 : memref<10000x16xf32, #tpu.memory_space<hbm>>) dst(%arg11 : memref<128x16xf32, #tpu.memory_space<vmem>>)
      %dma_start3A_296 = arith.constant 79 : i32
      %dma_start3A_297 = arith.constant 0 : i32
      %dma_start3A_298 = tpu.memref_slice %arg7[%dma_start3A_296, %dma_start3A_297] : memref<80x128xi32, #tpu.memory_space<vmem>> -> memref<1x128xi32, #tpu.memory_space<vmem>>
      %dma_start3A_299 = tpu.memref_squeeze %dma_start3A_298 : memref<1x128xi32, #tpu.memory_space<vmem>> -> memref<128xi32, #tpu.memory_space<vmem>>
      %dma_start3A_300 = arith.constant 0 : i32
      %dma_start3A_301 = arith.constant 0 : i32
      %dma_start3A_302 = tpu.memref_slice %arg13[%dma_start3A_300, %dma_start3A_301] : memref<100480x16xf32, #tpu.memory_space<vmem_shared>> -> memref<100480x16xf32, #tpu.memory_space<vmem_shared>>
      tpu.enqueue_indirect_dma source(%arg11 : memref<128x16xf32, #tpu.memory_space<vmem>>) target(%dma_start3A_302 : memref<100480x16xf32, #tpu.memory_space<vmem_shared>>) offsets(%dma_start3A_299 : memref<128xi32, #tpu.memory_space<vmem>>) semaphore(%arg21 : memref<!tpu.dma_semaphore, #tpu.memory_space<semaphore_mem>>) {add = true}
      %dma_wait3A_303 = arith.constant 76 : i32
      %dma_wait3A_304 = arith.constant 0 : i32
      %dma_wait3A_305 = tpu.memref_slice %arg7[%dma_wait3A_303, %dma_wait3A_304] : memref<80x128xi32, #tpu.memory_space<vmem>> -> memref<1x128xi32, #tpu.memory_space<vmem>>
      %dma_wait3A_306 = tpu.memref_squeeze %dma_wait3A_305 : memref<1x128xi32, #tpu.memory_space<vmem>> -> memref<128xi32, #tpu.memory_space<vmem>>
      %dma_wait3A_307 = arith.constant 0 : i32
      %dma_wait3A_308 = arith.constant 0 : i32
      %dma_wait3A_309 = tpu.memref_slice %arg13[%dma_wait3A_307, %dma_wait3A_308] : memref<100480x16xf32, #tpu.memory_space<vmem_shared>> -> memref<100480x16xf32, #tpu.memory_space<vmem_shared>>
      tpu.wait_indirect_dma semaphore(%arg18 : memref<!tpu.dma_semaphore, #tpu.memory_space<semaphore_mem>>) src(%arg8 : memref<128x16xf32, #tpu.memory_space<vmem>>) dst(%dma_wait3A_309 : memref<100480x16xf32, #tpu.memory_space<vmem_shared>>)
      %dma_wait3A_310 = arith.constant 77 : i32
      %dma_wait3A_311 = arith.constant 0 : i32
      %dma_wait3A_312 = tpu.memref_slice %arg7[%dma_wait3A_310, %dma_wait3A_311] : memref<80x128xi32, #tpu.memory_space<vmem>> -> memref<1x128xi32, #tpu.memory_space<vmem>>
      %dma_wait3A_313 = tpu.memref_squeeze %dma_wait3A_312 : memref<1x128xi32, #tpu.memory_space<vmem>> -> memref<128xi32, #tpu.memory_space<vmem>>
      %dma_wait3A_314 = arith.constant 0 : i32
      %dma_wait3A_315 = arith.constant 0 : i32
      %dma_wait3A_316 = tpu.memref_slice %arg13[%dma_wait3A_314, %dma_wait3A_315] : memref<100480x16xf32, #tpu.memory_space<vmem_shared>> -> memref<100480x16xf32, #tpu.memory_space<vmem_shared>>
      tpu.wait_indirect_dma semaphore(%arg19 : memref<!tpu.dma_semaphore, #tpu.memory_space<semaphore_mem>>) src(%arg9 : memref<128x16xf32, #tpu.memory_space<vmem>>) dst(%dma_wait3A_316 : memref<100480x16xf32, #tpu.memory_space<vmem_shared>>)
      %dma_wait3A_317 = arith.constant 78 : i32
      %dma_wait3A_318 = arith.constant 0 : i32
      %dma_wait3A_319 = tpu.memref_slice %arg7[%dma_wait3A_317, %dma_wait3A_318] : memref<80x128xi32, #tpu.memory_space<vmem>> -> memref<1x128xi32, #tpu.memory_space<vmem>>
      %dma_wait3A_320 = tpu.memref_squeeze %dma_wait3A_319 : memref<1x128xi32, #tpu.memory_space<vmem>> -> memref<128xi32, #tpu.memory_space<vmem>>
      %dma_wait3A_321 = arith.constant 0 : i32
      %dma_wait3A_322 = arith.constant 0 : i32
      %dma_wait3A_323 = tpu.memref_slice %arg13[%dma_wait3A_321, %dma_wait3A_322] : memref<100480x16xf32, #tpu.memory_space<vmem_shared>> -> memref<100480x16xf32, #tpu.memory_space<vmem_shared>>
      tpu.wait_indirect_dma semaphore(%arg20 : memref<!tpu.dma_semaphore, #tpu.memory_space<semaphore_mem>>) src(%arg10 : memref<128x16xf32, #tpu.memory_space<vmem>>) dst(%dma_wait3A_323 : memref<100480x16xf32, #tpu.memory_space<vmem_shared>>)
      %dma_wait3A_324 = arith.constant 79 : i32
      %dma_wait3A_325 = arith.constant 0 : i32
      %dma_wait3A_326 = tpu.memref_slice %arg7[%dma_wait3A_324, %dma_wait3A_325] : memref<80x128xi32, #tpu.memory_space<vmem>> -> memref<1x128xi32, #tpu.memory_space<vmem>>
      %dma_wait3A_327 = tpu.memref_squeeze %dma_wait3A_326 : memref<1x128xi32, #tpu.memory_space<vmem>> -> memref<128xi32, #tpu.memory_space<vmem>>
      %dma_wait3A_328 = arith.constant 0 : i32
      %dma_wait3A_329 = arith.constant 0 : i32
      %dma_wait3A_330 = tpu.memref_slice %arg13[%dma_wait3A_328, %dma_wait3A_329] : memref<100480x16xf32, #tpu.memory_space<vmem_shared>> -> memref<100480x16xf32, #tpu.memory_space<vmem_shared>>
      tpu.wait_indirect_dma semaphore(%arg21 : memref<!tpu.dma_semaphore, #tpu.memory_space<semaphore_mem>>) src(%arg11 : memref<128x16xf32, #tpu.memory_space<vmem>>) dst(%dma_wait3A_330 : memref<100480x16xf32, #tpu.memory_space<vmem_shared>>)
      %barrier3A_331 = arith.constant 0 : index
      tpu.barrier barrier_id(%barrier3A_331)
      %mul3A_332 = arith.constant 6280 : i32
      %mul3A_333 = arith.muli %arg1, %mul3A_332 : i32
      %mul3A_334 = arith.constant 6280 : i32
      %mul3A_335 = arith.muli %arg1, %mul3A_334 : i32
      %mul3A_336 = arith.constant 16 : i32
      %mul3A_337 = arith.muli %add3A_26, %mul3A_336 : i32
      %dma_start3A_338 = tpu.memref_slice %arg5[%arg0, %mul3A_335, %mul3A_337] : memref<2x100480x128xf32, #tpu.memory_space<hbm>> -> memref<1x6280x16xf32, #tpu.memory_space<hbm>>
      %dma_start3A_339 = tpu.memref_squeeze %dma_start3A_338 : memref<1x6280x16xf32, #tpu.memory_space<hbm>> -> memref<6280x16xf32, #tpu.memory_space<hbm>>
      %dma_start3A_340 = arith.constant 0 : i32
      %dma_start3A_341 = tpu.memref_slice %arg13[%mul3A_333, %dma_start3A_340] : memref<100480x16xf32, #tpu.memory_space<vmem_shared>> -> memref<6280x16xf32, #tpu.memory_space<vmem_shared>>
      tpu.enqueue_dma source(%dma_start3A_341 : memref<6280x16xf32, #tpu.memory_space<vmem_shared>>) target(%dma_start3A_339 : memref<6280x16xf32, #tpu.memory_space<hbm>>) target_semaphore(%arg23 : memref<!tpu.dma_semaphore, #tpu.memory_space<semaphore_mem>>)
    }
    %scan3A_13 = arith.constant 8 : i32
    %mul3A_14 = arith.constant 6280 : i32
    %mul3A_15 = arith.muli %arg1, %mul3A_14 : i32
    %mul3A_16 = arith.constant 6280 : i32
    %mul3A_17 = arith.muli %arg1, %mul3A_16 : i32
    %dma_wait3A = arith.constant 112 : i32
    %dma_wait3A_18 = tpu.memref_slice %arg5[%arg0, %mul3A_17, %dma_wait3A] : memref<2x100480x128xf32, #tpu.memory_space<hbm>> -> memref<1x6280x16xf32, #tpu.memory_space<hbm>>
    %dma_wait3A_19 = tpu.memref_squeeze %dma_wait3A_18 : memref<1x6280x16xf32, #tpu.memory_space<hbm>> -> memref<6280x16xf32, #tpu.memory_space<hbm>>
    %dma_wait3A_20 = arith.constant 0 : i32
    %dma_wait3A_21 = tpu.memref_slice %arg13[%mul3A_15, %dma_wait3A_20] : memref<100480x16xf32, #tpu.memory_space<vmem_shared>> -> memref<6280x16xf32, #tpu.memory_space<vmem_shared>>
    tpu.wait_dma2 semaphore(%arg23 : memref<!tpu.dma_semaphore, #tpu.memory_space<semaphore_mem>>) src(%dma_wait3A_21 : memref<6280x16xf32, #tpu.memory_space<vmem_shared>>) dst(%dma_wait3A_19 : memref<6280x16xf32, #tpu.memory_space<hbm>>)
    return
  }
}

module attributes {stable_mosaic.version = 14 : i64} {
  func.func @body(%arg0: i32, %arg1: memref<400x128xf32, #tpu.memory_space<vmem>>, %arg2: memref<128x128xf32, #tpu.memory_space<vmem>>, %arg3: memref<1x128xf32, #tpu.memory_space<vmem>>, %arg4: memref<400x128xf32, #tpu.memory_space<vmem>>, %arg5: memref<8x400x16xf32, #tpu.memory_space<vmem>>) attributes {dimension_semantics = [#tpu.dimension_semantics<arbitrary>], iteration_bounds = array<i64: 25>, scalar_prefetch = 0 : i64, scratch_operands = 0 : i64, tpu.core_type = #tpu.core_type<tc>, window_params = [{transform_indices = @transform_0, window_bounds = array<i64: 400, 128>}, {pipeline_mode = #tpu.pipeline_mode<synchronous>, transform_indices = @transform_1, window_bounds = array<i64: 128, 128>}, {pipeline_mode = #tpu.pipeline_mode<synchronous>, transform_indices = @transform_2, window_bounds = array<i64: 1, 128>}, {transform_indices = @transform_3, window_bounds = array<i64: 400, 128>}, {transform_indices = @transform_4, window_bounds = array<i64: 8, 400, 16>}]} {
    %get3A = arith.constant 0 : index
    %get3A_0 = arith.constant 0 : index
    %get3A_1 = vector.load %arg1[%get3A, %get3A_0] : memref<400x128xf32, #tpu.memory_space<vmem>>, vector<400x128xf32>
    %get3A_2 = arith.constant 0 : index
    %get3A_3 = arith.constant 0 : index
    %get3A_4 = vector.load %arg2[%get3A_2, %get3A_3] : memref<128x128xf32, #tpu.memory_space<vmem>>, vector<128x128xf32>
    %dot_general3A = arith.constant dense<0.000000e+00> : vector<400x128xf32>
    %dot_general3A_5 = tpu.matmul %get3A_1, %get3A_4, %dot_general3A {dimension_numbers = #tpu.dot_dimension_numbers<[1], [0], [0], [1], [0, 0, 1, 1], [], []>, precision = #tpu.contract_precision<fp32>, transpose_lhs_hint = false} : vector<400x128xf32>, vector<128x128xf32>, vector<400x128xf32> -> vector<400x128xf32>
    %get3A_6 = arith.constant 0 : index
    %get3A_7 = arith.constant 0 : index
    %get3A_8 = vector.load %arg3[%get3A_6, %get3A_7] : memref<1x128xf32, #tpu.memory_space<vmem>>, vector<1x128xf32>
    %add3A = vector.broadcast %get3A_8 : vector<1x128xf32> to vector<400x128xf32>
    %add3A_9 = arith.addf %dot_general3A_5, %add3A : vector<400x128xf32>
    %swap3A = arith.constant 0 : index
    %swap3A_10 = arith.constant 0 : index
    %swap3A_11 = vector.load %arg4[%swap3A, %swap3A_10] : memref<400x128xf32, #tpu.memory_space<vmem>>, vector<400x128xf32>
    tpu.vector_store %arg4[%swap3A, %swap3A_10], %add3A_9 {strides = array<i32>} : memref<400x128xf32, #tpu.memory_space<vmem>>, vector<400x128xf32>,
    %slice3A = vector.extract_strided_slice %add3A_9 {offsets = [0, 0], sizes = [400, 16], strides = [1, 1]} : vector<400x128xf32> to vector<400x16xf32>
    %swap3A_12 = arith.constant 0 : index
    %swap3A_13 = arith.constant 0 : index
    %swap3A_14 = arith.constant 0 : index
    %swap3A_15 = vector.load %arg5[%swap3A_12, %swap3A_13, %swap3A_14] : memref<8x400x16xf32, #tpu.memory_space<vmem>>, vector<1x400x16xf32>
    %swap3A_16 = vector.shape_cast %swap3A_15 : vector<1x400x16xf32> to vector<400x16xf32>
    %swap3A_17 = vector.shape_cast %slice3A : vector<400x16xf32> to vector<1x400x16xf32>
    tpu.vector_store %arg5[%swap3A_12, %swap3A_13, %swap3A_14], %swap3A_17 {strides = array<i32>} : memref<8x400x16xf32, #tpu.memory_space<vmem>>, vector<1x400x16xf32>,
    %slice3A_18 = vector.extract_strided_slice %add3A_9 {offsets = [0, 16], sizes = [400, 16], strides = [1, 1]} : vector<400x128xf32> to vector<400x16xf32>
    %swap3A_19 = arith.constant 1 : index
    %swap3A_20 = arith.constant 0 : index
    %swap3A_21 = arith.constant 0 : index
    %swap3A_22 = vector.load %arg5[%swap3A_19, %swap3A_20, %swap3A_21] : memref<8x400x16xf32, #tpu.memory_space<vmem>>, vector<1x400x16xf32>
    %swap3A_23 = vector.shape_cast %swap3A_22 : vector<1x400x16xf32> to vector<400x16xf32>
    %swap3A_24 = vector.shape_cast %slice3A_18 : vector<400x16xf32> to vector<1x400x16xf32>
    tpu.vector_store %arg5[%swap3A_19, %swap3A_20, %swap3A_21], %swap3A_24 {strides = array<i32>} : memref<8x400x16xf32, #tpu.memory_space<vmem>>, vector<1x400x16xf32>,
    %slice3A_25 = vector.extract_strided_slice %add3A_9 {offsets = [0, 32], sizes = [400, 16], strides = [1, 1]} : vector<400x128xf32> to vector<400x16xf32>
    %swap3A_26 = arith.constant 2 : index
    %swap3A_27 = arith.constant 0 : index
    %swap3A_28 = arith.constant 0 : index
    %swap3A_29 = vector.load %arg5[%swap3A_26, %swap3A_27, %swap3A_28] : memref<8x400x16xf32, #tpu.memory_space<vmem>>, vector<1x400x16xf32>
    %swap3A_30 = vector.shape_cast %swap3A_29 : vector<1x400x16xf32> to vector<400x16xf32>
    %swap3A_31 = vector.shape_cast %slice3A_25 : vector<400x16xf32> to vector<1x400x16xf32>
    tpu.vector_store %arg5[%swap3A_26, %swap3A_27, %swap3A_28], %swap3A_31 {strides = array<i32>} : memref<8x400x16xf32, #tpu.memory_space<vmem>>, vector<1x400x16xf32>,
    %slice3A_32 = vector.extract_strided_slice %add3A_9 {offsets = [0, 48], sizes = [400, 16], strides = [1, 1]} : vector<400x128xf32> to vector<400x16xf32>
    %swap3A_33 = arith.constant 3 : index
    %swap3A_34 = arith.constant 0 : index
    %swap3A_35 = arith.constant 0 : index
    %swap3A_36 = vector.load %arg5[%swap3A_33, %swap3A_34, %swap3A_35] : memref<8x400x16xf32, #tpu.memory_space<vmem>>, vector<1x400x16xf32>
    %swap3A_37 = vector.shape_cast %swap3A_36 : vector<1x400x16xf32> to vector<400x16xf32>
    %swap3A_38 = vector.shape_cast %slice3A_32 : vector<400x16xf32> to vector<1x400x16xf32>
    tpu.vector_store %arg5[%swap3A_33, %swap3A_34, %swap3A_35], %swap3A_38 {strides = array<i32>} : memref<8x400x16xf32, #tpu.memory_space<vmem>>, vector<1x400x16xf32>,
    %slice3A_39 = vector.extract_strided_slice %add3A_9 {offsets = [0, 64], sizes = [400, 16], strides = [1, 1]} : vector<400x128xf32> to vector<400x16xf32>
    %swap3A_40 = arith.constant 4 : index
    %swap3A_41 = arith.constant 0 : index
    %swap3A_42 = arith.constant 0 : index
    %swap3A_43 = vector.load %arg5[%swap3A_40, %swap3A_41, %swap3A_42] : memref<8x400x16xf32, #tpu.memory_space<vmem>>, vector<1x400x16xf32>
    %swap3A_44 = vector.shape_cast %swap3A_43 : vector<1x400x16xf32> to vector<400x16xf32>
    %swap3A_45 = vector.shape_cast %slice3A_39 : vector<400x16xf32> to vector<1x400x16xf32>
    tpu.vector_store %arg5[%swap3A_40, %swap3A_41, %swap3A_42], %swap3A_45 {strides = array<i32>} : memref<8x400x16xf32, #tpu.memory_space<vmem>>, vector<1x400x16xf32>,
    %slice3A_46 = vector.extract_strided_slice %add3A_9 {offsets = [0, 80], sizes = [400, 16], strides = [1, 1]} : vector<400x128xf32> to vector<400x16xf32>
    %swap3A_47 = arith.constant 5 : index
    %swap3A_48 = arith.constant 0 : index
    %swap3A_49 = arith.constant 0 : index
    %swap3A_50 = vector.load %arg5[%swap3A_47, %swap3A_48, %swap3A_49] : memref<8x400x16xf32, #tpu.memory_space<vmem>>, vector<1x400x16xf32>
    %swap3A_51 = vector.shape_cast %swap3A_50 : vector<1x400x16xf32> to vector<400x16xf32>
    %swap3A_52 = vector.shape_cast %slice3A_46 : vector<400x16xf32> to vector<1x400x16xf32>
    tpu.vector_store %arg5[%swap3A_47, %swap3A_48, %swap3A_49], %swap3A_52 {strides = array<i32>} : memref<8x400x16xf32, #tpu.memory_space<vmem>>, vector<1x400x16xf32>,
    %slice3A_53 = vector.extract_strided_slice %add3A_9 {offsets = [0, 96], sizes = [400, 16], strides = [1, 1]} : vector<400x128xf32> to vector<400x16xf32>
    %swap3A_54 = arith.constant 6 : index
    %swap3A_55 = arith.constant 0 : index
    %swap3A_56 = arith.constant 0 : index
    %swap3A_57 = vector.load %arg5[%swap3A_54, %swap3A_55, %swap3A_56] : memref<8x400x16xf32, #tpu.memory_space<vmem>>, vector<1x400x16xf32>
    %swap3A_58 = vector.shape_cast %swap3A_57 : vector<1x400x16xf32> to vector<400x16xf32>
    %swap3A_59 = vector.shape_cast %slice3A_53 : vector<400x16xf32> to vector<1x400x16xf32>
    tpu.vector_store %arg5[%swap3A_54, %swap3A_55, %swap3A_56], %swap3A_59 {strides = array<i32>} : memref<8x400x16xf32, #tpu.memory_space<vmem>>, vector<1x400x16xf32>,
    %slice3A_60 = vector.extract_strided_slice %add3A_9 {offsets = [0, 112], sizes = [400, 16], strides = [1, 1]} : vector<400x128xf32> to vector<400x16xf32>
    %swap3A_61 = arith.constant 7 : index
    %swap3A_62 = arith.constant 0 : index
    %swap3A_63 = arith.constant 0 : index
    %swap3A_64 = vector.load %arg5[%swap3A_61, %swap3A_62, %swap3A_63] : memref<8x400x16xf32, #tpu.memory_space<vmem>>, vector<1x400x16xf32>
    %swap3A_65 = vector.shape_cast %swap3A_64 : vector<1x400x16xf32> to vector<400x16xf32>
    %swap3A_66 = vector.shape_cast %slice3A_60 : vector<400x16xf32> to vector<1x400x16xf32>
    tpu.vector_store %arg5[%swap3A_61, %swap3A_62, %swap3A_63], %swap3A_66 {strides = array<i32>} : memref<8x400x16xf32, #tpu.memory_space<vmem>>, vector<1x400x16xf32>,
    return
  }
  func.func @transform_0(%arg0: i32) -> (i32, i32) {
    %c0_i32 = arith.constant 0 : i32
    %c0_i32_0 = arith.constant 0 : i32
    return %arg0, %c0_i32 : i32, i32
  }
  func.func @transform_1(%arg0: i32) -> (i32, i32) {
    %c0_i32 = arith.constant 0 : i32
    %c0_i32_0 = arith.constant 0 : i32
    %c0_i32_1 = arith.constant 0 : i32
    return %c0_i32, %c0_i32_0 : i32, i32
  }
  func.func @transform_2(%arg0: i32) -> (i32, i32) {
    %c0_i32 = arith.constant 0 : i32
    %c0_i32_0 = arith.constant 0 : i32
    %c0_i32_1 = arith.constant 0 : i32
    return %c0_i32, %c0_i32_0 : i32, i32
  }
  func.func @transform_3(%arg0: i32) -> (i32, i32) {
    %c0_i32 = arith.constant 0 : i32
    %c0_i32_0 = arith.constant 0 : i32
    return %arg0, %c0_i32 : i32, i32
  }
  func.func @transform_4(%arg0: i32) -> (i32, i32, i32) {
    %c0_i32 = arith.constant 0 : i32
    %c0_i32_0 = arith.constant 0 : i32
    %c0_i32_1 = arith.constant 0 : i32
    return %c0_i32, %arg0, %c0_i32_0 : i32, i32, i32
  }
}

module attributes {stable_mosaic.version = 14 : i64} {
  func.func @body(%arg0: i32, %arg1: memref<640x128xi32, #tpu.memory_space<vmem>>, %arg2: memref<640x128xi32, #tpu.memory_space<vmem>>, %arg3: memref<640x128xi32, #tpu.memory_space<vmem>>) attributes {dimension_semantics = [#tpu.dimension_semantics<arbitrary>], iteration_bounds = array<i64: 4>, scalar_prefetch = 0 : i64, scratch_operands = 0 : i64, tpu.core_type = #tpu.core_type<tc>, window_params = [{transform_indices = @transform_0, window_bounds = array<i64: 640, 128>}, {transform_indices = @transform_1, window_bounds = array<i64: 640, 128>}, {transform_indices = @transform_2, window_bounds = array<i64: 640, 128>}]} {
    %get3A = arith.constant 0 : index
    %get3A_0 = arith.constant 0 : index
    %get3A_1 = vector.load %arg1[%get3A, %get3A_0] : memref<640x128xi32, #tpu.memory_space<vmem>>, vector<640x128xi32>
    %mul3A = arith.constant 10048 : i32
    %mul3A_2 = vector.broadcast %mul3A : i32 to vector<640x128xi32>
    %mul3A_3 = arith.muli %get3A_1, %mul3A_2 : vector<640x128xi32>
    %get3A_4 = arith.constant 0 : index
    %get3A_5 = arith.constant 0 : index
    %get3A_6 = vector.load %arg2[%get3A_4, %get3A_5] : memref<640x128xi32, #tpu.memory_space<vmem>>, vector<640x128xi32>
    %add3A = arith.addi %mul3A_3, %get3A_6 : vector<640x128xi32>
    %swap3A = arith.constant 0 : index
    %swap3A_7 = arith.constant 0 : index
    %swap3A_8 = vector.load %arg3[%swap3A, %swap3A_7] : memref<640x128xi32, #tpu.memory_space<vmem>>, vector<640x128xi32>
    tpu.vector_store %arg3[%swap3A, %swap3A_7], %add3A {strides = array<i32>} : memref<640x128xi32, #tpu.memory_space<vmem>>, vector<640x128xi32>,
    return
  }
  func.func @transform_0(%arg0: i32) -> (i32, i32) {
    %c0_i32 = arith.constant 0 : i32
    %c0_i32_0 = arith.constant 0 : i32
    return %arg0, %c0_i32 : i32, i32
  }
  func.func @transform_1(%arg0: i32) -> (i32, i32) {
    %c0_i32 = arith.constant 0 : i32
    %c0_i32_0 = arith.constant 0 : i32
    return %arg0, %c0_i32 : i32, i32
  }
  func.func @transform_2(%arg0: i32) -> (i32, i32) {
    %c0_i32 = arith.constant 0 : i32
    %c0_i32_0 = arith.constant 0 : i32
    return %arg0, %c0_i32 : i32, i32
  }
}

module attributes {stable_mosaic.version = 14 : i64} {
  func.func @body(%arg0: i32, %arg1: memref<2x10x400x128xf32, #tpu.memory_space<vmem>>, %arg2: memref<2x10x400x16xf32, #tpu.memory_space<vmem>>, %arg3: memref<400x128xf32, #tpu.memory_space<vmem>>, %arg4: memref<10x4xf32, #tpu.memory_space<smem>>, %arg5: memref<4x128x128xf32, #tpu.memory_space<vmem>>, %arg6: memref<128x128xf32, #tpu.memory_space<vmem>>, %arg7: memref<1x128xf32, #tpu.memory_space<vmem>>, %arg8: memref<1x128xf32, #tpu.memory_space<vmem>>, %arg9: memref<1x128xf32, #tpu.memory_space<vmem>>, %arg10: memref<400x128xf32, #tpu.memory_space<vmem>>, %arg11: memref<8x400x16xf32, #tpu.memory_space<vmem>>) attributes {dimension_semantics = [#tpu.dimension_semantics<arbitrary>], iteration_bounds = array<i64: 25>, scalar_prefetch = 0 : i64, scratch_operands = 0 : i64, tpu.core_type = #tpu.core_type<tc>, window_params = [{transform_indices = @transform_0, window_bounds = array<i64: 2, 10, 400, 128>}, {transform_indices = @transform_1, window_bounds = array<i64: 2, 10, 400, 16>}, {transform_indices = @transform_2, window_bounds = array<i64: 400, 128>}, {transform_indices = @transform_3, window_bounds = array<i64: 10, 4>}, {pipeline_mode = #tpu.pipeline_mode<synchronous>, transform_indices = @transform_4, window_bounds = array<i64: 4, 128, 128>}, {pipeline_mode = #tpu.pipeline_mode<synchronous>, transform_indices = @transform_5, window_bounds = array<i64: 128, 128>}, {pipeline_mode = #tpu.pipeline_mode<synchronous>, transform_indices = @transform_6, window_bounds = array<i64: 1, 128>}, {pipeline_mode = #tpu.pipeline_mode<synchronous>, transform_indices = @transform_7, window_bounds = array<i64: 1, 128>}, {pipeline_mode = #tpu.pipeline_mode<synchronous>, transform_indices = @transform_8, window_bounds = array<i64: 1, 128>}, {transform_indices = @transform_9, window_bounds = array<i64: 400, 128>}, {transform_indices = @transform_10, window_bounds = array<i64: 8, 400, 16>}]} {
    %get3A = arith.constant 0 : index
    %get3A_0 = arith.constant 0 : index
    %get3A_1 = vector.load %arg3[%get3A, %get3A_0] : memref<400x128xf32, #tpu.memory_space<vmem>>, vector<400x128xf32>
    %get3A_2 = arith.constant 0 : index
    %get3A_3 = arith.constant 0 : index
    %get3A_4 = vector.load %arg6[%get3A_2, %get3A_3] : memref<128x128xf32, #tpu.memory_space<vmem>>, vector<128x128xf32>
    %dot_general3A = arith.constant dense<0.000000e+00> : vector<400x128xf32>
    %dot_general3A_5 = tpu.matmul %get3A_1, %get3A_4, %dot_general3A {dimension_numbers = #tpu.dot_dimension_numbers<[1], [0], [0], [1], [0, 0, 1, 1], [], []>, precision = #tpu.contract_precision<fp32>, transpose_lhs_hint = false} : vector<400x128xf32>, vector<128x128xf32>, vector<400x128xf32> -> vector<400x128xf32>
    %get3A_6 = arith.constant 0 : index
    %get3A_7 = arith.constant 0 : index
    %get3A_8 = vector.load %arg7[%get3A_6, %get3A_7] : memref<1x128xf32, #tpu.memory_space<vmem>>, vector<1x128xf32>
    %add3A = vector.broadcast %get3A_8 : vector<1x128xf32> to vector<400x128xf32>
    %add3A_9 = arith.addf %dot_general3A_5, %add3A : vector<400x128xf32>
    %get3A_10 = arith.constant 0 : index
    %get3A_11 = arith.constant 0 : index
    %get3A_12 = arith.constant 0 : index
    %get3A_13 = arith.constant 0 : index
    %get3A_14 = vector.load %arg2[%get3A_10, %get3A_11, %get3A_12, %get3A_13] : memref<2x10x400x16xf32, #tpu.memory_space<vmem>>, vector<1x1x400x1xf32>
    %get3A_15 = vector.shape_cast %get3A_14 : vector<1x1x400x1xf32> to vector<400x1xf32>
    %get3A_16 = arith.constant 1 : index
    %get3A_17 = arith.constant 0 : index
    %get3A_18 = arith.constant 0 : index
    %get3A_19 = arith.constant 0 : index
    %get3A_20 = vector.load %arg2[%get3A_16, %get3A_17, %get3A_18, %get3A_19] : memref<2x10x400x16xf32, #tpu.memory_space<vmem>>, vector<1x1x400x1xf32>
    %get3A_21 = vector.shape_cast %get3A_20 : vector<1x1x400x1xf32> to vector<400x1xf32>
    %add3A_22 = arith.addf %get3A_15, %get3A_21 : vector<400x1xf32>
    %max3A = arith.constant 1.000000e+00 : f32
    %max3A_23 = vector.broadcast %max3A : f32 to vector<400x1xf32>
    %max3A_24 = arith.maximumf %add3A_22, %max3A_23 : vector<400x1xf32>
    %div3A = arith.constant 1.000000e+00 : f32
    %div3A_25 = vector.broadcast %div3A : f32 to vector<400x1xf32>
    %div3A_26 = arith.divf %div3A_25, %max3A_24 : vector<400x1xf32>
    %get3A_27 = arith.constant 0 : index
    %get3A_28 = arith.constant 0 : index
    %get3A_29 = arith.constant 0 : index
    %get3A_30 = arith.constant 0 : index
    %get3A_31 = vector.load %arg1[%get3A_27, %get3A_28, %get3A_29, %get3A_30] : memref<2x10x400x128xf32, #tpu.memory_space<vmem>>, vector<1x1x400x128xf32>
    %get3A_32 = vector.shape_cast %get3A_31 : vector<1x1x400x128xf32> to vector<400x128xf32>
    %get3A_33 = arith.constant 1 : index
    %get3A_34 = arith.constant 0 : index
    %get3A_35 = arith.constant 0 : index
    %get3A_36 = arith.constant 0 : index
    %get3A_37 = vector.load %arg1[%get3A_33, %get3A_34, %get3A_35, %get3A_36] : memref<2x10x400x128xf32, #tpu.memory_space<vmem>>, vector<1x1x400x128xf32>
    %get3A_38 = vector.shape_cast %get3A_37 : vector<1x1x400x128xf32> to vector<400x128xf32>
    %add3A_39 = arith.addf %get3A_32, %get3A_38 : vector<400x128xf32>
    %mul3A = vector.broadcast %div3A_26 : vector<400x1xf32> to vector<400x128xf32>
    %mul3A_40 = arith.mulf %add3A_39, %mul3A : vector<400x128xf32>
    %get3A_41 = arith.constant 0 : index
    %get3A_42 = arith.constant 1 : index
    %get3A_43 = arith.constant 0 : index
    %get3A_44 = arith.constant 0 : index
    %get3A_45 = vector.load %arg2[%get3A_41, %get3A_42, %get3A_43, %get3A_44] : memref<2x10x400x16xf32, #tpu.memory_space<vmem>>, vector<1x1x400x1xf32>
    %get3A_46 = vector.shape_cast %get3A_45 : vector<1x1x400x1xf32> to vector<400x1xf32>
    %get3A_47 = arith.constant 1 : index
    %get3A_48 = arith.constant 1 : index
    %get3A_49 = arith.constant 0 : index
    %get3A_50 = arith.constant 0 : index
    %get3A_51 = vector.load %arg2[%get3A_47, %get3A_48, %get3A_49, %get3A_50] : memref<2x10x400x16xf32, #tpu.memory_space<vmem>>, vector<1x1x400x1xf32>
    %get3A_52 = vector.shape_cast %get3A_51 : vector<1x1x400x1xf32> to vector<400x1xf32>
    %add3A_53 = arith.addf %get3A_46, %get3A_52 : vector<400x1xf32>
    %max3A_54 = arith.constant 1.000000e+00 : f32
    %max3A_55 = vector.broadcast %max3A_54 : f32 to vector<400x1xf32>
    %max3A_56 = arith.maximumf %add3A_53, %max3A_55 : vector<400x1xf32>
    %div3A_57 = arith.constant 1.000000e+00 : f32
    %div3A_58 = vector.broadcast %div3A_57 : f32 to vector<400x1xf32>
    %div3A_59 = arith.divf %div3A_58, %max3A_56 : vector<400x1xf32>
    %get3A_60 = arith.constant 0 : index
    %get3A_61 = arith.constant 1 : index
    %get3A_62 = arith.constant 0 : index
    %get3A_63 = arith.constant 0 : index
    %get3A_64 = vector.load %arg1[%get3A_60, %get3A_61, %get3A_62, %get3A_63] : memref<2x10x400x128xf32, #tpu.memory_space<vmem>>, vector<1x1x400x128xf32>
    %get3A_65 = vector.shape_cast %get3A_64 : vector<1x1x400x128xf32> to vector<400x128xf32>
    %get3A_66 = arith.constant 1 : index
    %get3A_67 = arith.constant 1 : index
    %get3A_68 = arith.constant 0 : index
    %get3A_69 = arith.constant 0 : index
    %get3A_70 = vector.load %arg1[%get3A_66, %get3A_67, %get3A_68, %get3A_69] : memref<2x10x400x128xf32, #tpu.memory_space<vmem>>, vector<1x1x400x128xf32>
    %get3A_71 = vector.shape_cast %get3A_70 : vector<1x1x400x128xf32> to vector<400x128xf32>
    %add3A_72 = arith.addf %get3A_65, %get3A_71 : vector<400x128xf32>
    %mul3A_73 = vector.broadcast %div3A_59 : vector<400x1xf32> to vector<400x128xf32>
    %mul3A_74 = arith.mulf %add3A_72, %mul3A_73 : vector<400x128xf32>
    %get3A_75 = arith.constant 0 : index
    %get3A_76 = arith.constant 2 : index
    %get3A_77 = arith.constant 0 : index
    %get3A_78 = arith.constant 0 : index
    %get3A_79 = vector.load %arg2[%get3A_75, %get3A_76, %get3A_77, %get3A_78] : memref<2x10x400x16xf32, #tpu.memory_space<vmem>>, vector<1x1x400x1xf32>
    %get3A_80 = vector.shape_cast %get3A_79 : vector<1x1x400x1xf32> to vector<400x1xf32>
    %get3A_81 = arith.constant 1 : index
    %get3A_82 = arith.constant 2 : index
    %get3A_83 = arith.constant 0 : index
    %get3A_84 = arith.constant 0 : index
    %get3A_85 = vector.load %arg2[%get3A_81, %get3A_82, %get3A_83, %get3A_84] : memref<2x10x400x16xf32, #tpu.memory_space<vmem>>, vector<1x1x400x1xf32>
    %get3A_86 = vector.shape_cast %get3A_85 : vector<1x1x400x1xf32> to vector<400x1xf32>
    %add3A_87 = arith.addf %get3A_80, %get3A_86 : vector<400x1xf32>
    %max3A_88 = arith.constant 1.000000e+00 : f32
    %max3A_89 = vector.broadcast %max3A_88 : f32 to vector<400x1xf32>
    %max3A_90 = arith.maximumf %add3A_87, %max3A_89 : vector<400x1xf32>
    %div3A_91 = arith.constant 1.000000e+00 : f32
    %div3A_92 = vector.broadcast %div3A_91 : f32 to vector<400x1xf32>
    %div3A_93 = arith.divf %div3A_92, %max3A_90 : vector<400x1xf32>
    %get3A_94 = arith.constant 0 : index
    %get3A_95 = arith.constant 2 : index
    %get3A_96 = arith.constant 0 : index
    %get3A_97 = arith.constant 0 : index
    %get3A_98 = vector.load %arg1[%get3A_94, %get3A_95, %get3A_96, %get3A_97] : memref<2x10x400x128xf32, #tpu.memory_space<vmem>>, vector<1x1x400x128xf32>
    %get3A_99 = vector.shape_cast %get3A_98 : vector<1x1x400x128xf32> to vector<400x128xf32>
    %get3A_100 = arith.constant 1 : index
    %get3A_101 = arith.constant 2 : index
    %get3A_102 = arith.constant 0 : index
    %get3A_103 = arith.constant 0 : index
    %get3A_104 = vector.load %arg1[%get3A_100, %get3A_101, %get3A_102, %get3A_103] : memref<2x10x400x128xf32, #tpu.memory_space<vmem>>, vector<1x1x400x128xf32>
    %get3A_105 = vector.shape_cast %get3A_104 : vector<1x1x400x128xf32> to vector<400x128xf32>
    %add3A_106 = arith.addf %get3A_99, %get3A_105 : vector<400x128xf32>
    %mul3A_107 = vector.broadcast %div3A_93 : vector<400x1xf32> to vector<400x128xf32>
    %mul3A_108 = arith.mulf %add3A_106, %mul3A_107 : vector<400x128xf32>
    %get3A_109 = arith.constant 0 : index
    %get3A_110 = arith.constant 3 : index
    %get3A_111 = arith.constant 0 : index
    %get3A_112 = arith.constant 0 : index
    %get3A_113 = vector.load %arg2[%get3A_109, %get3A_110, %get3A_111, %get3A_112] : memref<2x10x400x16xf32, #tpu.memory_space<vmem>>, vector<1x1x400x1xf32>
    %get3A_114 = vector.shape_cast %get3A_113 : vector<1x1x400x1xf32> to vector<400x1xf32>
    %get3A_115 = arith.constant 1 : index
    %get3A_116 = arith.constant 3 : index
    %get3A_117 = arith.constant 0 : index
    %get3A_118 = arith.constant 0 : index
    %get3A_119 = vector.load %arg2[%get3A_115, %get3A_116, %get3A_117, %get3A_118] : memref<2x10x400x16xf32, #tpu.memory_space<vmem>>, vector<1x1x400x1xf32>
    %get3A_120 = vector.shape_cast %get3A_119 : vector<1x1x400x1xf32> to vector<400x1xf32>
    %add3A_121 = arith.addf %get3A_114, %get3A_120 : vector<400x1xf32>
    %max3A_122 = arith.constant 1.000000e+00 : f32
    %max3A_123 = vector.broadcast %max3A_122 : f32 to vector<400x1xf32>
    %max3A_124 = arith.maximumf %add3A_121, %max3A_123 : vector<400x1xf32>
    %div3A_125 = arith.constant 1.000000e+00 : f32
    %div3A_126 = vector.broadcast %div3A_125 : f32 to vector<400x1xf32>
    %div3A_127 = arith.divf %div3A_126, %max3A_124 : vector<400x1xf32>
    %get3A_128 = arith.constant 0 : index
    %get3A_129 = arith.constant 3 : index
    %get3A_130 = arith.constant 0 : index
    %get3A_131 = arith.constant 0 : index
    %get3A_132 = vector.load %arg1[%get3A_128, %get3A_129, %get3A_130, %get3A_131] : memref<2x10x400x128xf32, #tpu.memory_space<vmem>>, vector<1x1x400x128xf32>
    %get3A_133 = vector.shape_cast %get3A_132 : vector<1x1x400x128xf32> to vector<400x128xf32>
    %get3A_134 = arith.constant 1 : index
    %get3A_135 = arith.constant 3 : index
    %get3A_136 = arith.constant 0 : index
    %get3A_137 = arith.constant 0 : index
    %get3A_138 = vector.load %arg1[%get3A_134, %get3A_135, %get3A_136, %get3A_137] : memref<2x10x400x128xf32, #tpu.memory_space<vmem>>, vector<1x1x400x128xf32>
    %get3A_139 = vector.shape_cast %get3A_138 : vector<1x1x400x128xf32> to vector<400x128xf32>
    %add3A_140 = arith.addf %get3A_133, %get3A_139 : vector<400x128xf32>
    %mul3A_141 = vector.broadcast %div3A_127 : vector<400x1xf32> to vector<400x128xf32>
    %mul3A_142 = arith.mulf %add3A_140, %mul3A_141 : vector<400x128xf32>
    %get3A_143 = arith.constant 0 : index
    %get3A_144 = arith.constant 4 : index
    %get3A_145 = arith.constant 0 : index
    %get3A_146 = arith.constant 0 : index
    %get3A_147 = vector.load %arg2[%get3A_143, %get3A_144, %get3A_145, %get3A_146] : memref<2x10x400x16xf32, #tpu.memory_space<vmem>>, vector<1x1x400x1xf32>
    %get3A_148 = vector.shape_cast %get3A_147 : vector<1x1x400x1xf32> to vector<400x1xf32>
    %get3A_149 = arith.constant 1 : index
    %get3A_150 = arith.constant 4 : index
    %get3A_151 = arith.constant 0 : index
    %get3A_152 = arith.constant 0 : index
    %get3A_153 = vector.load %arg2[%get3A_149, %get3A_150, %get3A_151, %get3A_152] : memref<2x10x400x16xf32, #tpu.memory_space<vmem>>, vector<1x1x400x1xf32>
    %get3A_154 = vector.shape_cast %get3A_153 : vector<1x1x400x1xf32> to vector<400x1xf32>
    %add3A_155 = arith.addf %get3A_148, %get3A_154 : vector<400x1xf32>
    %max3A_156 = arith.constant 1.000000e+00 : f32
    %max3A_157 = vector.broadcast %max3A_156 : f32 to vector<400x1xf32>
    %max3A_158 = arith.maximumf %add3A_155, %max3A_157 : vector<400x1xf32>
    %div3A_159 = arith.constant 1.000000e+00 : f32
    %div3A_160 = vector.broadcast %div3A_159 : f32 to vector<400x1xf32>
    %div3A_161 = arith.divf %div3A_160, %max3A_158 : vector<400x1xf32>
    %get3A_162 = arith.constant 0 : index
    %get3A_163 = arith.constant 4 : index
    %get3A_164 = arith.constant 0 : index
    %get3A_165 = arith.constant 0 : index
    %get3A_166 = vector.load %arg1[%get3A_162, %get3A_163, %get3A_164, %get3A_165] : memref<2x10x400x128xf32, #tpu.memory_space<vmem>>, vector<1x1x400x128xf32>
    %get3A_167 = vector.shape_cast %get3A_166 : vector<1x1x400x128xf32> to vector<400x128xf32>
    %get3A_168 = arith.constant 1 : index
    %get3A_169 = arith.constant 4 : index
    %get3A_170 = arith.constant 0 : index
    %get3A_171 = arith.constant 0 : index
    %get3A_172 = vector.load %arg1[%get3A_168, %get3A_169, %get3A_170, %get3A_171] : memref<2x10x400x128xf32, #tpu.memory_space<vmem>>, vector<1x1x400x128xf32>
    %get3A_173 = vector.shape_cast %get3A_172 : vector<1x1x400x128xf32> to vector<400x128xf32>
    %add3A_174 = arith.addf %get3A_167, %get3A_173 : vector<400x128xf32>
    %mul3A_175 = vector.broadcast %div3A_161 : vector<400x1xf32> to vector<400x128xf32>
    %mul3A_176 = arith.mulf %add3A_174, %mul3A_175 : vector<400x128xf32>
    %get3A_177 = arith.constant 0 : index
    %get3A_178 = arith.constant 5 : index
    %get3A_179 = arith.constant 0 : index
    %get3A_180 = arith.constant 0 : index
    %get3A_181 = vector.load %arg2[%get3A_177, %get3A_178, %get3A_179, %get3A_180] : memref<2x10x400x16xf32, #tpu.memory_space<vmem>>, vector<1x1x400x1xf32>
    %get3A_182 = vector.shape_cast %get3A_181 : vector<1x1x400x1xf32> to vector<400x1xf32>
    %get3A_183 = arith.constant 1 : index
    %get3A_184 = arith.constant 5 : index
    %get3A_185 = arith.constant 0 : index
    %get3A_186 = arith.constant 0 : index
    %get3A_187 = vector.load %arg2[%get3A_183, %get3A_184, %get3A_185, %get3A_186] : memref<2x10x400x16xf32, #tpu.memory_space<vmem>>, vector<1x1x400x1xf32>
    %get3A_188 = vector.shape_cast %get3A_187 : vector<1x1x400x1xf32> to vector<400x1xf32>
    %add3A_189 = arith.addf %get3A_182, %get3A_188 : vector<400x1xf32>
    %max3A_190 = arith.constant 1.000000e+00 : f32
    %max3A_191 = vector.broadcast %max3A_190 : f32 to vector<400x1xf32>
    %max3A_192 = arith.maximumf %add3A_189, %max3A_191 : vector<400x1xf32>
    %div3A_193 = arith.constant 1.000000e+00 : f32
    %div3A_194 = vector.broadcast %div3A_193 : f32 to vector<400x1xf32>
    %div3A_195 = arith.divf %div3A_194, %max3A_192 : vector<400x1xf32>
    %get3A_196 = arith.constant 0 : index
    %get3A_197 = arith.constant 5 : index
    %get3A_198 = arith.constant 0 : index
    %get3A_199 = arith.constant 0 : index
    %get3A_200 = vector.load %arg1[%get3A_196, %get3A_197, %get3A_198, %get3A_199] : memref<2x10x400x128xf32, #tpu.memory_space<vmem>>, vector<1x1x400x128xf32>
    %get3A_201 = vector.shape_cast %get3A_200 : vector<1x1x400x128xf32> to vector<400x128xf32>
    %get3A_202 = arith.constant 1 : index
    %get3A_203 = arith.constant 5 : index
    %get3A_204 = arith.constant 0 : index
    %get3A_205 = arith.constant 0 : index
    %get3A_206 = vector.load %arg1[%get3A_202, %get3A_203, %get3A_204, %get3A_205] : memref<2x10x400x128xf32, #tpu.memory_space<vmem>>, vector<1x1x400x128xf32>
    %get3A_207 = vector.shape_cast %get3A_206 : vector<1x1x400x128xf32> to vector<400x128xf32>
    %add3A_208 = arith.addf %get3A_201, %get3A_207 : vector<400x128xf32>
    %mul3A_209 = vector.broadcast %div3A_195 : vector<400x1xf32> to vector<400x128xf32>
    %mul3A_210 = arith.mulf %add3A_208, %mul3A_209 : vector<400x128xf32>
    %get3A_211 = arith.constant 0 : index
    %get3A_212 = arith.constant 6 : index
    %get3A_213 = arith.constant 0 : index
    %get3A_214 = arith.constant 0 : index
    %get3A_215 = vector.load %arg2[%get3A_211, %get3A_212, %get3A_213, %get3A_214] : memref<2x10x400x16xf32, #tpu.memory_space<vmem>>, vector<1x1x400x1xf32>
    %get3A_216 = vector.shape_cast %get3A_215 : vector<1x1x400x1xf32> to vector<400x1xf32>
    %get3A_217 = arith.constant 1 : index
    %get3A_218 = arith.constant 6 : index
    %get3A_219 = arith.constant 0 : index
    %get3A_220 = arith.constant 0 : index
    %get3A_221 = vector.load %arg2[%get3A_217, %get3A_218, %get3A_219, %get3A_220] : memref<2x10x400x16xf32, #tpu.memory_space<vmem>>, vector<1x1x400x1xf32>
    %get3A_222 = vector.shape_cast %get3A_221 : vector<1x1x400x1xf32> to vector<400x1xf32>
    %add3A_223 = arith.addf %get3A_216, %get3A_222 : vector<400x1xf32>
    %max3A_224 = arith.constant 1.000000e+00 : f32
    %max3A_225 = vector.broadcast %max3A_224 : f32 to vector<400x1xf32>
    %max3A_226 = arith.maximumf %add3A_223, %max3A_225 : vector<400x1xf32>
    %div3A_227 = arith.constant 1.000000e+00 : f32
    %div3A_228 = vector.broadcast %div3A_227 : f32 to vector<400x1xf32>
    %div3A_229 = arith.divf %div3A_228, %max3A_226 : vector<400x1xf32>
    %get3A_230 = arith.constant 0 : index
    %get3A_231 = arith.constant 6 : index
    %get3A_232 = arith.constant 0 : index
    %get3A_233 = arith.constant 0 : index
    %get3A_234 = vector.load %arg1[%get3A_230, %get3A_231, %get3A_232, %get3A_233] : memref<2x10x400x128xf32, #tpu.memory_space<vmem>>, vector<1x1x400x128xf32>
    %get3A_235 = vector.shape_cast %get3A_234 : vector<1x1x400x128xf32> to vector<400x128xf32>
    %get3A_236 = arith.constant 1 : index
    %get3A_237 = arith.constant 6 : index
    %get3A_238 = arith.constant 0 : index
    %get3A_239 = arith.constant 0 : index
    %get3A_240 = vector.load %arg1[%get3A_236, %get3A_237, %get3A_238, %get3A_239] : memref<2x10x400x128xf32, #tpu.memory_space<vmem>>, vector<1x1x400x128xf32>
    %get3A_241 = vector.shape_cast %get3A_240 : vector<1x1x400x128xf32> to vector<400x128xf32>
    %add3A_242 = arith.addf %get3A_235, %get3A_241 : vector<400x128xf32>
    %mul3A_243 = vector.broadcast %div3A_229 : vector<400x1xf32> to vector<400x128xf32>
    %mul3A_244 = arith.mulf %add3A_242, %mul3A_243 : vector<400x128xf32>
    %get3A_245 = arith.constant 0 : index
    %get3A_246 = arith.constant 7 : index
    %get3A_247 = arith.constant 0 : index
    %get3A_248 = arith.constant 0 : index
    %get3A_249 = vector.load %arg2[%get3A_245, %get3A_246, %get3A_247, %get3A_248] : memref<2x10x400x16xf32, #tpu.memory_space<vmem>>, vector<1x1x400x1xf32>
    %get3A_250 = vector.shape_cast %get3A_249 : vector<1x1x400x1xf32> to vector<400x1xf32>
    %get3A_251 = arith.constant 1 : index
    %get3A_252 = arith.constant 7 : index
    %get3A_253 = arith.constant 0 : index
    %get3A_254 = arith.constant 0 : index
    %get3A_255 = vector.load %arg2[%get3A_251, %get3A_252, %get3A_253, %get3A_254] : memref<2x10x400x16xf32, #tpu.memory_space<vmem>>, vector<1x1x400x1xf32>
    %get3A_256 = vector.shape_cast %get3A_255 : vector<1x1x400x1xf32> to vector<400x1xf32>
    %add3A_257 = arith.addf %get3A_250, %get3A_256 : vector<400x1xf32>
    %max3A_258 = arith.constant 1.000000e+00 : f32
    %max3A_259 = vector.broadcast %max3A_258 : f32 to vector<400x1xf32>
    %max3A_260 = arith.maximumf %add3A_257, %max3A_259 : vector<400x1xf32>
    %div3A_261 = arith.constant 1.000000e+00 : f32
    %div3A_262 = vector.broadcast %div3A_261 : f32 to vector<400x1xf32>
    %div3A_263 = arith.divf %div3A_262, %max3A_260 : vector<400x1xf32>
    %get3A_264 = arith.constant 0 : index
    %get3A_265 = arith.constant 7 : index
    %get3A_266 = arith.constant 0 : index
    %get3A_267 = arith.constant 0 : index
    %get3A_268 = vector.load %arg1[%get3A_264, %get3A_265, %get3A_266, %get3A_267] : memref<2x10x400x128xf32, #tpu.memory_space<vmem>>, vector<1x1x400x128xf32>
    %get3A_269 = vector.shape_cast %get3A_268 : vector<1x1x400x128xf32> to vector<400x128xf32>
    %get3A_270 = arith.constant 1 : index
    %get3A_271 = arith.constant 7 : index
    %get3A_272 = arith.constant 0 : index
    %get3A_273 = arith.constant 0 : index
    %get3A_274 = vector.load %arg1[%get3A_270, %get3A_271, %get3A_272, %get3A_273] : memref<2x10x400x128xf32, #tpu.memory_space<vmem>>, vector<1x1x400x128xf32>
    %get3A_275 = vector.shape_cast %get3A_274 : vector<1x1x400x128xf32> to vector<400x128xf32>
    %add3A_276 = arith.addf %get3A_269, %get3A_275 : vector<400x128xf32>
    %mul3A_277 = vector.broadcast %div3A_263 : vector<400x1xf32> to vector<400x128xf32>
    %mul3A_278 = arith.mulf %add3A_276, %mul3A_277 : vector<400x128xf32>
    %get3A_279 = arith.constant 0 : index
    %get3A_280 = arith.constant 8 : index
    %get3A_281 = arith.constant 0 : index
    %get3A_282 = arith.constant 0 : index
    %get3A_283 = vector.load %arg2[%get3A_279, %get3A_280, %get3A_281, %get3A_282] : memref<2x10x400x16xf32, #tpu.memory_space<vmem>>, vector<1x1x400x1xf32>
    %get3A_284 = vector.shape_cast %get3A_283 : vector<1x1x400x1xf32> to vector<400x1xf32>
    %get3A_285 = arith.constant 1 : index
    %get3A_286 = arith.constant 8 : index
    %get3A_287 = arith.constant 0 : index
    %get3A_288 = arith.constant 0 : index
    %get3A_289 = vector.load %arg2[%get3A_285, %get3A_286, %get3A_287, %get3A_288] : memref<2x10x400x16xf32, #tpu.memory_space<vmem>>, vector<1x1x400x1xf32>
    %get3A_290 = vector.shape_cast %get3A_289 : vector<1x1x400x1xf32> to vector<400x1xf32>
    %add3A_291 = arith.addf %get3A_284, %get3A_290 : vector<400x1xf32>
    %max3A_292 = arith.constant 1.000000e+00 : f32
    %max3A_293 = vector.broadcast %max3A_292 : f32 to vector<400x1xf32>
    %max3A_294 = arith.maximumf %add3A_291, %max3A_293 : vector<400x1xf32>
    %div3A_295 = arith.constant 1.000000e+00 : f32
    %div3A_296 = vector.broadcast %div3A_295 : f32 to vector<400x1xf32>
    %div3A_297 = arith.divf %div3A_296, %max3A_294 : vector<400x1xf32>
    %get3A_298 = arith.constant 0 : index
    %get3A_299 = arith.constant 8 : index
    %get3A_300 = arith.constant 0 : index
    %get3A_301 = arith.constant 0 : index
    %get3A_302 = vector.load %arg1[%get3A_298, %get3A_299, %get3A_300, %get3A_301] : memref<2x10x400x128xf32, #tpu.memory_space<vmem>>, vector<1x1x400x128xf32>
    %get3A_303 = vector.shape_cast %get3A_302 : vector<1x1x400x128xf32> to vector<400x128xf32>
    %get3A_304 = arith.constant 1 : index
    %get3A_305 = arith.constant 8 : index
    %get3A_306 = arith.constant 0 : index
    %get3A_307 = arith.constant 0 : index
    %get3A_308 = vector.load %arg1[%get3A_304, %get3A_305, %get3A_306, %get3A_307] : memref<2x10x400x128xf32, #tpu.memory_space<vmem>>, vector<1x1x400x128xf32>
    %get3A_309 = vector.shape_cast %get3A_308 : vector<1x1x400x128xf32> to vector<400x128xf32>
    %add3A_310 = arith.addf %get3A_303, %get3A_309 : vector<400x128xf32>
    %mul3A_311 = vector.broadcast %div3A_297 : vector<400x1xf32> to vector<400x128xf32>
    %mul3A_312 = arith.mulf %add3A_310, %mul3A_311 : vector<400x128xf32>
    %get3A_313 = arith.constant 0 : index
    %get3A_314 = arith.constant 9 : index
    %get3A_315 = arith.constant 0 : index
    %get3A_316 = arith.constant 0 : index
    %get3A_317 = vector.load %arg2[%get3A_313, %get3A_314, %get3A_315, %get3A_316] : memref<2x10x400x16xf32, #tpu.memory_space<vmem>>, vector<1x1x400x1xf32>
    %get3A_318 = vector.shape_cast %get3A_317 : vector<1x1x400x1xf32> to vector<400x1xf32>
    %get3A_319 = arith.constant 1 : index
    %get3A_320 = arith.constant 9 : index
    %get3A_321 = arith.constant 0 : index
    %get3A_322 = arith.constant 0 : index
    %get3A_323 = vector.load %arg2[%get3A_319, %get3A_320, %get3A_321, %get3A_322] : memref<2x10x400x16xf32, #tpu.memory_space<vmem>>, vector<1x1x400x1xf32>
    %get3A_324 = vector.shape_cast %get3A_323 : vector<1x1x400x1xf32> to vector<400x1xf32>
    %add3A_325 = arith.addf %get3A_318, %get3A_324 : vector<400x1xf32>
    %max3A_326 = arith.constant 1.000000e+00 : f32
    %max3A_327 = vector.broadcast %max3A_326 : f32 to vector<400x1xf32>
    %max3A_328 = arith.maximumf %add3A_325, %max3A_327 : vector<400x1xf32>
    %div3A_329 = arith.constant 1.000000e+00 : f32
    %div3A_330 = vector.broadcast %div3A_329 : f32 to vector<400x1xf32>
    %div3A_331 = arith.divf %div3A_330, %max3A_328 : vector<400x1xf32>
    %get3A_332 = arith.constant 0 : index
    %get3A_333 = arith.constant 9 : index
    %get3A_334 = arith.constant 0 : index
    %get3A_335 = arith.constant 0 : index
    %get3A_336 = vector.load %arg1[%get3A_332, %get3A_333, %get3A_334, %get3A_335] : memref<2x10x400x128xf32, #tpu.memory_space<vmem>>, vector<1x1x400x128xf32>
    %get3A_337 = vector.shape_cast %get3A_336 : vector<1x1x400x128xf32> to vector<400x128xf32>
    %get3A_338 = arith.constant 1 : index
    %get3A_339 = arith.constant 9 : index
    %get3A_340 = arith.constant 0 : index
    %get3A_341 = arith.constant 0 : index
    %get3A_342 = vector.load %arg1[%get3A_338, %get3A_339, %get3A_340, %get3A_341] : memref<2x10x400x128xf32, #tpu.memory_space<vmem>>, vector<1x1x400x128xf32>
    %get3A_343 = vector.shape_cast %get3A_342 : vector<1x1x400x128xf32> to vector<400x128xf32>
    %add3A_344 = arith.addf %get3A_337, %get3A_343 : vector<400x128xf32>
    %mul3A_345 = vector.broadcast %div3A_331 : vector<400x1xf32> to vector<400x128xf32>
    %mul3A_346 = arith.mulf %add3A_344, %mul3A_345 : vector<400x128xf32>
    %get3A_347 = arith.constant 0 : index
    %get3A_348 = arith.constant 0 : index
    %get3A_349 = memref.load %arg4[%get3A_347, %get3A_348] : memref<10x4xf32, #tpu.memory_space<smem>>
    %mul3A_350 = vector.broadcast %get3A_349 : f32 to vector<400x128xf32>
    %mul3A_351 = arith.mulf %mul3A_40, %mul3A_350 : vector<400x128xf32>
    %get3A_352 = arith.constant 1 : index
    %get3A_353 = arith.constant 0 : index
    %get3A_354 = memref.load %arg4[%get3A_352, %get3A_353] : memref<10x4xf32, #tpu.memory_space<smem>>
    %mul3A_355 = vector.broadcast %get3A_354 : f32 to vector<400x128xf32>
    %mul3A_356 = arith.mulf %mul3A_74, %mul3A_355 : vector<400x128xf32>
    %add3A_357 = arith.addf %mul3A_351, %mul3A_356 : vector<400x128xf32>
    %get3A_358 = arith.constant 2 : index
    %get3A_359 = arith.constant 0 : index
    %get3A_360 = memref.load %arg4[%get3A_358, %get3A_359] : memref<10x4xf32, #tpu.memory_space<smem>>
    %mul3A_361 = vector.broadcast %get3A_360 : f32 to vector<400x128xf32>
    %mul3A_362 = arith.mulf %mul3A_108, %mul3A_361 : vector<400x128xf32>
    %add3A_363 = arith.addf %add3A_357, %mul3A_362 : vector<400x128xf32>
    %get3A_364 = arith.constant 3 : index
    %get3A_365 = arith.constant 0 : index
    %get3A_366 = memref.load %arg4[%get3A_364, %get3A_365] : memref<10x4xf32, #tpu.memory_space<smem>>
    %mul3A_367 = vector.broadcast %get3A_366 : f32 to vector<400x128xf32>
    %mul3A_368 = arith.mulf %mul3A_142, %mul3A_367 : vector<400x128xf32>
    %add3A_369 = arith.addf %add3A_363, %mul3A_368 : vector<400x128xf32>
    %get3A_370 = arith.constant 4 : index
    %get3A_371 = arith.constant 0 : index
    %get3A_372 = memref.load %arg4[%get3A_370, %get3A_371] : memref<10x4xf32, #tpu.memory_space<smem>>
    %mul3A_373 = vector.broadcast %get3A_372 : f32 to vector<400x128xf32>
    %mul3A_374 = arith.mulf %mul3A_176, %mul3A_373 : vector<400x128xf32>
    %add3A_375 = arith.addf %add3A_369, %mul3A_374 : vector<400x128xf32>
    %get3A_376 = arith.constant 5 : index
    %get3A_377 = arith.constant 0 : index
    %get3A_378 = memref.load %arg4[%get3A_376, %get3A_377] : memref<10x4xf32, #tpu.memory_space<smem>>
    %mul3A_379 = vector.broadcast %get3A_378 : f32 to vector<400x128xf32>
    %mul3A_380 = arith.mulf %mul3A_210, %mul3A_379 : vector<400x128xf32>
    %add3A_381 = arith.addf %add3A_375, %mul3A_380 : vector<400x128xf32>
    %get3A_382 = arith.constant 6 : index
    %get3A_383 = arith.constant 0 : index
    %get3A_384 = memref.load %arg4[%get3A_382, %get3A_383] : memref<10x4xf32, #tpu.memory_space<smem>>
    %mul3A_385 = vector.broadcast %get3A_384 : f32 to vector<400x128xf32>
    %mul3A_386 = arith.mulf %mul3A_244, %mul3A_385 : vector<400x128xf32>
    %add3A_387 = arith.addf %add3A_381, %mul3A_386 : vector<400x128xf32>
    %get3A_388 = arith.constant 7 : index
    %get3A_389 = arith.constant 0 : index
    %get3A_390 = memref.load %arg4[%get3A_388, %get3A_389] : memref<10x4xf32, #tpu.memory_space<smem>>
    %mul3A_391 = vector.broadcast %get3A_390 : f32 to vector<400x128xf32>
    %mul3A_392 = arith.mulf %mul3A_278, %mul3A_391 : vector<400x128xf32>
    %add3A_393 = arith.addf %add3A_387, %mul3A_392 : vector<400x128xf32>
    %get3A_394 = arith.constant 8 : index
    %get3A_395 = arith.constant 0 : index
    %get3A_396 = memref.load %arg4[%get3A_394, %get3A_395] : memref<10x4xf32, #tpu.memory_space<smem>>
    %mul3A_397 = vector.broadcast %get3A_396 : f32 to vector<400x128xf32>
    %mul3A_398 = arith.mulf %mul3A_312, %mul3A_397 : vector<400x128xf32>
    %add3A_399 = arith.addf %add3A_393, %mul3A_398 : vector<400x128xf32>
    %get3A_400 = arith.constant 9 : index
    %get3A_401 = arith.constant 0 : index
    %get3A_402 = memref.load %arg4[%get3A_400, %get3A_401] : memref<10x4xf32, #tpu.memory_space<smem>>
    %mul3A_403 = vector.broadcast %get3A_402 : f32 to vector<400x128xf32>
    %mul3A_404 = arith.mulf %mul3A_346, %mul3A_403 : vector<400x128xf32>
    %add3A_405 = arith.addf %add3A_399, %mul3A_404 : vector<400x128xf32>
    %get3A_406 = arith.constant 0 : index
    %get3A_407 = arith.constant 0 : index
    %get3A_408 = arith.constant 0 : index
    %get3A_409 = vector.load %arg5[%get3A_406, %get3A_407, %get3A_408] : memref<4x128x128xf32, #tpu.memory_space<vmem>>, vector<1x128x128xf32>
    %get3A_410 = vector.shape_cast %get3A_409 : vector<1x128x128xf32> to vector<128x128xf32>
    %dot_general3A_411 = arith.constant dense<0.000000e+00> : vector<400x128xf32>
    %dot_general3A_412 = tpu.matmul %add3A_405, %get3A_410, %dot_general3A_411 {dimension_numbers = #tpu.dot_dimension_numbers<[1], [0], [0], [1], [0, 0, 1, 1], [], []>, precision = #tpu.contract_precision<fp32>, transpose_lhs_hint = false} : vector<400x128xf32>, vector<128x128xf32>, vector<400x128xf32> -> vector<400x128xf32>
    %add3A_413 = arith.addf %add3A_9, %dot_general3A_412 : vector<400x128xf32>
    %get3A_414 = arith.constant 0 : index
    %get3A_415 = arith.constant 1 : index
    %get3A_416 = memref.load %arg4[%get3A_414, %get3A_415] : memref<10x4xf32, #tpu.memory_space<smem>>
    %mul3A_417 = vector.broadcast %get3A_416 : f32 to vector<400x128xf32>
    %mul3A_418 = arith.mulf %mul3A_40, %mul3A_417 : vector<400x128xf32>
    %get3A_419 = arith.constant 1 : index
    %get3A_420 = arith.constant 1 : index
    %get3A_421 = memref.load %arg4[%get3A_419, %get3A_420] : memref<10x4xf32, #tpu.memory_space<smem>>
    %mul3A_422 = vector.broadcast %get3A_421 : f32 to vector<400x128xf32>
    %mul3A_423 = arith.mulf %mul3A_74, %mul3A_422 : vector<400x128xf32>
    %add3A_424 = arith.addf %mul3A_418, %mul3A_423 : vector<400x128xf32>
    %get3A_425 = arith.constant 2 : index
    %get3A_426 = arith.constant 1 : index
    %get3A_427 = memref.load %arg4[%get3A_425, %get3A_426] : memref<10x4xf32, #tpu.memory_space<smem>>
    %mul3A_428 = vector.broadcast %get3A_427 : f32 to vector<400x128xf32>
    %mul3A_429 = arith.mulf %mul3A_108, %mul3A_428 : vector<400x128xf32>
    %add3A_430 = arith.addf %add3A_424, %mul3A_429 : vector<400x128xf32>
    %get3A_431 = arith.constant 3 : index
    %get3A_432 = arith.constant 1 : index
    %get3A_433 = memref.load %arg4[%get3A_431, %get3A_432] : memref<10x4xf32, #tpu.memory_space<smem>>
    %mul3A_434 = vector.broadcast %get3A_433 : f32 to vector<400x128xf32>
    %mul3A_435 = arith.mulf %mul3A_142, %mul3A_434 : vector<400x128xf32>
    %add3A_436 = arith.addf %add3A_430, %mul3A_435 : vector<400x128xf32>
    %get3A_437 = arith.constant 4 : index
    %get3A_438 = arith.constant 1 : index
    %get3A_439 = memref.load %arg4[%get3A_437, %get3A_438] : memref<10x4xf32, #tpu.memory_space<smem>>
    %mul3A_440 = vector.broadcast %get3A_439 : f32 to vector<400x128xf32>
    %mul3A_441 = arith.mulf %mul3A_176, %mul3A_440 : vector<400x128xf32>
    %add3A_442 = arith.addf %add3A_436, %mul3A_441 : vector<400x128xf32>
    %get3A_443 = arith.constant 5 : index
    %get3A_444 = arith.constant 1 : index
    %get3A_445 = memref.load %arg4[%get3A_443, %get3A_444] : memref<10x4xf32, #tpu.memory_space<smem>>
    %mul3A_446 = vector.broadcast %get3A_445 : f32 to vector<400x128xf32>
    %mul3A_447 = arith.mulf %mul3A_210, %mul3A_446 : vector<400x128xf32>
    %add3A_448 = arith.addf %add3A_442, %mul3A_447 : vector<400x128xf32>
    %get3A_449 = arith.constant 6 : index
    %get3A_450 = arith.constant 1 : index
    %get3A_451 = memref.load %arg4[%get3A_449, %get3A_450] : memref<10x4xf32, #tpu.memory_space<smem>>
    %mul3A_452 = vector.broadcast %get3A_451 : f32 to vector<400x128xf32>
    %mul3A_453 = arith.mulf %mul3A_244, %mul3A_452 : vector<400x128xf32>
    %add3A_454 = arith.addf %add3A_448, %mul3A_453 : vector<400x128xf32>
    %get3A_455 = arith.constant 7 : index
    %get3A_456 = arith.constant 1 : index
    %get3A_457 = memref.load %arg4[%get3A_455, %get3A_456] : memref<10x4xf32, #tpu.memory_space<smem>>
    %mul3A_458 = vector.broadcast %get3A_457 : f32 to vector<400x128xf32>
    %mul3A_459 = arith.mulf %mul3A_278, %mul3A_458 : vector<400x128xf32>
    %add3A_460 = arith.addf %add3A_454, %mul3A_459 : vector<400x128xf32>
    %get3A_461 = arith.constant 8 : index
    %get3A_462 = arith.constant 1 : index
    %get3A_463 = memref.load %arg4[%get3A_461, %get3A_462] : memref<10x4xf32, #tpu.memory_space<smem>>
    %mul3A_464 = vector.broadcast %get3A_463 : f32 to vector<400x128xf32>
    %mul3A_465 = arith.mulf %mul3A_312, %mul3A_464 : vector<400x128xf32>
    %add3A_466 = arith.addf %add3A_460, %mul3A_465 : vector<400x128xf32>
    %get3A_467 = arith.constant 9 : index
    %get3A_468 = arith.constant 1 : index
    %get3A_469 = memref.load %arg4[%get3A_467, %get3A_468] : memref<10x4xf32, #tpu.memory_space<smem>>
    %mul3A_470 = vector.broadcast %get3A_469 : f32 to vector<400x128xf32>
    %mul3A_471 = arith.mulf %mul3A_346, %mul3A_470 : vector<400x128xf32>
    %add3A_472 = arith.addf %add3A_466, %mul3A_471 : vector<400x128xf32>
    %get3A_473 = arith.constant 1 : index
    %get3A_474 = arith.constant 0 : index
    %get3A_475 = arith.constant 0 : index
    %get3A_476 = vector.load %arg5[%get3A_473, %get3A_474, %get3A_475] : memref<4x128x128xf32, #tpu.memory_space<vmem>>, vector<1x128x128xf32>
    %get3A_477 = vector.shape_cast %get3A_476 : vector<1x128x128xf32> to vector<128x128xf32>
    %dot_general3A_478 = arith.constant dense<0.000000e+00> : vector<400x128xf32>
    %dot_general3A_479 = tpu.matmul %add3A_472, %get3A_477, %dot_general3A_478 {dimension_numbers = #tpu.dot_dimension_numbers<[1], [0], [0], [1], [0, 0, 1, 1], [], []>, precision = #tpu.contract_precision<fp32>, transpose_lhs_hint = false} : vector<400x128xf32>, vector<128x128xf32>, vector<400x128xf32> -> vector<400x128xf32>
    %add3A_480 = arith.addf %add3A_413, %dot_general3A_479 : vector<400x128xf32>
    %get3A_481 = arith.constant 0 : index
    %get3A_482 = arith.constant 2 : index
    %get3A_483 = memref.load %arg4[%get3A_481, %get3A_482] : memref<10x4xf32, #tpu.memory_space<smem>>
    %mul3A_484 = vector.broadcast %get3A_483 : f32 to vector<400x128xf32>
    %mul3A_485 = arith.mulf %mul3A_40, %mul3A_484 : vector<400x128xf32>
    %get3A_486 = arith.constant 1 : index
    %get3A_487 = arith.constant 2 : index
    %get3A_488 = memref.load %arg4[%get3A_486, %get3A_487] : memref<10x4xf32, #tpu.memory_space<smem>>
    %mul3A_489 = vector.broadcast %get3A_488 : f32 to vector<400x128xf32>
    %mul3A_490 = arith.mulf %mul3A_74, %mul3A_489 : vector<400x128xf32>
    %add3A_491 = arith.addf %mul3A_485, %mul3A_490 : vector<400x128xf32>
    %get3A_492 = arith.constant 2 : index
    %get3A_493 = arith.constant 2 : index
    %get3A_494 = memref.load %arg4[%get3A_492, %get3A_493] : memref<10x4xf32, #tpu.memory_space<smem>>
    %mul3A_495 = vector.broadcast %get3A_494 : f32 to vector<400x128xf32>
    %mul3A_496 = arith.mulf %mul3A_108, %mul3A_495 : vector<400x128xf32>
    %add3A_497 = arith.addf %add3A_491, %mul3A_496 : vector<400x128xf32>
    %get3A_498 = arith.constant 3 : index
    %get3A_499 = arith.constant 2 : index
    %get3A_500 = memref.load %arg4[%get3A_498, %get3A_499] : memref<10x4xf32, #tpu.memory_space<smem>>
    %mul3A_501 = vector.broadcast %get3A_500 : f32 to vector<400x128xf32>
    %mul3A_502 = arith.mulf %mul3A_142, %mul3A_501 : vector<400x128xf32>
    %add3A_503 = arith.addf %add3A_497, %mul3A_502 : vector<400x128xf32>
    %get3A_504 = arith.constant 4 : index
    %get3A_505 = arith.constant 2 : index
    %get3A_506 = memref.load %arg4[%get3A_504, %get3A_505] : memref<10x4xf32, #tpu.memory_space<smem>>
    %mul3A_507 = vector.broadcast %get3A_506 : f32 to vector<400x128xf32>
    %mul3A_508 = arith.mulf %mul3A_176, %mul3A_507 : vector<400x128xf32>
    %add3A_509 = arith.addf %add3A_503, %mul3A_508 : vector<400x128xf32>
    %get3A_510 = arith.constant 5 : index
    %get3A_511 = arith.constant 2 : index
    %get3A_512 = memref.load %arg4[%get3A_510, %get3A_511] : memref<10x4xf32, #tpu.memory_space<smem>>
    %mul3A_513 = vector.broadcast %get3A_512 : f32 to vector<400x128xf32>
    %mul3A_514 = arith.mulf %mul3A_210, %mul3A_513 : vector<400x128xf32>
    %add3A_515 = arith.addf %add3A_509, %mul3A_514 : vector<400x128xf32>
    %get3A_516 = arith.constant 6 : index
    %get3A_517 = arith.constant 2 : index
    %get3A_518 = memref.load %arg4[%get3A_516, %get3A_517] : memref<10x4xf32, #tpu.memory_space<smem>>
    %mul3A_519 = vector.broadcast %get3A_518 : f32 to vector<400x128xf32>
    %mul3A_520 = arith.mulf %mul3A_244, %mul3A_519 : vector<400x128xf32>
    %add3A_521 = arith.addf %add3A_515, %mul3A_520 : vector<400x128xf32>
    %get3A_522 = arith.constant 7 : index
    %get3A_523 = arith.constant 2 : index
    %get3A_524 = memref.load %arg4[%get3A_522, %get3A_523] : memref<10x4xf32, #tpu.memory_space<smem>>
    %mul3A_525 = vector.broadcast %get3A_524 : f32 to vector<400x128xf32>
    %mul3A_526 = arith.mulf %mul3A_278, %mul3A_525 : vector<400x128xf32>
    %add3A_527 = arith.addf %add3A_521, %mul3A_526 : vector<400x128xf32>
    %get3A_528 = arith.constant 8 : index
    %get3A_529 = arith.constant 2 : index
    %get3A_530 = memref.load %arg4[%get3A_528, %get3A_529] : memref<10x4xf32, #tpu.memory_space<smem>>
    %mul3A_531 = vector.broadcast %get3A_530 : f32 to vector<400x128xf32>
    %mul3A_532 = arith.mulf %mul3A_312, %mul3A_531 : vector<400x128xf32>
    %add3A_533 = arith.addf %add3A_527, %mul3A_532 : vector<400x128xf32>
    %get3A_534 = arith.constant 9 : index
    %get3A_535 = arith.constant 2 : index
    %get3A_536 = memref.load %arg4[%get3A_534, %get3A_535] : memref<10x4xf32, #tpu.memory_space<smem>>
    %mul3A_537 = vector.broadcast %get3A_536 : f32 to vector<400x128xf32>
    %mul3A_538 = arith.mulf %mul3A_346, %mul3A_537 : vector<400x128xf32>
    %add3A_539 = arith.addf %add3A_533, %mul3A_538 : vector<400x128xf32>
    %get3A_540 = arith.constant 2 : index
    %get3A_541 = arith.constant 0 : index
    %get3A_542 = arith.constant 0 : index
    %get3A_543 = vector.load %arg5[%get3A_540, %get3A_541, %get3A_542] : memref<4x128x128xf32, #tpu.memory_space<vmem>>, vector<1x128x128xf32>
    %get3A_544 = vector.shape_cast %get3A_543 : vector<1x128x128xf32> to vector<128x128xf32>
    %dot_general3A_545 = arith.constant dense<0.000000e+00> : vector<400x128xf32>
    %dot_general3A_546 = tpu.matmul %add3A_539, %get3A_544, %dot_general3A_545 {dimension_numbers = #tpu.dot_dimension_numbers<[1], [0], [0], [1], [0, 0, 1, 1], [], []>, precision = #tpu.contract_precision<fp32>, transpose_lhs_hint = false} : vector<400x128xf32>, vector<128x128xf32>, vector<400x128xf32> -> vector<400x128xf32>
    %add3A_547 = arith.addf %add3A_480, %dot_general3A_546 : vector<400x128xf32>
    %get3A_548 = arith.constant 0 : index
    %get3A_549 = arith.constant 3 : index
    %get3A_550 = memref.load %arg4[%get3A_548, %get3A_549] : memref<10x4xf32, #tpu.memory_space<smem>>
    %mul3A_551 = vector.broadcast %get3A_550 : f32 to vector<400x128xf32>
    %mul3A_552 = arith.mulf %mul3A_40, %mul3A_551 : vector<400x128xf32>
    %get3A_553 = arith.constant 1 : index
    %get3A_554 = arith.constant 3 : index
    %get3A_555 = memref.load %arg4[%get3A_553, %get3A_554] : memref<10x4xf32, #tpu.memory_space<smem>>
    %mul3A_556 = vector.broadcast %get3A_555 : f32 to vector<400x128xf32>
    %mul3A_557 = arith.mulf %mul3A_74, %mul3A_556 : vector<400x128xf32>
    %add3A_558 = arith.addf %mul3A_552, %mul3A_557 : vector<400x128xf32>
    %get3A_559 = arith.constant 2 : index
    %get3A_560 = arith.constant 3 : index
    %get3A_561 = memref.load %arg4[%get3A_559, %get3A_560] : memref<10x4xf32, #tpu.memory_space<smem>>
    %mul3A_562 = vector.broadcast %get3A_561 : f32 to vector<400x128xf32>
    %mul3A_563 = arith.mulf %mul3A_108, %mul3A_562 : vector<400x128xf32>
    %add3A_564 = arith.addf %add3A_558, %mul3A_563 : vector<400x128xf32>
    %get3A_565 = arith.constant 3 : index
    %get3A_566 = arith.constant 3 : index
    %get3A_567 = memref.load %arg4[%get3A_565, %get3A_566] : memref<10x4xf32, #tpu.memory_space<smem>>
    %mul3A_568 = vector.broadcast %get3A_567 : f32 to vector<400x128xf32>
    %mul3A_569 = arith.mulf %mul3A_142, %mul3A_568 : vector<400x128xf32>
    %add3A_570 = arith.addf %add3A_564, %mul3A_569 : vector<400x128xf32>
    %get3A_571 = arith.constant 4 : index
    %get3A_572 = arith.constant 3 : index
    %get3A_573 = memref.load %arg4[%get3A_571, %get3A_572] : memref<10x4xf32, #tpu.memory_space<smem>>
    %mul3A_574 = vector.broadcast %get3A_573 : f32 to vector<400x128xf32>
    %mul3A_575 = arith.mulf %mul3A_176, %mul3A_574 : vector<400x128xf32>
    %add3A_576 = arith.addf %add3A_570, %mul3A_575 : vector<400x128xf32>
    %get3A_577 = arith.constant 5 : index
    %get3A_578 = arith.constant 3 : index
    %get3A_579 = memref.load %arg4[%get3A_577, %get3A_578] : memref<10x4xf32, #tpu.memory_space<smem>>
    %mul3A_580 = vector.broadcast %get3A_579 : f32 to vector<400x128xf32>
    %mul3A_581 = arith.mulf %mul3A_210, %mul3A_580 : vector<400x128xf32>
    %add3A_582 = arith.addf %add3A_576, %mul3A_581 : vector<400x128xf32>
    %get3A_583 = arith.constant 6 : index
    %get3A_584 = arith.constant 3 : index
    %get3A_585 = memref.load %arg4[%get3A_583, %get3A_584] : memref<10x4xf32, #tpu.memory_space<smem>>
    %mul3A_586 = vector.broadcast %get3A_585 : f32 to vector<400x128xf32>
    %mul3A_587 = arith.mulf %mul3A_244, %mul3A_586 : vector<400x128xf32>
    %add3A_588 = arith.addf %add3A_582, %mul3A_587 : vector<400x128xf32>
    %get3A_589 = arith.constant 7 : index
    %get3A_590 = arith.constant 3 : index
    %get3A_591 = memref.load %arg4[%get3A_589, %get3A_590] : memref<10x4xf32, #tpu.memory_space<smem>>
    %mul3A_592 = vector.broadcast %get3A_591 : f32 to vector<400x128xf32>
    %mul3A_593 = arith.mulf %mul3A_278, %mul3A_592 : vector<400x128xf32>
    %add3A_594 = arith.addf %add3A_588, %mul3A_593 : vector<400x128xf32>
    %get3A_595 = arith.constant 8 : index
    %get3A_596 = arith.constant 3 : index
    %get3A_597 = memref.load %arg4[%get3A_595, %get3A_596] : memref<10x4xf32, #tpu.memory_space<smem>>
    %mul3A_598 = vector.broadcast %get3A_597 : f32 to vector<400x128xf32>
    %mul3A_599 = arith.mulf %mul3A_312, %mul3A_598 : vector<400x128xf32>
    %add3A_600 = arith.addf %add3A_594, %mul3A_599 : vector<400x128xf32>
    %get3A_601 = arith.constant 9 : index
    %get3A_602 = arith.constant 3 : index
    %get3A_603 = memref.load %arg4[%get3A_601, %get3A_602] : memref<10x4xf32, #tpu.memory_space<smem>>
    %mul3A_604 = vector.broadcast %get3A_603 : f32 to vector<400x128xf32>
    %mul3A_605 = arith.mulf %mul3A_346, %mul3A_604 : vector<400x128xf32>
    %add3A_606 = arith.addf %add3A_600, %mul3A_605 : vector<400x128xf32>
    %get3A_607 = arith.constant 3 : index
    %get3A_608 = arith.constant 0 : index
    %get3A_609 = arith.constant 0 : index
    %get3A_610 = vector.load %arg5[%get3A_607, %get3A_608, %get3A_609] : memref<4x128x128xf32, #tpu.memory_space<vmem>>, vector<1x128x128xf32>
    %get3A_611 = vector.shape_cast %get3A_610 : vector<1x128x128xf32> to vector<128x128xf32>
    %dot_general3A_612 = arith.constant dense<0.000000e+00> : vector<400x128xf32>
    %dot_general3A_613 = tpu.matmul %add3A_606, %get3A_611, %dot_general3A_612 {dimension_numbers = #tpu.dot_dimension_numbers<[1], [0], [0], [1], [0, 0, 1, 1], [], []>, precision = #tpu.contract_precision<fp32>, transpose_lhs_hint = false} : vector<400x128xf32>, vector<128x128xf32>, vector<400x128xf32> -> vector<400x128xf32>
    %add3A_614 = arith.addf %add3A_547, %dot_general3A_613 : vector<400x128xf32>
    %reduce_sum3A = arith.constant dense<0.000000e+00> : vector<400xf32>
    %reduce_sum3A_615 = vector.multi_reduction <add>, %add3A_614, %reduce_sum3A [1] : vector<400x128xf32> to vector<400xf32>
    %broadcast_in_dim3A = vector.shape_cast %reduce_sum3A_615 : vector<400xf32> to vector<400x1xf32>
    %div3A_616 = arith.constant 1.280000e+02 : f32
    %div3A_617 = vector.broadcast %div3A_616 : f32 to vector<400x1xf32>
    %div3A_618 = arith.divf %broadcast_in_dim3A, %div3A_617 : vector<400x1xf32>
    %sub3A = vector.broadcast %div3A_618 : vector<400x1xf32> to vector<400x128xf32>
    %sub3A_619 = arith.subf %add3A_614, %sub3A : vector<400x128xf32>
    %mul3A_620 = arith.mulf %sub3A_619, %sub3A_619 : vector<400x128xf32>
    %reduce_sum3A_621 = arith.constant dense<0.000000e+00> : vector<400xf32>
    %reduce_sum3A_622 = vector.multi_reduction <add>, %mul3A_620, %reduce_sum3A_621 [1] : vector<400x128xf32> to vector<400xf32>
    %broadcast_in_dim3A_623 = vector.shape_cast %reduce_sum3A_622 : vector<400xf32> to vector<400x1xf32>
    %div3A_624 = arith.constant 1.280000e+02 : f32
    %div3A_625 = vector.broadcast %div3A_624 : f32 to vector<400x1xf32>
    %div3A_626 = arith.divf %broadcast_in_dim3A_623, %div3A_625 : vector<400x1xf32>
    %add3A_627 = arith.constant 9.99999974E-6 : f32
    %add3A_628 = vector.broadcast %add3A_627 : f32 to vector<400x1xf32>
    %add3A_629 = arith.addf %div3A_626, %add3A_628 : vector<400x1xf32>
    %rsqrt3A = math.rsqrt %add3A_629 : vector<400x1xf32>
    %mul3A_630 = vector.broadcast %rsqrt3A : vector<400x1xf32> to vector<400x128xf32>
    %mul3A_631 = arith.mulf %sub3A_619, %mul3A_630 : vector<400x128xf32>
    %get3A_632 = arith.constant 0 : index
    %get3A_633 = arith.constant 0 : index
    %get3A_634 = vector.load %arg8[%get3A_632, %get3A_633] : memref<1x128xf32, #tpu.memory_space<vmem>>, vector<1x128xf32>
    %mul3A_635 = vector.broadcast %get3A_634 : vector<1x128xf32> to vector<400x128xf32>
    %mul3A_636 = arith.mulf %mul3A_631, %mul3A_635 : vector<400x128xf32>
    %get3A_637 = arith.constant 0 : index
    %get3A_638 = arith.constant 0 : index
    %get3A_639 = vector.load %arg9[%get3A_637, %get3A_638] : memref<1x128xf32, #tpu.memory_space<vmem>>, vector<1x128xf32>
    %add3A_640 = vector.broadcast %get3A_639 : vector<1x128xf32> to vector<400x128xf32>
    %add3A_641 = arith.addf %mul3A_636, %add3A_640 : vector<400x128xf32>
    %max3A_642 = arith.constant 0.000000e+00 : f32
    %max3A_643 = vector.broadcast %max3A_642 : f32 to vector<400x128xf32>
    %max3A_644 = arith.maximumf %add3A_641, %max3A_643 : vector<400x128xf32>
    %swap3A = arith.constant 0 : index
    %swap3A_645 = arith.constant 0 : index
    %swap3A_646 = vector.load %arg10[%swap3A, %swap3A_645] : memref<400x128xf32, #tpu.memory_space<vmem>>, vector<400x128xf32>
    tpu.vector_store %arg10[%swap3A, %swap3A_645], %max3A_644 {strides = array<i32>} : memref<400x128xf32, #tpu.memory_space<vmem>>, vector<400x128xf32>,
    %slice3A = vector.extract_strided_slice %max3A_644 {offsets = [0, 0], sizes = [400, 16], strides = [1, 1]} : vector<400x128xf32> to vector<400x16xf32>
    %swap3A_647 = arith.constant 0 : index
    %swap3A_648 = arith.constant 0 : index
    %swap3A_649 = arith.constant 0 : index
    %swap3A_650 = vector.load %arg11[%swap3A_647, %swap3A_648, %swap3A_649] : memref<8x400x16xf32, #tpu.memory_space<vmem>>, vector<1x400x16xf32>
    %swap3A_651 = vector.shape_cast %swap3A_650 : vector<1x400x16xf32> to vector<400x16xf32>
    %swap3A_652 = vector.shape_cast %slice3A : vector<400x16xf32> to vector<1x400x16xf32>
    tpu.vector_store %arg11[%swap3A_647, %swap3A_648, %swap3A_649], %swap3A_652 {strides = array<i32>} : memref<8x400x16xf32, #tpu.memory_space<vmem>>, vector<1x400x16xf32>,
    %slice3A_653 = vector.extract_strided_slice %max3A_644 {offsets = [0, 16], sizes = [400, 16], strides = [1, 1]} : vector<400x128xf32> to vector<400x16xf32>
    %swap3A_654 = arith.constant 1 : index
    %swap3A_655 = arith.constant 0 : index
    %swap3A_656 = arith.constant 0 : index
    %swap3A_657 = vector.load %arg11[%swap3A_654, %swap3A_655, %swap3A_656] : memref<8x400x16xf32, #tpu.memory_space<vmem>>, vector<1x400x16xf32>
    %swap3A_658 = vector.shape_cast %swap3A_657 : vector<1x400x16xf32> to vector<400x16xf32>
    %swap3A_659 = vector.shape_cast %slice3A_653 : vector<400x16xf32> to vector<1x400x16xf32>
    tpu.vector_store %arg11[%swap3A_654, %swap3A_655, %swap3A_656], %swap3A_659 {strides = array<i32>} : memref<8x400x16xf32, #tpu.memory_space<vmem>>, vector<1x400x16xf32>,
    %slice3A_660 = vector.extract_strided_slice %max3A_644 {offsets = [0, 32], sizes = [400, 16], strides = [1, 1]} : vector<400x128xf32> to vector<400x16xf32>
    %swap3A_661 = arith.constant 2 : index
    %swap3A_662 = arith.constant 0 : index
    %swap3A_663 = arith.constant 0 : index
    %swap3A_664 = vector.load %arg11[%swap3A_661, %swap3A_662, %swap3A_663] : memref<8x400x16xf32, #tpu.memory_space<vmem>>, vector<1x400x16xf32>
    %swap3A_665 = vector.shape_cast %swap3A_664 : vector<1x400x16xf32> to vector<400x16xf32>
    %swap3A_666 = vector.shape_cast %slice3A_660 : vector<400x16xf32> to vector<1x400x16xf32>
    tpu.vector_store %arg11[%swap3A_661, %swap3A_662, %swap3A_663], %swap3A_666 {strides = array<i32>} : memref<8x400x16xf32, #tpu.memory_space<vmem>>, vector<1x400x16xf32>,
    %slice3A_667 = vector.extract_strided_slice %max3A_644 {offsets = [0, 48], sizes = [400, 16], strides = [1, 1]} : vector<400x128xf32> to vector<400x16xf32>
    %swap3A_668 = arith.constant 3 : index
    %swap3A_669 = arith.constant 0 : index
    %swap3A_670 = arith.constant 0 : index
    %swap3A_671 = vector.load %arg11[%swap3A_668, %swap3A_669, %swap3A_670] : memref<8x400x16xf32, #tpu.memory_space<vmem>>, vector<1x400x16xf32>
    %swap3A_672 = vector.shape_cast %swap3A_671 : vector<1x400x16xf32> to vector<400x16xf32>
    %swap3A_673 = vector.shape_cast %slice3A_667 : vector<400x16xf32> to vector<1x400x16xf32>
    tpu.vector_store %arg11[%swap3A_668, %swap3A_669, %swap3A_670], %swap3A_673 {strides = array<i32>} : memref<8x400x16xf32, #tpu.memory_space<vmem>>, vector<1x400x16xf32>,
    %slice3A_674 = vector.extract_strided_slice %max3A_644 {offsets = [0, 64], sizes = [400, 16], strides = [1, 1]} : vector<400x128xf32> to vector<400x16xf32>
    %swap3A_675 = arith.constant 4 : index
    %swap3A_676 = arith.constant 0 : index
    %swap3A_677 = arith.constant 0 : index
    %swap3A_678 = vector.load %arg11[%swap3A_675, %swap3A_676, %swap3A_677] : memref<8x400x16xf32, #tpu.memory_space<vmem>>, vector<1x400x16xf32>
    %swap3A_679 = vector.shape_cast %swap3A_678 : vector<1x400x16xf32> to vector<400x16xf32>
    %swap3A_680 = vector.shape_cast %slice3A_674 : vector<400x16xf32> to vector<1x400x16xf32>
    tpu.vector_store %arg11[%swap3A_675, %swap3A_676, %swap3A_677], %swap3A_680 {strides = array<i32>} : memref<8x400x16xf32, #tpu.memory_space<vmem>>, vector<1x400x16xf32>,
    %slice3A_681 = vector.extract_strided_slice %max3A_644 {offsets = [0, 80], sizes = [400, 16], strides = [1, 1]} : vector<400x128xf32> to vector<400x16xf32>
    %swap3A_682 = arith.constant 5 : index
    %swap3A_683 = arith.constant 0 : index
    %swap3A_684 = arith.constant 0 : index
    %swap3A_685 = vector.load %arg11[%swap3A_682, %swap3A_683, %swap3A_684] : memref<8x400x16xf32, #tpu.memory_space<vmem>>, vector<1x400x16xf32>
    %swap3A_686 = vector.shape_cast %swap3A_685 : vector<1x400x16xf32> to vector<400x16xf32>
    %swap3A_687 = vector.shape_cast %slice3A_681 : vector<400x16xf32> to vector<1x400x16xf32>
    tpu.vector_store %arg11[%swap3A_682, %swap3A_683, %swap3A_684], %swap3A_687 {strides = array<i32>} : memref<8x400x16xf32, #tpu.memory_space<vmem>>, vector<1x400x16xf32>,
    %slice3A_688 = vector.extract_strided_slice %max3A_644 {offsets = [0, 96], sizes = [400, 16], strides = [1, 1]} : vector<400x128xf32> to vector<400x16xf32>
    %swap3A_689 = arith.constant 6 : index
    %swap3A_690 = arith.constant 0 : index
    %swap3A_691 = arith.constant 0 : index
    %swap3A_692 = vector.load %arg11[%swap3A_689, %swap3A_690, %swap3A_691] : memref<8x400x16xf32, #tpu.memory_space<vmem>>, vector<1x400x16xf32>
    %swap3A_693 = vector.shape_cast %swap3A_692 : vector<1x400x16xf32> to vector<400x16xf32>
    %swap3A_694 = vector.shape_cast %slice3A_688 : vector<400x16xf32> to vector<1x400x16xf32>
    tpu.vector_store %arg11[%swap3A_689, %swap3A_690, %swap3A_691], %swap3A_694 {strides = array<i32>} : memref<8x400x16xf32, #tpu.memory_space<vmem>>, vector<1x400x16xf32>,
    %slice3A_695 = vector.extract_strided_slice %max3A_644 {offsets = [0, 112], sizes = [400, 16], strides = [1, 1]} : vector<400x128xf32> to vector<400x16xf32>
    %swap3A_696 = arith.constant 7 : index
    %swap3A_697 = arith.constant 0 : index
    %swap3A_698 = arith.constant 0 : index
    %swap3A_699 = vector.load %arg11[%swap3A_696, %swap3A_697, %swap3A_698] : memref<8x400x16xf32, #tpu.memory_space<vmem>>, vector<1x400x16xf32>
    %swap3A_700 = vector.shape_cast %swap3A_699 : vector<1x400x16xf32> to vector<400x16xf32>
    %swap3A_701 = vector.shape_cast %slice3A_695 : vector<400x16xf32> to vector<1x400x16xf32>
    tpu.vector_store %arg11[%swap3A_696, %swap3A_697, %swap3A_698], %swap3A_701 {strides = array<i32>} : memref<8x400x16xf32, #tpu.memory_space<vmem>>, vector<1x400x16xf32>,
    return
  }
  func.func @transform_0(%arg0: i32) -> (i32, i32, i32, i32) {
    %c0_i32 = arith.constant 0 : i32
    %c0_i32_0 = arith.constant 0 : i32
    %c0_i32_1 = arith.constant 0 : i32
    %c0_i32_2 = arith.constant 0 : i32
    return %c0_i32, %c0_i32_0, %arg0, %c0_i32_1 : i32, i32, i32, i32
  }
  func.func @transform_1(%arg0: i32) -> (i32, i32, i32, i32) {
    %c0_i32 = arith.constant 0 : i32
    %c0_i32_0 = arith.constant 0 : i32
    %c0_i32_1 = arith.constant 0 : i32
    %c0_i32_2 = arith.constant 0 : i32
    return %c0_i32, %c0_i32_0, %arg0, %c0_i32_1 : i32, i32, i32, i32
  }
  func.func @transform_2(%arg0: i32) -> (i32, i32) {
    %c0_i32 = arith.constant 0 : i32
    %c0_i32_0 = arith.constant 0 : i32
    return %arg0, %c0_i32 : i32, i32
  }
  func.func @transform_3(%arg0: i32) -> (i32, i32) {
    %c0_i32 = arith.constant 0 : i32
    %c0_i32_0 = arith.constant 0 : i32
    %c0_i32_1 = arith.constant 0 : i32
    return %c0_i32, %c0_i32_0 : i32, i32
  }
  func.func @transform_4(%arg0: i32) -> (i32, i32, i32) {
    %c0_i32 = arith.constant 0 : i32
    %c0_i32_0 = arith.constant 0 : i32
    %c0_i32_1 = arith.constant 0 : i32
    %c0_i32_2 = arith.constant 0 : i32
    return %c0_i32, %c0_i32_0, %c0_i32_1 : i32, i32, i32
  }
  func.func @transform_5(%arg0: i32) -> (i32, i32) {
    %c0_i32 = arith.constant 0 : i32
    %c0_i32_0 = arith.constant 0 : i32
    %c0_i32_1 = arith.constant 0 : i32
    return %c0_i32, %c0_i32_0 : i32, i32
  }
  func.func @transform_6(%arg0: i32) -> (i32, i32) {
    %c0_i32 = arith.constant 0 : i32
    %c0_i32_0 = arith.constant 0 : i32
    %c0_i32_1 = arith.constant 0 : i32
    return %c0_i32, %c0_i32_0 : i32, i32
  }
  func.func @transform_7(%arg0: i32) -> (i32, i32) {
    %c0_i32 = arith.constant 0 : i32
    %c0_i32_0 = arith.constant 0 : i32
    %c0_i32_1 = arith.constant 0 : i32
    return %c0_i32, %c0_i32_0 : i32, i32
  }
  func.func @transform_8(%arg0: i32) -> (i32, i32) {
    %c0_i32 = arith.constant 0 : i32
    %c0_i32_0 = arith.constant 0 : i32
    %c0_i32_1 = arith.constant 0 : i32
    return %c0_i32, %c0_i32_0 : i32, i32
  }
  func.func @transform_9(%arg0: i32) -> (i32, i32) {
    %c0_i32 = arith.constant 0 : i32
    %c0_i32_0 = arith.constant 0 : i32
    return %arg0, %c0_i32 : i32, i32
  }
  func.func @transform_10(%arg0: i32) -> (i32, i32, i32) {
    %c0_i32 = arith.constant 0 : i32
    %c0_i32_0 = arith.constant 0 : i32
    %c0_i32_1 = arith.constant 0 : i32
    return %c0_i32, %arg0, %c0_i32_0 : i32, i32, i32
  }
}

module attributes {stable_mosaic.version = 14 : i64} {
  func.func @body(%arg0: i32, %arg1: memref<2x10x400x128xf32, #tpu.memory_space<vmem>>, %arg2: memref<2x10x400x16xf32, #tpu.memory_space<vmem>>, %arg3: memref<400x128xf32, #tpu.memory_space<vmem>>, %arg4: memref<10x4xf32, #tpu.memory_space<smem>>, %arg5: memref<4x128x128xf32, #tpu.memory_space<vmem>>, %arg6: memref<128x128xf32, #tpu.memory_space<vmem>>, %arg7: memref<1x128xf32, #tpu.memory_space<vmem>>, %arg8: memref<1x128xf32, #tpu.memory_space<vmem>>, %arg9: memref<1x128xf32, #tpu.memory_space<vmem>>, %arg10: memref<400x128xf32, #tpu.memory_space<vmem>>, %arg11: memref<8x400x16xf32, #tpu.memory_space<vmem>>) attributes {dimension_semantics = [#tpu.dimension_semantics<arbitrary>], iteration_bounds = array<i64: 25>, scalar_prefetch = 0 : i64, scratch_operands = 0 : i64, tpu.core_type = #tpu.core_type<tc>, window_params = [{transform_indices = @transform_0, window_bounds = array<i64: 2, 10, 400, 128>}, {transform_indices = @transform_1, window_bounds = array<i64: 2, 10, 400, 16>}, {transform_indices = @transform_2, window_bounds = array<i64: 400, 128>}, {transform_indices = @transform_3, window_bounds = array<i64: 10, 4>}, {pipeline_mode = #tpu.pipeline_mode<synchronous>, transform_indices = @transform_4, window_bounds = array<i64: 4, 128, 128>}, {pipeline_mode = #tpu.pipeline_mode<synchronous>, transform_indices = @transform_5, window_bounds = array<i64: 128, 128>}, {pipeline_mode = #tpu.pipeline_mode<synchronous>, transform_indices = @transform_6, window_bounds = array<i64: 1, 128>}, {pipeline_mode = #tpu.pipeline_mode<synchronous>, transform_indices = @transform_7, window_bounds = array<i64: 1, 128>}, {pipeline_mode = #tpu.pipeline_mode<synchronous>, transform_indices = @transform_8, window_bounds = array<i64: 1, 128>}, {transform_indices = @transform_9, window_bounds = array<i64: 400, 128>}, {transform_indices = @transform_10, window_bounds = array<i64: 8, 400, 16>}]} {
    %get3A = arith.constant 0 : index
    %get3A_0 = arith.constant 0 : index
    %get3A_1 = vector.load %arg3[%get3A, %get3A_0] : memref<400x128xf32, #tpu.memory_space<vmem>>, vector<400x128xf32>
    %get3A_2 = arith.constant 0 : index
    %get3A_3 = arith.constant 0 : index
    %get3A_4 = vector.load %arg6[%get3A_2, %get3A_3] : memref<128x128xf32, #tpu.memory_space<vmem>>, vector<128x128xf32>
    %dot_general3A = arith.constant dense<0.000000e+00> : vector<400x128xf32>
    %dot_general3A_5 = tpu.matmul %get3A_1, %get3A_4, %dot_general3A {dimension_numbers = #tpu.dot_dimension_numbers<[1], [0], [0], [1], [0, 0, 1, 1], [], []>, precision = #tpu.contract_precision<fp32>, transpose_lhs_hint = false} : vector<400x128xf32>, vector<128x128xf32>, vector<400x128xf32> -> vector<400x128xf32>
    %get3A_6 = arith.constant 0 : index
    %get3A_7 = arith.constant 0 : index
    %get3A_8 = vector.load %arg7[%get3A_6, %get3A_7] : memref<1x128xf32, #tpu.memory_space<vmem>>, vector<1x128xf32>
    %add3A = vector.broadcast %get3A_8 : vector<1x128xf32> to vector<400x128xf32>
    %add3A_9 = arith.addf %dot_general3A_5, %add3A : vector<400x128xf32>
    %get3A_10 = arith.constant 0 : index
    %get3A_11 = arith.constant 0 : index
    %get3A_12 = arith.constant 0 : index
    %get3A_13 = arith.constant 0 : index
    %get3A_14 = vector.load %arg2[%get3A_10, %get3A_11, %get3A_12, %get3A_13] : memref<2x10x400x16xf32, #tpu.memory_space<vmem>>, vector<1x1x400x1xf32>
    %get3A_15 = vector.shape_cast %get3A_14 : vector<1x1x400x1xf32> to vector<400x1xf32>
    %get3A_16 = arith.constant 1 : index
    %get3A_17 = arith.constant 0 : index
    %get3A_18 = arith.constant 0 : index
    %get3A_19 = arith.constant 0 : index
    %get3A_20 = vector.load %arg2[%get3A_16, %get3A_17, %get3A_18, %get3A_19] : memref<2x10x400x16xf32, #tpu.memory_space<vmem>>, vector<1x1x400x1xf32>
    %get3A_21 = vector.shape_cast %get3A_20 : vector<1x1x400x1xf32> to vector<400x1xf32>
    %add3A_22 = arith.addf %get3A_15, %get3A_21 : vector<400x1xf32>
    %max3A = arith.constant 1.000000e+00 : f32
    %max3A_23 = vector.broadcast %max3A : f32 to vector<400x1xf32>
    %max3A_24 = arith.maximumf %add3A_22, %max3A_23 : vector<400x1xf32>
    %div3A = arith.constant 1.000000e+00 : f32
    %div3A_25 = vector.broadcast %div3A : f32 to vector<400x1xf32>
    %div3A_26 = arith.divf %div3A_25, %max3A_24 : vector<400x1xf32>
    %get3A_27 = arith.constant 0 : index
    %get3A_28 = arith.constant 0 : index
    %get3A_29 = arith.constant 0 : index
    %get3A_30 = arith.constant 0 : index
    %get3A_31 = vector.load %arg1[%get3A_27, %get3A_28, %get3A_29, %get3A_30] : memref<2x10x400x128xf32, #tpu.memory_space<vmem>>, vector<1x1x400x128xf32>
    %get3A_32 = vector.shape_cast %get3A_31 : vector<1x1x400x128xf32> to vector<400x128xf32>
    %get3A_33 = arith.constant 1 : index
    %get3A_34 = arith.constant 0 : index
    %get3A_35 = arith.constant 0 : index
    %get3A_36 = arith.constant 0 : index
    %get3A_37 = vector.load %arg1[%get3A_33, %get3A_34, %get3A_35, %get3A_36] : memref<2x10x400x128xf32, #tpu.memory_space<vmem>>, vector<1x1x400x128xf32>
    %get3A_38 = vector.shape_cast %get3A_37 : vector<1x1x400x128xf32> to vector<400x128xf32>
    %add3A_39 = arith.addf %get3A_32, %get3A_38 : vector<400x128xf32>
    %mul3A = vector.broadcast %div3A_26 : vector<400x1xf32> to vector<400x128xf32>
    %mul3A_40 = arith.mulf %add3A_39, %mul3A : vector<400x128xf32>
    %get3A_41 = arith.constant 0 : index
    %get3A_42 = arith.constant 1 : index
    %get3A_43 = arith.constant 0 : index
    %get3A_44 = arith.constant 0 : index
    %get3A_45 = vector.load %arg2[%get3A_41, %get3A_42, %get3A_43, %get3A_44] : memref<2x10x400x16xf32, #tpu.memory_space<vmem>>, vector<1x1x400x1xf32>
    %get3A_46 = vector.shape_cast %get3A_45 : vector<1x1x400x1xf32> to vector<400x1xf32>
    %get3A_47 = arith.constant 1 : index
    %get3A_48 = arith.constant 1 : index
    %get3A_49 = arith.constant 0 : index
    %get3A_50 = arith.constant 0 : index
    %get3A_51 = vector.load %arg2[%get3A_47, %get3A_48, %get3A_49, %get3A_50] : memref<2x10x400x16xf32, #tpu.memory_space<vmem>>, vector<1x1x400x1xf32>
    %get3A_52 = vector.shape_cast %get3A_51 : vector<1x1x400x1xf32> to vector<400x1xf32>
    %add3A_53 = arith.addf %get3A_46, %get3A_52 : vector<400x1xf32>
    %max3A_54 = arith.constant 1.000000e+00 : f32
    %max3A_55 = vector.broadcast %max3A_54 : f32 to vector<400x1xf32>
    %max3A_56 = arith.maximumf %add3A_53, %max3A_55 : vector<400x1xf32>
    %div3A_57 = arith.constant 1.000000e+00 : f32
    %div3A_58 = vector.broadcast %div3A_57 : f32 to vector<400x1xf32>
    %div3A_59 = arith.divf %div3A_58, %max3A_56 : vector<400x1xf32>
    %get3A_60 = arith.constant 0 : index
    %get3A_61 = arith.constant 1 : index
    %get3A_62 = arith.constant 0 : index
    %get3A_63 = arith.constant 0 : index
    %get3A_64 = vector.load %arg1[%get3A_60, %get3A_61, %get3A_62, %get3A_63] : memref<2x10x400x128xf32, #tpu.memory_space<vmem>>, vector<1x1x400x128xf32>
    %get3A_65 = vector.shape_cast %get3A_64 : vector<1x1x400x128xf32> to vector<400x128xf32>
    %get3A_66 = arith.constant 1 : index
    %get3A_67 = arith.constant 1 : index
    %get3A_68 = arith.constant 0 : index
    %get3A_69 = arith.constant 0 : index
    %get3A_70 = vector.load %arg1[%get3A_66, %get3A_67, %get3A_68, %get3A_69] : memref<2x10x400x128xf32, #tpu.memory_space<vmem>>, vector<1x1x400x128xf32>
    %get3A_71 = vector.shape_cast %get3A_70 : vector<1x1x400x128xf32> to vector<400x128xf32>
    %add3A_72 = arith.addf %get3A_65, %get3A_71 : vector<400x128xf32>
    %mul3A_73 = vector.broadcast %div3A_59 : vector<400x1xf32> to vector<400x128xf32>
    %mul3A_74 = arith.mulf %add3A_72, %mul3A_73 : vector<400x128xf32>
    %get3A_75 = arith.constant 0 : index
    %get3A_76 = arith.constant 2 : index
    %get3A_77 = arith.constant 0 : index
    %get3A_78 = arith.constant 0 : index
    %get3A_79 = vector.load %arg2[%get3A_75, %get3A_76, %get3A_77, %get3A_78] : memref<2x10x400x16xf32, #tpu.memory_space<vmem>>, vector<1x1x400x1xf32>
    %get3A_80 = vector.shape_cast %get3A_79 : vector<1x1x400x1xf32> to vector<400x1xf32>
    %get3A_81 = arith.constant 1 : index
    %get3A_82 = arith.constant 2 : index
    %get3A_83 = arith.constant 0 : index
    %get3A_84 = arith.constant 0 : index
    %get3A_85 = vector.load %arg2[%get3A_81, %get3A_82, %get3A_83, %get3A_84] : memref<2x10x400x16xf32, #tpu.memory_space<vmem>>, vector<1x1x400x1xf32>
    %get3A_86 = vector.shape_cast %get3A_85 : vector<1x1x400x1xf32> to vector<400x1xf32>
    %add3A_87 = arith.addf %get3A_80, %get3A_86 : vector<400x1xf32>
    %max3A_88 = arith.constant 1.000000e+00 : f32
    %max3A_89 = vector.broadcast %max3A_88 : f32 to vector<400x1xf32>
    %max3A_90 = arith.maximumf %add3A_87, %max3A_89 : vector<400x1xf32>
    %div3A_91 = arith.constant 1.000000e+00 : f32
    %div3A_92 = vector.broadcast %div3A_91 : f32 to vector<400x1xf32>
    %div3A_93 = arith.divf %div3A_92, %max3A_90 : vector<400x1xf32>
    %get3A_94 = arith.constant 0 : index
    %get3A_95 = arith.constant 2 : index
    %get3A_96 = arith.constant 0 : index
    %get3A_97 = arith.constant 0 : index
    %get3A_98 = vector.load %arg1[%get3A_94, %get3A_95, %get3A_96, %get3A_97] : memref<2x10x400x128xf32, #tpu.memory_space<vmem>>, vector<1x1x400x128xf32>
    %get3A_99 = vector.shape_cast %get3A_98 : vector<1x1x400x128xf32> to vector<400x128xf32>
    %get3A_100 = arith.constant 1 : index
    %get3A_101 = arith.constant 2 : index
    %get3A_102 = arith.constant 0 : index
    %get3A_103 = arith.constant 0 : index
    %get3A_104 = vector.load %arg1[%get3A_100, %get3A_101, %get3A_102, %get3A_103] : memref<2x10x400x128xf32, #tpu.memory_space<vmem>>, vector<1x1x400x128xf32>
    %get3A_105 = vector.shape_cast %get3A_104 : vector<1x1x400x128xf32> to vector<400x128xf32>
    %add3A_106 = arith.addf %get3A_99, %get3A_105 : vector<400x128xf32>
    %mul3A_107 = vector.broadcast %div3A_93 : vector<400x1xf32> to vector<400x128xf32>
    %mul3A_108 = arith.mulf %add3A_106, %mul3A_107 : vector<400x128xf32>
    %get3A_109 = arith.constant 0 : index
    %get3A_110 = arith.constant 3 : index
    %get3A_111 = arith.constant 0 : index
    %get3A_112 = arith.constant 0 : index
    %get3A_113 = vector.load %arg2[%get3A_109, %get3A_110, %get3A_111, %get3A_112] : memref<2x10x400x16xf32, #tpu.memory_space<vmem>>, vector<1x1x400x1xf32>
    %get3A_114 = vector.shape_cast %get3A_113 : vector<1x1x400x1xf32> to vector<400x1xf32>
    %get3A_115 = arith.constant 1 : index
    %get3A_116 = arith.constant 3 : index
    %get3A_117 = arith.constant 0 : index
    %get3A_118 = arith.constant 0 : index
    %get3A_119 = vector.load %arg2[%get3A_115, %get3A_116, %get3A_117, %get3A_118] : memref<2x10x400x16xf32, #tpu.memory_space<vmem>>, vector<1x1x400x1xf32>
    %get3A_120 = vector.shape_cast %get3A_119 : vector<1x1x400x1xf32> to vector<400x1xf32>
    %add3A_121 = arith.addf %get3A_114, %get3A_120 : vector<400x1xf32>
    %max3A_122 = arith.constant 1.000000e+00 : f32
    %max3A_123 = vector.broadcast %max3A_122 : f32 to vector<400x1xf32>
    %max3A_124 = arith.maximumf %add3A_121, %max3A_123 : vector<400x1xf32>
    %div3A_125 = arith.constant 1.000000e+00 : f32
    %div3A_126 = vector.broadcast %div3A_125 : f32 to vector<400x1xf32>
    %div3A_127 = arith.divf %div3A_126, %max3A_124 : vector<400x1xf32>
    %get3A_128 = arith.constant 0 : index
    %get3A_129 = arith.constant 3 : index
    %get3A_130 = arith.constant 0 : index
    %get3A_131 = arith.constant 0 : index
    %get3A_132 = vector.load %arg1[%get3A_128, %get3A_129, %get3A_130, %get3A_131] : memref<2x10x400x128xf32, #tpu.memory_space<vmem>>, vector<1x1x400x128xf32>
    %get3A_133 = vector.shape_cast %get3A_132 : vector<1x1x400x128xf32> to vector<400x128xf32>
    %get3A_134 = arith.constant 1 : index
    %get3A_135 = arith.constant 3 : index
    %get3A_136 = arith.constant 0 : index
    %get3A_137 = arith.constant 0 : index
    %get3A_138 = vector.load %arg1[%get3A_134, %get3A_135, %get3A_136, %get3A_137] : memref<2x10x400x128xf32, #tpu.memory_space<vmem>>, vector<1x1x400x128xf32>
    %get3A_139 = vector.shape_cast %get3A_138 : vector<1x1x400x128xf32> to vector<400x128xf32>
    %add3A_140 = arith.addf %get3A_133, %get3A_139 : vector<400x128xf32>
    %mul3A_141 = vector.broadcast %div3A_127 : vector<400x1xf32> to vector<400x128xf32>
    %mul3A_142 = arith.mulf %add3A_140, %mul3A_141 : vector<400x128xf32>
    %get3A_143 = arith.constant 0 : index
    %get3A_144 = arith.constant 4 : index
    %get3A_145 = arith.constant 0 : index
    %get3A_146 = arith.constant 0 : index
    %get3A_147 = vector.load %arg2[%get3A_143, %get3A_144, %get3A_145, %get3A_146] : memref<2x10x400x16xf32, #tpu.memory_space<vmem>>, vector<1x1x400x1xf32>
    %get3A_148 = vector.shape_cast %get3A_147 : vector<1x1x400x1xf32> to vector<400x1xf32>
    %get3A_149 = arith.constant 1 : index
    %get3A_150 = arith.constant 4 : index
    %get3A_151 = arith.constant 0 : index
    %get3A_152 = arith.constant 0 : index
    %get3A_153 = vector.load %arg2[%get3A_149, %get3A_150, %get3A_151, %get3A_152] : memref<2x10x400x16xf32, #tpu.memory_space<vmem>>, vector<1x1x400x1xf32>
    %get3A_154 = vector.shape_cast %get3A_153 : vector<1x1x400x1xf32> to vector<400x1xf32>
    %add3A_155 = arith.addf %get3A_148, %get3A_154 : vector<400x1xf32>
    %max3A_156 = arith.constant 1.000000e+00 : f32
    %max3A_157 = vector.broadcast %max3A_156 : f32 to vector<400x1xf32>
    %max3A_158 = arith.maximumf %add3A_155, %max3A_157 : vector<400x1xf32>
    %div3A_159 = arith.constant 1.000000e+00 : f32
    %div3A_160 = vector.broadcast %div3A_159 : f32 to vector<400x1xf32>
    %div3A_161 = arith.divf %div3A_160, %max3A_158 : vector<400x1xf32>
    %get3A_162 = arith.constant 0 : index
    %get3A_163 = arith.constant 4 : index
    %get3A_164 = arith.constant 0 : index
    %get3A_165 = arith.constant 0 : index
    %get3A_166 = vector.load %arg1[%get3A_162, %get3A_163, %get3A_164, %get3A_165] : memref<2x10x400x128xf32, #tpu.memory_space<vmem>>, vector<1x1x400x128xf32>
    %get3A_167 = vector.shape_cast %get3A_166 : vector<1x1x400x128xf32> to vector<400x128xf32>
    %get3A_168 = arith.constant 1 : index
    %get3A_169 = arith.constant 4 : index
    %get3A_170 = arith.constant 0 : index
    %get3A_171 = arith.constant 0 : index
    %get3A_172 = vector.load %arg1[%get3A_168, %get3A_169, %get3A_170, %get3A_171] : memref<2x10x400x128xf32, #tpu.memory_space<vmem>>, vector<1x1x400x128xf32>
    %get3A_173 = vector.shape_cast %get3A_172 : vector<1x1x400x128xf32> to vector<400x128xf32>
    %add3A_174 = arith.addf %get3A_167, %get3A_173 : vector<400x128xf32>
    %mul3A_175 = vector.broadcast %div3A_161 : vector<400x1xf32> to vector<400x128xf32>
    %mul3A_176 = arith.mulf %add3A_174, %mul3A_175 : vector<400x128xf32>
    %get3A_177 = arith.constant 0 : index
    %get3A_178 = arith.constant 5 : index
    %get3A_179 = arith.constant 0 : index
    %get3A_180 = arith.constant 0 : index
    %get3A_181 = vector.load %arg2[%get3A_177, %get3A_178, %get3A_179, %get3A_180] : memref<2x10x400x16xf32, #tpu.memory_space<vmem>>, vector<1x1x400x1xf32>
    %get3A_182 = vector.shape_cast %get3A_181 : vector<1x1x400x1xf32> to vector<400x1xf32>
    %get3A_183 = arith.constant 1 : index
    %get3A_184 = arith.constant 5 : index
    %get3A_185 = arith.constant 0 : index
    %get3A_186 = arith.constant 0 : index
    %get3A_187 = vector.load %arg2[%get3A_183, %get3A_184, %get3A_185, %get3A_186] : memref<2x10x400x16xf32, #tpu.memory_space<vmem>>, vector<1x1x400x1xf32>
    %get3A_188 = vector.shape_cast %get3A_187 : vector<1x1x400x1xf32> to vector<400x1xf32>
    %add3A_189 = arith.addf %get3A_182, %get3A_188 : vector<400x1xf32>
    %max3A_190 = arith.constant 1.000000e+00 : f32
    %max3A_191 = vector.broadcast %max3A_190 : f32 to vector<400x1xf32>
    %max3A_192 = arith.maximumf %add3A_189, %max3A_191 : vector<400x1xf32>
    %div3A_193 = arith.constant 1.000000e+00 : f32
    %div3A_194 = vector.broadcast %div3A_193 : f32 to vector<400x1xf32>
    %div3A_195 = arith.divf %div3A_194, %max3A_192 : vector<400x1xf32>
    %get3A_196 = arith.constant 0 : index
    %get3A_197 = arith.constant 5 : index
    %get3A_198 = arith.constant 0 : index
    %get3A_199 = arith.constant 0 : index
    %get3A_200 = vector.load %arg1[%get3A_196, %get3A_197, %get3A_198, %get3A_199] : memref<2x10x400x128xf32, #tpu.memory_space<vmem>>, vector<1x1x400x128xf32>
    %get3A_201 = vector.shape_cast %get3A_200 : vector<1x1x400x128xf32> to vector<400x128xf32>
    %get3A_202 = arith.constant 1 : index
    %get3A_203 = arith.constant 5 : index
    %get3A_204 = arith.constant 0 : index
    %get3A_205 = arith.constant 0 : index
    %get3A_206 = vector.load %arg1[%get3A_202, %get3A_203, %get3A_204, %get3A_205] : memref<2x10x400x128xf32, #tpu.memory_space<vmem>>, vector<1x1x400x128xf32>
    %get3A_207 = vector.shape_cast %get3A_206 : vector<1x1x400x128xf32> to vector<400x128xf32>
    %add3A_208 = arith.addf %get3A_201, %get3A_207 : vector<400x128xf32>
    %mul3A_209 = vector.broadcast %div3A_195 : vector<400x1xf32> to vector<400x128xf32>
    %mul3A_210 = arith.mulf %add3A_208, %mul3A_209 : vector<400x128xf32>
    %get3A_211 = arith.constant 0 : index
    %get3A_212 = arith.constant 6 : index
    %get3A_213 = arith.constant 0 : index
    %get3A_214 = arith.constant 0 : index
    %get3A_215 = vector.load %arg2[%get3A_211, %get3A_212, %get3A_213, %get3A_214] : memref<2x10x400x16xf32, #tpu.memory_space<vmem>>, vector<1x1x400x1xf32>
    %get3A_216 = vector.shape_cast %get3A_215 : vector<1x1x400x1xf32> to vector<400x1xf32>
    %get3A_217 = arith.constant 1 : index
    %get3A_218 = arith.constant 6 : index
    %get3A_219 = arith.constant 0 : index
    %get3A_220 = arith.constant 0 : index
    %get3A_221 = vector.load %arg2[%get3A_217, %get3A_218, %get3A_219, %get3A_220] : memref<2x10x400x16xf32, #tpu.memory_space<vmem>>, vector<1x1x400x1xf32>
    %get3A_222 = vector.shape_cast %get3A_221 : vector<1x1x400x1xf32> to vector<400x1xf32>
    %add3A_223 = arith.addf %get3A_216, %get3A_222 : vector<400x1xf32>
    %max3A_224 = arith.constant 1.000000e+00 : f32
    %max3A_225 = vector.broadcast %max3A_224 : f32 to vector<400x1xf32>
    %max3A_226 = arith.maximumf %add3A_223, %max3A_225 : vector<400x1xf32>
    %div3A_227 = arith.constant 1.000000e+00 : f32
    %div3A_228 = vector.broadcast %div3A_227 : f32 to vector<400x1xf32>
    %div3A_229 = arith.divf %div3A_228, %max3A_226 : vector<400x1xf32>
    %get3A_230 = arith.constant 0 : index
    %get3A_231 = arith.constant 6 : index
    %get3A_232 = arith.constant 0 : index
    %get3A_233 = arith.constant 0 : index
    %get3A_234 = vector.load %arg1[%get3A_230, %get3A_231, %get3A_232, %get3A_233] : memref<2x10x400x128xf32, #tpu.memory_space<vmem>>, vector<1x1x400x128xf32>
    %get3A_235 = vector.shape_cast %get3A_234 : vector<1x1x400x128xf32> to vector<400x128xf32>
    %get3A_236 = arith.constant 1 : index
    %get3A_237 = arith.constant 6 : index
    %get3A_238 = arith.constant 0 : index
    %get3A_239 = arith.constant 0 : index
    %get3A_240 = vector.load %arg1[%get3A_236, %get3A_237, %get3A_238, %get3A_239] : memref<2x10x400x128xf32, #tpu.memory_space<vmem>>, vector<1x1x400x128xf32>
    %get3A_241 = vector.shape_cast %get3A_240 : vector<1x1x400x128xf32> to vector<400x128xf32>
    %add3A_242 = arith.addf %get3A_235, %get3A_241 : vector<400x128xf32>
    %mul3A_243 = vector.broadcast %div3A_229 : vector<400x1xf32> to vector<400x128xf32>
    %mul3A_244 = arith.mulf %add3A_242, %mul3A_243 : vector<400x128xf32>
    %get3A_245 = arith.constant 0 : index
    %get3A_246 = arith.constant 7 : index
    %get3A_247 = arith.constant 0 : index
    %get3A_248 = arith.constant 0 : index
    %get3A_249 = vector.load %arg2[%get3A_245, %get3A_246, %get3A_247, %get3A_248] : memref<2x10x400x16xf32, #tpu.memory_space<vmem>>, vector<1x1x400x1xf32>
    %get3A_250 = vector.shape_cast %get3A_249 : vector<1x1x400x1xf32> to vector<400x1xf32>
    %get3A_251 = arith.constant 1 : index
    %get3A_252 = arith.constant 7 : index
    %get3A_253 = arith.constant 0 : index
    %get3A_254 = arith.constant 0 : index
    %get3A_255 = vector.load %arg2[%get3A_251, %get3A_252, %get3A_253, %get3A_254] : memref<2x10x400x16xf32, #tpu.memory_space<vmem>>, vector<1x1x400x1xf32>
    %get3A_256 = vector.shape_cast %get3A_255 : vector<1x1x400x1xf32> to vector<400x1xf32>
    %add3A_257 = arith.addf %get3A_250, %get3A_256 : vector<400x1xf32>
    %max3A_258 = arith.constant 1.000000e+00 : f32
    %max3A_259 = vector.broadcast %max3A_258 : f32 to vector<400x1xf32>
    %max3A_260 = arith.maximumf %add3A_257, %max3A_259 : vector<400x1xf32>
    %div3A_261 = arith.constant 1.000000e+00 : f32
    %div3A_262 = vector.broadcast %div3A_261 : f32 to vector<400x1xf32>
    %div3A_263 = arith.divf %div3A_262, %max3A_260 : vector<400x1xf32>
    %get3A_264 = arith.constant 0 : index
    %get3A_265 = arith.constant 7 : index
    %get3A_266 = arith.constant 0 : index
    %get3A_267 = arith.constant 0 : index
    %get3A_268 = vector.load %arg1[%get3A_264, %get3A_265, %get3A_266, %get3A_267] : memref<2x10x400x128xf32, #tpu.memory_space<vmem>>, vector<1x1x400x128xf32>
    %get3A_269 = vector.shape_cast %get3A_268 : vector<1x1x400x128xf32> to vector<400x128xf32>
    %get3A_270 = arith.constant 1 : index
    %get3A_271 = arith.constant 7 : index
    %get3A_272 = arith.constant 0 : index
    %get3A_273 = arith.constant 0 : index
    %get3A_274 = vector.load %arg1[%get3A_270, %get3A_271, %get3A_272, %get3A_273] : memref<2x10x400x128xf32, #tpu.memory_space<vmem>>, vector<1x1x400x128xf32>
    %get3A_275 = vector.shape_cast %get3A_274 : vector<1x1x400x128xf32> to vector<400x128xf32>
    %add3A_276 = arith.addf %get3A_269, %get3A_275 : vector<400x128xf32>
    %mul3A_277 = vector.broadcast %div3A_263 : vector<400x1xf32> to vector<400x128xf32>
    %mul3A_278 = arith.mulf %add3A_276, %mul3A_277 : vector<400x128xf32>
    %get3A_279 = arith.constant 0 : index
    %get3A_280 = arith.constant 8 : index
    %get3A_281 = arith.constant 0 : index
    %get3A_282 = arith.constant 0 : index
    %get3A_283 = vector.load %arg2[%get3A_279, %get3A_280, %get3A_281, %get3A_282] : memref<2x10x400x16xf32, #tpu.memory_space<vmem>>, vector<1x1x400x1xf32>
    %get3A_284 = vector.shape_cast %get3A_283 : vector<1x1x400x1xf32> to vector<400x1xf32>
    %get3A_285 = arith.constant 1 : index
    %get3A_286 = arith.constant 8 : index
    %get3A_287 = arith.constant 0 : index
    %get3A_288 = arith.constant 0 : index
    %get3A_289 = vector.load %arg2[%get3A_285, %get3A_286, %get3A_287, %get3A_288] : memref<2x10x400x16xf32, #tpu.memory_space<vmem>>, vector<1x1x400x1xf32>
    %get3A_290 = vector.shape_cast %get3A_289 : vector<1x1x400x1xf32> to vector<400x1xf32>
    %add3A_291 = arith.addf %get3A_284, %get3A_290 : vector<400x1xf32>
    %max3A_292 = arith.constant 1.000000e+00 : f32
    %max3A_293 = vector.broadcast %max3A_292 : f32 to vector<400x1xf32>
    %max3A_294 = arith.maximumf %add3A_291, %max3A_293 : vector<400x1xf32>
    %div3A_295 = arith.constant 1.000000e+00 : f32
    %div3A_296 = vector.broadcast %div3A_295 : f32 to vector<400x1xf32>
    %div3A_297 = arith.divf %div3A_296, %max3A_294 : vector<400x1xf32>
    %get3A_298 = arith.constant 0 : index
    %get3A_299 = arith.constant 8 : index
    %get3A_300 = arith.constant 0 : index
    %get3A_301 = arith.constant 0 : index
    %get3A_302 = vector.load %arg1[%get3A_298, %get3A_299, %get3A_300, %get3A_301] : memref<2x10x400x128xf32, #tpu.memory_space<vmem>>, vector<1x1x400x128xf32>
    %get3A_303 = vector.shape_cast %get3A_302 : vector<1x1x400x128xf32> to vector<400x128xf32>
    %get3A_304 = arith.constant 1 : index
    %get3A_305 = arith.constant 8 : index
    %get3A_306 = arith.constant 0 : index
    %get3A_307 = arith.constant 0 : index
    %get3A_308 = vector.load %arg1[%get3A_304, %get3A_305, %get3A_306, %get3A_307] : memref<2x10x400x128xf32, #tpu.memory_space<vmem>>, vector<1x1x400x128xf32>
    %get3A_309 = vector.shape_cast %get3A_308 : vector<1x1x400x128xf32> to vector<400x128xf32>
    %add3A_310 = arith.addf %get3A_303, %get3A_309 : vector<400x128xf32>
    %mul3A_311 = vector.broadcast %div3A_297 : vector<400x1xf32> to vector<400x128xf32>
    %mul3A_312 = arith.mulf %add3A_310, %mul3A_311 : vector<400x128xf32>
    %get3A_313 = arith.constant 0 : index
    %get3A_314 = arith.constant 9 : index
    %get3A_315 = arith.constant 0 : index
    %get3A_316 = arith.constant 0 : index
    %get3A_317 = vector.load %arg2[%get3A_313, %get3A_314, %get3A_315, %get3A_316] : memref<2x10x400x16xf32, #tpu.memory_space<vmem>>, vector<1x1x400x1xf32>
    %get3A_318 = vector.shape_cast %get3A_317 : vector<1x1x400x1xf32> to vector<400x1xf32>
    %get3A_319 = arith.constant 1 : index
    %get3A_320 = arith.constant 9 : index
    %get3A_321 = arith.constant 0 : index
    %get3A_322 = arith.constant 0 : index
    %get3A_323 = vector.load %arg2[%get3A_319, %get3A_320, %get3A_321, %get3A_322] : memref<2x10x400x16xf32, #tpu.memory_space<vmem>>, vector<1x1x400x1xf32>
    %get3A_324 = vector.shape_cast %get3A_323 : vector<1x1x400x1xf32> to vector<400x1xf32>
    %add3A_325 = arith.addf %get3A_318, %get3A_324 : vector<400x1xf32>
    %max3A_326 = arith.constant 1.000000e+00 : f32
    %max3A_327 = vector.broadcast %max3A_326 : f32 to vector<400x1xf32>
    %max3A_328 = arith.maximumf %add3A_325, %max3A_327 : vector<400x1xf32>
    %div3A_329 = arith.constant 1.000000e+00 : f32
    %div3A_330 = vector.broadcast %div3A_329 : f32 to vector<400x1xf32>
    %div3A_331 = arith.divf %div3A_330, %max3A_328 : vector<400x1xf32>
    %get3A_332 = arith.constant 0 : index
    %get3A_333 = arith.constant 9 : index
    %get3A_334 = arith.constant 0 : index
    %get3A_335 = arith.constant 0 : index
    %get3A_336 = vector.load %arg1[%get3A_332, %get3A_333, %get3A_334, %get3A_335] : memref<2x10x400x128xf32, #tpu.memory_space<vmem>>, vector<1x1x400x128xf32>
    %get3A_337 = vector.shape_cast %get3A_336 : vector<1x1x400x128xf32> to vector<400x128xf32>
    %get3A_338 = arith.constant 1 : index
    %get3A_339 = arith.constant 9 : index
    %get3A_340 = arith.constant 0 : index
    %get3A_341 = arith.constant 0 : index
    %get3A_342 = vector.load %arg1[%get3A_338, %get3A_339, %get3A_340, %get3A_341] : memref<2x10x400x128xf32, #tpu.memory_space<vmem>>, vector<1x1x400x128xf32>
    %get3A_343 = vector.shape_cast %get3A_342 : vector<1x1x400x128xf32> to vector<400x128xf32>
    %add3A_344 = arith.addf %get3A_337, %get3A_343 : vector<400x128xf32>
    %mul3A_345 = vector.broadcast %div3A_331 : vector<400x1xf32> to vector<400x128xf32>
    %mul3A_346 = arith.mulf %add3A_344, %mul3A_345 : vector<400x128xf32>
    %get3A_347 = arith.constant 0 : index
    %get3A_348 = arith.constant 0 : index
    %get3A_349 = memref.load %arg4[%get3A_347, %get3A_348] : memref<10x4xf32, #tpu.memory_space<smem>>
    %mul3A_350 = vector.broadcast %get3A_349 : f32 to vector<400x128xf32>
    %mul3A_351 = arith.mulf %mul3A_40, %mul3A_350 : vector<400x128xf32>
    %get3A_352 = arith.constant 1 : index
    %get3A_353 = arith.constant 0 : index
    %get3A_354 = memref.load %arg4[%get3A_352, %get3A_353] : memref<10x4xf32, #tpu.memory_space<smem>>
    %mul3A_355 = vector.broadcast %get3A_354 : f32 to vector<400x128xf32>
    %mul3A_356 = arith.mulf %mul3A_74, %mul3A_355 : vector<400x128xf32>
    %add3A_357 = arith.addf %mul3A_351, %mul3A_356 : vector<400x128xf32>
    %get3A_358 = arith.constant 2 : index
    %get3A_359 = arith.constant 0 : index
    %get3A_360 = memref.load %arg4[%get3A_358, %get3A_359] : memref<10x4xf32, #tpu.memory_space<smem>>
    %mul3A_361 = vector.broadcast %get3A_360 : f32 to vector<400x128xf32>
    %mul3A_362 = arith.mulf %mul3A_108, %mul3A_361 : vector<400x128xf32>
    %add3A_363 = arith.addf %add3A_357, %mul3A_362 : vector<400x128xf32>
    %get3A_364 = arith.constant 3 : index
    %get3A_365 = arith.constant 0 : index
    %get3A_366 = memref.load %arg4[%get3A_364, %get3A_365] : memref<10x4xf32, #tpu.memory_space<smem>>
    %mul3A_367 = vector.broadcast %get3A_366 : f32 to vector<400x128xf32>
    %mul3A_368 = arith.mulf %mul3A_142, %mul3A_367 : vector<400x128xf32>
    %add3A_369 = arith.addf %add3A_363, %mul3A_368 : vector<400x128xf32>
    %get3A_370 = arith.constant 4 : index
    %get3A_371 = arith.constant 0 : index
    %get3A_372 = memref.load %arg4[%get3A_370, %get3A_371] : memref<10x4xf32, #tpu.memory_space<smem>>
    %mul3A_373 = vector.broadcast %get3A_372 : f32 to vector<400x128xf32>
    %mul3A_374 = arith.mulf %mul3A_176, %mul3A_373 : vector<400x128xf32>
    %add3A_375 = arith.addf %add3A_369, %mul3A_374 : vector<400x128xf32>
    %get3A_376 = arith.constant 5 : index
    %get3A_377 = arith.constant 0 : index
    %get3A_378 = memref.load %arg4[%get3A_376, %get3A_377] : memref<10x4xf32, #tpu.memory_space<smem>>
    %mul3A_379 = vector.broadcast %get3A_378 : f32 to vector<400x128xf32>
    %mul3A_380 = arith.mulf %mul3A_210, %mul3A_379 : vector<400x128xf32>
    %add3A_381 = arith.addf %add3A_375, %mul3A_380 : vector<400x128xf32>
    %get3A_382 = arith.constant 6 : index
    %get3A_383 = arith.constant 0 : index
    %get3A_384 = memref.load %arg4[%get3A_382, %get3A_383] : memref<10x4xf32, #tpu.memory_space<smem>>
    %mul3A_385 = vector.broadcast %get3A_384 : f32 to vector<400x128xf32>
    %mul3A_386 = arith.mulf %mul3A_244, %mul3A_385 : vector<400x128xf32>
    %add3A_387 = arith.addf %add3A_381, %mul3A_386 : vector<400x128xf32>
    %get3A_388 = arith.constant 7 : index
    %get3A_389 = arith.constant 0 : index
    %get3A_390 = memref.load %arg4[%get3A_388, %get3A_389] : memref<10x4xf32, #tpu.memory_space<smem>>
    %mul3A_391 = vector.broadcast %get3A_390 : f32 to vector<400x128xf32>
    %mul3A_392 = arith.mulf %mul3A_278, %mul3A_391 : vector<400x128xf32>
    %add3A_393 = arith.addf %add3A_387, %mul3A_392 : vector<400x128xf32>
    %get3A_394 = arith.constant 8 : index
    %get3A_395 = arith.constant 0 : index
    %get3A_396 = memref.load %arg4[%get3A_394, %get3A_395] : memref<10x4xf32, #tpu.memory_space<smem>>
    %mul3A_397 = vector.broadcast %get3A_396 : f32 to vector<400x128xf32>
    %mul3A_398 = arith.mulf %mul3A_312, %mul3A_397 : vector<400x128xf32>
    %add3A_399 = arith.addf %add3A_393, %mul3A_398 : vector<400x128xf32>
    %get3A_400 = arith.constant 9 : index
    %get3A_401 = arith.constant 0 : index
    %get3A_402 = memref.load %arg4[%get3A_400, %get3A_401] : memref<10x4xf32, #tpu.memory_space<smem>>
    %mul3A_403 = vector.broadcast %get3A_402 : f32 to vector<400x128xf32>
    %mul3A_404 = arith.mulf %mul3A_346, %mul3A_403 : vector<400x128xf32>
    %add3A_405 = arith.addf %add3A_399, %mul3A_404 : vector<400x128xf32>
    %get3A_406 = arith.constant 0 : index
    %get3A_407 = arith.constant 0 : index
    %get3A_408 = arith.constant 0 : index
    %get3A_409 = vector.load %arg5[%get3A_406, %get3A_407, %get3A_408] : memref<4x128x128xf32, #tpu.memory_space<vmem>>, vector<1x128x128xf32>
    %get3A_410 = vector.shape_cast %get3A_409 : vector<1x128x128xf32> to vector<128x128xf32>
    %dot_general3A_411 = arith.constant dense<0.000000e+00> : vector<400x128xf32>
    %dot_general3A_412 = tpu.matmul %add3A_405, %get3A_410, %dot_general3A_411 {dimension_numbers = #tpu.dot_dimension_numbers<[1], [0], [0], [1], [0, 0, 1, 1], [], []>, precision = #tpu.contract_precision<fp32>, transpose_lhs_hint = false} : vector<400x128xf32>, vector<128x128xf32>, vector<400x128xf32> -> vector<400x128xf32>
    %add3A_413 = arith.addf %add3A_9, %dot_general3A_412 : vector<400x128xf32>
    %get3A_414 = arith.constant 0 : index
    %get3A_415 = arith.constant 1 : index
    %get3A_416 = memref.load %arg4[%get3A_414, %get3A_415] : memref<10x4xf32, #tpu.memory_space<smem>>
    %mul3A_417 = vector.broadcast %get3A_416 : f32 to vector<400x128xf32>
    %mul3A_418 = arith.mulf %mul3A_40, %mul3A_417 : vector<400x128xf32>
    %get3A_419 = arith.constant 1 : index
    %get3A_420 = arith.constant 1 : index
    %get3A_421 = memref.load %arg4[%get3A_419, %get3A_420] : memref<10x4xf32, #tpu.memory_space<smem>>
    %mul3A_422 = vector.broadcast %get3A_421 : f32 to vector<400x128xf32>
    %mul3A_423 = arith.mulf %mul3A_74, %mul3A_422 : vector<400x128xf32>
    %add3A_424 = arith.addf %mul3A_418, %mul3A_423 : vector<400x128xf32>
    %get3A_425 = arith.constant 2 : index
    %get3A_426 = arith.constant 1 : index
    %get3A_427 = memref.load %arg4[%get3A_425, %get3A_426] : memref<10x4xf32, #tpu.memory_space<smem>>
    %mul3A_428 = vector.broadcast %get3A_427 : f32 to vector<400x128xf32>
    %mul3A_429 = arith.mulf %mul3A_108, %mul3A_428 : vector<400x128xf32>
    %add3A_430 = arith.addf %add3A_424, %mul3A_429 : vector<400x128xf32>
    %get3A_431 = arith.constant 3 : index
    %get3A_432 = arith.constant 1 : index
    %get3A_433 = memref.load %arg4[%get3A_431, %get3A_432] : memref<10x4xf32, #tpu.memory_space<smem>>
    %mul3A_434 = vector.broadcast %get3A_433 : f32 to vector<400x128xf32>
    %mul3A_435 = arith.mulf %mul3A_142, %mul3A_434 : vector<400x128xf32>
    %add3A_436 = arith.addf %add3A_430, %mul3A_435 : vector<400x128xf32>
    %get3A_437 = arith.constant 4 : index
    %get3A_438 = arith.constant 1 : index
    %get3A_439 = memref.load %arg4[%get3A_437, %get3A_438] : memref<10x4xf32, #tpu.memory_space<smem>>
    %mul3A_440 = vector.broadcast %get3A_439 : f32 to vector<400x128xf32>
    %mul3A_441 = arith.mulf %mul3A_176, %mul3A_440 : vector<400x128xf32>
    %add3A_442 = arith.addf %add3A_436, %mul3A_441 : vector<400x128xf32>
    %get3A_443 = arith.constant 5 : index
    %get3A_444 = arith.constant 1 : index
    %get3A_445 = memref.load %arg4[%get3A_443, %get3A_444] : memref<10x4xf32, #tpu.memory_space<smem>>
    %mul3A_446 = vector.broadcast %get3A_445 : f32 to vector<400x128xf32>
    %mul3A_447 = arith.mulf %mul3A_210, %mul3A_446 : vector<400x128xf32>
    %add3A_448 = arith.addf %add3A_442, %mul3A_447 : vector<400x128xf32>
    %get3A_449 = arith.constant 6 : index
    %get3A_450 = arith.constant 1 : index
    %get3A_451 = memref.load %arg4[%get3A_449, %get3A_450] : memref<10x4xf32, #tpu.memory_space<smem>>
    %mul3A_452 = vector.broadcast %get3A_451 : f32 to vector<400x128xf32>
    %mul3A_453 = arith.mulf %mul3A_244, %mul3A_452 : vector<400x128xf32>
    %add3A_454 = arith.addf %add3A_448, %mul3A_453 : vector<400x128xf32>
    %get3A_455 = arith.constant 7 : index
    %get3A_456 = arith.constant 1 : index
    %get3A_457 = memref.load %arg4[%get3A_455, %get3A_456] : memref<10x4xf32, #tpu.memory_space<smem>>
    %mul3A_458 = vector.broadcast %get3A_457 : f32 to vector<400x128xf32>
    %mul3A_459 = arith.mulf %mul3A_278, %mul3A_458 : vector<400x128xf32>
    %add3A_460 = arith.addf %add3A_454, %mul3A_459 : vector<400x128xf32>
    %get3A_461 = arith.constant 8 : index
    %get3A_462 = arith.constant 1 : index
    %get3A_463 = memref.load %arg4[%get3A_461, %get3A_462] : memref<10x4xf32, #tpu.memory_space<smem>>
    %mul3A_464 = vector.broadcast %get3A_463 : f32 to vector<400x128xf32>
    %mul3A_465 = arith.mulf %mul3A_312, %mul3A_464 : vector<400x128xf32>
    %add3A_466 = arith.addf %add3A_460, %mul3A_465 : vector<400x128xf32>
    %get3A_467 = arith.constant 9 : index
    %get3A_468 = arith.constant 1 : index
    %get3A_469 = memref.load %arg4[%get3A_467, %get3A_468] : memref<10x4xf32, #tpu.memory_space<smem>>
    %mul3A_470 = vector.broadcast %get3A_469 : f32 to vector<400x128xf32>
    %mul3A_471 = arith.mulf %mul3A_346, %mul3A_470 : vector<400x128xf32>
    %add3A_472 = arith.addf %add3A_466, %mul3A_471 : vector<400x128xf32>
    %get3A_473 = arith.constant 1 : index
    %get3A_474 = arith.constant 0 : index
    %get3A_475 = arith.constant 0 : index
    %get3A_476 = vector.load %arg5[%get3A_473, %get3A_474, %get3A_475] : memref<4x128x128xf32, #tpu.memory_space<vmem>>, vector<1x128x128xf32>
    %get3A_477 = vector.shape_cast %get3A_476 : vector<1x128x128xf32> to vector<128x128xf32>
    %dot_general3A_478 = arith.constant dense<0.000000e+00> : vector<400x128xf32>
    %dot_general3A_479 = tpu.matmul %add3A_472, %get3A_477, %dot_general3A_478 {dimension_numbers = #tpu.dot_dimension_numbers<[1], [0], [0], [1], [0, 0, 1, 1], [], []>, precision = #tpu.contract_precision<fp32>, transpose_lhs_hint = false} : vector<400x128xf32>, vector<128x128xf32>, vector<400x128xf32> -> vector<400x128xf32>
    %add3A_480 = arith.addf %add3A_413, %dot_general3A_479 : vector<400x128xf32>
    %get3A_481 = arith.constant 0 : index
    %get3A_482 = arith.constant 2 : index
    %get3A_483 = memref.load %arg4[%get3A_481, %get3A_482] : memref<10x4xf32, #tpu.memory_space<smem>>
    %mul3A_484 = vector.broadcast %get3A_483 : f32 to vector<400x128xf32>
    %mul3A_485 = arith.mulf %mul3A_40, %mul3A_484 : vector<400x128xf32>
    %get3A_486 = arith.constant 1 : index
    %get3A_487 = arith.constant 2 : index
    %get3A_488 = memref.load %arg4[%get3A_486, %get3A_487] : memref<10x4xf32, #tpu.memory_space<smem>>
    %mul3A_489 = vector.broadcast %get3A_488 : f32 to vector<400x128xf32>
    %mul3A_490 = arith.mulf %mul3A_74, %mul3A_489 : vector<400x128xf32>
    %add3A_491 = arith.addf %mul3A_485, %mul3A_490 : vector<400x128xf32>
    %get3A_492 = arith.constant 2 : index
    %get3A_493 = arith.constant 2 : index
    %get3A_494 = memref.load %arg4[%get3A_492, %get3A_493] : memref<10x4xf32, #tpu.memory_space<smem>>
    %mul3A_495 = vector.broadcast %get3A_494 : f32 to vector<400x128xf32>
    %mul3A_496 = arith.mulf %mul3A_108, %mul3A_495 : vector<400x128xf32>
    %add3A_497 = arith.addf %add3A_491, %mul3A_496 : vector<400x128xf32>
    %get3A_498 = arith.constant 3 : index
    %get3A_499 = arith.constant 2 : index
    %get3A_500 = memref.load %arg4[%get3A_498, %get3A_499] : memref<10x4xf32, #tpu.memory_space<smem>>
    %mul3A_501 = vector.broadcast %get3A_500 : f32 to vector<400x128xf32>
    %mul3A_502 = arith.mulf %mul3A_142, %mul3A_501 : vector<400x128xf32>
    %add3A_503 = arith.addf %add3A_497, %mul3A_502 : vector<400x128xf32>
    %get3A_504 = arith.constant 4 : index
    %get3A_505 = arith.constant 2 : index
    %get3A_506 = memref.load %arg4[%get3A_504, %get3A_505] : memref<10x4xf32, #tpu.memory_space<smem>>
    %mul3A_507 = vector.broadcast %get3A_506 : f32 to vector<400x128xf32>
    %mul3A_508 = arith.mulf %mul3A_176, %mul3A_507 : vector<400x128xf32>
    %add3A_509 = arith.addf %add3A_503, %mul3A_508 : vector<400x128xf32>
    %get3A_510 = arith.constant 5 : index
    %get3A_511 = arith.constant 2 : index
    %get3A_512 = memref.load %arg4[%get3A_510, %get3A_511] : memref<10x4xf32, #tpu.memory_space<smem>>
    %mul3A_513 = vector.broadcast %get3A_512 : f32 to vector<400x128xf32>
    %mul3A_514 = arith.mulf %mul3A_210, %mul3A_513 : vector<400x128xf32>
    %add3A_515 = arith.addf %add3A_509, %mul3A_514 : vector<400x128xf32>
    %get3A_516 = arith.constant 6 : index
    %get3A_517 = arith.constant 2 : index
    %get3A_518 = memref.load %arg4[%get3A_516, %get3A_517] : memref<10x4xf32, #tpu.memory_space<smem>>
    %mul3A_519 = vector.broadcast %get3A_518 : f32 to vector<400x128xf32>
    %mul3A_520 = arith.mulf %mul3A_244, %mul3A_519 : vector<400x128xf32>
    %add3A_521 = arith.addf %add3A_515, %mul3A_520 : vector<400x128xf32>
    %get3A_522 = arith.constant 7 : index
    %get3A_523 = arith.constant 2 : index
    %get3A_524 = memref.load %arg4[%get3A_522, %get3A_523] : memref<10x4xf32, #tpu.memory_space<smem>>
    %mul3A_525 = vector.broadcast %get3A_524 : f32 to vector<400x128xf32>
    %mul3A_526 = arith.mulf %mul3A_278, %mul3A_525 : vector<400x128xf32>
    %add3A_527 = arith.addf %add3A_521, %mul3A_526 : vector<400x128xf32>
    %get3A_528 = arith.constant 8 : index
    %get3A_529 = arith.constant 2 : index
    %get3A_530 = memref.load %arg4[%get3A_528, %get3A_529] : memref<10x4xf32, #tpu.memory_space<smem>>
    %mul3A_531 = vector.broadcast %get3A_530 : f32 to vector<400x128xf32>
    %mul3A_532 = arith.mulf %mul3A_312, %mul3A_531 : vector<400x128xf32>
    %add3A_533 = arith.addf %add3A_527, %mul3A_532 : vector<400x128xf32>
    %get3A_534 = arith.constant 9 : index
    %get3A_535 = arith.constant 2 : index
    %get3A_536 = memref.load %arg4[%get3A_534, %get3A_535] : memref<10x4xf32, #tpu.memory_space<smem>>
    %mul3A_537 = vector.broadcast %get3A_536 : f32 to vector<400x128xf32>
    %mul3A_538 = arith.mulf %mul3A_346, %mul3A_537 : vector<400x128xf32>
    %add3A_539 = arith.addf %add3A_533, %mul3A_538 : vector<400x128xf32>
    %get3A_540 = arith.constant 2 : index
    %get3A_541 = arith.constant 0 : index
    %get3A_542 = arith.constant 0 : index
    %get3A_543 = vector.load %arg5[%get3A_540, %get3A_541, %get3A_542] : memref<4x128x128xf32, #tpu.memory_space<vmem>>, vector<1x128x128xf32>
    %get3A_544 = vector.shape_cast %get3A_543 : vector<1x128x128xf32> to vector<128x128xf32>
    %dot_general3A_545 = arith.constant dense<0.000000e+00> : vector<400x128xf32>
    %dot_general3A_546 = tpu.matmul %add3A_539, %get3A_544, %dot_general3A_545 {dimension_numbers = #tpu.dot_dimension_numbers<[1], [0], [0], [1], [0, 0, 1, 1], [], []>, precision = #tpu.contract_precision<fp32>, transpose_lhs_hint = false} : vector<400x128xf32>, vector<128x128xf32>, vector<400x128xf32> -> vector<400x128xf32>
    %add3A_547 = arith.addf %add3A_480, %dot_general3A_546 : vector<400x128xf32>
    %get3A_548 = arith.constant 0 : index
    %get3A_549 = arith.constant 3 : index
    %get3A_550 = memref.load %arg4[%get3A_548, %get3A_549] : memref<10x4xf32, #tpu.memory_space<smem>>
    %mul3A_551 = vector.broadcast %get3A_550 : f32 to vector<400x128xf32>
    %mul3A_552 = arith.mulf %mul3A_40, %mul3A_551 : vector<400x128xf32>
    %get3A_553 = arith.constant 1 : index
    %get3A_554 = arith.constant 3 : index
    %get3A_555 = memref.load %arg4[%get3A_553, %get3A_554] : memref<10x4xf32, #tpu.memory_space<smem>>
    %mul3A_556 = vector.broadcast %get3A_555 : f32 to vector<400x128xf32>
    %mul3A_557 = arith.mulf %mul3A_74, %mul3A_556 : vector<400x128xf32>
    %add3A_558 = arith.addf %mul3A_552, %mul3A_557 : vector<400x128xf32>
    %get3A_559 = arith.constant 2 : index
    %get3A_560 = arith.constant 3 : index
    %get3A_561 = memref.load %arg4[%get3A_559, %get3A_560] : memref<10x4xf32, #tpu.memory_space<smem>>
    %mul3A_562 = vector.broadcast %get3A_561 : f32 to vector<400x128xf32>
    %mul3A_563 = arith.mulf %mul3A_108, %mul3A_562 : vector<400x128xf32>
    %add3A_564 = arith.addf %add3A_558, %mul3A_563 : vector<400x128xf32>
    %get3A_565 = arith.constant 3 : index
    %get3A_566 = arith.constant 3 : index
    %get3A_567 = memref.load %arg4[%get3A_565, %get3A_566] : memref<10x4xf32, #tpu.memory_space<smem>>
    %mul3A_568 = vector.broadcast %get3A_567 : f32 to vector<400x128xf32>
    %mul3A_569 = arith.mulf %mul3A_142, %mul3A_568 : vector<400x128xf32>
    %add3A_570 = arith.addf %add3A_564, %mul3A_569 : vector<400x128xf32>
    %get3A_571 = arith.constant 4 : index
    %get3A_572 = arith.constant 3 : index
    %get3A_573 = memref.load %arg4[%get3A_571, %get3A_572] : memref<10x4xf32, #tpu.memory_space<smem>>
    %mul3A_574 = vector.broadcast %get3A_573 : f32 to vector<400x128xf32>
    %mul3A_575 = arith.mulf %mul3A_176, %mul3A_574 : vector<400x128xf32>
    %add3A_576 = arith.addf %add3A_570, %mul3A_575 : vector<400x128xf32>
    %get3A_577 = arith.constant 5 : index
    %get3A_578 = arith.constant 3 : index
    %get3A_579 = memref.load %arg4[%get3A_577, %get3A_578] : memref<10x4xf32, #tpu.memory_space<smem>>
    %mul3A_580 = vector.broadcast %get3A_579 : f32 to vector<400x128xf32>
    %mul3A_581 = arith.mulf %mul3A_210, %mul3A_580 : vector<400x128xf32>
    %add3A_582 = arith.addf %add3A_576, %mul3A_581 : vector<400x128xf32>
    %get3A_583 = arith.constant 6 : index
    %get3A_584 = arith.constant 3 : index
    %get3A_585 = memref.load %arg4[%get3A_583, %get3A_584] : memref<10x4xf32, #tpu.memory_space<smem>>
    %mul3A_586 = vector.broadcast %get3A_585 : f32 to vector<400x128xf32>
    %mul3A_587 = arith.mulf %mul3A_244, %mul3A_586 : vector<400x128xf32>
    %add3A_588 = arith.addf %add3A_582, %mul3A_587 : vector<400x128xf32>
    %get3A_589 = arith.constant 7 : index
    %get3A_590 = arith.constant 3 : index
    %get3A_591 = memref.load %arg4[%get3A_589, %get3A_590] : memref<10x4xf32, #tpu.memory_space<smem>>
    %mul3A_592 = vector.broadcast %get3A_591 : f32 to vector<400x128xf32>
    %mul3A_593 = arith.mulf %mul3A_278, %mul3A_592 : vector<400x128xf32>
    %add3A_594 = arith.addf %add3A_588, %mul3A_593 : vector<400x128xf32>
    %get3A_595 = arith.constant 8 : index
    %get3A_596 = arith.constant 3 : index
    %get3A_597 = memref.load %arg4[%get3A_595, %get3A_596] : memref<10x4xf32, #tpu.memory_space<smem>>
    %mul3A_598 = vector.broadcast %get3A_597 : f32 to vector<400x128xf32>
    %mul3A_599 = arith.mulf %mul3A_312, %mul3A_598 : vector<400x128xf32>
    %add3A_600 = arith.addf %add3A_594, %mul3A_599 : vector<400x128xf32>
    %get3A_601 = arith.constant 9 : index
    %get3A_602 = arith.constant 3 : index
    %get3A_603 = memref.load %arg4[%get3A_601, %get3A_602] : memref<10x4xf32, #tpu.memory_space<smem>>
    %mul3A_604 = vector.broadcast %get3A_603 : f32 to vector<400x128xf32>
    %mul3A_605 = arith.mulf %mul3A_346, %mul3A_604 : vector<400x128xf32>
    %add3A_606 = arith.addf %add3A_600, %mul3A_605 : vector<400x128xf32>
    %get3A_607 = arith.constant 3 : index
    %get3A_608 = arith.constant 0 : index
    %get3A_609 = arith.constant 0 : index
    %get3A_610 = vector.load %arg5[%get3A_607, %get3A_608, %get3A_609] : memref<4x128x128xf32, #tpu.memory_space<vmem>>, vector<1x128x128xf32>
    %get3A_611 = vector.shape_cast %get3A_610 : vector<1x128x128xf32> to vector<128x128xf32>
    %dot_general3A_612 = arith.constant dense<0.000000e+00> : vector<400x128xf32>
    %dot_general3A_613 = tpu.matmul %add3A_606, %get3A_611, %dot_general3A_612 {dimension_numbers = #tpu.dot_dimension_numbers<[1], [0], [0], [1], [0, 0, 1, 1], [], []>, precision = #tpu.contract_precision<fp32>, transpose_lhs_hint = false} : vector<400x128xf32>, vector<128x128xf32>, vector<400x128xf32> -> vector<400x128xf32>
    %add3A_614 = arith.addf %add3A_547, %dot_general3A_613 : vector<400x128xf32>
    %reduce_sum3A = arith.constant dense<0.000000e+00> : vector<400xf32>
    %reduce_sum3A_615 = vector.multi_reduction <add>, %add3A_614, %reduce_sum3A [1] : vector<400x128xf32> to vector<400xf32>
    %broadcast_in_dim3A = vector.shape_cast %reduce_sum3A_615 : vector<400xf32> to vector<400x1xf32>
    %div3A_616 = arith.constant 1.280000e+02 : f32
    %div3A_617 = vector.broadcast %div3A_616 : f32 to vector<400x1xf32>
    %div3A_618 = arith.divf %broadcast_in_dim3A, %div3A_617 : vector<400x1xf32>
    %sub3A = vector.broadcast %div3A_618 : vector<400x1xf32> to vector<400x128xf32>
    %sub3A_619 = arith.subf %add3A_614, %sub3A : vector<400x128xf32>
    %mul3A_620 = arith.mulf %sub3A_619, %sub3A_619 : vector<400x128xf32>
    %reduce_sum3A_621 = arith.constant dense<0.000000e+00> : vector<400xf32>
    %reduce_sum3A_622 = vector.multi_reduction <add>, %mul3A_620, %reduce_sum3A_621 [1] : vector<400x128xf32> to vector<400xf32>
    %broadcast_in_dim3A_623 = vector.shape_cast %reduce_sum3A_622 : vector<400xf32> to vector<400x1xf32>
    %div3A_624 = arith.constant 1.280000e+02 : f32
    %div3A_625 = vector.broadcast %div3A_624 : f32 to vector<400x1xf32>
    %div3A_626 = arith.divf %broadcast_in_dim3A_623, %div3A_625 : vector<400x1xf32>
    %add3A_627 = arith.constant 9.99999974E-6 : f32
    %add3A_628 = vector.broadcast %add3A_627 : f32 to vector<400x1xf32>
    %add3A_629 = arith.addf %div3A_626, %add3A_628 : vector<400x1xf32>
    %rsqrt3A = math.rsqrt %add3A_629 : vector<400x1xf32>
    %mul3A_630 = vector.broadcast %rsqrt3A : vector<400x1xf32> to vector<400x128xf32>
    %mul3A_631 = arith.mulf %sub3A_619, %mul3A_630 : vector<400x128xf32>
    %get3A_632 = arith.constant 0 : index
    %get3A_633 = arith.constant 0 : index
    %get3A_634 = vector.load %arg8[%get3A_632, %get3A_633] : memref<1x128xf32, #tpu.memory_space<vmem>>, vector<1x128xf32>
    %mul3A_635 = vector.broadcast %get3A_634 : vector<1x128xf32> to vector<400x128xf32>
    %mul3A_636 = arith.mulf %mul3A_631, %mul3A_635 : vector<400x128xf32>
    %get3A_637 = arith.constant 0 : index
    %get3A_638 = arith.constant 0 : index
    %get3A_639 = vector.load %arg9[%get3A_637, %get3A_638] : memref<1x128xf32, #tpu.memory_space<vmem>>, vector<1x128xf32>
    %add3A_640 = vector.broadcast %get3A_639 : vector<1x128xf32> to vector<400x128xf32>
    %add3A_641 = arith.addf %mul3A_636, %add3A_640 : vector<400x128xf32>
    %max3A_642 = arith.constant 0.000000e+00 : f32
    %max3A_643 = vector.broadcast %max3A_642 : f32 to vector<400x128xf32>
    %max3A_644 = arith.maximumf %add3A_641, %max3A_643 : vector<400x128xf32>
    %add3A_645 = arith.addf %get3A_1, %max3A_644 : vector<400x128xf32>
    %swap3A = arith.constant 0 : index
    %swap3A_646 = arith.constant 0 : index
    %swap3A_647 = vector.load %arg10[%swap3A, %swap3A_646] : memref<400x128xf32, #tpu.memory_space<vmem>>, vector<400x128xf32>
    tpu.vector_store %arg10[%swap3A, %swap3A_646], %add3A_645 {strides = array<i32>} : memref<400x128xf32, #tpu.memory_space<vmem>>, vector<400x128xf32>,
    %slice3A = vector.extract_strided_slice %add3A_645 {offsets = [0, 0], sizes = [400, 16], strides = [1, 1]} : vector<400x128xf32> to vector<400x16xf32>
    %swap3A_648 = arith.constant 0 : index
    %swap3A_649 = arith.constant 0 : index
    %swap3A_650 = arith.constant 0 : index
    %swap3A_651 = vector.load %arg11[%swap3A_648, %swap3A_649, %swap3A_650] : memref<8x400x16xf32, #tpu.memory_space<vmem>>, vector<1x400x16xf32>
    %swap3A_652 = vector.shape_cast %swap3A_651 : vector<1x400x16xf32> to vector<400x16xf32>
    %swap3A_653 = vector.shape_cast %slice3A : vector<400x16xf32> to vector<1x400x16xf32>
    tpu.vector_store %arg11[%swap3A_648, %swap3A_649, %swap3A_650], %swap3A_653 {strides = array<i32>} : memref<8x400x16xf32, #tpu.memory_space<vmem>>, vector<1x400x16xf32>,
    %slice3A_654 = vector.extract_strided_slice %add3A_645 {offsets = [0, 16], sizes = [400, 16], strides = [1, 1]} : vector<400x128xf32> to vector<400x16xf32>
    %swap3A_655 = arith.constant 1 : index
    %swap3A_656 = arith.constant 0 : index
    %swap3A_657 = arith.constant 0 : index
    %swap3A_658 = vector.load %arg11[%swap3A_655, %swap3A_656, %swap3A_657] : memref<8x400x16xf32, #tpu.memory_space<vmem>>, vector<1x400x16xf32>
    %swap3A_659 = vector.shape_cast %swap3A_658 : vector<1x400x16xf32> to vector<400x16xf32>
    %swap3A_660 = vector.shape_cast %slice3A_654 : vector<400x16xf32> to vector<1x400x16xf32>
    tpu.vector_store %arg11[%swap3A_655, %swap3A_656, %swap3A_657], %swap3A_660 {strides = array<i32>} : memref<8x400x16xf32, #tpu.memory_space<vmem>>, vector<1x400x16xf32>,
    %slice3A_661 = vector.extract_strided_slice %add3A_645 {offsets = [0, 32], sizes = [400, 16], strides = [1, 1]} : vector<400x128xf32> to vector<400x16xf32>
    %swap3A_662 = arith.constant 2 : index
    %swap3A_663 = arith.constant 0 : index
    %swap3A_664 = arith.constant 0 : index
    %swap3A_665 = vector.load %arg11[%swap3A_662, %swap3A_663, %swap3A_664] : memref<8x400x16xf32, #tpu.memory_space<vmem>>, vector<1x400x16xf32>
    %swap3A_666 = vector.shape_cast %swap3A_665 : vector<1x400x16xf32> to vector<400x16xf32>
    %swap3A_667 = vector.shape_cast %slice3A_661 : vector<400x16xf32> to vector<1x400x16xf32>
    tpu.vector_store %arg11[%swap3A_662, %swap3A_663, %swap3A_664], %swap3A_667 {strides = array<i32>} : memref<8x400x16xf32, #tpu.memory_space<vmem>>, vector<1x400x16xf32>,
    %slice3A_668 = vector.extract_strided_slice %add3A_645 {offsets = [0, 48], sizes = [400, 16], strides = [1, 1]} : vector<400x128xf32> to vector<400x16xf32>
    %swap3A_669 = arith.constant 3 : index
    %swap3A_670 = arith.constant 0 : index
    %swap3A_671 = arith.constant 0 : index
    %swap3A_672 = vector.load %arg11[%swap3A_669, %swap3A_670, %swap3A_671] : memref<8x400x16xf32, #tpu.memory_space<vmem>>, vector<1x400x16xf32>
    %swap3A_673 = vector.shape_cast %swap3A_672 : vector<1x400x16xf32> to vector<400x16xf32>
    %swap3A_674 = vector.shape_cast %slice3A_668 : vector<400x16xf32> to vector<1x400x16xf32>
    tpu.vector_store %arg11[%swap3A_669, %swap3A_670, %swap3A_671], %swap3A_674 {strides = array<i32>} : memref<8x400x16xf32, #tpu.memory_space<vmem>>, vector<1x400x16xf32>,
    %slice3A_675 = vector.extract_strided_slice %add3A_645 {offsets = [0, 64], sizes = [400, 16], strides = [1, 1]} : vector<400x128xf32> to vector<400x16xf32>
    %swap3A_676 = arith.constant 4 : index
    %swap3A_677 = arith.constant 0 : index
    %swap3A_678 = arith.constant 0 : index
    %swap3A_679 = vector.load %arg11[%swap3A_676, %swap3A_677, %swap3A_678] : memref<8x400x16xf32, #tpu.memory_space<vmem>>, vector<1x400x16xf32>
    %swap3A_680 = vector.shape_cast %swap3A_679 : vector<1x400x16xf32> to vector<400x16xf32>
    %swap3A_681 = vector.shape_cast %slice3A_675 : vector<400x16xf32> to vector<1x400x16xf32>
    tpu.vector_store %arg11[%swap3A_676, %swap3A_677, %swap3A_678], %swap3A_681 {strides = array<i32>} : memref<8x400x16xf32, #tpu.memory_space<vmem>>, vector<1x400x16xf32>,
    %slice3A_682 = vector.extract_strided_slice %add3A_645 {offsets = [0, 80], sizes = [400, 16], strides = [1, 1]} : vector<400x128xf32> to vector<400x16xf32>
    %swap3A_683 = arith.constant 5 : index
    %swap3A_684 = arith.constant 0 : index
    %swap3A_685 = arith.constant 0 : index
    %swap3A_686 = vector.load %arg11[%swap3A_683, %swap3A_684, %swap3A_685] : memref<8x400x16xf32, #tpu.memory_space<vmem>>, vector<1x400x16xf32>
    %swap3A_687 = vector.shape_cast %swap3A_686 : vector<1x400x16xf32> to vector<400x16xf32>
    %swap3A_688 = vector.shape_cast %slice3A_682 : vector<400x16xf32> to vector<1x400x16xf32>
    tpu.vector_store %arg11[%swap3A_683, %swap3A_684, %swap3A_685], %swap3A_688 {strides = array<i32>} : memref<8x400x16xf32, #tpu.memory_space<vmem>>, vector<1x400x16xf32>,
    %slice3A_689 = vector.extract_strided_slice %add3A_645 {offsets = [0, 96], sizes = [400, 16], strides = [1, 1]} : vector<400x128xf32> to vector<400x16xf32>
    %swap3A_690 = arith.constant 6 : index
    %swap3A_691 = arith.constant 0 : index
    %swap3A_692 = arith.constant 0 : index
    %swap3A_693 = vector.load %arg11[%swap3A_690, %swap3A_691, %swap3A_692] : memref<8x400x16xf32, #tpu.memory_space<vmem>>, vector<1x400x16xf32>
    %swap3A_694 = vector.shape_cast %swap3A_693 : vector<1x400x16xf32> to vector<400x16xf32>
    %swap3A_695 = vector.shape_cast %slice3A_689 : vector<400x16xf32> to vector<1x400x16xf32>
    tpu.vector_store %arg11[%swap3A_690, %swap3A_691, %swap3A_692], %swap3A_695 {strides = array<i32>} : memref<8x400x16xf32, #tpu.memory_space<vmem>>, vector<1x400x16xf32>,
    %slice3A_696 = vector.extract_strided_slice %add3A_645 {offsets = [0, 112], sizes = [400, 16], strides = [1, 1]} : vector<400x128xf32> to vector<400x16xf32>
    %swap3A_697 = arith.constant 7 : index
    %swap3A_698 = arith.constant 0 : index
    %swap3A_699 = arith.constant 0 : index
    %swap3A_700 = vector.load %arg11[%swap3A_697, %swap3A_698, %swap3A_699] : memref<8x400x16xf32, #tpu.memory_space<vmem>>, vector<1x400x16xf32>
    %swap3A_701 = vector.shape_cast %swap3A_700 : vector<1x400x16xf32> to vector<400x16xf32>
    %swap3A_702 = vector.shape_cast %slice3A_696 : vector<400x16xf32> to vector<1x400x16xf32>
    tpu.vector_store %arg11[%swap3A_697, %swap3A_698, %swap3A_699], %swap3A_702 {strides = array<i32>} : memref<8x400x16xf32, #tpu.memory_space<vmem>>, vector<1x400x16xf32>,
    return
  }
  func.func @transform_0(%arg0: i32) -> (i32, i32, i32, i32) {
    %c0_i32 = arith.constant 0 : i32
    %c0_i32_0 = arith.constant 0 : i32
    %c0_i32_1 = arith.constant 0 : i32
    %c0_i32_2 = arith.constant 0 : i32
    return %c0_i32, %c0_i32_0, %arg0, %c0_i32_1 : i32, i32, i32, i32
  }
  func.func @transform_1(%arg0: i32) -> (i32, i32, i32, i32) {
    %c0_i32 = arith.constant 0 : i32
    %c0_i32_0 = arith.constant 0 : i32
    %c0_i32_1 = arith.constant 0 : i32
    %c0_i32_2 = arith.constant 0 : i32
    return %c0_i32, %c0_i32_0, %arg0, %c0_i32_1 : i32, i32, i32, i32
  }
  func.func @transform_2(%arg0: i32) -> (i32, i32) {
    %c0_i32 = arith.constant 0 : i32
    %c0_i32_0 = arith.constant 0 : i32
    return %arg0, %c0_i32 : i32, i32
  }
  func.func @transform_3(%arg0: i32) -> (i32, i32) {
    %c0_i32 = arith.constant 0 : i32
    %c0_i32_0 = arith.constant 0 : i32
    %c0_i32_1 = arith.constant 0 : i32
    return %c0_i32, %c0_i32_0 : i32, i32
  }
  func.func @transform_4(%arg0: i32) -> (i32, i32, i32) {
    %c0_i32 = arith.constant 0 : i32
    %c0_i32_0 = arith.constant 0 : i32
    %c0_i32_1 = arith.constant 0 : i32
    %c0_i32_2 = arith.constant 0 : i32
    return %c0_i32, %c0_i32_0, %c0_i32_1 : i32, i32, i32
  }
  func.func @transform_5(%arg0: i32) -> (i32, i32) {
    %c0_i32 = arith.constant 0 : i32
    %c0_i32_0 = arith.constant 0 : i32
    %c0_i32_1 = arith.constant 0 : i32
    return %c0_i32, %c0_i32_0 : i32, i32
  }
  func.func @transform_6(%arg0: i32) -> (i32, i32) {
    %c0_i32 = arith.constant 0 : i32
    %c0_i32_0 = arith.constant 0 : i32
    %c0_i32_1 = arith.constant 0 : i32
    return %c0_i32, %c0_i32_0 : i32, i32
  }
  func.func @transform_7(%arg0: i32) -> (i32, i32) {
    %c0_i32 = arith.constant 0 : i32
    %c0_i32_0 = arith.constant 0 : i32
    %c0_i32_1 = arith.constant 0 : i32
    return %c0_i32, %c0_i32_0 : i32, i32
  }
  func.func @transform_8(%arg0: i32) -> (i32, i32) {
    %c0_i32 = arith.constant 0 : i32
    %c0_i32_0 = arith.constant 0 : i32
    %c0_i32_1 = arith.constant 0 : i32
    return %c0_i32, %c0_i32_0 : i32, i32
  }
  func.func @transform_9(%arg0: i32) -> (i32, i32) {
    %c0_i32 = arith.constant 0 : i32
    %c0_i32_0 = arith.constant 0 : i32
    return %arg0, %c0_i32 : i32, i32
  }
  func.func @transform_10(%arg0: i32) -> (i32, i32, i32) {
    %c0_i32 = arith.constant 0 : i32
    %c0_i32_0 = arith.constant 0 : i32
    %c0_i32_1 = arith.constant 0 : i32
    return %c0_i32, %arg0, %c0_i32_0 : i32, i32, i32
  }
}

module attributes {stable_mosaic.version = 14 : i64} {
  func.func @body(%arg0: i32, %arg1: memref<2x10x400x128xf32, #tpu.memory_space<vmem>>, %arg2: memref<2x10x400x16xf32, #tpu.memory_space<vmem>>, %arg3: memref<400x128xf32, #tpu.memory_space<vmem>>, %arg4: memref<10x4xf32, #tpu.memory_space<smem>>, %arg5: memref<4x128x128xf32, #tpu.memory_space<vmem>>, %arg6: memref<128x128xf32, #tpu.memory_space<vmem>>, %arg7: memref<1x128xf32, #tpu.memory_space<vmem>>, %arg8: memref<1x128xf32, #tpu.memory_space<vmem>>, %arg9: memref<1x128xf32, #tpu.memory_space<vmem>>, %arg10: memref<128x128xf32, #tpu.memory_space<vmem>>, %arg11: memref<1x128xf32, #tpu.memory_space<vmem>>, %arg12: memref<128x128xf32, #tpu.memory_space<vmem>>, %arg13: memref<1x128xf32, #tpu.memory_space<vmem>>, %arg14: memref<400x128xf32, #tpu.memory_space<vmem>>) attributes {dimension_semantics = [#tpu.dimension_semantics<arbitrary>], iteration_bounds = array<i64: 25>, scalar_prefetch = 0 : i64, scratch_operands = 0 : i64, tpu.core_type = #tpu.core_type<tc>, window_params = [{transform_indices = @transform_0, window_bounds = array<i64: 2, 10, 400, 128>}, {transform_indices = @transform_1, window_bounds = array<i64: 2, 10, 400, 16>}, {transform_indices = @transform_2, window_bounds = array<i64: 400, 128>}, {transform_indices = @transform_3, window_bounds = array<i64: 10, 4>}, {pipeline_mode = #tpu.pipeline_mode<synchronous>, transform_indices = @transform_4, window_bounds = array<i64: 4, 128, 128>}, {pipeline_mode = #tpu.pipeline_mode<synchronous>, transform_indices = @transform_5, window_bounds = array<i64: 128, 128>}, {pipeline_mode = #tpu.pipeline_mode<synchronous>, transform_indices = @transform_6, window_bounds = array<i64: 1, 128>}, {pipeline_mode = #tpu.pipeline_mode<synchronous>, transform_indices = @transform_7, window_bounds = array<i64: 1, 128>}, {pipeline_mode = #tpu.pipeline_mode<synchronous>, transform_indices = @transform_8, window_bounds = array<i64: 1, 128>}, {pipeline_mode = #tpu.pipeline_mode<synchronous>, transform_indices = @transform_9, window_bounds = array<i64: 128, 128>}, {pipeline_mode = #tpu.pipeline_mode<synchronous>, transform_indices = @transform_10, window_bounds = array<i64: 1, 128>}, {pipeline_mode = #tpu.pipeline_mode<synchronous>, transform_indices = @transform_11, window_bounds = array<i64: 128, 128>}, {pipeline_mode = #tpu.pipeline_mode<synchronous>, transform_indices = @transform_12, window_bounds = array<i64: 1, 128>}, {transform_indices = @transform_13, window_bounds = array<i64: 400, 128>}]} {
    %get3A = arith.constant 0 : index
    %get3A_0 = arith.constant 0 : index
    %get3A_1 = vector.load %arg3[%get3A, %get3A_0] : memref<400x128xf32, #tpu.memory_space<vmem>>, vector<400x128xf32>
    %get3A_2 = arith.constant 0 : index
    %get3A_3 = arith.constant 0 : index
    %get3A_4 = vector.load %arg6[%get3A_2, %get3A_3] : memref<128x128xf32, #tpu.memory_space<vmem>>, vector<128x128xf32>
    %dot_general3A = arith.constant dense<0.000000e+00> : vector<400x128xf32>
    %dot_general3A_5 = tpu.matmul %get3A_1, %get3A_4, %dot_general3A {dimension_numbers = #tpu.dot_dimension_numbers<[1], [0], [0], [1], [0, 0, 1, 1], [], []>, precision = #tpu.contract_precision<fp32>, transpose_lhs_hint = false} : vector<400x128xf32>, vector<128x128xf32>, vector<400x128xf32> -> vector<400x128xf32>
    %get3A_6 = arith.constant 0 : index
    %get3A_7 = arith.constant 0 : index
    %get3A_8 = vector.load %arg7[%get3A_6, %get3A_7] : memref<1x128xf32, #tpu.memory_space<vmem>>, vector<1x128xf32>
    %add3A = vector.broadcast %get3A_8 : vector<1x128xf32> to vector<400x128xf32>
    %add3A_9 = arith.addf %dot_general3A_5, %add3A : vector<400x128xf32>
    %get3A_10 = arith.constant 0 : index
    %get3A_11 = arith.constant 0 : index
    %get3A_12 = arith.constant 0 : index
    %get3A_13 = arith.constant 0 : index
    %get3A_14 = vector.load %arg2[%get3A_10, %get3A_11, %get3A_12, %get3A_13] : memref<2x10x400x16xf32, #tpu.memory_space<vmem>>, vector<1x1x400x1xf32>
    %get3A_15 = vector.shape_cast %get3A_14 : vector<1x1x400x1xf32> to vector<400x1xf32>
    %get3A_16 = arith.constant 1 : index
    %get3A_17 = arith.constant 0 : index
    %get3A_18 = arith.constant 0 : index
    %get3A_19 = arith.constant 0 : index
    %get3A_20 = vector.load %arg2[%get3A_16, %get3A_17, %get3A_18, %get3A_19] : memref<2x10x400x16xf32, #tpu.memory_space<vmem>>, vector<1x1x400x1xf32>
    %get3A_21 = vector.shape_cast %get3A_20 : vector<1x1x400x1xf32> to vector<400x1xf32>
    %add3A_22 = arith.addf %get3A_15, %get3A_21 : vector<400x1xf32>
    %max3A = arith.constant 1.000000e+00 : f32
    %max3A_23 = vector.broadcast %max3A : f32 to vector<400x1xf32>
    %max3A_24 = arith.maximumf %add3A_22, %max3A_23 : vector<400x1xf32>
    %div3A = arith.constant 1.000000e+00 : f32
    %div3A_25 = vector.broadcast %div3A : f32 to vector<400x1xf32>
    %div3A_26 = arith.divf %div3A_25, %max3A_24 : vector<400x1xf32>
    %get3A_27 = arith.constant 0 : index
    %get3A_28 = arith.constant 0 : index
    %get3A_29 = arith.constant 0 : index
    %get3A_30 = arith.constant 0 : index
    %get3A_31 = vector.load %arg1[%get3A_27, %get3A_28, %get3A_29, %get3A_30] : memref<2x10x400x128xf32, #tpu.memory_space<vmem>>, vector<1x1x400x128xf32>
    %get3A_32 = vector.shape_cast %get3A_31 : vector<1x1x400x128xf32> to vector<400x128xf32>
    %get3A_33 = arith.constant 1 : index
    %get3A_34 = arith.constant 0 : index
    %get3A_35 = arith.constant 0 : index
    %get3A_36 = arith.constant 0 : index
    %get3A_37 = vector.load %arg1[%get3A_33, %get3A_34, %get3A_35, %get3A_36] : memref<2x10x400x128xf32, #tpu.memory_space<vmem>>, vector<1x1x400x128xf32>
    %get3A_38 = vector.shape_cast %get3A_37 : vector<1x1x400x128xf32> to vector<400x128xf32>
    %add3A_39 = arith.addf %get3A_32, %get3A_38 : vector<400x128xf32>
    %mul3A = vector.broadcast %div3A_26 : vector<400x1xf32> to vector<400x128xf32>
    %mul3A_40 = arith.mulf %add3A_39, %mul3A : vector<400x128xf32>
    %get3A_41 = arith.constant 0 : index
    %get3A_42 = arith.constant 1 : index
    %get3A_43 = arith.constant 0 : index
    %get3A_44 = arith.constant 0 : index
    %get3A_45 = vector.load %arg2[%get3A_41, %get3A_42, %get3A_43, %get3A_44] : memref<2x10x400x16xf32, #tpu.memory_space<vmem>>, vector<1x1x400x1xf32>
    %get3A_46 = vector.shape_cast %get3A_45 : vector<1x1x400x1xf32> to vector<400x1xf32>
    %get3A_47 = arith.constant 1 : index
    %get3A_48 = arith.constant 1 : index
    %get3A_49 = arith.constant 0 : index
    %get3A_50 = arith.constant 0 : index
    %get3A_51 = vector.load %arg2[%get3A_47, %get3A_48, %get3A_49, %get3A_50] : memref<2x10x400x16xf32, #tpu.memory_space<vmem>>, vector<1x1x400x1xf32>
    %get3A_52 = vector.shape_cast %get3A_51 : vector<1x1x400x1xf32> to vector<400x1xf32>
    %add3A_53 = arith.addf %get3A_46, %get3A_52 : vector<400x1xf32>
    %max3A_54 = arith.constant 1.000000e+00 : f32
    %max3A_55 = vector.broadcast %max3A_54 : f32 to vector<400x1xf32>
    %max3A_56 = arith.maximumf %add3A_53, %max3A_55 : vector<400x1xf32>
    %div3A_57 = arith.constant 1.000000e+00 : f32
    %div3A_58 = vector.broadcast %div3A_57 : f32 to vector<400x1xf32>
    %div3A_59 = arith.divf %div3A_58, %max3A_56 : vector<400x1xf32>
    %get3A_60 = arith.constant 0 : index
    %get3A_61 = arith.constant 1 : index
    %get3A_62 = arith.constant 0 : index
    %get3A_63 = arith.constant 0 : index
    %get3A_64 = vector.load %arg1[%get3A_60, %get3A_61, %get3A_62, %get3A_63] : memref<2x10x400x128xf32, #tpu.memory_space<vmem>>, vector<1x1x400x128xf32>
    %get3A_65 = vector.shape_cast %get3A_64 : vector<1x1x400x128xf32> to vector<400x128xf32>
    %get3A_66 = arith.constant 1 : index
    %get3A_67 = arith.constant 1 : index
    %get3A_68 = arith.constant 0 : index
    %get3A_69 = arith.constant 0 : index
    %get3A_70 = vector.load %arg1[%get3A_66, %get3A_67, %get3A_68, %get3A_69] : memref<2x10x400x128xf32, #tpu.memory_space<vmem>>, vector<1x1x400x128xf32>
    %get3A_71 = vector.shape_cast %get3A_70 : vector<1x1x400x128xf32> to vector<400x128xf32>
    %add3A_72 = arith.addf %get3A_65, %get3A_71 : vector<400x128xf32>
    %mul3A_73 = vector.broadcast %div3A_59 : vector<400x1xf32> to vector<400x128xf32>
    %mul3A_74 = arith.mulf %add3A_72, %mul3A_73 : vector<400x128xf32>
    %get3A_75 = arith.constant 0 : index
    %get3A_76 = arith.constant 2 : index
    %get3A_77 = arith.constant 0 : index
    %get3A_78 = arith.constant 0 : index
    %get3A_79 = vector.load %arg2[%get3A_75, %get3A_76, %get3A_77, %get3A_78] : memref<2x10x400x16xf32, #tpu.memory_space<vmem>>, vector<1x1x400x1xf32>
    %get3A_80 = vector.shape_cast %get3A_79 : vector<1x1x400x1xf32> to vector<400x1xf32>
    %get3A_81 = arith.constant 1 : index
    %get3A_82 = arith.constant 2 : index
    %get3A_83 = arith.constant 0 : index
    %get3A_84 = arith.constant 0 : index
    %get3A_85 = vector.load %arg2[%get3A_81, %get3A_82, %get3A_83, %get3A_84] : memref<2x10x400x16xf32, #tpu.memory_space<vmem>>, vector<1x1x400x1xf32>
    %get3A_86 = vector.shape_cast %get3A_85 : vector<1x1x400x1xf32> to vector<400x1xf32>
    %add3A_87 = arith.addf %get3A_80, %get3A_86 : vector<400x1xf32>
    %max3A_88 = arith.constant 1.000000e+00 : f32
    %max3A_89 = vector.broadcast %max3A_88 : f32 to vector<400x1xf32>
    %max3A_90 = arith.maximumf %add3A_87, %max3A_89 : vector<400x1xf32>
    %div3A_91 = arith.constant 1.000000e+00 : f32
    %div3A_92 = vector.broadcast %div3A_91 : f32 to vector<400x1xf32>
    %div3A_93 = arith.divf %div3A_92, %max3A_90 : vector<400x1xf32>
    %get3A_94 = arith.constant 0 : index
    %get3A_95 = arith.constant 2 : index
    %get3A_96 = arith.constant 0 : index
    %get3A_97 = arith.constant 0 : index
    %get3A_98 = vector.load %arg1[%get3A_94, %get3A_95, %get3A_96, %get3A_97] : memref<2x10x400x128xf32, #tpu.memory_space<vmem>>, vector<1x1x400x128xf32>
    %get3A_99 = vector.shape_cast %get3A_98 : vector<1x1x400x128xf32> to vector<400x128xf32>
    %get3A_100 = arith.constant 1 : index
    %get3A_101 = arith.constant 2 : index
    %get3A_102 = arith.constant 0 : index
    %get3A_103 = arith.constant 0 : index
    %get3A_104 = vector.load %arg1[%get3A_100, %get3A_101, %get3A_102, %get3A_103] : memref<2x10x400x128xf32, #tpu.memory_space<vmem>>, vector<1x1x400x128xf32>
    %get3A_105 = vector.shape_cast %get3A_104 : vector<1x1x400x128xf32> to vector<400x128xf32>
    %add3A_106 = arith.addf %get3A_99, %get3A_105 : vector<400x128xf32>
    %mul3A_107 = vector.broadcast %div3A_93 : vector<400x1xf32> to vector<400x128xf32>
    %mul3A_108 = arith.mulf %add3A_106, %mul3A_107 : vector<400x128xf32>
    %get3A_109 = arith.constant 0 : index
    %get3A_110 = arith.constant 3 : index
    %get3A_111 = arith.constant 0 : index
    %get3A_112 = arith.constant 0 : index
    %get3A_113 = vector.load %arg2[%get3A_109, %get3A_110, %get3A_111, %get3A_112] : memref<2x10x400x16xf32, #tpu.memory_space<vmem>>, vector<1x1x400x1xf32>
    %get3A_114 = vector.shape_cast %get3A_113 : vector<1x1x400x1xf32> to vector<400x1xf32>
    %get3A_115 = arith.constant 1 : index
    %get3A_116 = arith.constant 3 : index
    %get3A_117 = arith.constant 0 : index
    %get3A_118 = arith.constant 0 : index
    %get3A_119 = vector.load %arg2[%get3A_115, %get3A_116, %get3A_117, %get3A_118] : memref<2x10x400x16xf32, #tpu.memory_space<vmem>>, vector<1x1x400x1xf32>
    %get3A_120 = vector.shape_cast %get3A_119 : vector<1x1x400x1xf32> to vector<400x1xf32>
    %add3A_121 = arith.addf %get3A_114, %get3A_120 : vector<400x1xf32>
    %max3A_122 = arith.constant 1.000000e+00 : f32
    %max3A_123 = vector.broadcast %max3A_122 : f32 to vector<400x1xf32>
    %max3A_124 = arith.maximumf %add3A_121, %max3A_123 : vector<400x1xf32>
    %div3A_125 = arith.constant 1.000000e+00 : f32
    %div3A_126 = vector.broadcast %div3A_125 : f32 to vector<400x1xf32>
    %div3A_127 = arith.divf %div3A_126, %max3A_124 : vector<400x1xf32>
    %get3A_128 = arith.constant 0 : index
    %get3A_129 = arith.constant 3 : index
    %get3A_130 = arith.constant 0 : index
    %get3A_131 = arith.constant 0 : index
    %get3A_132 = vector.load %arg1[%get3A_128, %get3A_129, %get3A_130, %get3A_131] : memref<2x10x400x128xf32, #tpu.memory_space<vmem>>, vector<1x1x400x128xf32>
    %get3A_133 = vector.shape_cast %get3A_132 : vector<1x1x400x128xf32> to vector<400x128xf32>
    %get3A_134 = arith.constant 1 : index
    %get3A_135 = arith.constant 3 : index
    %get3A_136 = arith.constant 0 : index
    %get3A_137 = arith.constant 0 : index
    %get3A_138 = vector.load %arg1[%get3A_134, %get3A_135, %get3A_136, %get3A_137] : memref<2x10x400x128xf32, #tpu.memory_space<vmem>>, vector<1x1x400x128xf32>
    %get3A_139 = vector.shape_cast %get3A_138 : vector<1x1x400x128xf32> to vector<400x128xf32>
    %add3A_140 = arith.addf %get3A_133, %get3A_139 : vector<400x128xf32>
    %mul3A_141 = vector.broadcast %div3A_127 : vector<400x1xf32> to vector<400x128xf32>
    %mul3A_142 = arith.mulf %add3A_140, %mul3A_141 : vector<400x128xf32>
    %get3A_143 = arith.constant 0 : index
    %get3A_144 = arith.constant 4 : index
    %get3A_145 = arith.constant 0 : index
    %get3A_146 = arith.constant 0 : index
    %get3A_147 = vector.load %arg2[%get3A_143, %get3A_144, %get3A_145, %get3A_146] : memref<2x10x400x16xf32, #tpu.memory_space<vmem>>, vector<1x1x400x1xf32>
    %get3A_148 = vector.shape_cast %get3A_147 : vector<1x1x400x1xf32> to vector<400x1xf32>
    %get3A_149 = arith.constant 1 : index
    %get3A_150 = arith.constant 4 : index
    %get3A_151 = arith.constant 0 : index
    %get3A_152 = arith.constant 0 : index
    %get3A_153 = vector.load %arg2[%get3A_149, %get3A_150, %get3A_151, %get3A_152] : memref<2x10x400x16xf32, #tpu.memory_space<vmem>>, vector<1x1x400x1xf32>
    %get3A_154 = vector.shape_cast %get3A_153 : vector<1x1x400x1xf32> to vector<400x1xf32>
    %add3A_155 = arith.addf %get3A_148, %get3A_154 : vector<400x1xf32>
    %max3A_156 = arith.constant 1.000000e+00 : f32
    %max3A_157 = vector.broadcast %max3A_156 : f32 to vector<400x1xf32>
    %max3A_158 = arith.maximumf %add3A_155, %max3A_157 : vector<400x1xf32>
    %div3A_159 = arith.constant 1.000000e+00 : f32
    %div3A_160 = vector.broadcast %div3A_159 : f32 to vector<400x1xf32>
    %div3A_161 = arith.divf %div3A_160, %max3A_158 : vector<400x1xf32>
    %get3A_162 = arith.constant 0 : index
    %get3A_163 = arith.constant 4 : index
    %get3A_164 = arith.constant 0 : index
    %get3A_165 = arith.constant 0 : index
    %get3A_166 = vector.load %arg1[%get3A_162, %get3A_163, %get3A_164, %get3A_165] : memref<2x10x400x128xf32, #tpu.memory_space<vmem>>, vector<1x1x400x128xf32>
    %get3A_167 = vector.shape_cast %get3A_166 : vector<1x1x400x128xf32> to vector<400x128xf32>
    %get3A_168 = arith.constant 1 : index
    %get3A_169 = arith.constant 4 : index
    %get3A_170 = arith.constant 0 : index
    %get3A_171 = arith.constant 0 : index
    %get3A_172 = vector.load %arg1[%get3A_168, %get3A_169, %get3A_170, %get3A_171] : memref<2x10x400x128xf32, #tpu.memory_space<vmem>>, vector<1x1x400x128xf32>
    %get3A_173 = vector.shape_cast %get3A_172 : vector<1x1x400x128xf32> to vector<400x128xf32>
    %add3A_174 = arith.addf %get3A_167, %get3A_173 : vector<400x128xf32>
    %mul3A_175 = vector.broadcast %div3A_161 : vector<400x1xf32> to vector<400x128xf32>
    %mul3A_176 = arith.mulf %add3A_174, %mul3A_175 : vector<400x128xf32>
    %get3A_177 = arith.constant 0 : index
    %get3A_178 = arith.constant 5 : index
    %get3A_179 = arith.constant 0 : index
    %get3A_180 = arith.constant 0 : index
    %get3A_181 = vector.load %arg2[%get3A_177, %get3A_178, %get3A_179, %get3A_180] : memref<2x10x400x16xf32, #tpu.memory_space<vmem>>, vector<1x1x400x1xf32>
    %get3A_182 = vector.shape_cast %get3A_181 : vector<1x1x400x1xf32> to vector<400x1xf32>
    %get3A_183 = arith.constant 1 : index
    %get3A_184 = arith.constant 5 : index
    %get3A_185 = arith.constant 0 : index
    %get3A_186 = arith.constant 0 : index
    %get3A_187 = vector.load %arg2[%get3A_183, %get3A_184, %get3A_185, %get3A_186] : memref<2x10x400x16xf32, #tpu.memory_space<vmem>>, vector<1x1x400x1xf32>
    %get3A_188 = vector.shape_cast %get3A_187 : vector<1x1x400x1xf32> to vector<400x1xf32>
    %add3A_189 = arith.addf %get3A_182, %get3A_188 : vector<400x1xf32>
    %max3A_190 = arith.constant 1.000000e+00 : f32
    %max3A_191 = vector.broadcast %max3A_190 : f32 to vector<400x1xf32>
    %max3A_192 = arith.maximumf %add3A_189, %max3A_191 : vector<400x1xf32>
    %div3A_193 = arith.constant 1.000000e+00 : f32
    %div3A_194 = vector.broadcast %div3A_193 : f32 to vector<400x1xf32>
    %div3A_195 = arith.divf %div3A_194, %max3A_192 : vector<400x1xf32>
    %get3A_196 = arith.constant 0 : index
    %get3A_197 = arith.constant 5 : index
    %get3A_198 = arith.constant 0 : index
    %get3A_199 = arith.constant 0 : index
    %get3A_200 = vector.load %arg1[%get3A_196, %get3A_197, %get3A_198, %get3A_199] : memref<2x10x400x128xf32, #tpu.memory_space<vmem>>, vector<1x1x400x128xf32>
    %get3A_201 = vector.shape_cast %get3A_200 : vector<1x1x400x128xf32> to vector<400x128xf32>
    %get3A_202 = arith.constant 1 : index
    %get3A_203 = arith.constant 5 : index
    %get3A_204 = arith.constant 0 : index
    %get3A_205 = arith.constant 0 : index
    %get3A_206 = vector.load %arg1[%get3A_202, %get3A_203, %get3A_204, %get3A_205] : memref<2x10x400x128xf32, #tpu.memory_space<vmem>>, vector<1x1x400x128xf32>
    %get3A_207 = vector.shape_cast %get3A_206 : vector<1x1x400x128xf32> to vector<400x128xf32>
    %add3A_208 = arith.addf %get3A_201, %get3A_207 : vector<400x128xf32>
    %mul3A_209 = vector.broadcast %div3A_195 : vector<400x1xf32> to vector<400x128xf32>
    %mul3A_210 = arith.mulf %add3A_208, %mul3A_209 : vector<400x128xf32>
    %get3A_211 = arith.constant 0 : index
    %get3A_212 = arith.constant 6 : index
    %get3A_213 = arith.constant 0 : index
    %get3A_214 = arith.constant 0 : index
    %get3A_215 = vector.load %arg2[%get3A_211, %get3A_212, %get3A_213, %get3A_214] : memref<2x10x400x16xf32, #tpu.memory_space<vmem>>, vector<1x1x400x1xf32>
    %get3A_216 = vector.shape_cast %get3A_215 : vector<1x1x400x1xf32> to vector<400x1xf32>
    %get3A_217 = arith.constant 1 : index
    %get3A_218 = arith.constant 6 : index
    %get3A_219 = arith.constant 0 : index
    %get3A_220 = arith.constant 0 : index
    %get3A_221 = vector.load %arg2[%get3A_217, %get3A_218, %get3A_219, %get3A_220] : memref<2x10x400x16xf32, #tpu.memory_space<vmem>>, vector<1x1x400x1xf32>
    %get3A_222 = vector.shape_cast %get3A_221 : vector<1x1x400x1xf32> to vector<400x1xf32>
    %add3A_223 = arith.addf %get3A_216, %get3A_222 : vector<400x1xf32>
    %max3A_224 = arith.constant 1.000000e+00 : f32
    %max3A_225 = vector.broadcast %max3A_224 : f32 to vector<400x1xf32>
    %max3A_226 = arith.maximumf %add3A_223, %max3A_225 : vector<400x1xf32>
    %div3A_227 = arith.constant 1.000000e+00 : f32
    %div3A_228 = vector.broadcast %div3A_227 : f32 to vector<400x1xf32>
    %div3A_229 = arith.divf %div3A_228, %max3A_226 : vector<400x1xf32>
    %get3A_230 = arith.constant 0 : index
    %get3A_231 = arith.constant 6 : index
    %get3A_232 = arith.constant 0 : index
    %get3A_233 = arith.constant 0 : index
    %get3A_234 = vector.load %arg1[%get3A_230, %get3A_231, %get3A_232, %get3A_233] : memref<2x10x400x128xf32, #tpu.memory_space<vmem>>, vector<1x1x400x128xf32>
    %get3A_235 = vector.shape_cast %get3A_234 : vector<1x1x400x128xf32> to vector<400x128xf32>
    %get3A_236 = arith.constant 1 : index
    %get3A_237 = arith.constant 6 : index
    %get3A_238 = arith.constant 0 : index
    %get3A_239 = arith.constant 0 : index
    %get3A_240 = vector.load %arg1[%get3A_236, %get3A_237, %get3A_238, %get3A_239] : memref<2x10x400x128xf32, #tpu.memory_space<vmem>>, vector<1x1x400x128xf32>
    %get3A_241 = vector.shape_cast %get3A_240 : vector<1x1x400x128xf32> to vector<400x128xf32>
    %add3A_242 = arith.addf %get3A_235, %get3A_241 : vector<400x128xf32>
    %mul3A_243 = vector.broadcast %div3A_229 : vector<400x1xf32> to vector<400x128xf32>
    %mul3A_244 = arith.mulf %add3A_242, %mul3A_243 : vector<400x128xf32>
    %get3A_245 = arith.constant 0 : index
    %get3A_246 = arith.constant 7 : index
    %get3A_247 = arith.constant 0 : index
    %get3A_248 = arith.constant 0 : index
    %get3A_249 = vector.load %arg2[%get3A_245, %get3A_246, %get3A_247, %get3A_248] : memref<2x10x400x16xf32, #tpu.memory_space<vmem>>, vector<1x1x400x1xf32>
    %get3A_250 = vector.shape_cast %get3A_249 : vector<1x1x400x1xf32> to vector<400x1xf32>
    %get3A_251 = arith.constant 1 : index
    %get3A_252 = arith.constant 7 : index
    %get3A_253 = arith.constant 0 : index
    %get3A_254 = arith.constant 0 : index
    %get3A_255 = vector.load %arg2[%get3A_251, %get3A_252, %get3A_253, %get3A_254] : memref<2x10x400x16xf32, #tpu.memory_space<vmem>>, vector<1x1x400x1xf32>
    %get3A_256 = vector.shape_cast %get3A_255 : vector<1x1x400x1xf32> to vector<400x1xf32>
    %add3A_257 = arith.addf %get3A_250, %get3A_256 : vector<400x1xf32>
    %max3A_258 = arith.constant 1.000000e+00 : f32
    %max3A_259 = vector.broadcast %max3A_258 : f32 to vector<400x1xf32>
    %max3A_260 = arith.maximumf %add3A_257, %max3A_259 : vector<400x1xf32>
    %div3A_261 = arith.constant 1.000000e+00 : f32
    %div3A_262 = vector.broadcast %div3A_261 : f32 to vector<400x1xf32>
    %div3A_263 = arith.divf %div3A_262, %max3A_260 : vector<400x1xf32>
    %get3A_264 = arith.constant 0 : index
    %get3A_265 = arith.constant 7 : index
    %get3A_266 = arith.constant 0 : index
    %get3A_267 = arith.constant 0 : index
    %get3A_268 = vector.load %arg1[%get3A_264, %get3A_265, %get3A_266, %get3A_267] : memref<2x10x400x128xf32, #tpu.memory_space<vmem>>, vector<1x1x400x128xf32>
    %get3A_269 = vector.shape_cast %get3A_268 : vector<1x1x400x128xf32> to vector<400x128xf32>
    %get3A_270 = arith.constant 1 : index
    %get3A_271 = arith.constant 7 : index
    %get3A_272 = arith.constant 0 : index
    %get3A_273 = arith.constant 0 : index
    %get3A_274 = vector.load %arg1[%get3A_270, %get3A_271, %get3A_272, %get3A_273] : memref<2x10x400x128xf32, #tpu.memory_space<vmem>>, vector<1x1x400x128xf32>
    %get3A_275 = vector.shape_cast %get3A_274 : vector<1x1x400x128xf32> to vector<400x128xf32>
    %add3A_276 = arith.addf %get3A_269, %get3A_275 : vector<400x128xf32>
    %mul3A_277 = vector.broadcast %div3A_263 : vector<400x1xf32> to vector<400x128xf32>
    %mul3A_278 = arith.mulf %add3A_276, %mul3A_277 : vector<400x128xf32>
    %get3A_279 = arith.constant 0 : index
    %get3A_280 = arith.constant 8 : index
    %get3A_281 = arith.constant 0 : index
    %get3A_282 = arith.constant 0 : index
    %get3A_283 = vector.load %arg2[%get3A_279, %get3A_280, %get3A_281, %get3A_282] : memref<2x10x400x16xf32, #tpu.memory_space<vmem>>, vector<1x1x400x1xf32>
    %get3A_284 = vector.shape_cast %get3A_283 : vector<1x1x400x1xf32> to vector<400x1xf32>
    %get3A_285 = arith.constant 1 : index
    %get3A_286 = arith.constant 8 : index
    %get3A_287 = arith.constant 0 : index
    %get3A_288 = arith.constant 0 : index
    %get3A_289 = vector.load %arg2[%get3A_285, %get3A_286, %get3A_287, %get3A_288] : memref<2x10x400x16xf32, #tpu.memory_space<vmem>>, vector<1x1x400x1xf32>
    %get3A_290 = vector.shape_cast %get3A_289 : vector<1x1x400x1xf32> to vector<400x1xf32>
    %add3A_291 = arith.addf %get3A_284, %get3A_290 : vector<400x1xf32>
    %max3A_292 = arith.constant 1.000000e+00 : f32
    %max3A_293 = vector.broadcast %max3A_292 : f32 to vector<400x1xf32>
    %max3A_294 = arith.maximumf %add3A_291, %max3A_293 : vector<400x1xf32>
    %div3A_295 = arith.constant 1.000000e+00 : f32
    %div3A_296 = vector.broadcast %div3A_295 : f32 to vector<400x1xf32>
    %div3A_297 = arith.divf %div3A_296, %max3A_294 : vector<400x1xf32>
    %get3A_298 = arith.constant 0 : index
    %get3A_299 = arith.constant 8 : index
    %get3A_300 = arith.constant 0 : index
    %get3A_301 = arith.constant 0 : index
    %get3A_302 = vector.load %arg1[%get3A_298, %get3A_299, %get3A_300, %get3A_301] : memref<2x10x400x128xf32, #tpu.memory_space<vmem>>, vector<1x1x400x128xf32>
    %get3A_303 = vector.shape_cast %get3A_302 : vector<1x1x400x128xf32> to vector<400x128xf32>
    %get3A_304 = arith.constant 1 : index
    %get3A_305 = arith.constant 8 : index
    %get3A_306 = arith.constant 0 : index
    %get3A_307 = arith.constant 0 : index
    %get3A_308 = vector.load %arg1[%get3A_304, %get3A_305, %get3A_306, %get3A_307] : memref<2x10x400x128xf32, #tpu.memory_space<vmem>>, vector<1x1x400x128xf32>
    %get3A_309 = vector.shape_cast %get3A_308 : vector<1x1x400x128xf32> to vector<400x128xf32>
    %add3A_310 = arith.addf %get3A_303, %get3A_309 : vector<400x128xf32>
    %mul3A_311 = vector.broadcast %div3A_297 : vector<400x1xf32> to vector<400x128xf32>
    %mul3A_312 = arith.mulf %add3A_310, %mul3A_311 : vector<400x128xf32>
    %get3A_313 = arith.constant 0 : index
    %get3A_314 = arith.constant 9 : index
    %get3A_315 = arith.constant 0 : index
    %get3A_316 = arith.constant 0 : index
    %get3A_317 = vector.load %arg2[%get3A_313, %get3A_314, %get3A_315, %get3A_316] : memref<2x10x400x16xf32, #tpu.memory_space<vmem>>, vector<1x1x400x1xf32>
    %get3A_318 = vector.shape_cast %get3A_317 : vector<1x1x400x1xf32> to vector<400x1xf32>
    %get3A_319 = arith.constant 1 : index
    %get3A_320 = arith.constant 9 : index
    %get3A_321 = arith.constant 0 : index
    %get3A_322 = arith.constant 0 : index
    %get3A_323 = vector.load %arg2[%get3A_319, %get3A_320, %get3A_321, %get3A_322] : memref<2x10x400x16xf32, #tpu.memory_space<vmem>>, vector<1x1x400x1xf32>
    %get3A_324 = vector.shape_cast %get3A_323 : vector<1x1x400x1xf32> to vector<400x1xf32>
    %add3A_325 = arith.addf %get3A_318, %get3A_324 : vector<400x1xf32>
    %max3A_326 = arith.constant 1.000000e+00 : f32
    %max3A_327 = vector.broadcast %max3A_326 : f32 to vector<400x1xf32>
    %max3A_328 = arith.maximumf %add3A_325, %max3A_327 : vector<400x1xf32>
    %div3A_329 = arith.constant 1.000000e+00 : f32
    %div3A_330 = vector.broadcast %div3A_329 : f32 to vector<400x1xf32>
    %div3A_331 = arith.divf %div3A_330, %max3A_328 : vector<400x1xf32>
    %get3A_332 = arith.constant 0 : index
    %get3A_333 = arith.constant 9 : index
    %get3A_334 = arith.constant 0 : index
    %get3A_335 = arith.constant 0 : index
    %get3A_336 = vector.load %arg1[%get3A_332, %get3A_333, %get3A_334, %get3A_335] : memref<2x10x400x128xf32, #tpu.memory_space<vmem>>, vector<1x1x400x128xf32>
    %get3A_337 = vector.shape_cast %get3A_336 : vector<1x1x400x128xf32> to vector<400x128xf32>
    %get3A_338 = arith.constant 1 : index
    %get3A_339 = arith.constant 9 : index
    %get3A_340 = arith.constant 0 : index
    %get3A_341 = arith.constant 0 : index
    %get3A_342 = vector.load %arg1[%get3A_338, %get3A_339, %get3A_340, %get3A_341] : memref<2x10x400x128xf32, #tpu.memory_space<vmem>>, vector<1x1x400x128xf32>
    %get3A_343 = vector.shape_cast %get3A_342 : vector<1x1x400x128xf32> to vector<400x128xf32>
    %add3A_344 = arith.addf %get3A_337, %get3A_343 : vector<400x128xf32>
    %mul3A_345 = vector.broadcast %div3A_331 : vector<400x1xf32> to vector<400x128xf32>
    %mul3A_346 = arith.mulf %add3A_344, %mul3A_345 : vector<400x128xf32>
    %get3A_347 = arith.constant 0 : index
    %get3A_348 = arith.constant 0 : index
    %get3A_349 = memref.load %arg4[%get3A_347, %get3A_348] : memref<10x4xf32, #tpu.memory_space<smem>>
    %mul3A_350 = vector.broadcast %get3A_349 : f32 to vector<400x128xf32>
    %mul3A_351 = arith.mulf %mul3A_40, %mul3A_350 : vector<400x128xf32>
    %get3A_352 = arith.constant 1 : index
    %get3A_353 = arith.constant 0 : index
    %get3A_354 = memref.load %arg4[%get3A_352, %get3A_353] : memref<10x4xf32, #tpu.memory_space<smem>>
    %mul3A_355 = vector.broadcast %get3A_354 : f32 to vector<400x128xf32>
    %mul3A_356 = arith.mulf %mul3A_74, %mul3A_355 : vector<400x128xf32>
    %add3A_357 = arith.addf %mul3A_351, %mul3A_356 : vector<400x128xf32>
    %get3A_358 = arith.constant 2 : index
    %get3A_359 = arith.constant 0 : index
    %get3A_360 = memref.load %arg4[%get3A_358, %get3A_359] : memref<10x4xf32, #tpu.memory_space<smem>>
    %mul3A_361 = vector.broadcast %get3A_360 : f32 to vector<400x128xf32>
    %mul3A_362 = arith.mulf %mul3A_108, %mul3A_361 : vector<400x128xf32>
    %add3A_363 = arith.addf %add3A_357, %mul3A_362 : vector<400x128xf32>
    %get3A_364 = arith.constant 3 : index
    %get3A_365 = arith.constant 0 : index
    %get3A_366 = memref.load %arg4[%get3A_364, %get3A_365] : memref<10x4xf32, #tpu.memory_space<smem>>
    %mul3A_367 = vector.broadcast %get3A_366 : f32 to vector<400x128xf32>
    %mul3A_368 = arith.mulf %mul3A_142, %mul3A_367 : vector<400x128xf32>
    %add3A_369 = arith.addf %add3A_363, %mul3A_368 : vector<400x128xf32>
    %get3A_370 = arith.constant 4 : index
    %get3A_371 = arith.constant 0 : index
    %get3A_372 = memref.load %arg4[%get3A_370, %get3A_371] : memref<10x4xf32, #tpu.memory_space<smem>>
    %mul3A_373 = vector.broadcast %get3A_372 : f32 to vector<400x128xf32>
    %mul3A_374 = arith.mulf %mul3A_176, %mul3A_373 : vector<400x128xf32>
    %add3A_375 = arith.addf %add3A_369, %mul3A_374 : vector<400x128xf32>
    %get3A_376 = arith.constant 5 : index
    %get3A_377 = arith.constant 0 : index
    %get3A_378 = memref.load %arg4[%get3A_376, %get3A_377] : memref<10x4xf32, #tpu.memory_space<smem>>
    %mul3A_379 = vector.broadcast %get3A_378 : f32 to vector<400x128xf32>
    %mul3A_380 = arith.mulf %mul3A_210, %mul3A_379 : vector<400x128xf32>
    %add3A_381 = arith.addf %add3A_375, %mul3A_380 : vector<400x128xf32>
    %get3A_382 = arith.constant 6 : index
    %get3A_383 = arith.constant 0 : index
    %get3A_384 = memref.load %arg4[%get3A_382, %get3A_383] : memref<10x4xf32, #tpu.memory_space<smem>>
    %mul3A_385 = vector.broadcast %get3A_384 : f32 to vector<400x128xf32>
    %mul3A_386 = arith.mulf %mul3A_244, %mul3A_385 : vector<400x128xf32>
    %add3A_387 = arith.addf %add3A_381, %mul3A_386 : vector<400x128xf32>
    %get3A_388 = arith.constant 7 : index
    %get3A_389 = arith.constant 0 : index
    %get3A_390 = memref.load %arg4[%get3A_388, %get3A_389] : memref<10x4xf32, #tpu.memory_space<smem>>
    %mul3A_391 = vector.broadcast %get3A_390 : f32 to vector<400x128xf32>
    %mul3A_392 = arith.mulf %mul3A_278, %mul3A_391 : vector<400x128xf32>
    %add3A_393 = arith.addf %add3A_387, %mul3A_392 : vector<400x128xf32>
    %get3A_394 = arith.constant 8 : index
    %get3A_395 = arith.constant 0 : index
    %get3A_396 = memref.load %arg4[%get3A_394, %get3A_395] : memref<10x4xf32, #tpu.memory_space<smem>>
    %mul3A_397 = vector.broadcast %get3A_396 : f32 to vector<400x128xf32>
    %mul3A_398 = arith.mulf %mul3A_312, %mul3A_397 : vector<400x128xf32>
    %add3A_399 = arith.addf %add3A_393, %mul3A_398 : vector<400x128xf32>
    %get3A_400 = arith.constant 9 : index
    %get3A_401 = arith.constant 0 : index
    %get3A_402 = memref.load %arg4[%get3A_400, %get3A_401] : memref<10x4xf32, #tpu.memory_space<smem>>
    %mul3A_403 = vector.broadcast %get3A_402 : f32 to vector<400x128xf32>
    %mul3A_404 = arith.mulf %mul3A_346, %mul3A_403 : vector<400x128xf32>
    %add3A_405 = arith.addf %add3A_399, %mul3A_404 : vector<400x128xf32>
    %get3A_406 = arith.constant 0 : index
    %get3A_407 = arith.constant 0 : index
    %get3A_408 = arith.constant 0 : index
    %get3A_409 = vector.load %arg5[%get3A_406, %get3A_407, %get3A_408] : memref<4x128x128xf32, #tpu.memory_space<vmem>>, vector<1x128x128xf32>
    %get3A_410 = vector.shape_cast %get3A_409 : vector<1x128x128xf32> to vector<128x128xf32>
    %dot_general3A_411 = arith.constant dense<0.000000e+00> : vector<400x128xf32>
    %dot_general3A_412 = tpu.matmul %add3A_405, %get3A_410, %dot_general3A_411 {dimension_numbers = #tpu.dot_dimension_numbers<[1], [0], [0], [1], [0, 0, 1, 1], [], []>, precision = #tpu.contract_precision<fp32>, transpose_lhs_hint = false} : vector<400x128xf32>, vector<128x128xf32>, vector<400x128xf32> -> vector<400x128xf32>
    %add3A_413 = arith.addf %add3A_9, %dot_general3A_412 : vector<400x128xf32>
    %get3A_414 = arith.constant 0 : index
    %get3A_415 = arith.constant 1 : index
    %get3A_416 = memref.load %arg4[%get3A_414, %get3A_415] : memref<10x4xf32, #tpu.memory_space<smem>>
    %mul3A_417 = vector.broadcast %get3A_416 : f32 to vector<400x128xf32>
    %mul3A_418 = arith.mulf %mul3A_40, %mul3A_417 : vector<400x128xf32>
    %get3A_419 = arith.constant 1 : index
    %get3A_420 = arith.constant 1 : index
    %get3A_421 = memref.load %arg4[%get3A_419, %get3A_420] : memref<10x4xf32, #tpu.memory_space<smem>>
    %mul3A_422 = vector.broadcast %get3A_421 : f32 to vector<400x128xf32>
    %mul3A_423 = arith.mulf %mul3A_74, %mul3A_422 : vector<400x128xf32>
    %add3A_424 = arith.addf %mul3A_418, %mul3A_423 : vector<400x128xf32>
    %get3A_425 = arith.constant 2 : index
    %get3A_426 = arith.constant 1 : index
    %get3A_427 = memref.load %arg4[%get3A_425, %get3A_426] : memref<10x4xf32, #tpu.memory_space<smem>>
    %mul3A_428 = vector.broadcast %get3A_427 : f32 to vector<400x128xf32>
    %mul3A_429 = arith.mulf %mul3A_108, %mul3A_428 : vector<400x128xf32>
    %add3A_430 = arith.addf %add3A_424, %mul3A_429 : vector<400x128xf32>
    %get3A_431 = arith.constant 3 : index
    %get3A_432 = arith.constant 1 : index
    %get3A_433 = memref.load %arg4[%get3A_431, %get3A_432] : memref<10x4xf32, #tpu.memory_space<smem>>
    %mul3A_434 = vector.broadcast %get3A_433 : f32 to vector<400x128xf32>
    %mul3A_435 = arith.mulf %mul3A_142, %mul3A_434 : vector<400x128xf32>
    %add3A_436 = arith.addf %add3A_430, %mul3A_435 : vector<400x128xf32>
    %get3A_437 = arith.constant 4 : index
    %get3A_438 = arith.constant 1 : index
    %get3A_439 = memref.load %arg4[%get3A_437, %get3A_438] : memref<10x4xf32, #tpu.memory_space<smem>>
    %mul3A_440 = vector.broadcast %get3A_439 : f32 to vector<400x128xf32>
    %mul3A_441 = arith.mulf %mul3A_176, %mul3A_440 : vector<400x128xf32>
    %add3A_442 = arith.addf %add3A_436, %mul3A_441 : vector<400x128xf32>
    %get3A_443 = arith.constant 5 : index
    %get3A_444 = arith.constant 1 : index
    %get3A_445 = memref.load %arg4[%get3A_443, %get3A_444] : memref<10x4xf32, #tpu.memory_space<smem>>
    %mul3A_446 = vector.broadcast %get3A_445 : f32 to vector<400x128xf32>
    %mul3A_447 = arith.mulf %mul3A_210, %mul3A_446 : vector<400x128xf32>
    %add3A_448 = arith.addf %add3A_442, %mul3A_447 : vector<400x128xf32>
    %get3A_449 = arith.constant 6 : index
    %get3A_450 = arith.constant 1 : index
    %get3A_451 = memref.load %arg4[%get3A_449, %get3A_450] : memref<10x4xf32, #tpu.memory_space<smem>>
    %mul3A_452 = vector.broadcast %get3A_451 : f32 to vector<400x128xf32>
    %mul3A_453 = arith.mulf %mul3A_244, %mul3A_452 : vector<400x128xf32>
    %add3A_454 = arith.addf %add3A_448, %mul3A_453 : vector<400x128xf32>
    %get3A_455 = arith.constant 7 : index
    %get3A_456 = arith.constant 1 : index
    %get3A_457 = memref.load %arg4[%get3A_455, %get3A_456] : memref<10x4xf32, #tpu.memory_space<smem>>
    %mul3A_458 = vector.broadcast %get3A_457 : f32 to vector<400x128xf32>
    %mul3A_459 = arith.mulf %mul3A_278, %mul3A_458 : vector<400x128xf32>
    %add3A_460 = arith.addf %add3A_454, %mul3A_459 : vector<400x128xf32>
    %get3A_461 = arith.constant 8 : index
    %get3A_462 = arith.constant 1 : index
    %get3A_463 = memref.load %arg4[%get3A_461, %get3A_462] : memref<10x4xf32, #tpu.memory_space<smem>>
    %mul3A_464 = vector.broadcast %get3A_463 : f32 to vector<400x128xf32>
    %mul3A_465 = arith.mulf %mul3A_312, %mul3A_464 : vector<400x128xf32>
    %add3A_466 = arith.addf %add3A_460, %mul3A_465 : vector<400x128xf32>
    %get3A_467 = arith.constant 9 : index
    %get3A_468 = arith.constant 1 : index
    %get3A_469 = memref.load %arg4[%get3A_467, %get3A_468] : memref<10x4xf32, #tpu.memory_space<smem>>
    %mul3A_470 = vector.broadcast %get3A_469 : f32 to vector<400x128xf32>
    %mul3A_471 = arith.mulf %mul3A_346, %mul3A_470 : vector<400x128xf32>
    %add3A_472 = arith.addf %add3A_466, %mul3A_471 : vector<400x128xf32>
    %get3A_473 = arith.constant 1 : index
    %get3A_474 = arith.constant 0 : index
    %get3A_475 = arith.constant 0 : index
    %get3A_476 = vector.load %arg5[%get3A_473, %get3A_474, %get3A_475] : memref<4x128x128xf32, #tpu.memory_space<vmem>>, vector<1x128x128xf32>
    %get3A_477 = vector.shape_cast %get3A_476 : vector<1x128x128xf32> to vector<128x128xf32>
    %dot_general3A_478 = arith.constant dense<0.000000e+00> : vector<400x128xf32>
    %dot_general3A_479 = tpu.matmul %add3A_472, %get3A_477, %dot_general3A_478 {dimension_numbers = #tpu.dot_dimension_numbers<[1], [0], [0], [1], [0, 0, 1, 1], [], []>, precision = #tpu.contract_precision<fp32>, transpose_lhs_hint = false} : vector<400x128xf32>, vector<128x128xf32>, vector<400x128xf32> -> vector<400x128xf32>
    %add3A_480 = arith.addf %add3A_413, %dot_general3A_479 : vector<400x128xf32>
    %get3A_481 = arith.constant 0 : index
    %get3A_482 = arith.constant 2 : index
    %get3A_483 = memref.load %arg4[%get3A_481, %get3A_482] : memref<10x4xf32, #tpu.memory_space<smem>>
    %mul3A_484 = vector.broadcast %get3A_483 : f32 to vector<400x128xf32>
    %mul3A_485 = arith.mulf %mul3A_40, %mul3A_484 : vector<400x128xf32>
    %get3A_486 = arith.constant 1 : index
    %get3A_487 = arith.constant 2 : index
    %get3A_488 = memref.load %arg4[%get3A_486, %get3A_487] : memref<10x4xf32, #tpu.memory_space<smem>>
    %mul3A_489 = vector.broadcast %get3A_488 : f32 to vector<400x128xf32>
    %mul3A_490 = arith.mulf %mul3A_74, %mul3A_489 : vector<400x128xf32>
    %add3A_491 = arith.addf %mul3A_485, %mul3A_490 : vector<400x128xf32>
    %get3A_492 = arith.constant 2 : index
    %get3A_493 = arith.constant 2 : index
    %get3A_494 = memref.load %arg4[%get3A_492, %get3A_493] : memref<10x4xf32, #tpu.memory_space<smem>>
    %mul3A_495 = vector.broadcast %get3A_494 : f32 to vector<400x128xf32>
    %mul3A_496 = arith.mulf %mul3A_108, %mul3A_495 : vector<400x128xf32>
    %add3A_497 = arith.addf %add3A_491, %mul3A_496 : vector<400x128xf32>
    %get3A_498 = arith.constant 3 : index
    %get3A_499 = arith.constant 2 : index
    %get3A_500 = memref.load %arg4[%get3A_498, %get3A_499] : memref<10x4xf32, #tpu.memory_space<smem>>
    %mul3A_501 = vector.broadcast %get3A_500 : f32 to vector<400x128xf32>
    %mul3A_502 = arith.mulf %mul3A_142, %mul3A_501 : vector<400x128xf32>
    %add3A_503 = arith.addf %add3A_497, %mul3A_502 : vector<400x128xf32>
    %get3A_504 = arith.constant 4 : index
    %get3A_505 = arith.constant 2 : index
    %get3A_506 = memref.load %arg4[%get3A_504, %get3A_505] : memref<10x4xf32, #tpu.memory_space<smem>>
    %mul3A_507 = vector.broadcast %get3A_506 : f32 to vector<400x128xf32>
    %mul3A_508 = arith.mulf %mul3A_176, %mul3A_507 : vector<400x128xf32>
    %add3A_509 = arith.addf %add3A_503, %mul3A_508 : vector<400x128xf32>
    %get3A_510 = arith.constant 5 : index
    %get3A_511 = arith.constant 2 : index
    %get3A_512 = memref.load %arg4[%get3A_510, %get3A_511] : memref<10x4xf32, #tpu.memory_space<smem>>
    %mul3A_513 = vector.broadcast %get3A_512 : f32 to vector<400x128xf32>
    %mul3A_514 = arith.mulf %mul3A_210, %mul3A_513 : vector<400x128xf32>
    %add3A_515 = arith.addf %add3A_509, %mul3A_514 : vector<400x128xf32>
    %get3A_516 = arith.constant 6 : index
    %get3A_517 = arith.constant 2 : index
    %get3A_518 = memref.load %arg4[%get3A_516, %get3A_517] : memref<10x4xf32, #tpu.memory_space<smem>>
    %mul3A_519 = vector.broadcast %get3A_518 : f32 to vector<400x128xf32>
    %mul3A_520 = arith.mulf %mul3A_244, %mul3A_519 : vector<400x128xf32>
    %add3A_521 = arith.addf %add3A_515, %mul3A_520 : vector<400x128xf32>
    %get3A_522 = arith.constant 7 : index
    %get3A_523 = arith.constant 2 : index
    %get3A_524 = memref.load %arg4[%get3A_522, %get3A_523] : memref<10x4xf32, #tpu.memory_space<smem>>
    %mul3A_525 = vector.broadcast %get3A_524 : f32 to vector<400x128xf32>
    %mul3A_526 = arith.mulf %mul3A_278, %mul3A_525 : vector<400x128xf32>
    %add3A_527 = arith.addf %add3A_521, %mul3A_526 : vector<400x128xf32>
    %get3A_528 = arith.constant 8 : index
    %get3A_529 = arith.constant 2 : index
    %get3A_530 = memref.load %arg4[%get3A_528, %get3A_529] : memref<10x4xf32, #tpu.memory_space<smem>>
    %mul3A_531 = vector.broadcast %get3A_530 : f32 to vector<400x128xf32>
    %mul3A_532 = arith.mulf %mul3A_312, %mul3A_531 : vector<400x128xf32>
    %add3A_533 = arith.addf %add3A_527, %mul3A_532 : vector<400x128xf32>
    %get3A_534 = arith.constant 9 : index
    %get3A_535 = arith.constant 2 : index
    %get3A_536 = memref.load %arg4[%get3A_534, %get3A_535] : memref<10x4xf32, #tpu.memory_space<smem>>
    %mul3A_537 = vector.broadcast %get3A_536 : f32 to vector<400x128xf32>
    %mul3A_538 = arith.mulf %mul3A_346, %mul3A_537 : vector<400x128xf32>
    %add3A_539 = arith.addf %add3A_533, %mul3A_538 : vector<400x128xf32>
    %get3A_540 = arith.constant 2 : index
    %get3A_541 = arith.constant 0 : index
    %get3A_542 = arith.constant 0 : index
    %get3A_543 = vector.load %arg5[%get3A_540, %get3A_541, %get3A_542] : memref<4x128x128xf32, #tpu.memory_space<vmem>>, vector<1x128x128xf32>
    %get3A_544 = vector.shape_cast %get3A_543 : vector<1x128x128xf32> to vector<128x128xf32>
    %dot_general3A_545 = arith.constant dense<0.000000e+00> : vector<400x128xf32>
    %dot_general3A_546 = tpu.matmul %add3A_539, %get3A_544, %dot_general3A_545 {dimension_numbers = #tpu.dot_dimension_numbers<[1], [0], [0], [1], [0, 0, 1, 1], [], []>, precision = #tpu.contract_precision<fp32>, transpose_lhs_hint = false} : vector<400x128xf32>, vector<128x128xf32>, vector<400x128xf32> -> vector<400x128xf32>
    %add3A_547 = arith.addf %add3A_480, %dot_general3A_546 : vector<400x128xf32>
    %get3A_548 = arith.constant 0 : index
    %get3A_549 = arith.constant 3 : index
    %get3A_550 = memref.load %arg4[%get3A_548, %get3A_549] : memref<10x4xf32, #tpu.memory_space<smem>>
    %mul3A_551 = vector.broadcast %get3A_550 : f32 to vector<400x128xf32>
    %mul3A_552 = arith.mulf %mul3A_40, %mul3A_551 : vector<400x128xf32>
    %get3A_553 = arith.constant 1 : index
    %get3A_554 = arith.constant 3 : index
    %get3A_555 = memref.load %arg4[%get3A_553, %get3A_554] : memref<10x4xf32, #tpu.memory_space<smem>>
    %mul3A_556 = vector.broadcast %get3A_555 : f32 to vector<400x128xf32>
    %mul3A_557 = arith.mulf %mul3A_74, %mul3A_556 : vector<400x128xf32>
    %add3A_558 = arith.addf %mul3A_552, %mul3A_557 : vector<400x128xf32>
    %get3A_559 = arith.constant 2 : index
    %get3A_560 = arith.constant 3 : index
    %get3A_561 = memref.load %arg4[%get3A_559, %get3A_560] : memref<10x4xf32, #tpu.memory_space<smem>>
    %mul3A_562 = vector.broadcast %get3A_561 : f32 to vector<400x128xf32>
    %mul3A_563 = arith.mulf %mul3A_108, %mul3A_562 : vector<400x128xf32>
    %add3A_564 = arith.addf %add3A_558, %mul3A_563 : vector<400x128xf32>
    %get3A_565 = arith.constant 3 : index
    %get3A_566 = arith.constant 3 : index
    %get3A_567 = memref.load %arg4[%get3A_565, %get3A_566] : memref<10x4xf32, #tpu.memory_space<smem>>
    %mul3A_568 = vector.broadcast %get3A_567 : f32 to vector<400x128xf32>
    %mul3A_569 = arith.mulf %mul3A_142, %mul3A_568 : vector<400x128xf32>
    %add3A_570 = arith.addf %add3A_564, %mul3A_569 : vector<400x128xf32>
    %get3A_571 = arith.constant 4 : index
    %get3A_572 = arith.constant 3 : index
    %get3A_573 = memref.load %arg4[%get3A_571, %get3A_572] : memref<10x4xf32, #tpu.memory_space<smem>>
    %mul3A_574 = vector.broadcast %get3A_573 : f32 to vector<400x128xf32>
    %mul3A_575 = arith.mulf %mul3A_176, %mul3A_574 : vector<400x128xf32>
    %add3A_576 = arith.addf %add3A_570, %mul3A_575 : vector<400x128xf32>
    %get3A_577 = arith.constant 5 : index
    %get3A_578 = arith.constant 3 : index
    %get3A_579 = memref.load %arg4[%get3A_577, %get3A_578] : memref<10x4xf32, #tpu.memory_space<smem>>
    %mul3A_580 = vector.broadcast %get3A_579 : f32 to vector<400x128xf32>
    %mul3A_581 = arith.mulf %mul3A_210, %mul3A_580 : vector<400x128xf32>
    %add3A_582 = arith.addf %add3A_576, %mul3A_581 : vector<400x128xf32>
    %get3A_583 = arith.constant 6 : index
    %get3A_584 = arith.constant 3 : index
    %get3A_585 = memref.load %arg4[%get3A_583, %get3A_584] : memref<10x4xf32, #tpu.memory_space<smem>>
    %mul3A_586 = vector.broadcast %get3A_585 : f32 to vector<400x128xf32>
    %mul3A_587 = arith.mulf %mul3A_244, %mul3A_586 : vector<400x128xf32>
    %add3A_588 = arith.addf %add3A_582, %mul3A_587 : vector<400x128xf32>
    %get3A_589 = arith.constant 7 : index
    %get3A_590 = arith.constant 3 : index
    %get3A_591 = memref.load %arg4[%get3A_589, %get3A_590] : memref<10x4xf32, #tpu.memory_space<smem>>
    %mul3A_592 = vector.broadcast %get3A_591 : f32 to vector<400x128xf32>
    %mul3A_593 = arith.mulf %mul3A_278, %mul3A_592 : vector<400x128xf32>
    %add3A_594 = arith.addf %add3A_588, %mul3A_593 : vector<400x128xf32>
    %get3A_595 = arith.constant 8 : index
    %get3A_596 = arith.constant 3 : index
    %get3A_597 = memref.load %arg4[%get3A_595, %get3A_596] : memref<10x4xf32, #tpu.memory_space<smem>>
    %mul3A_598 = vector.broadcast %get3A_597 : f32 to vector<400x128xf32>
    %mul3A_599 = arith.mulf %mul3A_312, %mul3A_598 : vector<400x128xf32>
    %add3A_600 = arith.addf %add3A_594, %mul3A_599 : vector<400x128xf32>
    %get3A_601 = arith.constant 9 : index
    %get3A_602 = arith.constant 3 : index
    %get3A_603 = memref.load %arg4[%get3A_601, %get3A_602] : memref<10x4xf32, #tpu.memory_space<smem>>
    %mul3A_604 = vector.broadcast %get3A_603 : f32 to vector<400x128xf32>
    %mul3A_605 = arith.mulf %mul3A_346, %mul3A_604 : vector<400x128xf32>
    %add3A_606 = arith.addf %add3A_600, %mul3A_605 : vector<400x128xf32>
    %get3A_607 = arith.constant 3 : index
    %get3A_608 = arith.constant 0 : index
    %get3A_609 = arith.constant 0 : index
    %get3A_610 = vector.load %arg5[%get3A_607, %get3A_608, %get3A_609] : memref<4x128x128xf32, #tpu.memory_space<vmem>>, vector<1x128x128xf32>
    %get3A_611 = vector.shape_cast %get3A_610 : vector<1x128x128xf32> to vector<128x128xf32>
    %dot_general3A_612 = arith.constant dense<0.000000e+00> : vector<400x128xf32>
    %dot_general3A_613 = tpu.matmul %add3A_606, %get3A_611, %dot_general3A_612 {dimension_numbers = #tpu.dot_dimension_numbers<[1], [0], [0], [1], [0, 0, 1, 1], [], []>, precision = #tpu.contract_precision<fp32>, transpose_lhs_hint = false} : vector<400x128xf32>, vector<128x128xf32>, vector<400x128xf32> -> vector<400x128xf32>
    %add3A_614 = arith.addf %add3A_547, %dot_general3A_613 : vector<400x128xf32>
    %reduce_sum3A = arith.constant dense<0.000000e+00> : vector<400xf32>
    %reduce_sum3A_615 = vector.multi_reduction <add>, %add3A_614, %reduce_sum3A [1] : vector<400x128xf32> to vector<400xf32>
    %broadcast_in_dim3A = vector.shape_cast %reduce_sum3A_615 : vector<400xf32> to vector<400x1xf32>
    %div3A_616 = arith.constant 1.280000e+02 : f32
    %div3A_617 = vector.broadcast %div3A_616 : f32 to vector<400x1xf32>
    %div3A_618 = arith.divf %broadcast_in_dim3A, %div3A_617 : vector<400x1xf32>
    %sub3A = vector.broadcast %div3A_618 : vector<400x1xf32> to vector<400x128xf32>
    %sub3A_619 = arith.subf %add3A_614, %sub3A : vector<400x128xf32>
    %mul3A_620 = arith.mulf %sub3A_619, %sub3A_619 : vector<400x128xf32>
    %reduce_sum3A_621 = arith.constant dense<0.000000e+00> : vector<400xf32>
    %reduce_sum3A_622 = vector.multi_reduction <add>, %mul3A_620, %reduce_sum3A_621 [1] : vector<400x128xf32> to vector<400xf32>
    %broadcast_in_dim3A_623 = vector.shape_cast %reduce_sum3A_622 : vector<400xf32> to vector<400x1xf32>
    %div3A_624 = arith.constant 1.280000e+02 : f32
    %div3A_625 = vector.broadcast %div3A_624 : f32 to vector<400x1xf32>
    %div3A_626 = arith.divf %broadcast_in_dim3A_623, %div3A_625 : vector<400x1xf32>
    %add3A_627 = arith.constant 9.99999974E-6 : f32
    %add3A_628 = vector.broadcast %add3A_627 : f32 to vector<400x1xf32>
    %add3A_629 = arith.addf %div3A_626, %add3A_628 : vector<400x1xf32>
    %rsqrt3A = math.rsqrt %add3A_629 : vector<400x1xf32>
    %mul3A_630 = vector.broadcast %rsqrt3A : vector<400x1xf32> to vector<400x128xf32>
    %mul3A_631 = arith.mulf %sub3A_619, %mul3A_630 : vector<400x128xf32>
    %get3A_632 = arith.constant 0 : index
    %get3A_633 = arith.constant 0 : index
    %get3A_634 = vector.load %arg8[%get3A_632, %get3A_633] : memref<1x128xf32, #tpu.memory_space<vmem>>, vector<1x128xf32>
    %mul3A_635 = vector.broadcast %get3A_634 : vector<1x128xf32> to vector<400x128xf32>
    %mul3A_636 = arith.mulf %mul3A_631, %mul3A_635 : vector<400x128xf32>
    %get3A_637 = arith.constant 0 : index
    %get3A_638 = arith.constant 0 : index
    %get3A_639 = vector.load %arg9[%get3A_637, %get3A_638] : memref<1x128xf32, #tpu.memory_space<vmem>>, vector<1x128xf32>
    %add3A_640 = vector.broadcast %get3A_639 : vector<1x128xf32> to vector<400x128xf32>
    %add3A_641 = arith.addf %mul3A_636, %add3A_640 : vector<400x128xf32>
    %max3A_642 = arith.constant 0.000000e+00 : f32
    %max3A_643 = vector.broadcast %max3A_642 : f32 to vector<400x128xf32>
    %max3A_644 = arith.maximumf %add3A_641, %max3A_643 : vector<400x128xf32>
    %add3A_645 = arith.addf %get3A_1, %max3A_644 : vector<400x128xf32>
    %get3A_646 = arith.constant 0 : index
    %get3A_647 = arith.constant 0 : index
    %get3A_648 = vector.load %arg10[%get3A_646, %get3A_647] : memref<128x128xf32, #tpu.memory_space<vmem>>, vector<128x128xf32>
    %dot_general3A_649 = arith.constant dense<0.000000e+00> : vector<400x128xf32>
    %dot_general3A_650 = tpu.matmul %add3A_645, %get3A_648, %dot_general3A_649 {dimension_numbers = #tpu.dot_dimension_numbers<[1], [0], [0], [1], [0, 0, 1, 1], [], []>, precision = #tpu.contract_precision<fp32>, transpose_lhs_hint = false} : vector<400x128xf32>, vector<128x128xf32>, vector<400x128xf32> -> vector<400x128xf32>
    %get3A_651 = arith.constant 0 : index
    %get3A_652 = arith.constant 0 : index
    %get3A_653 = vector.load %arg11[%get3A_651, %get3A_652] : memref<1x128xf32, #tpu.memory_space<vmem>>, vector<1x128xf32>
    %add3A_654 = vector.broadcast %get3A_653 : vector<1x128xf32> to vector<400x128xf32>
    %add3A_655 = arith.addf %dot_general3A_650, %add3A_654 : vector<400x128xf32>
    %max3A_656 = arith.constant 0.000000e+00 : f32
    %max3A_657 = vector.broadcast %max3A_656 : f32 to vector<400x128xf32>
    %max3A_658 = arith.maximumf %add3A_655, %max3A_657 : vector<400x128xf32>
    %get3A_659 = arith.constant 0 : index
    %get3A_660 = arith.constant 0 : index
    %get3A_661 = vector.load %arg12[%get3A_659, %get3A_660] : memref<128x128xf32, #tpu.memory_space<vmem>>, vector<128x128xf32>
    %dot_general3A_662 = arith.constant dense<0.000000e+00> : vector<400x128xf32>
    %dot_general3A_663 = tpu.matmul %max3A_658, %get3A_661, %dot_general3A_662 {dimension_numbers = #tpu.dot_dimension_numbers<[1], [0], [0], [1], [0, 0, 1, 1], [], []>, precision = #tpu.contract_precision<fp32>, transpose_lhs_hint = false} : vector<400x128xf32>, vector<128x128xf32>, vector<400x128xf32> -> vector<400x128xf32>
    %get3A_664 = arith.constant 0 : index
    %get3A_665 = arith.constant 0 : index
    %get3A_666 = vector.load %arg13[%get3A_664, %get3A_665] : memref<1x128xf32, #tpu.memory_space<vmem>>, vector<1x128xf32>
    %add3A_667 = vector.broadcast %get3A_666 : vector<1x128xf32> to vector<400x128xf32>
    %add3A_668 = arith.addf %dot_general3A_663, %add3A_667 : vector<400x128xf32>
    %swap3A = arith.constant 0 : index
    %swap3A_669 = arith.constant 0 : index
    %swap3A_670 = vector.load %arg14[%swap3A, %swap3A_669] : memref<400x128xf32, #tpu.memory_space<vmem>>, vector<400x128xf32>
    tpu.vector_store %arg14[%swap3A, %swap3A_669], %add3A_668 {strides = array<i32>} : memref<400x128xf32, #tpu.memory_space<vmem>>, vector<400x128xf32>,
    return
  }
  func.func @transform_0(%arg0: i32) -> (i32, i32, i32, i32) {
    %c0_i32 = arith.constant 0 : i32
    %c0_i32_0 = arith.constant 0 : i32
    %c0_i32_1 = arith.constant 0 : i32
    %c0_i32_2 = arith.constant 0 : i32
    return %c0_i32, %c0_i32_0, %arg0, %c0_i32_1 : i32, i32, i32, i32
  }
  func.func @transform_1(%arg0: i32) -> (i32, i32, i32, i32) {
    %c0_i32 = arith.constant 0 : i32
    %c0_i32_0 = arith.constant 0 : i32
    %c0_i32_1 = arith.constant 0 : i32
    %c0_i32_2 = arith.constant 0 : i32
    return %c0_i32, %c0_i32_0, %arg0, %c0_i32_1 : i32, i32, i32, i32
  }
  func.func @transform_2(%arg0: i32) -> (i32, i32) {
    %c0_i32 = arith.constant 0 : i32
    %c0_i32_0 = arith.constant 0 : i32
    return %arg0, %c0_i32 : i32, i32
  }
  func.func @transform_3(%arg0: i32) -> (i32, i32) {
    %c0_i32 = arith.constant 0 : i32
    %c0_i32_0 = arith.constant 0 : i32
    %c0_i32_1 = arith.constant 0 : i32
    return %c0_i32, %c0_i32_0 : i32, i32
  }
  func.func @transform_4(%arg0: i32) -> (i32, i32, i32) {
    %c0_i32 = arith.constant 0 : i32
    %c0_i32_0 = arith.constant 0 : i32
    %c0_i32_1 = arith.constant 0 : i32
    %c0_i32_2 = arith.constant 0 : i32
    return %c0_i32, %c0_i32_0, %c0_i32_1 : i32, i32, i32
  }
  func.func @transform_5(%arg0: i32) -> (i32, i32) {
    %c0_i32 = arith.constant 0 : i32
    %c0_i32_0 = arith.constant 0 : i32
    %c0_i32_1 = arith.constant 0 : i32
    return %c0_i32, %c0_i32_0 : i32, i32
  }
  func.func @transform_6(%arg0: i32) -> (i32, i32) {
    %c0_i32 = arith.constant 0 : i32
    %c0_i32_0 = arith.constant 0 : i32
    %c0_i32_1 = arith.constant 0 : i32
    return %c0_i32, %c0_i32_0 : i32, i32
  }
  func.func @transform_7(%arg0: i32) -> (i32, i32) {
    %c0_i32 = arith.constant 0 : i32
    %c0_i32_0 = arith.constant 0 : i32
    %c0_i32_1 = arith.constant 0 : i32
    return %c0_i32, %c0_i32_0 : i32, i32
  }
  func.func @transform_8(%arg0: i32) -> (i32, i32) {
    %c0_i32 = arith.constant 0 : i32
    %c0_i32_0 = arith.constant 0 : i32
    %c0_i32_1 = arith.constant 0 : i32
    return %c0_i32, %c0_i32_0 : i32, i32
  }
  func.func @transform_9(%arg0: i32) -> (i32, i32) {
    %c0_i32 = arith.constant 0 : i32
    %c0_i32_0 = arith.constant 0 : i32
    %c0_i32_1 = arith.constant 0 : i32
    return %c0_i32, %c0_i32_0 : i32, i32
  }
  func.func @transform_10(%arg0: i32) -> (i32, i32) {
    %c0_i32 = arith.constant 0 : i32
    %c0_i32_0 = arith.constant 0 : i32
    %c0_i32_1 = arith.constant 0 : i32
    return %c0_i32, %c0_i32_0 : i32, i32
  }
  func.func @transform_11(%arg0: i32) -> (i32, i32) {
    %c0_i32 = arith.constant 0 : i32
    %c0_i32_0 = arith.constant 0 : i32
    %c0_i32_1 = arith.constant 0 : i32
    return %c0_i32, %c0_i32_0 : i32, i32
  }
  func.func @transform_12(%arg0: i32) -> (i32, i32) {
    %c0_i32 = arith.constant 0 : i32
    %c0_i32_0 = arith.constant 0 : i32
    %c0_i32_1 = arith.constant 0 : i32
    return %c0_i32, %c0_i32_0 : i32, i32
  }
  func.func @transform_13(%arg0: i32) -> (i32, i32) {
    %c0_i32 = arith.constant 0 : i32
    %c0_i32_0 = arith.constant 0 : i32
    return %arg0, %c0_i32 : i32, i32
  }
}

</mosaic_0001>

<sc_bundles>
// kernel: kernel.10.cloned.1.call-start
scs
__scs_entry_jumppad:
0x0: {  	(pc) =	sbr.rel $0x88, $3  }
0x1: {  	(tag) =	ssettag $0x0;
	lr =	simm.s32 $0x1  }
0x2: {  	[smem:$0x3F92] =	sst lr;
	_ =	strace $0xD0000000  }
0x3: {  	_ = 	snop  }
0x4: {  	_ = 	snop  }
0x5: {  	_ = 	snop  }
0x6: {  	_ = 	snop  }
0x7: {  	_ = 	snop  }
__scs_overlays_trampoline_lowered:
0x8: {  	[smem:$0x3FA1] =	sst s0  }
0x9: {  	[smem:$0x3FA2] =	sst s1  }
0xa: {  	[smem:$0x3FA3] =	sst s2  }
0xb: {  	[smem:$0x3FA4] =	sst s3  }
0xc: {  	[smem:$0x3FA5] =	sst s4  }
0xd: {  	[smem:$0x3FA6] =	sst s5  }
0xe: {  	[smem:$0x3FA7] =	sst s6  }
0xf: {  	[smem:$0x3FA8] =	sst s7  }
0x10: {  	[smem:$0x3FA9] =	sst s8  }
0x11: {  	[smem:$0x3FAA] =	sst s9;
	s0 =	simm.s32 @!p0 $0x0  }
0x12: {  	s1 =	sld [smem:$0x3F90];
	s0 =	simm.s32 @p0 $0x1  }
0x13: {  	[smem:$0x3FAB] =	sst s0;
	s0 =	simm.s32 @!p1 $0x0  }
0x14: {  	s2 =	sld [smem:$0x3F8F];
	s0 =	simm.s32 @p1 $0x1  }
0x15: {  	[smem:$0x3FAC] =	sst s0;
	s0 =	simm.s32 @!p2 $0x0  }
0x16: {  	s3 =	sld [smem:$0x3FDB];
	s0 =	simm.s32 @p2 $0x1  }
0x17: {  	s4 =	simm.s32 $0x1BF5;
	[smem:$0x3FAE] =	sst s0  }
0x18: {  	s0 =	sld [smem:$0x3F91];
	_ =	swait.ge [sflag:s4], $0x0  }
0x19: {  	s7 =	sld [smem:$0x3F92]  }
0x1a: {  	s8 =	sadd.s32 $0xFFFFE003, lr  }
0x1b: {  	s9 =	sadd.s32 $0xFFFFFEF7, lr;
	s5 =	simm.s32 $0xFFFFFFFF;
	p2 =	slt.u32 s8, $0xFFFFF086  }
0x1c: {  	p1 =	slt.u32 s9, $0xF7A;
	s5 =	simm.s32 @!p2 $0x0  }
0x1d: {  	s5 =	simm.s32 @p1 $0x1;
	p0 =	seq.s32 s7, s2  }
0x1e: {  	s7 =	smul.u32 @!p0 $0xF7A, s2;
	p2 =	seq.s32 @!p0 s5, $0x0  }
0x1f: {  	s9 =	smul.u32 $0xF7A, s1;
	s8 =	simm.s32 @!p0 $0x1BF5;
	p2 =	por !p2, p0  }
0x20: {  	[sflag:s8] =	ssyncset.s32 @!p0 $0xFFFFF086;
	s6 =	sadd.s32 @!p0 s3, s7;
	s7 =	simm.s32 @!p0 $0x108  }
0x21: {  	s3 =	sadd.s32 s3, s9;
	s6 =	sadd.s32 @!p0 $0x88, s6;
	s7 =	simm.s32 @p2 $0x1082  }
0x22: {  	[simem:s7], [sflag:s8] =	dma.local @!p0 [hbm:s6], $0xF7A  }
0x23: {  	s9 =	sor.u32 $0xD0000000, s2;
	s6 =	simm.s32 $0x108;
	_ =	swait.ge @!p0 [sflag:s8], $0x0  }
0x24: {  	s3 =	sadd.s32 $0x88, s3;
	s6 =	simm.s32 @!p1 $0x1082;
	[sflag:s4] =	ssyncset.s32 $0xFFFFF086  }
0x25: {  	[simem:s6], [sflag:s4] =	dma.local [hbm:s3], $0xF7A  }
0x26: {  	[smem:$0x3F92] =	sst s1;
	(tag) =	ssettag s2;
	_ =	strace s9  }
0x27: {  	s1 =	sld [smem:$0x3FA2]  }
0x28: {  	s2 =	sld [smem:$0x3FA3]  }
0x29: {  	s4 =	sld [smem:$0x3FA5]  }
0x2a: {  	p0 =	seq.s32 s5, $0x0;
	s5 =	sld [smem:$0x3FA6]  }
0x2b: {  	s6 =	sld [smem:$0x3FA7]  }
0x2c: {  	s7 =	sld [smem:$0x3FA8]  }
0x2d: {  	s3 =	simm.s32 $0x108;
	s8 =	sld [smem:$0x3FA9]  }
0x2e: {  	s3 =	simm.s32 @!p0 $0x1082;
	s9 =	sld [smem:$0x3FAA]  }
0x2f: {  	lr =	sadd.s32 s0, s3;
	s0 =	sld [smem:$0x3FA1]  }
0x30: {  	s3 =	sld [smem:$0x3FA4]  }
0x31: {  	[smem:$0x3FAD] =	sst s10  }
0x32: {  	s10 =	sld [smem:$0x3FAB];
	_ =	sdelay $0x3  }
0x33: {  	p0 =	seq.s32 s10, $0x1;
	s10 =	sld [smem:$0x3FAD];
	_ =	sdelay $0x3  }
0x34: {  	[smem:$0x3FAD] =	sst s10  }
0x35: {  	s10 =	sld [smem:$0x3FAC];
	_ =	sdelay $0x3  }
0x36: {  	p1 =	seq.s32 s10, $0x1;
	s10 =	sld [smem:$0x3FAD];
	_ =	sdelay $0x3  }
0x37: {  	[smem:$0x3FAD] =	sst s10  }
0x38: {  	s10 =	sld [smem:$0x3FAE]  }
0x39: {  	_ = 	snop;
	(pc) =	sbr.ind lr, $3  }
0x3a: {  	_ = 	snop  }
0x3b: {  	_ = 	snop  }
0x3c: {  	p2 =	seq.s32 s10, $0x1;
	s10 =	sld [smem:$0x3FAD]  }
0x3d: {  	_ =	shalt  }
0x3e: {  	_ =	shalt  }
0x3f: {  	_ =	shalt  }
0x40: {  	_ =	shalt  }
0x41: {  	_ =	shalt  }
0x42: {  	_ =	shalt  }
0x43: {  	_ =	shalt  }
0x44: {  	_ =	shalt  }
0x45: {  	_ =	shalt  }
0x46: {  	_ =	shalt  }
0x47: {  	_ =	shalt  }
0x48: {  	_ =	shalt  }
0x49: {  	_ =	shalt  }
0x4a: {  	_ =	shalt  }
0x4b: {  	_ =	shalt  }
0x4c: {  	_ =	shalt  }
0x4d: {  	_ =	shalt  }
0x4e: {  	_ =	shalt  }
0x4f: {  	_ =	shalt  }
0x50: {  	_ =	shalt  }
0x51: {  	_ =	shalt  }
0x52: {  	_ =	shalt  }
0x53: {  	_ =	shalt  }
0x54: {  	_ =	shalt  }
0x55: {  	_ =	shalt  }
0x56: {  	_ =	shalt  }
0x57: {  	_ =	shalt  }
0x58: {  	_ =	shalt  }
0x59: {  	_ =	shalt  }
0x5a: {  	_ =	shalt  }
0x5b: {  	_ =	shalt  }
0x5c: {  	_ =	shalt  }
0x5d: {  	_ =	shalt  }
0x5e: {  	_ =	shalt  }
0x5f: {  	_ =	shalt  }
0x60: {  	_ =	shalt  }
0x61: {  	_ =	shalt  }
0x62: {  	_ =	shalt  }
0x63: {  	_ =	shalt  }
0x64: {  	_ =	shalt  }
0x65: {  	_ =	shalt  }
0x66: {  	_ =	shalt  }
0x67: {  	_ =	shalt  }
0x68: {  	_ =	shalt  }
0x69: {  	_ =	shalt  }
0x6a: {  	_ =	shalt  }
0x6b: {  	_ =	shalt  }
0x6c: {  	_ =	shalt  }
0x6d: {  	_ =	shalt  }
0x6e: {  	_ =	shalt  }
0x6f: {  	_ =	shalt  }
0x70: {  	_ =	shalt  }
0x71: {  	_ =	shalt  }
0x72: {  	_ =	shalt  }
0x73: {  	_ =	shalt  }
0x74: {  	_ =	shalt  }
0x75: {  	_ =	shalt  }
0x76: {  	_ =	shalt  }
0x77: {  	_ =	shalt  }
0x78: {  	_ =	shalt  }
0x79: {  	_ =	shalt  }
0x7a: {  	_ =	shalt  }
0x7b: {  	_ =	shalt  }
0x7c: {  	_ =	shalt  }
0x7d: {  	_ =	shalt  }
0x7e: {  	_ =	shalt  }
0x7f: {  	_ =	shalt  }
0x80: {  	_ =	shalt  }
0x81: {  	_ =	shalt  }
0x82: {  	_ =	shalt  }
0x83: {  	_ =	shalt  }
0x84: {  	_ =	shalt  }
0x85: {  	_ =	shalt  }
0x86: {  	_ =	shalt  }
0x87: {  	_ =	shalt  }
.Lfunc_end0:
.L_simem_size_0:
called_computation_lowered:
.L_overlay_start_0:
0x88: {  	s2 =	sld [smem:$0x3FD9]  }
0x89: {  	s3 =	sld [smem:$0x3FFE];
	_ =	sdelay $0x1  }
0x8a: {  	s1 =	srdreg.scid  }
0x8b: {  	s0 =	sand.u32 $0x1, s1  }
0x8c: {  	s17 =	sshll.u32 s0, $0xA;
	s2 =	sadd.s32 s3, s2  }
0x8d: {  	s2 =	sadd.s32 s2, s17  }
0x8e: {  	[smem:$0x3FB9] =	sst s2  }
0x8f: {  	_ = 	snop  }
0x90: {  	s2 =	sld [smem:$0x3FD0];
	(tm) =	ssettm $0x1  }
0x91: {  	s18 =	sld [smem:$0x3FFB];
	_ =	sdelay $0x3  }
0x92: {  	_ =	strace s18  }
0x93: {  	s3 =	sld [smem:$0x3FFC];
	_ =	sdelay $0x3  }
0x94: {  	_ =	strace s3  }
0x95: {  	s3 =	sld [smem:$0x3FFD];
	_ =	sdelay $0x3  }
0x96: {  	_ =	strace s3  }
0x97: {  	_ =	strace $0x8FFFFFFF  }
0x98: {  	s19 =	sld [smem:$0x3FDB];
	_ =	sdelay $0x1  }
0x99: {  	s4 =	simm.s32 $_scs_section_size  }
0x9a: {  	s5 =	simm.s32 $_size__tile_overlayer_lowered;
	s6 =	simm.s32 $_tile_overlayer_lowered  }
0x9b: {  	s22 =	simm.s32 $0x1BFF;
	s21 =	sshll.u32 s6, $0x1;
	s3 =	sadd.s32 s4, s19  }
0x9c: {  	s7 =	simm.s32 $0x0;
	s20 =	sshll.u32 s5, $0x1;
	s5 =	sadd.s32 s21, s3  }
0x9d: {  	[timem:s7], [sflag:s22] =	dma.local [hbm:s5], s20  }
0x9e: {  	_ =	swait.ge [sflag:s22], s20  }
0x9f: {  	s4 =	ssub.s32 $0x0, s20;
	[sflag:s22] =	ssyncset.done $0x0  }
0xa0: {  	[sflag:s22] =	ssyncadd.s32 s4;
	_ =	sdelay $0x1  }
0xa1: {  	s23 =	simm.s32 $0x1B8B  }
0xa2: {  	_ =	swait.ge [sflag:s23], $0x1  }
0xa3: {  	[sflag:s23] =	ssyncset.done $0x0  }
0xa4: {  	s25 =	simm.s32 $0x1B8E;
	s24 =	sld [smem:$0x3FFE];
	[sflag:s23] =	ssyncadd.s32 $0xFFFFFFFF  }
0xa5: {  	s26 =	simm.s32 $execute0_lowered;
	[smem:$0x3FD2] =	sst s25  }
0xa6: {  	s5 =	sshll.u32 s26, $0x1;
	_ =	strace $0x80000046;
	[dreg:$0x1] =	wrdreg $0xFFFFFFFF  }
0xa7: {  	s28 =	simm.s32 $_size_execute0_lowered;
	s3 =	sadd.s32 s3, s5;
	[dreg:$0x0] =	wrdreg $0x0  }
0xa8: {  	s5 =	sshll.u32 s28, $0x1;
	[dreg:$0x2] =	wrdreg s3  }
0xa9: {  	[dreg:$0x3] =	wrdreg s5  }
0xaa: {  	[dreg:$0x4] =	wrdreg $0xC0  }
0xab: {  	_ =	task [dreg:s7], $0x5FFFF  }
0xac: {  	[dreg:$0x1] =	wrdreg $0xFFFFFFFF  }
0xad: {  	[dreg:$0x0] =	wrdreg $0x60  }
0xae: {  	[dreg:$0x2] =	wrdreg s2  }
0xaf: {  	[dreg:$0x3] =	wrdreg s24  }
0xb0: {  	[dreg:$0x4] =	wrdreg $0x72800  }
0xb1: {  	[dreg:$0x5] =	wrdreg $0x9  }
0xb2: {  	_ =	task.clear_ibuf [dreg:s7], $0x6FFFF;
	_ =	strace $0x90000046  }
0xb3: {  	s29 =	simm.s32 $0x9;
	_ =	strace $0x80000048  }
0xb4: {  	_ =	swait.ge [sflag:s29], $0x1  }
0xb5: {  	[sflag:s29] =	ssyncadd.s32 $0xFFFFFFFF  }
0xb6: {  	_ =	strace $0x90000048  }
0xb7: {  	_ =	sfence  }
0xb8: {  	s30 =	sld [smem:$0x0];
	_ =	sdelay $0x2  }
0xb9: {  	s31 =	sshll.u32 s1, $0xD;
	s1 =	sshrl.u32 s1, $0x2  }
0xba: {  	s3 =	sand.u32 $0x4000, s31;
	s1 =	sadd.s32 s1, s30  }
0xbb: {  	s0 =	sor.u32 s3, s0;
	s1 =	sshll.u32 s1, $0x11  }
0xbc: {  	s0 =	sor.u32 s1, s0  }
0xbd: {  	s0 =	sadd.s32 $0x8F2B, s0  }
0xbe: {  	[sflag:s0] =	ssyncadd.remote.s32 $0x1  }
0xbf: {  	_ =	sfence.sel $0xFFFF  }
0xc0: {  	[dreg:$0x0] =	wrdreg $0xFFFFFFFF;
	(pc) =	sbr.abs _section_cstart, $3  }
0xc1: {  	[dreg:$0x1] =	wrdreg $0xFFFFFFFF  }
0xc2: {  	_ =	task.clear_ibuf [dreg:s7], $0x2FFFF;
	_ =	strace $0x9FFFFFFF  }
0xc3: {  	(tm) =	ssettm $0x7FFFFFFF  }
tec
execute0_lowered:
.L_overlay_start_1:
0x0: {  	(tag) =	ssettag $0x1  }
0x1: {  	s0 =	srdreg.scid;
	s2 =	rddreg [dreg:$0x1]  }
0x2: {  	s10 =	stileid.u32;
	s3 =	rddreg [dreg:$0x2]  }
0x3: {  	s5 =	simm.s32 $0x0;
	s13 =	simm.s32 $0xB;
	s14 =	simm.s32 $0x80  }
0x4: {  	s15 =	simm.s32 $0x5000;
	s16 =	simm.s32 $0x5800;
	s18 =	simm.s32 $0x6000  }
0x5: {  	s20 =	simm.s32 $0x6800;
	s21 =	simm.s32 $0x7000;
	s28 =	simm.s32 $0x3  }
0x6: {  	s30 =	simm.s32 $0x5;
	s11 =	simm.s32 $0x7;
	s4 =	smul.u32 $0x18880, s10  }
0x7: {  	s17 =	simm.s32 $0x4F00;
	s19 =	simm.s32 $0x4F80;
	s9 =	smul.u32 $0x62200, s10  }
0x8: {  	s0 =	sand.u32 $0x1, s0;
	[smem:$0x7FF] =	sst s5;
	s23 =	smul.u32 $0xC4400, s10  }
0x9: {  	s5 =	sadd.s32 $0x7B200, s2;
	s1 =	sshll.u32 s0, $0x4;
	s6 =	smul.u32 $0x188800, s0  }
0xa: {  	_ =	strace $0x80000047;
	s7 =	ssub.s32 $0x2, s0;
	s0 =	smul.u32 $0xC44000, s0  }
0xb: {  	s1 =	sor.u32 s10, s1;
	s8 =	sshrl.u32 s7, $0x1;
	s25 =	sshrl.u32 s9, $0x2  }
0xc: {  	s26 =	sadd.s32 s4, s3;
	s10 =	simm.s32 $0x0;
	s1 =	smul.u32 $0x500, s1  }
0xd: {  	s6 =	sadd.s32 s4, s6;
	s22 =	ssub.s32 s7, s8;
	s8 =	sadd.s32 s23, s0  }
0xe: {  	s9 =	sadd.s32 s25, s3;
	s23 =	simm.s32 $0x1;
	s0 =	sshrl.u32 s26, $0x3  }
0xf: {  	s7 =	simm.s32 $0x6;
	s25 =	simm.s32 $0x8;
	s4 =	simm.s32 $0x2780  }
0x10: {  	s26 =	simm.s32 $0x10;
	s6 =	sshrl.u32 s6, $0x3;
	s31 =	smax.u32 s22, $0x1  }
0x11: {  	s22 =	simm.s32 $0x9;
	[dreg:$0x8] =	wrdreg s0;
	s1 =	sadd.s32 s1, s2  }
0x12: {  	s0 =	simm.s32 $0x2700;
	[dreg:$0x7] =	wrdreg s31;
	s24 =	sadd.s32 $0xF000, s1  }
0x13: {  	s2 =	sadd.s32 s6, s2;
	s1 =	sadd.s32 $0x5000, s1;
	[dreg:$0x4] =	wrdreg s24  }
0x14: {  	s29 =	sadd.s32 $0x19000, s2;
	s2 =	simm.s32 $0x4;
	[dreg:$0x5] =	wrdreg s1  }
0x15: {  	v0 =	vimm.f32 $0.0e+00;
	v1 =	vimm.f32 $1.000000000e+00;
	[dreg:$0x6] =	wrdreg s29;
	s24 =	simm.s32 $0x2;
	s1 =	simm.s32 $0x4E80  }
.LBB2_1:
0x16: {  	[dreg:$0x9] =	wrdreg s10  }
0x17: {  	s6 =	simm.s32 $0x0;
	s29 =	rddreg [dreg:$0x4]  }
0x18: {  	[tilespmem:s6], [sflag:$0xB] =	stream.linear.gather [hbm4b:s29+s6], $0x2800, $0x38;
	[tilespmem:$0x1FB00] =	vst v63  }
0x19: {  	_ =	swait.ge [sflag:s13], $0x2800  }
0x1a: {  	[sflag:s13] =	ssyncset.done $0x0  }
0x1b: {  	s29 =	simm.s32 $0x2800;
	s31 =	rddreg [dreg:$0x5];
	[sflag:s13] =	ssyncadd.s32 $0xFFFFD800  }
0x1c: {  	[tilespmem:s29], [sflag:$0xB] =	stream.linear.gather [hbm4b:s31+s6], $0x2800, $0x38;
	[tilespmem:$0x1FB00] =	vst v63  }
0x1d: {  	_ =	swait.ge [sflag:s13], $0x2800  }
0x1e: {  	[sflag:s13] =	ssyncset.done $0x0  }
0x1f: {  	[sflag:s13] =	ssyncadd.s32 $0xFFFFD800  }
0x20: {  	[tilespmem:$0x7000] =	vst v0  }
0x21: {  	[tilespmem:$0x7010] =	vst v0  }
0x22: {  	[tilespmem:$0x7020] =	vst v0  }
0x23: {  	[tilespmem:$0x7030] =	vst v0  }
0x24: {  	[tilespmem:$0x7040] =	vst v0  }
0x25: {  	[tilespmem:$0x7050] =	vst v0  }
0x26: {  	[tilespmem:$0x7060] =	vst v0  }
0x27: {  	[tilespmem:$0x7070] =	vst v0  }
0x28: {  	[tilespmem:$0x7080] =	vst v0  }
0x29: {  	[tilespmem:$0x7090] =	vst v0  }
0x2a: {  	[tilespmem:$0x70A0] =	vst v0  }
0x2b: {  	[tilespmem:$0x70B0] =	vst v0  }
0x2c: {  	[tilespmem:$0x70C0] =	vst v0  }
0x2d: {  	[tilespmem:$0x70D0] =	vst v0  }
0x2e: {  	[tilespmem:$0x70E0] =	vst v0  }
0x2f: {  	[tilespmem:$0x70F0] =	vst v0  }
0x30: {  	[tilespmem:$0x7100] =	vst v0  }
0x31: {  	[tilespmem:$0x7110] =	vst v0  }
0x32: {  	[tilespmem:$0x7120] =	vst v0  }
0x33: {  	[tilespmem:$0x7130] =	vst v0  }
0x34: {  	[tilespmem:$0x7140] =	vst v0  }
0x35: {  	[tilespmem:$0x7150] =	vst v0  }
0x36: {  	[tilespmem:$0x7160] =	vst v0  }
0x37: {  	[tilespmem:$0x7170] =	vst v0  }
0x38: {  	[tilespmem:$0x7180] =	vst v0  }
0x39: {  	[tilespmem:$0x7190] =	vst v0  }
0x3a: {  	[tilespmem:$0x71A0] =	vst v0  }
0x3b: {  	[tilespmem:$0x71B0] =	vst v0  }
0x3c: {  	[tilespmem:$0x71C0] =	vst v0  }
0x3d: {  	[tilespmem:$0x71D0] =	vst v0  }
0x3e: {  	[tilespmem:$0x71E0] =	vst v0  }
0x3f: {  	[tilespmem:$0x71F0] =	vst v0  }
0x40: {  	[tilespmem:$0x7200] =	vst v0  }
0x41: {  	[tilespmem:$0x7210] =	vst v0  }
0x42: {  	[tilespmem:$0x7220] =	vst v0  }
0x43: {  	[tilespmem:$0x7230] =	vst v0  }
0x44: {  	[tilespmem:$0x7240] =	vst v0  }
0x45: {  	[tilespmem:$0x7250] =	vst v0  }
0x46: {  	[tilespmem:$0x7260] =	vst v0  }
0x47: {  	s12 =	simm.s32 $0x0;
	s13 =	simm.s32 $0x0;
	[tilespmem:$0x7270] =	vst v0  }
.LBB2_2:
0x48: {  	s6 =	smul.u32 $0x4E20, s13  }
0x49: {  	s10 =	rddreg [dreg:$0x0]  }
0x4a: {  	s29 =	sadd.s32 s10, s6  }
0x4b: {  	[tilespmem:s15], [sflag:$0x1] =	stream.indirect.gather [hbm4b:s29+s14], $0x10, s12, s14, $0xb8;
	[tilespmem:$0x1FB00] =	vst v63  }
0x4c: {  	_ = 	snop  }
0x4d: {  	[tilespmem:s16], [sflag:$0x2] =	stream.indirect.gather [hbm4b:s29+s14], $0x10, s14, s14, $0xb8;
	[tilespmem:$0x1FB00] =	vst v63  }
0x4e: {  	p0 =	seq.s32 s13, $0x0;
	s10 =	simm.s32 $0x100  }
0x4f: {  	[tilespmem:s18], [sflag:$0x3] =	stream.indirect.gather [hbm4b:s29+s14], $0x10, s10, s14, $0xb8;
	[tilespmem:$0x1FB00] =	vst v63  }
0x50: {  	s31 =	simm.s32 $0x180;
	s6 =	simm.s32 @!p0 $0xA  }
0x51: {  	[tilespmem:s20], [sflag:$0x4] =	stream.indirect.gather [hbm4b:s29+s14], $0x10, s31, s14, $0xb8;
	[tilespmem:$0x1FB00] =	vst v63  }
0x52: {  	_ =	swait.ge @!p0 [sflag:s6], $0x3110  }
0x53: {  	[sflag:s6] =	ssyncset.done @!p0 $0x0  }
0x54: {  	[sflag:s6] =	ssyncadd.s32 @!p0 $0xFFFFCEF0;
	s6 =	simm.s32 $0x0  }
.LBB2_3:
0x55: {  	p0 =	sne.s32 s6, $0x61800  }
.Ltmp0:
0x56: {  	_ = 	snop;
	(pc) =	sbr.rel @p0 .LBB2_3-.Ltmp0, $4  }
0x57: {  	_ = 	snop  }
0x58: {  	s31 =	sshra.s32 s6, $0x2  }
0x59: {  	s6 =	sadd.s32 $0xA00, s6;
	s31 =	sadd.s32 s31, s9  }
0x5a: {  	[spmem:s31] =	stream.linear.scatter [tilespmem:s21], [sflag:$0x9], $0x280, $0x38;
	[tilespmem:$0x1FB00] =	vst v63  }
0x5b: {  	_ =	swait.ge [sflag:s22], $0x280  }
0x5c: {  	s6 =	simm.s32 $0x9C;
	[sflag:s22] =	ssyncset.done $0x0  }
.LBB2_5:
0x5d: {  	p0 =	sne.s32 s6, $0x1;
	s6 =	sadd.s32 $0xFFFFFFFF, s6;
	[sflag:s22] =	ssyncadd.s32 $0xFFFFFD80  }
.Ltmp1:
0x5e: {  	(pc) =	sbr.rel @p0 .LBB2_5-.Ltmp1, $3  }
0x5f: {  	_ =	sdelay $0x1  }
0x60: {  	_ =	swait.ge [sflag:s22], $0x280  }
0x61: {  	[sflag:s22] =	ssyncset.done $0x0  }
0x62: {  	[sflag:s22] =	ssyncadd.s32 $0xFFFFFD80  }
0x63: {  	[bflag:$0x0] =	sbarrier.arrive $0xFFFF  }
0x64: {  	_ =	swait.ge [sflag:s23], $0x800  }
0x65: {  	[sflag:s23] =	ssyncset.done $0x0  }
0x66: {  	s6 =	simm.s32 $0x2800;
	[sflag:s23] =	ssyncadd.s32 $0xFFFFF800  }
0x67: {  	[spmem:s3] =	stream.indirect.scatter.add.f32 [tilespmem:s15], [sflag:$0x5], $0x10, s6, s14, $0xb8;
	[tilespmem:$0x1FB00] =	vst v63  }
0x68: {  	_ =	swait.ge [sflag:s24], $0x800  }
0x69: {  	[sflag:s24] =	ssyncset.done $0x0  }
0x6a: {  	s10 =	simm.s32 $0x2880;
	[sflag:s24] =	ssyncadd.s32 $0xFFFFF800  }
0x6b: {  	[spmem:s3] =	stream.indirect.scatter.add.f32 [tilespmem:s16], [sflag:$0x6], $0x10, s10, s14, $0xb8;
	[tilespmem:$0x1FB00] =	vst v63  }
0x6c: {  	_ =	swait.ge [sflag:s28], $0x800  }
0x6d: {  	[sflag:s28] =	ssyncset.done $0x0  }
0x6e: {  	s10 =	simm.s32 $0x2900;
	[sflag:s28] =	ssyncadd.s32 $0xFFFFF800  }
0x6f: {  	[spmem:s3] =	stream.indirect.scatter.add.f32 [tilespmem:s18], [sflag:$0x7], $0x10, s10, s14, $0xb8;
	[tilespmem:$0x1FB00] =	vst v63  }
0x70: {  	_ =	swait.ge [sflag:s30], $0x800  }
0x71: {  	[sflag:s30] =	ssyncset.done $0x0  }
0x72: {  	s10 =	simm.s32 $0x200;
	[sflag:s30] =	ssyncadd.s32 $0xFFFFF800  }
0x73: {  	[tilespmem:s15], [sflag:$0x1] =	stream.indirect.gather [hbm4b:s29+s14], $0x10, s10, s14, $0xb8;
	[tilespmem:$0x1FB00] =	vst v63  }
0x74: {  	_ =	swait.ge [sflag:s2], $0x800  }
0x75: {  	[sflag:s2] =	ssyncset.done $0x0  }
0x76: {  	s10 =	simm.s32 $0x2980;
	[sflag:s2] =	ssyncadd.s32 $0xFFFFF800  }
0x77: {  	[spmem:s3] =	stream.indirect.scatter.add.f32 [tilespmem:s20], [sflag:$0x8], $0x10, s10, s14, $0xb8;
	[tilespmem:$0x1FB00] =	vst v63  }
0x78: {  	_ =	swait.ge [sflag:s7], $0x800  }
0x79: {  	[sflag:s7] =	ssyncset.done $0x0  }
0x7a: {  	s10 =	simm.s32 $0x280;
	[sflag:s7] =	ssyncadd.s32 $0xFFFFF800  }
0x7b: {  	[tilespmem:s16], [sflag:$0x2] =	stream.indirect.gather [hbm4b:s29+s14], $0x10, s10, s14, $0xb8;
	[tilespmem:$0x1FB00] =	vst v63  }
0x7c: {  	_ =	swait.ge [sflag:s23], $0x800  }
0x7d: {  	[sflag:s23] =	ssyncset.done $0x0  }
0x7e: {  	s10 =	simm.s32 $0x2A00;
	[sflag:s23] =	ssyncadd.s32 $0xFFFFF800  }
0x7f: {  	[spmem:s3] =	stream.indirect.scatter.add.f32 [tilespmem:s15], [sflag:$0x5], $0x10, s10, s14, $0xb8;
	[tilespmem:$0x1FB00] =	vst v63  }
0x80: {  	_ =	swait.ge [sflag:s11], $0x800  }
0x81: {  	[sflag:s11] =	ssyncset.done $0x0  }
0x82: {  	s10 =	simm.s32 $0x300;
	[sflag:s11] =	ssyncadd.s32 $0xFFFFF800  }
0x83: {  	[tilespmem:s18], [sflag:$0x3] =	stream.indirect.gather [hbm4b:s29+s14], $0x10, s10, s14, $0xb8;
	[tilespmem:$0x1FB00] =	vst v63  }
0x84: {  	_ =	swait.ge [sflag:s24], $0x800  }
0x85: {  	[sflag:s24] =	ssyncset.done $0x0  }
0x86: {  	s10 =	simm.s32 $0x2A80;
	[sflag:s24] =	ssyncadd.s32 $0xFFFFF800  }
0x87: {  	[spmem:s3] =	stream.indirect.scatter.add.f32 [tilespmem:s16], [sflag:$0x6], $0x10, s10, s14, $0xb8;
	[tilespmem:$0x1FB00] =	vst v63  }
0x88: {  	_ =	swait.ge [sflag:s25], $0x800  }
0x89: {  	[sflag:s25] =	ssyncset.done $0x0  }
0x8a: {  	s10 =	simm.s32 $0x380;
	[sflag:s25] =	ssyncadd.s32 $0xFFFFF800  }
0x8b: {  	[tilespmem:s20], [sflag:$0x4] =	stream.indirect.gather [hbm4b:s29+s14], $0x10, s10, s14, $0xb8;
	[tilespmem:$0x1FB00] =	vst v63  }
0x8c: {  	_ =	swait.ge [sflag:s28], $0x800  }
0x8d: {  	[sflag:s28] =	ssyncset.done $0x0  }
0x8e: {  	s10 =	simm.s32 $0x2B00;
	[sflag:s28] =	ssyncadd.s32 $0xFFFFF800  }
0x8f: {  	[spmem:s3] =	stream.indirect.scatter.add.f32 [tilespmem:s18], [sflag:$0x7], $0x10, s10, s14, $0xb8;
	[tilespmem:$0x1FB00] =	vst v63  }
0x90: {  	_ =	swait.ge [sflag:s30], $0x800  }
0x91: {  	[sflag:s30] =	ssyncset.done $0x0  }
0x92: {  	s10 =	simm.s32 $0x400;
	[sflag:s30] =	ssyncadd.s32 $0xFFFFF800  }
0x93: {  	[tilespmem:s15], [sflag:$0x1] =	stream.indirect.gather [hbm4b:s29+s14], $0x10, s10, s14, $0xb8;
	[tilespmem:$0x1FB00] =	vst v63  }
0x94: {  	_ =	swait.ge [sflag:s2], $0x800  }
0x95: {  	[sflag:s2] =	ssyncset.done $0x0  }
0x96: {  	s10 =	simm.s32 $0x2B80;
	[sflag:s2] =	ssyncadd.s32 $0xFFFFF800  }
0x97: {  	[spmem:s3] =	stream.indirect.scatter.add.f32 [tilespmem:s20], [sflag:$0x8], $0x10, s10, s14, $0xb8;
	[tilespmem:$0x1FB00] =	vst v63  }
0x98: {  	_ =	swait.ge [sflag:s7], $0x800  }
0x99: {  	[sflag:s7] =	ssyncset.done $0x0  }
0x9a: {  	s31 =	simm.s32 $0x800;
	s6 =	simm.s32 $0x480;
	[sflag:s7] =	ssyncadd.s32 $0xFFFFF800  }
.LBB2_7:
0x9b: {  	[tilespmem:s16], [sflag:$0x2] =	stream.indirect.gather [hbm4b:s29+s14], $0x10, s6, s14, $0xb8;
	[tilespmem:$0x1FB00] =	vst v63  }
0x9c: {  	s6 =	smov.u32 s31  }
0x9d: {  	p0 =	sne.s32 s31, $0x8800;
	s31 =	sadd.s32 $0x800, s31;
	_ =	swait.ge [sflag:s23], $0x800  }
0x9e: {  	s6 =	sshra.s32 s6, $0x2;
	[sflag:s23] =	ssyncset.done $0x0  }
0x9f: {  	s10 =	sadd.s32 $0x2A00, s6;
	[sflag:s23] =	ssyncadd.s32 $0xFFFFF800  }
0xa0: {  	[spmem:s3] =	stream.indirect.scatter.add.f32 [tilespmem:s15], [sflag:$0x5], $0x10, s10, s14, $0xb8;
	[tilespmem:$0x1FB00] =	vst v63  }
0xa1: {  	_ =	swait.ge [sflag:s11], $0x800  }
0xa2: {  	[sflag:s11] =	ssyncset.done $0x0  }
0xa3: {  	s10 =	sadd.s32 $0x300, s6;
	[sflag:s11] =	ssyncadd.s32 $0xFFFFF800  }
0xa4: {  	[tilespmem:s18], [sflag:$0x3] =	stream.indirect.gather [hbm4b:s29+s14], $0x10, s10, s14, $0xb8;
	[tilespmem:$0x1FB00] =	vst v63  }
0xa5: {  	_ =	swait.ge [sflag:s24], $0x800  }
0xa6: {  	[sflag:s24] =	ssyncset.done $0x0  }
0xa7: {  	s10 =	sadd.s32 $0x2A80, s6;
	[sflag:s24] =	ssyncadd.s32 $0xFFFFF800  }
0xa8: {  	[spmem:s3] =	stream.indirect.scatter.add.f32 [tilespmem:s16], [sflag:$0x6], $0x10, s10, s14, $0xb8;
	[tilespmem:$0x1FB00] =	vst v63  }
0xa9: {  	_ =	swait.ge [sflag:s25], $0x800  }
0xaa: {  	[sflag:s25] =	ssyncset.done $0x0  }
0xab: {  	s10 =	sadd.s32 $0x380, s6;
	[sflag:s25] =	ssyncadd.s32 $0xFFFFF800  }
0xac: {  	[tilespmem:s20], [sflag:$0x4] =	stream.indirect.gather [hbm4b:s29+s14], $0x10, s10, s14, $0xb8;
	[tilespmem:$0x1FB00] =	vst v63  }
0xad: {  	_ =	swait.ge [sflag:s28], $0x800  }
0xae: {  	[sflag:s28] =	ssyncset.done $0x0  }
0xaf: {  	s10 =	sadd.s32 $0x2B00, s6;
	[sflag:s28] =	ssyncadd.s32 $0xFFFFF800  }
0xb0: {  	[spmem:s3] =	stream.indirect.scatter.add.f32 [tilespmem:s18], [sflag:$0x7], $0x10, s10, s14, $0xb8;
	[tilespmem:$0x1FB00] =	vst v63  }
0xb1: {  	_ =	swait.ge [sflag:s30], $0x800  }
0xb2: {  	[sflag:s30] =	ssyncset.done $0x0  }
0xb3: {  	s10 =	sadd.s32 $0x400, s6;
	[sflag:s30] =	ssyncadd.s32 $0xFFFFF800  }
0xb4: {  	[tilespmem:s15], [sflag:$0x1] =	stream.indirect.gather [hbm4b:s29+s14], $0x10, s10, s14, $0xb8;
	[tilespmem:$0x1FB00] =	vst v63  }
0xb5: {  	_ =	swait.ge [sflag:s2], $0x800  }
0xb6: {  	[sflag:s2] =	ssyncset.done $0x0  }
.Ltmp2:
0xb7: {  	s10 =	sadd.s32 $0x2B80, s6;
	[sflag:s2] =	ssyncadd.s32 $0xFFFFF800;
	(pc) =	sbr.rel @p0 .LBB2_7-.Ltmp2, $4  }
0xb8: {  	[spmem:s3] =	stream.indirect.scatter.add.f32 [tilespmem:s20], [sflag:$0x8], $0x10, s10, s14, $0xb8;
	[tilespmem:$0x1FB00] =	vst v63  }
0xb9: {  	_ =	swait.ge [sflag:s7], $0x800  }
0xba: {  	[sflag:s7] =	ssyncset.done $0x0  }
0xbb: {  	s6 =	sadd.s32 $0x480, s6;
	[sflag:s7] =	ssyncadd.s32 $0xFFFFF800  }
0xbc: {  	[tilespmem:s16], [sflag:$0x2] =	stream.indirect.gather [hbm4b:s29+s14], $0x10, s6, s14, $0xb8;
	[tilespmem:$0x1FB00] =	vst v63  }
0xbd: {  	_ =	swait.ge [sflag:s23], $0x800  }
0xbe: {  	[sflag:s23] =	ssyncset.done $0x0  }
0xbf: {  	s10 =	simm.s32 $0x4E00;
	[sflag:s23] =	ssyncadd.s32 $0xFFFFF800  }
0xc0: {  	[spmem:s3] =	stream.indirect.scatter.add.f32 [tilespmem:s15], [sflag:$0x5], $0x10, s10, s14, $0xb8;
	[tilespmem:$0x1FB00] =	vst v63  }
0xc1: {  	_ =	swait.ge [sflag:s11], $0x800  }
0xc2: {  	[sflag:s11] =	ssyncset.done $0x0  }
0xc3: {  	[sflag:s11] =	ssyncadd.s32 $0xFFFFF800  }
0xc4: {  	[tilespmem:s18], [sflag:$0x3] =	stream.indirect.gather [hbm4b:s29+s14], $0x10, s0, s14, $0xb8;
	[tilespmem:$0x1FB00] =	vst v63  }
0xc5: {  	_ =	swait.ge [sflag:s24], $0x800  }
0xc6: {  	[sflag:s24] =	ssyncset.done $0x0  }
0xc7: {  	[sflag:s24] =	ssyncadd.s32 $0xFFFFF800  }
0xc8: {  	[spmem:s3] =	stream.indirect.scatter.add.f32 [tilespmem:s16], [sflag:$0x6], $0x10, s1, s14, $0xb8;
	[tilespmem:$0x1FB00] =	vst v63  }
0xc9: {  	_ =	swait.ge [sflag:s25], $0x800  }
0xca: {  	[sflag:s25] =	ssyncset.done $0x0  }
0xcb: {  	[sflag:s25] =	ssyncadd.s32 $0xFFFFF800  }
0xcc: {  	[tilespmem:s20], [sflag:$0x4] =	stream.indirect.gather [hbm4b:s29+s14], $0x10, s4, s14, $0xb8;
	[tilespmem:$0x1FB00] =	vst v63  }
0xcd: {  	_ =	swait.ge [sflag:s28], $0x800  }
0xce: {  	[sflag:s28] =	ssyncset.done $0x0  }
0xcf: {  	[sflag:s28] =	ssyncadd.s32 $0xFFFFF800  }
0xd0: {  	[spmem:s3] =	stream.indirect.scatter.add.f32 [tilespmem:s18], [sflag:$0x7], $0x10, s17, s14, $0xb8;
	[tilespmem:$0x1FB00] =	vst v63  }
0xd1: {  	_ =	swait.ge [sflag:s2], $0x800  }
0xd2: {  	[sflag:s2] =	ssyncset.done $0x0  }
0xd3: {  	[sflag:s2] =	ssyncadd.s32 $0xFFFFF800  }
0xd4: {  	[spmem:s3] =	stream.indirect.scatter.add.f32 [tilespmem:s20], [sflag:$0x8], $0x10, s19, s14, $0xb8;
	[tilespmem:$0x1FB00] =	vst v63  }
0xd5: {  	_ =	swait.ge [sflag:s30], $0x800  }
0xd6: {  	[sflag:s30] =	ssyncset.done $0x0  }
0xd7: {  	[sflag:s30] =	ssyncadd.s32 $0xFFFFF800  }
0xd8: {  	_ =	swait.ge [sflag:s7], $0x800  }
0xd9: {  	[sflag:s7] =	ssyncset.done $0x0  }
0xda: {  	[sflag:s7] =	ssyncadd.s32 $0xFFFFF800  }
0xdb: {  	_ =	swait.ge [sflag:s11], $0x800  }
0xdc: {  	s31 =	sshll.u32 s13, $0x4;
	s13 =	sadd.s32 $0x1, s13;
	[sflag:s11] =	ssyncset.done $0x0  }
0xdd: {  	p0 =	sne.s32 s13, $0x8;
	[sflag:s11] =	ssyncadd.s32 $0xFFFFF800  }
.Ltmp3:
0xde: {  	s6 =	sadd.s32 s8, s31;
	_ =	swait.ge [sflag:s25], $0x800;
	(pc) =	sbr.rel @p0 .LBB2_2-.Ltmp3, $4  }
0xdf: {  	s31 =	sshrl.u32 s9, $0x3;
	s10 =	stileid.u32;
	[sflag:s25] =	ssyncset.done $0x0  }
0xe0: {  	s6 =	sshrl.u32 s6, $0x3;
	s29 =	sshll.u32 s10, $0x6;
	[sflag:s25] =	ssyncadd.s32 $0xFFFFF800  }
0xe1: {  	s6 =	sadd.s32 s5, s6;
	s10 =	sor.u32 $0x1C0A, s29;
	[bflag:$0x0] =	sbarrier.arrive $0xFFFF  }
0xe2: {  	[hbm:s6@s26], [sflag:s10] =	dma.strided [spmem:s31@s24], $0x3110, s23, $0x2   }
0xe3: {  	s6 =	simm.s32 $0xA  }
0xe4: {  	_ =	swait.ge [sflag:s6], $0x3110  }
0xe5: {  	s13 =	simm.s32 $0x40;
	[sflag:s6] =	ssyncset.done $0x0  }
0xe6: {  	s31 =	simm.s32 $0x0;
	[sflag:s6] =	ssyncadd.s32 $0xFFFFCEF0;
	s6 =	simm.s32 $0x0  }
.LBB2_10:
0xe7: {  	p0 =	sne.s32 s13, $0x1FC0;
	[tilespmem:s31+$0x5000] =	vst v1;
	s10 =	smov.u32 s13;
	s13 =	sadd.s32 $0x40, s13  }
.Ltmp4:
0xe8: {  	(pc) =	sbr.rel @p0 .LBB2_10-.Ltmp4, $2  }
0xe9: {  	_ =	sdelay $0x2  }
0xea: {  	s31 =	sshra.s32 s10, $0x2  }
0xeb: {  	[tilespmem:s31+$0x5000] =	vst v1  }
.LBB2_12:
0xec: {  	p0 =	sne.s32 s6, $0x61800  }
.Ltmp5:
0xed: {  	_ = 	snop;
	(pc) =	sbr.rel @p0 .LBB2_12-.Ltmp5, $4  }
0xee: {  	_ = 	snop  }
0xef: {  	s10 =	sshra.s32 s6, $0x2  }
0xf0: {  	s6 =	sadd.s32 $0xA00, s6;
	s10 =	sadd.s32 s10, s9  }
0xf1: {  	[spmem:s10] =	stream.linear.scatter [tilespmem:s21], [sflag:$0x9], $0x280, $0x38;
	[tilespmem:$0x1FB00] =	vst v63  }
0xf2: {  	_ =	swait.ge [sflag:s22], $0x280  }
0xf3: {  	s6 =	simm.s32 $0x9C;
	s13 =	simm.s32 $0xB;
	[sflag:s22] =	ssyncset.done $0x0  }
.LBB2_14:
0xf4: {  	p0 =	sne.s32 s6, $0x1;
	s6 =	sadd.s32 $0xFFFFFFFF, s6;
	[sflag:s22] =	ssyncadd.s32 $0xFFFFFD80  }
.Ltmp6:
0xf5: {  	(pc) =	sbr.rel @p0 .LBB2_14-.Ltmp6, $3  }
0xf6: {  	_ =	sdelay $0x1  }
0xf7: {  	_ =	swait.ge [sflag:s22], $0x280  }
0xf8: {  	[sflag:s22] =	ssyncset.done $0x0  }
0xf9: {  	[sflag:s22] =	ssyncadd.s32 $0xFFFFFD80  }
0xfa: {  	s6 =	simm.s32 $0x0;
	[bflag:$0x0] =	sbarrier.arrive $0xFFFF  }
.LBB2_16:
0xfb: {  	p0 =	sne.s32 s6, $0x9E00  }
.Ltmp7:
0xfc: {  	_ = 	snop;
	(pc) =	sbr.rel @p0 .LBB2_16-.Ltmp7, $4  }
0xfd: {  	_ = 	snop  }
0xfe: {  	s10 =	sshra.s32 s6, $0x2  }
0xff: {  	s6 =	sadd.s32 $0x200, s6;
	s10 =	sadd.s32 $0x2800, s10  }
0x100: {  	[spmem:s3] =	stream.indirect.scatter.add.f32 [tilespmem:s15], [sflag:$0x5], $0x10, s10, s14, $0xb8;
	[tilespmem:$0x1FB00] =	vst v63  }
0x101: {  	_ =	swait.ge [sflag:s30], $0x800  }
0x102: {  	s6 =	simm.s32 $0x4F;
	[sflag:s30] =	ssyncset.done $0x0  }
.LBB2_18:
0x103: {  	p0 =	sne.s32 s6, $0x1;
	s6 =	sadd.s32 $0xFFFFFFFF, s6;
	[sflag:s30] =	ssyncadd.s32 $0xFFFFF800  }
.Ltmp8:
0x104: {  	(pc) =	sbr.rel @p0 .LBB2_18-.Ltmp8, $3  }
0x105: {  	_ =	sdelay $0x1  }
0x106: {  	_ =	swait.ge [sflag:s30], $0x800  }
0x107: {  	[sflag:s30] =	ssyncset.done $0x0  }
0x108: {  	[sflag:s30] =	ssyncadd.s32 $0xFFFFF800  }
0x109: {  	[bflag:$0x0] =	sbarrier.arrive $0xFFFF  }
0x10a: {  	s10 =	rddreg [dreg:$0x6]  }
0x10b: {  	s6 =	sor.u32 $0x1C0B, s29;
	s12 =	rddreg [dreg:$0x8]  }
0x10c: {  	[hbm:s10], [sflag:s6] =	dma.local [spmem:s12], $0x3110  }
0x10d: {  	_ =	swait.ge [sflag:s13], $0x3110  }
0x10e: {  	s29 =	rddreg [dreg:$0x9]  }
0x10f: {  	s31 =	rddreg [dreg:$0x7];
	s10 =	sadd.s32 $0x1, s29  }
0x110: {  	p0 =	sne.s32 s10, s31  }
.Ltmp9:
0x111: {  	_ = 	snop;
	(pc) =	sbr.rel @p0 .LBB2_1-.Ltmp9, $3  }
0x112: {  	_ =	sdelay $0x1  }
0x113: {  	[sflag:s13] =	ssyncset.done $0x0  }
0x114: {  	[sflag:s13] =	ssyncadd.s32 $0xFFFFCEF0  }
0x115: {  	_ =	sfence.sel $0x180000  }
0x116: {  	[bflag:$0x0] =	sbarrier.arrive $0xFFFF  }
0x117: {  	_ =	strace $0x90000047  }
0x118: {  	s0 =	stileid.u32;
	[bflag:$0x2] =	sbarrier.arrive $0xFFFF  }
0x119: {  	p0 =	sne.s32 s0, $0x0;
	s0 =	rddreg [dreg:$0x3]  }
0x11a: {  	s0 =	sadd.s32 @!p0 $0x100000, s0  }
0x11b: {  	[sflag:s0] =	ssyncadd.tile.s32 @!p0 $0x1;
	_ =	shalt  }
.Lfunc_end2:
_tile_overlayer_lowered:
.L_overlay_start_2:
0x11c: {  	(tag) =	ssettag $0x2  }
0x11d: {  	s0 =	rddreg [dreg:$0x0];
	s2 =	stileid.u32  }
0x11e: {  	s1 =	rddreg [dreg:$0x1];
	p0 =	sne.s32 s2, $0x0  }
0x11f: {  	s3 =	rddreg [dreg:$0x2];
	[bflag:$0x3] =	sbarrier.arrive $0xFFFF;
	s2 =	simm.s32 @!p0 $0x1C0B  }
0x120: {  	[timem:s3], [sflag:s2] =	dma.local @!p0 [hbm:s0], s1  }
0x121: {  	s0 =	simm.s32 @!p0 $0xB  }
0x122: {  	_ =	swait.ge @!p0 [sflag:s0], s1  }
0x123: {  	s1 =	ssub.s32 @!p0 $0x0, s1;
	[sflag:s0] =	ssyncset.done @!p0 $0x0  }
0x124: {  	[sflag:s0] =	ssyncadd.s32 @!p0 s1  }
0x125: {  	[bflag:$0x3] =	sbarrier.arrive $0xFFFF  }
0x126: {  	_ =	shalt  }

// kernel: kernel.13.cloned.1.call-start
scs
__scs_entry_jumppad:
0x0: {  	(pc) =	sbr.rel $0x88, $3  }
0x1: {  	(tag) =	ssettag $0x0;
	lr =	simm.s32 $0x1  }
0x2: {  	[smem:$0x3F92] =	sst lr;
	_ =	strace $0xD0000000  }
0x3: {  	_ = 	snop  }
0x4: {  	_ = 	snop  }
0x5: {  	_ = 	snop  }
0x6: {  	_ = 	snop  }
0x7: {  	_ = 	snop  }
__scs_overlays_trampoline_lowered:
0x8: {  	[smem:$0x3FA1] =	sst s0  }
0x9: {  	[smem:$0x3FA2] =	sst s1  }
0xa: {  	[smem:$0x3FA3] =	sst s2  }
0xb: {  	[smem:$0x3FA4] =	sst s3  }
0xc: {  	[smem:$0x3FA5] =	sst s4  }
0xd: {  	[smem:$0x3FA6] =	sst s5  }
0xe: {  	[smem:$0x3FA7] =	sst s6  }
0xf: {  	[smem:$0x3FA8] =	sst s7  }
0x10: {  	[smem:$0x3FA9] =	sst s8  }
0x11: {  	[smem:$0x3FAA] =	sst s9;
	s0 =	simm.s32 @!p0 $0x0  }
0x12: {  	s1 =	sld [smem:$0x3F90];
	s0 =	simm.s32 @p0 $0x1  }
0x13: {  	[smem:$0x3FAB] =	sst s0;
	s0 =	simm.s32 @!p1 $0x0  }
0x14: {  	s2 =	sld [smem:$0x3F8F];
	s0 =	simm.s32 @p1 $0x1  }
0x15: {  	[smem:$0x3FAC] =	sst s0;
	s0 =	simm.s32 @!p2 $0x0  }
0x16: {  	s3 =	sld [smem:$0x3FDB];
	s0 =	simm.s32 @p2 $0x1  }
0x17: {  	s4 =	simm.s32 $0x1BF5;
	[smem:$0x3FAE] =	sst s0  }
0x18: {  	s0 =	sld [smem:$0x3F91];
	_ =	swait.ge [sflag:s4], $0x0  }
0x19: {  	s7 =	sld [smem:$0x3F92]  }
0x1a: {  	s8 =	sadd.s32 $0xFFFFE003, lr  }
0x1b: {  	s9 =	sadd.s32 $0xFFFFFEF7, lr;
	s5 =	simm.s32 $0xFFFFFFFF;
	p2 =	slt.u32 s8, $0xFFFFF086  }
0x1c: {  	p1 =	slt.u32 s9, $0xF7A;
	s5 =	simm.s32 @!p2 $0x0  }
0x1d: {  	s5 =	simm.s32 @p1 $0x1;
	p0 =	seq.s32 s7, s2  }
0x1e: {  	s7 =	smul.u32 @!p0 $0xF7A, s2;
	p2 =	seq.s32 @!p0 s5, $0x0  }
0x1f: {  	s9 =	smul.u32 $0xF7A, s1;
	s8 =	simm.s32 @!p0 $0x1BF5;
	p2 =	por !p2, p0  }
0x20: {  	[sflag:s8] =	ssyncset.s32 @!p0 $0xFFFFF086;
	s6 =	sadd.s32 @!p0 s3, s7;
	s7 =	simm.s32 @!p0 $0x108  }
0x21: {  	s3 =	sadd.s32 s3, s9;
	s6 =	sadd.s32 @!p0 $0x88, s6;
	s7 =	simm.s32 @p2 $0x1082  }
0x22: {  	[simem:s7], [sflag:s8] =	dma.local @!p0 [hbm:s6], $0xF7A  }
0x23: {  	s9 =	sor.u32 $0xD0000000, s2;
	s6 =	simm.s32 $0x108;
	_ =	swait.ge @!p0 [sflag:s8], $0x0  }
0x24: {  	s3 =	sadd.s32 $0x88, s3;
	s6 =	simm.s32 @!p1 $0x1082;
	[sflag:s4] =	ssyncset.s32 $0xFFFFF086  }
0x25: {  	[simem:s6], [sflag:s4] =	dma.local [hbm:s3], $0xF7A  }
0x26: {  	[smem:$0x3F92] =	sst s1;
	(tag) =	ssettag s2;
	_ =	strace s9  }
0x27: {  	s1 =	sld [smem:$0x3FA2]  }
0x28: {  	s2 =	sld [smem:$0x3FA3]  }
0x29: {  	s4 =	sld [smem:$0x3FA5]  }
0x2a: {  	p0 =	seq.s32 s5, $0x0;
	s5 =	sld [smem:$0x3FA6]  }
0x2b: {  	s6 =	sld [smem:$0x3FA7]  }
0x2c: {  	s7 =	sld [smem:$0x3FA8]  }
0x2d: {  	s3 =	simm.s32 $0x108;
	s8 =	sld [smem:$0x3FA9]  }
0x2e: {  	s3 =	simm.s32 @!p0 $0x1082;
	s9 =	sld [smem:$0x3FAA]  }
0x2f: {  	lr =	sadd.s32 s0, s3;
	s0 =	sld [smem:$0x3FA1]  }
0x30: {  	s3 =	sld [smem:$0x3FA4]  }
0x31: {  	[smem:$0x3FAD] =	sst s10  }
0x32: {  	s10 =	sld [smem:$0x3FAB];
	_ =	sdelay $0x3  }
0x33: {  	p0 =	seq.s32 s10, $0x1;
	s10 =	sld [smem:$0x3FAD];
	_ =	sdelay $0x3  }
0x34: {  	[smem:$0x3FAD] =	sst s10  }
0x35: {  	s10 =	sld [smem:$0x3FAC];
	_ =	sdelay $0x3  }
0x36: {  	p1 =	seq.s32 s10, $0x1;
	s10 =	sld [smem:$0x3FAD];
	_ =	sdelay $0x3  }
0x37: {  	[smem:$0x3FAD] =	sst s10  }
0x38: {  	s10 =	sld [smem:$0x3FAE]  }
0x39: {  	_ = 	snop;
	(pc) =	sbr.ind lr, $3  }
0x3a: {  	_ = 	snop  }
0x3b: {  	_ = 	snop  }
0x3c: {  	p2 =	seq.s32 s10, $0x1;
	s10 =	sld [smem:$0x3FAD]  }
0x3d: {  	_ =	shalt  }
0x3e: {  	_ =	shalt  }
0x3f: {  	_ =	shalt  }
0x40: {  	_ =	shalt  }
0x41: {  	_ =	shalt  }
0x42: {  	_ =	shalt  }
0x43: {  	_ =	shalt  }
0x44: {  	_ =	shalt  }
0x45: {  	_ =	shalt  }
0x46: {  	_ =	shalt  }
0x47: {  	_ =	shalt  }
0x48: {  	_ =	shalt  }
0x49: {  	_ =	shalt  }
0x4a: {  	_ =	shalt  }
0x4b: {  	_ =	shalt  }
0x4c: {  	_ =	shalt  }
0x4d: {  	_ =	shalt  }
0x4e: {  	_ =	shalt  }
0x4f: {  	_ =	shalt  }
0x50: {  	_ =	shalt  }
0x51: {  	_ =	shalt  }
0x52: {  	_ =	shalt  }
0x53: {  	_ =	shalt  }
0x54: {  	_ =	shalt  }
0x55: {  	_ =	shalt  }
0x56: {  	_ =	shalt  }
0x57: {  	_ =	shalt  }
0x58: {  	_ =	shalt  }
0x59: {  	_ =	shalt  }
0x5a: {  	_ =	shalt  }
0x5b: {  	_ =	shalt  }
0x5c: {  	_ =	shalt  }
0x5d: {  	_ =	shalt  }
0x5e: {  	_ =	shalt  }
0x5f: {  	_ =	shalt  }
0x60: {  	_ =	shalt  }
0x61: {  	_ =	shalt  }
0x62: {  	_ =	shalt  }
0x63: {  	_ =	shalt  }
0x64: {  	_ =	shalt  }
0x65: {  	_ =	shalt  }
0x66: {  	_ =	shalt  }
0x67: {  	_ =	shalt  }
0x68: {  	_ =	shalt  }
0x69: {  	_ =	shalt  }
0x6a: {  	_ =	shalt  }
0x6b: {  	_ =	shalt  }
0x6c: {  	_ =	shalt  }
0x6d: {  	_ =	shalt  }
0x6e: {  	_ =	shalt  }
0x6f: {  	_ =	shalt  }
0x70: {  	_ =	shalt  }
0x71: {  	_ =	shalt  }
0x72: {  	_ =	shalt  }
0x73: {  	_ =	shalt  }
0x74: {  	_ =	shalt  }
0x75: {  	_ =	shalt  }
0x76: {  	_ =	shalt  }
0x77: {  	_ =	shalt  }
0x78: {  	_ =	shalt  }
0x79: {  	_ =	shalt  }
0x7a: {  	_ =	shalt  }
0x7b: {  	_ =	shalt  }
0x7c: {  	_ =	shalt  }
0x7d: {  	_ =	shalt  }
0x7e: {  	_ =	shalt  }
0x7f: {  	_ =	shalt  }
0x80: {  	_ =	shalt  }
0x81: {  	_ =	shalt  }
0x82: {  	_ =	shalt  }
0x83: {  	_ =	shalt  }
0x84: {  	_ =	shalt  }
0x85: {  	_ =	shalt  }
0x86: {  	_ =	shalt  }
0x87: {  	_ =	shalt  }
.Lfunc_end0:
.L_simem_size_0:
called_computation.1_lowered:
.L_overlay_start_0:
0x88: {  	s2 =	sld [smem:$0x3FD9]  }
0x89: {  	s3 =	sld [smem:$0x3FFE];
	_ =	sdelay $0x1  }
0x8a: {  	s1 =	srdreg.scid  }
0x8b: {  	s0 =	sand.u32 $0x1, s1  }
0x8c: {  	s17 =	sshll.u32 s0, $0xA;
	s2 =	sadd.s32 s3, s2  }
0x8d: {  	s2 =	sadd.s32 s2, s17  }
0x8e: {  	[smem:$0x3FB9] =	sst s2  }
0x8f: {  	_ = 	snop  }
0x90: {  	s2 =	sld [smem:$0x3FD0];
	(tm) =	ssettm $0x1  }
0x91: {  	s18 =	sld [smem:$0x3FFB];
	_ =	sdelay $0x3  }
0x92: {  	_ =	strace s18  }
0x93: {  	s3 =	sld [smem:$0x3FFC];
	_ =	sdelay $0x3  }
0x94: {  	_ =	strace s3  }
0x95: {  	s3 =	sld [smem:$0x3FFD];
	_ =	sdelay $0x3  }
0x96: {  	_ =	strace s3  }
0x97: {  	_ =	strace $0x8FFFFFFF  }
0x98: {  	s19 =	sld [smem:$0x3FDB];
	_ =	sdelay $0x1  }
0x99: {  	s4 =	simm.s32 $_scs_section_size  }
0x9a: {  	s5 =	simm.s32 $_size__tile_overlayer_lowered;
	s6 =	simm.s32 $_tile_overlayer_lowered  }
0x9b: {  	s22 =	simm.s32 $0x1BFF;
	s21 =	sshll.u32 s6, $0x1;
	s3 =	sadd.s32 s4, s19  }
0x9c: {  	s7 =	simm.s32 $0x0;
	s20 =	sshll.u32 s5, $0x1;
	s5 =	sadd.s32 s21, s3  }
0x9d: {  	[timem:s7], [sflag:s22] =	dma.local [hbm:s5], s20  }
0x9e: {  	_ =	swait.ge [sflag:s22], s20  }
0x9f: {  	s4 =	ssub.s32 $0x0, s20;
	[sflag:s22] =	ssyncset.done $0x0  }
0xa0: {  	[sflag:s22] =	ssyncadd.s32 s4;
	_ =	sdelay $0x1  }
0xa1: {  	s23 =	simm.s32 $0x1B8B  }
0xa2: {  	_ =	swait.ge [sflag:s23], $0x1  }
0xa3: {  	[sflag:s23] =	ssyncset.done $0x0  }
0xa4: {  	s25 =	simm.s32 $0x1B8E;
	s24 =	sld [smem:$0x3FFE];
	[sflag:s23] =	ssyncadd.s32 $0xFFFFFFFF  }
0xa5: {  	s26 =	simm.s32 $execute0_lowered;
	[smem:$0x3FD2] =	sst s25  }
0xa6: {  	s5 =	sshll.u32 s26, $0x1;
	_ =	strace $0x80000049;
	[dreg:$0x1] =	wrdreg $0xFFFFFFFF  }
0xa7: {  	s28 =	simm.s32 $_size_execute0_lowered;
	s3 =	sadd.s32 s3, s5;
	[dreg:$0x0] =	wrdreg $0x0  }
0xa8: {  	s5 =	sshll.u32 s28, $0x1;
	[dreg:$0x2] =	wrdreg s3  }
0xa9: {  	[dreg:$0x3] =	wrdreg s5  }
0xaa: {  	[dreg:$0x4] =	wrdreg $0xC0  }
0xab: {  	_ =	task [dreg:s7], $0x5FFFF  }
0xac: {  	[dreg:$0x1] =	wrdreg $0xFFFFFFFF  }
0xad: {  	[dreg:$0x0] =	wrdreg $0x60  }
0xae: {  	[dreg:$0x2] =	wrdreg s2  }
0xaf: {  	[dreg:$0x3] =	wrdreg s24  }
0xb0: {  	[dreg:$0x4] =	wrdreg $0x72800  }
0xb1: {  	[dreg:$0x5] =	wrdreg $0x9  }
0xb2: {  	_ =	task.clear_ibuf [dreg:s7], $0x6FFFF;
	_ =	strace $0x90000049  }
0xb3: {  	s29 =	simm.s32 $0x9;
	_ =	strace $0x8000004B  }
0xb4: {  	_ =	swait.ge [sflag:s29], $0x1  }
0xb5: {  	[sflag:s29] =	ssyncadd.s32 $0xFFFFFFFF  }
0xb6: {  	_ =	strace $0x9000004B  }
0xb7: {  	_ =	sfence  }
0xb8: {  	s30 =	sld [smem:$0x0];
	_ =	sdelay $0x2  }
0xb9: {  	s31 =	sshll.u32 s1, $0xD;
	s1 =	sshrl.u32 s1, $0x2  }
0xba: {  	s3 =	sand.u32 $0x4000, s31;
	s1 =	sadd.s32 s1, s30  }
0xbb: {  	s0 =	sor.u32 s3, s0;
	s1 =	sshll.u32 s1, $0x11  }
0xbc: {  	s0 =	sor.u32 s1, s0  }
0xbd: {  	s0 =	sadd.s32 $0x8F2B, s0  }
0xbe: {  	[sflag:s0] =	ssyncadd.remote.s32 $0x1  }
0xbf: {  	_ =	sfence.sel $0xFFFF  }
0xc0: {  	[dreg:$0x0] =	wrdreg $0xFFFFFFFF;
	(pc) =	sbr.abs _section_cstart, $3  }
0xc1: {  	[dreg:$0x1] =	wrdreg $0xFFFFFFFF  }
0xc2: {  	_ =	task.clear_ibuf [dreg:s7], $0x2FFFF;
	_ =	strace $0x9FFFFFFF  }
0xc3: {  	(tm) =	ssettm $0x7FFFFFFF  }
tec
execute0_lowered:
.L_overlay_start_1:
0x0: {  	(tag) =	ssettag $0x1  }
0x1: {  	s0 =	srdreg.scid;
	s1 =	rddreg [dreg:$0x1]  }
0x2: {  	s3 =	rddreg [dreg:$0x2];
	s8 =	stileid.u32;
	s4 =	simm.s32 $0x0  }
0x3: {  	s13 =	simm.s32 $0x80;
	s14 =	simm.s32 $0x5000;
	s15 =	simm.s32 $0x5800  }
0x4: {  	s17 =	simm.s32 $0x6000;
	s19 =	simm.s32 $0x6800;
	s20 =	simm.s32 $0x7000  }
0x5: {  	s21 =	simm.s32 $0x9;
	s22 =	simm.s32 $0x1;
	s28 =	simm.s32 $0x5  }
0x6: {  	s30 =	simm.s32 $0x4;
	s10 =	simm.s32 $0x8;
	s16 =	simm.s32 $0x4F00  }
0x7: {  	s18 =	simm.s32 $0x4F80;
	s12 =	simm.s32 $0x10;
	s0 =	sand.u32 $0x1, s0  }
0x8: {  	[smem:$0x7FF] =	sst s4;
	s7 =	smul.u32 $0x62200, s8;
	s5 =	sadd.s32 $0x19000, s1  }
0x9: {  	s25 =	smul.u32 $0xC4400, s8;
	s4 =	simm.s32 $0x2780;
	s2 =	sshll.u32 s0, $0x4  }
0xa: {  	_ =	strace $0x8000004A;
	s23 =	ssub.s32 $0x2, s0;
	s0 =	smul.u32 $0xC44000, s0  }
0xb: {  	s2 =	sor.u32 s8, s2;
	s6 =	sshrl.u32 s23, $0x1;
	s29 =	sshrl.u32 s7, $0x2  }
0xc: {  	s7 =	simm.s32 $0x7;
	s2 =	smul.u32 $0x500, s2;
	s24 =	ssub.s32 s23, s6  }
0xd: {  	s8 =	sadd.s32 s25, s0;
	s9 =	sadd.s32 s29, s3;
	s23 =	simm.s32 $0x2  }
0xe: {  	s25 =	simm.s32 $0x3;
	s31 =	smax.u32 s24, $0x1;
	s2 =	sadd.s32 s2, s1  }
0xf: {  	s0 =	simm.s32 $0x2700;
	[dreg:$0x6] =	wrdreg s31;
	s26 =	sadd.s32 $0xF000, s2  }
0x10: {  	s24 =	simm.s32 $0x0;
	s2 =	sadd.s32 $0x5000, s2;
	[dreg:$0x4] =	wrdreg s26  }
0x11: {  	v0 =	vimm.f32 $0.0e+00;
	s1 =	simm.s32 $0x6;
	[dreg:$0x5] =	wrdreg s2;
	s2 =	simm.s32 $0x4E80  }
.LBB2_1:
0x12: {  	[dreg:$0x7] =	wrdreg s24  }
0x13: {  	s6 =	simm.s32 $0x0;
	s11 =	rddreg [dreg:$0x4];
	s26 =	simm.s32 $0xB  }
0x14: {  	[tilespmem:s6], [sflag:$0xB] =	stream.linear.gather [hbm4b:s11+s6], $0x2800, $0x38;
	[tilespmem:$0x1FB00] =	vst v63  }
0x15: {  	_ =	swait.ge [sflag:s26], $0x2800  }
0x16: {  	[sflag:s26] =	ssyncset.done $0x0  }
0x17: {  	s29 =	simm.s32 $0x2800;
	s31 =	rddreg [dreg:$0x5];
	[sflag:s26] =	ssyncadd.s32 $0xFFFFD800  }
0x18: {  	[tilespmem:s29], [sflag:$0xB] =	stream.linear.gather [hbm4b:s31+s6], $0x2800, $0x38;
	[tilespmem:$0x1FB00] =	vst v63  }
0x19: {  	_ =	swait.ge [sflag:s26], $0x2800  }
0x1a: {  	[sflag:s26] =	ssyncset.done $0x0  }
0x1b: {  	[sflag:s26] =	ssyncadd.s32 $0xFFFFD800  }
0x1c: {  	[tilespmem:$0x7000] =	vst v0  }
0x1d: {  	[tilespmem:$0x7010] =	vst v0  }
0x1e: {  	[tilespmem:$0x7020] =	vst v0  }
0x1f: {  	[tilespmem:$0x7030] =	vst v0  }
0x20: {  	[tilespmem:$0x7040] =	vst v0  }
0x21: {  	[tilespmem:$0x7050] =	vst v0  }
0x22: {  	[tilespmem:$0x7060] =	vst v0  }
0x23: {  	[tilespmem:$0x7070] =	vst v0  }
0x24: {  	[tilespmem:$0x7080] =	vst v0  }
0x25: {  	[tilespmem:$0x7090] =	vst v0  }
0x26: {  	[tilespmem:$0x70A0] =	vst v0  }
0x27: {  	[tilespmem:$0x70B0] =	vst v0  }
0x28: {  	[tilespmem:$0x70C0] =	vst v0  }
0x29: {  	[tilespmem:$0x70D0] =	vst v0  }
0x2a: {  	[tilespmem:$0x70E0] =	vst v0  }
0x2b: {  	[tilespmem:$0x70F0] =	vst v0  }
0x2c: {  	[tilespmem:$0x7100] =	vst v0  }
0x2d: {  	[tilespmem:$0x7110] =	vst v0  }
0x2e: {  	[tilespmem:$0x7120] =	vst v0  }
0x2f: {  	[tilespmem:$0x7130] =	vst v0  }
0x30: {  	[tilespmem:$0x7140] =	vst v0  }
0x31: {  	[tilespmem:$0x7150] =	vst v0  }
0x32: {  	[tilespmem:$0x7160] =	vst v0  }
0x33: {  	[tilespmem:$0x7170] =	vst v0  }
0x34: {  	[tilespmem:$0x7180] =	vst v0  }
0x35: {  	[tilespmem:$0x7190] =	vst v0  }
0x36: {  	[tilespmem:$0x71A0] =	vst v0  }
0x37: {  	[tilespmem:$0x71B0] =	vst v0  }
0x38: {  	[tilespmem:$0x71C0] =	vst v0  }
0x39: {  	[tilespmem:$0x71D0] =	vst v0  }
0x3a: {  	[tilespmem:$0x71E0] =	vst v0  }
0x3b: {  	[tilespmem:$0x71F0] =	vst v0  }
0x3c: {  	[tilespmem:$0x7200] =	vst v0  }
0x3d: {  	[tilespmem:$0x7210] =	vst v0  }
0x3e: {  	[tilespmem:$0x7220] =	vst v0  }
0x3f: {  	[tilespmem:$0x7230] =	vst v0  }
0x40: {  	[tilespmem:$0x7240] =	vst v0  }
0x41: {  	[tilespmem:$0x7250] =	vst v0  }
0x42: {  	[tilespmem:$0x7260] =	vst v0  }
0x43: {  	s24 =	simm.s32 $0x0;
	s11 =	simm.s32 $0x0;
	[tilespmem:$0x7270] =	vst v0  }
.LBB2_2:
0x44: {  	s26 =	smul.u32 $0x4E20, s24  }
0x45: {  	s6 =	rddreg [dreg:$0x0]  }
0x46: {  	s26 =	sadd.s32 s6, s26  }
0x47: {  	[tilespmem:s14], [sflag:$0x1] =	stream.indirect.gather [hbm4b:s26+s13], $0x10, s11, s13, $0xb8;
	[tilespmem:$0x1FB00] =	vst v63  }
0x48: {  	_ = 	snop  }
0x49: {  	[tilespmem:s15], [sflag:$0x2] =	stream.indirect.gather [hbm4b:s26+s13], $0x10, s13, s13, $0xb8;
	[tilespmem:$0x1FB00] =	vst v63  }
0x4a: {  	s31 =	simm.s32 $0x100;
	p0 =	seq.s32 s24, $0x0  }
0x4b: {  	[tilespmem:s17], [sflag:$0x3] =	stream.indirect.gather [hbm4b:s26+s13], $0x10, s31, s13, $0xb8;
	[tilespmem:$0x1FB00] =	vst v63  }
0x4c: {  	s29 =	simm.s32 @!p0 $0xA;
	s31 =	simm.s32 $0x180  }
0x4d: {  	[tilespmem:s19], [sflag:$0x4] =	stream.indirect.gather [hbm4b:s26+s13], $0x10, s31, s13, $0xb8;
	[tilespmem:$0x1FB00] =	vst v63  }
0x4e: {  	_ =	swait.ge @!p0 [sflag:s29], $0x3110  }
0x4f: {  	[sflag:s29] =	ssyncset.done @!p0 $0x0  }
0x50: {  	[sflag:s29] =	ssyncadd.s32 @!p0 $0xFFFFCEF0;
	s29 =	simm.s32 $0x0  }
.LBB2_3:
0x51: {  	p0 =	sne.s32 s29, $0x61800  }
.Ltmp0:
0x52: {  	_ = 	snop;
	(pc) =	sbr.rel @p0 .LBB2_3-.Ltmp0, $4  }
0x53: {  	_ = 	snop  }
0x54: {  	s31 =	sshra.s32 s29, $0x2  }
0x55: {  	s29 =	sadd.s32 $0xA00, s29;
	s31 =	sadd.s32 s31, s9  }
0x56: {  	[spmem:s31] =	stream.linear.scatter [tilespmem:s20], [sflag:$0x9], $0x280, $0x38;
	[tilespmem:$0x1FB00] =	vst v63  }
0x57: {  	_ =	swait.ge [sflag:s21], $0x280  }
0x58: {  	s29 =	simm.s32 $0x9C;
	[sflag:s21] =	ssyncset.done $0x0  }
.LBB2_5:
0x59: {  	p0 =	sne.s32 s29, $0x1;
	s29 =	sadd.s32 $0xFFFFFFFF, s29;
	[sflag:s21] =	ssyncadd.s32 $0xFFFFFD80  }
.Ltmp1:
0x5a: {  	(pc) =	sbr.rel @p0 .LBB2_5-.Ltmp1, $3  }
0x5b: {  	_ =	sdelay $0x1  }
0x5c: {  	_ =	swait.ge [sflag:s21], $0x280  }
0x5d: {  	[sflag:s21] =	ssyncset.done $0x0  }
0x5e: {  	[sflag:s21] =	ssyncadd.s32 $0xFFFFFD80  }
0x5f: {  	[bflag:$0x0] =	sbarrier.arrive $0xFFFF  }
0x60: {  	_ =	swait.ge [sflag:s22], $0x800  }
0x61: {  	[sflag:s22] =	ssyncset.done $0x0  }
0x62: {  	s6 =	simm.s32 $0x2800;
	[sflag:s22] =	ssyncadd.s32 $0xFFFFF800  }
0x63: {  	[spmem:s3] =	stream.indirect.scatter.add.f32 [tilespmem:s14], [sflag:$0x5], $0x10, s6, s13, $0xb8;
	[tilespmem:$0x1FB00] =	vst v63  }
0x64: {  	_ =	swait.ge [sflag:s23], $0x800  }
0x65: {  	[sflag:s23] =	ssyncset.done $0x0  }
0x66: {  	s6 =	simm.s32 $0x2880;
	[sflag:s23] =	ssyncadd.s32 $0xFFFFF800  }
0x67: {  	[spmem:s3] =	stream.indirect.scatter.add.f32 [tilespmem:s15], [sflag:$0x6], $0x10, s6, s13, $0xb8;
	[tilespmem:$0x1FB00] =	vst v63  }
0x68: {  	_ =	swait.ge [sflag:s25], $0x800  }
0x69: {  	[sflag:s25] =	ssyncset.done $0x0  }
0x6a: {  	s6 =	simm.s32 $0x2900;
	[sflag:s25] =	ssyncadd.s32 $0xFFFFF800  }
0x6b: {  	[spmem:s3] =	stream.indirect.scatter.add.f32 [tilespmem:s17], [sflag:$0x7], $0x10, s6, s13, $0xb8;
	[tilespmem:$0x1FB00] =	vst v63  }
0x6c: {  	_ =	swait.ge [sflag:s28], $0x800  }
0x6d: {  	[sflag:s28] =	ssyncset.done $0x0  }
0x6e: {  	s6 =	simm.s32 $0x200;
	[sflag:s28] =	ssyncadd.s32 $0xFFFFF800  }
0x6f: {  	[tilespmem:s14], [sflag:$0x1] =	stream.indirect.gather [hbm4b:s26+s13], $0x10, s6, s13, $0xb8;
	[tilespmem:$0x1FB00] =	vst v63  }
0x70: {  	_ =	swait.ge [sflag:s30], $0x800  }
0x71: {  	[sflag:s30] =	ssyncset.done $0x0  }
0x72: {  	s6 =	simm.s32 $0x2980;
	[sflag:s30] =	ssyncadd.s32 $0xFFFFF800  }
0x73: {  	[spmem:s3] =	stream.indirect.scatter.add.f32 [tilespmem:s19], [sflag:$0x8], $0x10, s6, s13, $0xb8;
	[tilespmem:$0x1FB00] =	vst v63  }
0x74: {  	_ =	swait.ge [sflag:s1], $0x800  }
0x75: {  	[sflag:s1] =	ssyncset.done $0x0  }
0x76: {  	s6 =	simm.s32 $0x280;
	[sflag:s1] =	ssyncadd.s32 $0xFFFFF800  }
0x77: {  	[tilespmem:s15], [sflag:$0x2] =	stream.indirect.gather [hbm4b:s26+s13], $0x10, s6, s13, $0xb8;
	[tilespmem:$0x1FB00] =	vst v63  }
0x78: {  	_ =	swait.ge [sflag:s22], $0x800  }
0x79: {  	[sflag:s22] =	ssyncset.done $0x0  }
0x7a: {  	s29 =	simm.s32 $0x2A00;
	[sflag:s22] =	ssyncadd.s32 $0xFFFFF800  }
0x7b: {  	[spmem:s3] =	stream.indirect.scatter.add.f32 [tilespmem:s14], [sflag:$0x5], $0x10, s29, s13, $0xb8;
	[tilespmem:$0x1FB00] =	vst v63  }
0x7c: {  	_ =	swait.ge [sflag:s7], $0x800  }
0x7d: {  	[sflag:s7] =	ssyncset.done $0x0  }
0x7e: {  	s29 =	simm.s32 $0x300;
	[sflag:s7] =	ssyncadd.s32 $0xFFFFF800  }
0x7f: {  	[tilespmem:s17], [sflag:$0x3] =	stream.indirect.gather [hbm4b:s26+s13], $0x10, s29, s13, $0xb8;
	[tilespmem:$0x1FB00] =	vst v63  }
0x80: {  	_ =	swait.ge [sflag:s23], $0x800  }
0x81: {  	[sflag:s23] =	ssyncset.done $0x0  }
0x82: {  	s29 =	simm.s32 $0x2A80;
	[sflag:s23] =	ssyncadd.s32 $0xFFFFF800  }
0x83: {  	[spmem:s3] =	stream.indirect.scatter.add.f32 [tilespmem:s15], [sflag:$0x6], $0x10, s29, s13, $0xb8;
	[tilespmem:$0x1FB00] =	vst v63  }
0x84: {  	_ =	swait.ge [sflag:s10], $0x800  }
0x85: {  	[sflag:s10] =	ssyncset.done $0x0  }
0x86: {  	s29 =	simm.s32 $0x380;
	[sflag:s10] =	ssyncadd.s32 $0xFFFFF800  }
0x87: {  	[tilespmem:s19], [sflag:$0x4] =	stream.indirect.gather [hbm4b:s26+s13], $0x10, s29, s13, $0xb8;
	[tilespmem:$0x1FB00] =	vst v63  }
0x88: {  	_ =	swait.ge [sflag:s25], $0x800  }
0x89: {  	[sflag:s25] =	ssyncset.done $0x0  }
0x8a: {  	s29 =	simm.s32 $0x2B00;
	[sflag:s25] =	ssyncadd.s32 $0xFFFFF800  }
0x8b: {  	[spmem:s3] =	stream.indirect.scatter.add.f32 [tilespmem:s17], [sflag:$0x7], $0x10, s29, s13, $0xb8;
	[tilespmem:$0x1FB00] =	vst v63  }
0x8c: {  	_ =	swait.ge [sflag:s28], $0x800  }
0x8d: {  	[sflag:s28] =	ssyncset.done $0x0  }
0x8e: {  	s29 =	simm.s32 $0x400;
	[sflag:s28] =	ssyncadd.s32 $0xFFFFF800  }
0x8f: {  	[tilespmem:s14], [sflag:$0x1] =	stream.indirect.gather [hbm4b:s26+s13], $0x10, s29, s13, $0xb8;
	[tilespmem:$0x1FB00] =	vst v63  }
0x90: {  	_ =	swait.ge [sflag:s30], $0x800  }
0x91: {  	[sflag:s30] =	ssyncset.done $0x0  }
0x92: {  	s29 =	simm.s32 $0x2B80;
	[sflag:s30] =	ssyncadd.s32 $0xFFFFF800  }
0x93: {  	[spmem:s3] =	stream.indirect.scatter.add.f32 [tilespmem:s19], [sflag:$0x8], $0x10, s29, s13, $0xb8;
	[tilespmem:$0x1FB00] =	vst v63  }
0x94: {  	_ =	swait.ge [sflag:s1], $0x800  }
0x95: {  	[sflag:s1] =	ssyncset.done $0x0  }
0x96: {  	s31 =	simm.s32 $0x480;
	s29 =	simm.s32 $0x800;
	[sflag:s1] =	ssyncadd.s32 $0xFFFFF800  }
.LBB2_7:
0x97: {  	[tilespmem:s15], [sflag:$0x2] =	stream.indirect.gather [hbm4b:s26+s13], $0x10, s31, s13, $0xb8;
	[tilespmem:$0x1FB00] =	vst v63  }
0x98: {  	s31 =	smov.u32 s29  }
0x99: {  	p0 =	sne.s32 s29, $0x8800;
	s29 =	sadd.s32 $0x800, s29;
	_ =	swait.ge [sflag:s22], $0x800  }
0x9a: {  	s31 =	sshra.s32 s31, $0x2;
	[sflag:s22] =	ssyncset.done $0x0  }
0x9b: {  	s6 =	sadd.s32 $0x2A00, s31;
	[sflag:s22] =	ssyncadd.s32 $0xFFFFF800  }
0x9c: {  	[spmem:s3] =	stream.indirect.scatter.add.f32 [tilespmem:s14], [sflag:$0x5], $0x10, s6, s13, $0xb8;
	[tilespmem:$0x1FB00] =	vst v63  }
0x9d: {  	_ =	swait.ge [sflag:s7], $0x800  }
0x9e: {  	[sflag:s7] =	ssyncset.done $0x0  }
0x9f: {  	s6 =	sadd.s32 $0x300, s31;
	[sflag:s7] =	ssyncadd.s32 $0xFFFFF800  }
0xa0: {  	[tilespmem:s17], [sflag:$0x3] =	stream.indirect.gather [hbm4b:s26+s13], $0x10, s6, s13, $0xb8;
	[tilespmem:$0x1FB00] =	vst v63  }
0xa1: {  	_ =	swait.ge [sflag:s23], $0x800  }
0xa2: {  	[sflag:s23] =	ssyncset.done $0x0  }
0xa3: {  	s6 =	sadd.s32 $0x2A80, s31;
	[sflag:s23] =	ssyncadd.s32 $0xFFFFF800  }
0xa4: {  	[spmem:s3] =	stream.indirect.scatter.add.f32 [tilespmem:s15], [sflag:$0x6], $0x10, s6, s13, $0xb8;
	[tilespmem:$0x1FB00] =	vst v63  }
0xa5: {  	_ =	swait.ge [sflag:s10], $0x800  }
0xa6: {  	[sflag:s10] =	ssyncset.done $0x0  }
0xa7: {  	s6 =	sadd.s32 $0x380, s31;
	[sflag:s10] =	ssyncadd.s32 $0xFFFFF800  }
0xa8: {  	[tilespmem:s19], [sflag:$0x4] =	stream.indirect.gather [hbm4b:s26+s13], $0x10, s6, s13, $0xb8;
	[tilespmem:$0x1FB00] =	vst v63  }
0xa9: {  	_ =	swait.ge [sflag:s25], $0x800  }
0xaa: {  	[sflag:s25] =	ssyncset.done $0x0  }
0xab: {  	s6 =	sadd.s32 $0x2B00, s31;
	[sflag:s25] =	ssyncadd.s32 $0xFFFFF800  }
0xac: {  	[spmem:s3] =	stream.indirect.scatter.add.f32 [tilespmem:s17], [sflag:$0x7], $0x10, s6, s13, $0xb8;
	[tilespmem:$0x1FB00] =	vst v63  }
0xad: {  	_ =	swait.ge [sflag:s28], $0x800  }
0xae: {  	[sflag:s28] =	ssyncset.done $0x0  }
0xaf: {  	s6 =	sadd.s32 $0x400, s31;
	[sflag:s28] =	ssyncadd.s32 $0xFFFFF800  }
0xb0: {  	[tilespmem:s14], [sflag:$0x1] =	stream.indirect.gather [hbm4b:s26+s13], $0x10, s6, s13, $0xb8;
	[tilespmem:$0x1FB00] =	vst v63  }
0xb1: {  	_ =	swait.ge [sflag:s30], $0x800  }
0xb2: {  	[sflag:s30] =	ssyncset.done $0x0  }
.Ltmp2:
0xb3: {  	s6 =	sadd.s32 $0x2B80, s31;
	[sflag:s30] =	ssyncadd.s32 $0xFFFFF800;
	(pc) =	sbr.rel @p0 .LBB2_7-.Ltmp2, $4  }
0xb4: {  	[spmem:s3] =	stream.indirect.scatter.add.f32 [tilespmem:s19], [sflag:$0x8], $0x10, s6, s13, $0xb8;
	[tilespmem:$0x1FB00] =	vst v63  }
0xb5: {  	_ =	swait.ge [sflag:s1], $0x800  }
0xb6: {  	[sflag:s1] =	ssyncset.done $0x0  }
0xb7: {  	s31 =	sadd.s32 $0x480, s31;
	[sflag:s1] =	ssyncadd.s32 $0xFFFFF800  }
0xb8: {  	[tilespmem:s15], [sflag:$0x2] =	stream.indirect.gather [hbm4b:s26+s13], $0x10, s31, s13, $0xb8;
	[tilespmem:$0x1FB00] =	vst v63  }
0xb9: {  	_ =	swait.ge [sflag:s22], $0x800  }
0xba: {  	[sflag:s22] =	ssyncset.done $0x0  }
0xbb: {  	s6 =	simm.s32 $0x4E00;
	[sflag:s22] =	ssyncadd.s32 $0xFFFFF800  }
0xbc: {  	[spmem:s3] =	stream.indirect.scatter.add.f32 [tilespmem:s14], [sflag:$0x5], $0x10, s6, s13, $0xb8;
	[tilespmem:$0x1FB00] =	vst v63  }
0xbd: {  	_ =	swait.ge [sflag:s7], $0x800  }
0xbe: {  	[sflag:s7] =	ssyncset.done $0x0  }
0xbf: {  	[sflag:s7] =	ssyncadd.s32 $0xFFFFF800  }
0xc0: {  	[tilespmem:s17], [sflag:$0x3] =	stream.indirect.gather [hbm4b:s26+s13], $0x10, s0, s13, $0xb8;
	[tilespmem:$0x1FB00] =	vst v63  }
0xc1: {  	_ =	swait.ge [sflag:s23], $0x800  }
0xc2: {  	[sflag:s23] =	ssyncset.done $0x0  }
0xc3: {  	[sflag:s23] =	ssyncadd.s32 $0xFFFFF800  }
0xc4: {  	[spmem:s3] =	stream.indirect.scatter.add.f32 [tilespmem:s15], [sflag:$0x6], $0x10, s2, s13, $0xb8;
	[tilespmem:$0x1FB00] =	vst v63  }
0xc5: {  	_ =	swait.ge [sflag:s10], $0x800  }
0xc6: {  	[sflag:s10] =	ssyncset.done $0x0  }
0xc7: {  	[sflag:s10] =	ssyncadd.s32 $0xFFFFF800  }
0xc8: {  	[tilespmem:s19], [sflag:$0x4] =	stream.indirect.gather [hbm4b:s26+s13], $0x10, s4, s13, $0xb8;
	[tilespmem:$0x1FB00] =	vst v63  }
0xc9: {  	_ =	swait.ge [sflag:s25], $0x800  }
0xca: {  	[sflag:s25] =	ssyncset.done $0x0  }
0xcb: {  	[sflag:s25] =	ssyncadd.s32 $0xFFFFF800  }
0xcc: {  	[spmem:s3] =	stream.indirect.scatter.add.f32 [tilespmem:s17], [sflag:$0x7], $0x10, s16, s13, $0xb8;
	[tilespmem:$0x1FB00] =	vst v63  }
0xcd: {  	_ =	swait.ge [sflag:s30], $0x800  }
0xce: {  	[sflag:s30] =	ssyncset.done $0x0  }
0xcf: {  	[sflag:s30] =	ssyncadd.s32 $0xFFFFF800  }
0xd0: {  	[spmem:s3] =	stream.indirect.scatter.add.f32 [tilespmem:s19], [sflag:$0x8], $0x10, s18, s13, $0xb8;
	[tilespmem:$0x1FB00] =	vst v63  }
0xd1: {  	_ =	swait.ge [sflag:s28], $0x800  }
0xd2: {  	[sflag:s28] =	ssyncset.done $0x0  }
0xd3: {  	[sflag:s28] =	ssyncadd.s32 $0xFFFFF800  }
0xd4: {  	_ =	swait.ge [sflag:s1], $0x800  }
0xd5: {  	[sflag:s1] =	ssyncset.done $0x0  }
0xd6: {  	[sflag:s1] =	ssyncadd.s32 $0xFFFFF800  }
0xd7: {  	_ =	swait.ge [sflag:s7], $0x800  }
0xd8: {  	s29 =	sshll.u32 s24, $0x4;
	s24 =	sadd.s32 $0x1, s24;
	[sflag:s7] =	ssyncset.done $0x0  }
0xd9: {  	p0 =	sne.s32 s24, $0x8;
	[sflag:s7] =	ssyncadd.s32 $0xFFFFF800  }
.Ltmp3:
0xda: {  	s31 =	stileid.u32;
	_ =	swait.ge [sflag:s10], $0x800;
	(pc) =	sbr.rel @p0 .LBB2_2-.Ltmp3, $4  }
0xdb: {  	s6 =	sadd.s32 s8, s29;
	s29 =	sshrl.u32 s9, $0x3;
	[sflag:s10] =	ssyncset.done $0x0  }
0xdc: {  	s6 =	sshrl.u32 s6, $0x3;
	s26 =	sshll.u32 s31, $0x6;
	[sflag:s10] =	ssyncadd.s32 $0xFFFFF800  }
0xdd: {  	s6 =	sadd.s32 s5, s6;
	s26 =	sor.u32 $0x1C0A, s26;
	[bflag:$0x0] =	sbarrier.arrive $0xFFFF  }
0xde: {  	[hbm:s6@s12], [sflag:s26] =	dma.strided [spmem:s29@s23], $0x3110, s22, $0x2   }
0xdf: {  	s11 =	simm.s32 $0xA  }
0xe0: {  	_ =	swait.ge [sflag:s11], $0x3110  }
0xe1: {  	s24 =	rddreg [dreg:$0x7]  }
0xe2: {  	s6 =	rddreg [dreg:$0x6];
	s24 =	sadd.s32 $0x1, s24  }
0xe3: {  	p0 =	sne.s32 s24, s6  }
.Ltmp4:
0xe4: {  	_ = 	snop;
	(pc) =	sbr.rel @p0 .LBB2_1-.Ltmp4, $3  }
0xe5: {  	_ =	sdelay $0x1  }
0xe6: {  	[sflag:s11] =	ssyncset.done $0x0  }
0xe7: {  	[sflag:s11] =	ssyncadd.s32 $0xFFFFCEF0  }
0xe8: {  	_ =	sfence.sel $0x180000  }
0xe9: {  	[bflag:$0x0] =	sbarrier.arrive $0xFFFF  }
0xea: {  	_ =	strace $0x9000004A  }
0xeb: {  	s0 =	stileid.u32;
	[bflag:$0x2] =	sbarrier.arrive $0xFFFF  }
0xec: {  	p0 =	sne.s32 s0, $0x0;
	s0 =	rddreg [dreg:$0x3]  }
0xed: {  	s0 =	sadd.s32 @!p0 $0x100000, s0  }
0xee: {  	[sflag:s0] =	ssyncadd.tile.s32 @!p0 $0x1;
	_ =	shalt  }
.Lfunc_end2:
_tile_overlayer_lowered:
.L_overlay_start_2:
0xef: {  	(tag) =	ssettag $0x2  }
0xf0: {  	s0 =	rddreg [dreg:$0x0];
	s2 =	stileid.u32  }
0xf1: {  	s1 =	rddreg [dreg:$0x1];
	p0 =	sne.s32 s2, $0x0  }
0xf2: {  	s3 =	rddreg [dreg:$0x2];
	[bflag:$0x3] =	sbarrier.arrive $0xFFFF;
	s2 =	simm.s32 @!p0 $0x1C0B  }
0xf3: {  	[timem:s3], [sflag:s2] =	dma.local @!p0 [hbm:s0], s1  }
0xf4: {  	s0 =	simm.s32 @!p0 $0xB  }
0xf5: {  	_ =	swait.ge @!p0 [sflag:s0], s1  }
0xf6: {  	s1 =	ssub.s32 @!p0 $0x0, s1;
	[sflag:s0] =	ssyncset.done @!p0 $0x0  }
0xf7: {  	[sflag:s0] =	ssyncadd.s32 @!p0 s1  }
0xf8: {  	[bflag:$0x3] =	sbarrier.arrive $0xFFFF  }
0xf9: {  	_ =	shalt  }

// kernel: kernel.16.cloned.1.call-start
scs
__scs_entry_jumppad:
0x0: {  	(pc) =	sbr.rel $0x88, $3  }
0x1: {  	(tag) =	ssettag $0x0;
	lr =	simm.s32 $0x1  }
0x2: {  	[smem:$0x3F92] =	sst lr;
	_ =	strace $0xD0000000  }
0x3: {  	_ = 	snop  }
0x4: {  	_ = 	snop  }
0x5: {  	_ = 	snop  }
0x6: {  	_ = 	snop  }
0x7: {  	_ = 	snop  }
__scs_overlays_trampoline_lowered:
0x8: {  	[smem:$0x3FA1] =	sst s0  }
0x9: {  	[smem:$0x3FA2] =	sst s1  }
0xa: {  	[smem:$0x3FA3] =	sst s2  }
0xb: {  	[smem:$0x3FA4] =	sst s3  }
0xc: {  	[smem:$0x3FA5] =	sst s4  }
0xd: {  	[smem:$0x3FA6] =	sst s5  }
0xe: {  	[smem:$0x3FA7] =	sst s6  }
0xf: {  	[smem:$0x3FA8] =	sst s7  }
0x10: {  	[smem:$0x3FA9] =	sst s8  }
0x11: {  	[smem:$0x3FAA] =	sst s9;
	s0 =	simm.s32 @!p0 $0x0  }
0x12: {  	s1 =	sld [smem:$0x3F90];
	s0 =	simm.s32 @p0 $0x1  }
0x13: {  	[smem:$0x3FAB] =	sst s0;
	s0 =	simm.s32 @!p1 $0x0  }
0x14: {  	s2 =	sld [smem:$0x3F8F];
	s0 =	simm.s32 @p1 $0x1  }
0x15: {  	[smem:$0x3FAC] =	sst s0;
	s0 =	simm.s32 @!p2 $0x0  }
0x16: {  	s3 =	sld [smem:$0x3FDB];
	s0 =	simm.s32 @p2 $0x1  }
0x17: {  	s4 =	simm.s32 $0x1BF5;
	[smem:$0x3FAE] =	sst s0  }
0x18: {  	s0 =	sld [smem:$0x3F91];
	_ =	swait.ge [sflag:s4], $0x0  }
0x19: {  	s7 =	sld [smem:$0x3F92]  }
0x1a: {  	s8 =	sadd.s32 $0xFFFFE003, lr  }
0x1b: {  	s9 =	sadd.s32 $0xFFFFFEF7, lr;
	s5 =	simm.s32 $0xFFFFFFFF;
	p2 =	slt.u32 s8, $0xFFFFF086  }
0x1c: {  	p1 =	slt.u32 s9, $0xF7A;
	s5 =	simm.s32 @!p2 $0x0  }
0x1d: {  	s5 =	simm.s32 @p1 $0x1;
	p0 =	seq.s32 s7, s2  }
0x1e: {  	s7 =	smul.u32 @!p0 $0xF7A, s2;
	p2 =	seq.s32 @!p0 s5, $0x0  }
0x1f: {  	s9 =	smul.u32 $0xF7A, s1;
	s8 =	simm.s32 @!p0 $0x1BF5;
	p2 =	por !p2, p0  }
0x20: {  	[sflag:s8] =	ssyncset.s32 @!p0 $0xFFFFF086;
	s6 =	sadd.s32 @!p0 s3, s7;
	s7 =	simm.s32 @!p0 $0x108  }
0x21: {  	s3 =	sadd.s32 s3, s9;
	s6 =	sadd.s32 @!p0 $0x88, s6;
	s7 =	simm.s32 @p2 $0x1082  }
0x22: {  	[simem:s7], [sflag:s8] =	dma.local @!p0 [hbm:s6], $0xF7A  }
0x23: {  	s9 =	sor.u32 $0xD0000000, s2;
	s6 =	simm.s32 $0x108;
	_ =	swait.ge @!p0 [sflag:s8], $0x0  }
0x24: {  	s3 =	sadd.s32 $0x88, s3;
	s6 =	simm.s32 @!p1 $0x1082;
	[sflag:s4] =	ssyncset.s32 $0xFFFFF086  }
0x25: {  	[simem:s6], [sflag:s4] =	dma.local [hbm:s3], $0xF7A  }
0x26: {  	[smem:$0x3F92] =	sst s1;
	(tag) =	ssettag s2;
	_ =	strace s9  }
0x27: {  	s1 =	sld [smem:$0x3FA2]  }
0x28: {  	s2 =	sld [smem:$0x3FA3]  }
0x29: {  	s4 =	sld [smem:$0x3FA5]  }
0x2a: {  	p0 =	seq.s32 s5, $0x0;
	s5 =	sld [smem:$0x3FA6]  }
0x2b: {  	s6 =	sld [smem:$0x3FA7]  }
0x2c: {  	s7 =	sld [smem:$0x3FA8]  }
0x2d: {  	s3 =	simm.s32 $0x108;
	s8 =	sld [smem:$0x3FA9]  }
0x2e: {  	s3 =	simm.s32 @!p0 $0x1082;
	s9 =	sld [smem:$0x3FAA]  }
0x2f: {  	lr =	sadd.s32 s0, s3;
	s0 =	sld [smem:$0x3FA1]  }
0x30: {  	s3 =	sld [smem:$0x3FA4]  }
0x31: {  	[smem:$0x3FAD] =	sst s10  }
0x32: {  	s10 =	sld [smem:$0x3FAB];
	_ =	sdelay $0x3  }
0x33: {  	p0 =	seq.s32 s10, $0x1;
	s10 =	sld [smem:$0x3FAD];
	_ =	sdelay $0x3  }
0x34: {  	[smem:$0x3FAD] =	sst s10  }
0x35: {  	s10 =	sld [smem:$0x3FAC];
	_ =	sdelay $0x3  }
0x36: {  	p1 =	seq.s32 s10, $0x1;
	s10 =	sld [smem:$0x3FAD];
	_ =	sdelay $0x3  }
0x37: {  	[smem:$0x3FAD] =	sst s10  }
0x38: {  	s10 =	sld [smem:$0x3FAE]  }
0x39: {  	_ = 	snop;
	(pc) =	sbr.ind lr, $3  }
0x3a: {  	_ = 	snop  }
0x3b: {  	_ = 	snop  }
0x3c: {  	p2 =	seq.s32 s10, $0x1;
	s10 =	sld [smem:$0x3FAD]  }
0x3d: {  	_ =	shalt  }
0x3e: {  	_ =	shalt  }
0x3f: {  	_ =	shalt  }
0x40: {  	_ =	shalt  }
0x41: {  	_ =	shalt  }
0x42: {  	_ =	shalt  }
0x43: {  	_ =	shalt  }
0x44: {  	_ =	shalt  }
0x45: {  	_ =	shalt  }
0x46: {  	_ =	shalt  }
0x47: {  	_ =	shalt  }
0x48: {  	_ =	shalt  }
0x49: {  	_ =	shalt  }
0x4a: {  	_ =	shalt  }
0x4b: {  	_ =	shalt  }
0x4c: {  	_ =	shalt  }
0x4d: {  	_ =	shalt  }
0x4e: {  	_ =	shalt  }
0x4f: {  	_ =	shalt  }
0x50: {  	_ =	shalt  }
0x51: {  	_ =	shalt  }
0x52: {  	_ =	shalt  }
0x53: {  	_ =	shalt  }
0x54: {  	_ =	shalt  }
0x55: {  	_ =	shalt  }
0x56: {  	_ =	shalt  }
0x57: {  	_ =	shalt  }
0x58: {  	_ =	shalt  }
0x59: {  	_ =	shalt  }
0x5a: {  	_ =	shalt  }
0x5b: {  	_ =	shalt  }
0x5c: {  	_ =	shalt  }
0x5d: {  	_ =	shalt  }
0x5e: {  	_ =	shalt  }
0x5f: {  	_ =	shalt  }
0x60: {  	_ =	shalt  }
0x61: {  	_ =	shalt  }
0x62: {  	_ =	shalt  }
0x63: {  	_ =	shalt  }
0x64: {  	_ =	shalt  }
0x65: {  	_ =	shalt  }
0x66: {  	_ =	shalt  }
0x67: {  	_ =	shalt  }
0x68: {  	_ =	shalt  }
0x69: {  	_ =	shalt  }
0x6a: {  	_ =	shalt  }
0x6b: {  	_ =	shalt  }
0x6c: {  	_ =	shalt  }
0x6d: {  	_ =	shalt  }
0x6e: {  	_ =	shalt  }
0x6f: {  	_ =	shalt  }
0x70: {  	_ =	shalt  }
0x71: {  	_ =	shalt  }
0x72: {  	_ =	shalt  }
0x73: {  	_ =	shalt  }
0x74: {  	_ =	shalt  }
0x75: {  	_ =	shalt  }
0x76: {  	_ =	shalt  }
0x77: {  	_ =	shalt  }
0x78: {  	_ =	shalt  }
0x79: {  	_ =	shalt  }
0x7a: {  	_ =	shalt  }
0x7b: {  	_ =	shalt  }
0x7c: {  	_ =	shalt  }
0x7d: {  	_ =	shalt  }
0x7e: {  	_ =	shalt  }
0x7f: {  	_ =	shalt  }
0x80: {  	_ =	shalt  }
0x81: {  	_ =	shalt  }
0x82: {  	_ =	shalt  }
0x83: {  	_ =	shalt  }
0x84: {  	_ =	shalt  }
0x85: {  	_ =	shalt  }
0x86: {  	_ =	shalt  }
0x87: {  	_ =	shalt  }
.Lfunc_end0:
.L_simem_size_0:
called_computation.2_lowered:
.L_overlay_start_0:
0x88: {  	s2 =	sld [smem:$0x3FD9]  }
0x89: {  	s3 =	sld [smem:$0x3FFE];
	_ =	sdelay $0x1  }
0x8a: {  	s1 =	srdreg.scid  }
0x8b: {  	s0 =	sand.u32 $0x1, s1  }
0x8c: {  	s17 =	sshll.u32 s0, $0xA;
	s2 =	sadd.s32 s3, s2  }
0x8d: {  	s2 =	sadd.s32 s2, s17  }
0x8e: {  	[smem:$0x3FB9] =	sst s2  }
0x8f: {  	_ = 	snop  }
0x90: {  	s2 =	sld [smem:$0x3FD0];
	(tm) =	ssettm $0x1  }
0x91: {  	s18 =	sld [smem:$0x3FFB];
	_ =	sdelay $0x3  }
0x92: {  	_ =	strace s18  }
0x93: {  	s3 =	sld [smem:$0x3FFC];
	_ =	sdelay $0x3  }
0x94: {  	_ =	strace s3  }
0x95: {  	s3 =	sld [smem:$0x3FFD];
	_ =	sdelay $0x3  }
0x96: {  	_ =	strace s3  }
0x97: {  	_ =	strace $0x8FFFFFFF  }
0x98: {  	s19 =	sld [smem:$0x3FDB];
	_ =	sdelay $0x1  }
0x99: {  	s4 =	simm.s32 $_scs_section_size  }
0x9a: {  	s5 =	simm.s32 $_size__tile_overlayer_lowered;
	s6 =	simm.s32 $_tile_overlayer_lowered  }
0x9b: {  	s22 =	simm.s32 $0x1BFF;
	s21 =	sshll.u32 s6, $0x1;
	s3 =	sadd.s32 s4, s19  }
0x9c: {  	s7 =	simm.s32 $0x0;
	s20 =	sshll.u32 s5, $0x1;
	s5 =	sadd.s32 s21, s3  }
0x9d: {  	[timem:s7], [sflag:s22] =	dma.local [hbm:s5], s20  }
0x9e: {  	_ =	swait.ge [sflag:s22], s20  }
0x9f: {  	s4 =	ssub.s32 $0x0, s20;
	[sflag:s22] =	ssyncset.done $0x0  }
0xa0: {  	[sflag:s22] =	ssyncadd.s32 s4;
	_ =	sdelay $0x1  }
0xa1: {  	s23 =	simm.s32 $0x1B8B  }
0xa2: {  	_ =	swait.ge [sflag:s23], $0x1  }
0xa3: {  	[sflag:s23] =	ssyncset.done $0x0  }
0xa4: {  	s25 =	simm.s32 $0x1B8E;
	s24 =	sld [smem:$0x3FFE];
	[sflag:s23] =	ssyncadd.s32 $0xFFFFFFFF  }
0xa5: {  	s26 =	simm.s32 $execute0_lowered;
	[smem:$0x3FD2] =	sst s25  }
0xa6: {  	s5 =	sshll.u32 s26, $0x1;
	_ =	strace $0x8000004C;
	[dreg:$0x1] =	wrdreg $0xFFFFFFFF  }
0xa7: {  	s28 =	simm.s32 $_size_execute0_lowered;
	s3 =	sadd.s32 s3, s5;
	[dreg:$0x0] =	wrdreg $0x0  }
0xa8: {  	s5 =	sshll.u32 s28, $0x1;
	[dreg:$0x2] =	wrdreg s3  }
0xa9: {  	[dreg:$0x3] =	wrdreg s5  }
0xaa: {  	[dreg:$0x4] =	wrdreg $0xC0  }
0xab: {  	_ =	task [dreg:s7], $0x5FFFF  }
0xac: {  	[dreg:$0x1] =	wrdreg $0xFFFFFFFF  }
0xad: {  	[dreg:$0x0] =	wrdreg $0x60  }
0xae: {  	[dreg:$0x2] =	wrdreg s2  }
0xaf: {  	[dreg:$0x3] =	wrdreg s24  }
0xb0: {  	[dreg:$0x4] =	wrdreg $0x72800  }
0xb1: {  	[dreg:$0x5] =	wrdreg $0x9  }
0xb2: {  	_ =	task.clear_ibuf [dreg:s7], $0x6FFFF;
	_ =	strace $0x9000004C  }
0xb3: {  	s29 =	simm.s32 $0x9;
	_ =	strace $0x8000004E  }
0xb4: {  	_ =	swait.ge [sflag:s29], $0x1  }
0xb5: {  	[sflag:s29] =	ssyncadd.s32 $0xFFFFFFFF  }
0xb6: {  	_ =	strace $0x9000004E  }
0xb7: {  	_ =	sfence  }
0xb8: {  	s30 =	sld [smem:$0x0];
	_ =	sdelay $0x2  }
0xb9: {  	s31 =	sshll.u32 s1, $0xD;
	s1 =	sshrl.u32 s1, $0x2  }
0xba: {  	s3 =	sand.u32 $0x4000, s31;
	s1 =	sadd.s32 s1, s30  }
0xbb: {  	s0 =	sor.u32 s3, s0;
	s1 =	sshll.u32 s1, $0x11  }
0xbc: {  	s0 =	sor.u32 s1, s0  }
0xbd: {  	s0 =	sadd.s32 $0x8F2B, s0  }
0xbe: {  	[sflag:s0] =	ssyncadd.remote.s32 $0x1  }
0xbf: {  	_ =	sfence.sel $0xFFFF  }
0xc0: {  	[dreg:$0x0] =	wrdreg $0xFFFFFFFF;
	(pc) =	sbr.abs _section_cstart, $3  }
0xc1: {  	[dreg:$0x1] =	wrdreg $0xFFFFFFFF  }
0xc2: {  	_ =	task.clear_ibuf [dreg:s7], $0x2FFFF;
	_ =	strace $0x9FFFFFFF  }
0xc3: {  	(tm) =	ssettm $0x7FFFFFFF  }
tec
execute0_lowered:
.L_overlay_start_1:
0x0: {  	(tag) =	ssettag $0x1  }
0x1: {  	s0 =	srdreg.scid;
	s1 =	rddreg [dreg:$0x1]  }
0x2: {  	s3 =	rddreg [dreg:$0x2];
	s8 =	stileid.u32;
	s4 =	simm.s32 $0x0  }
0x3: {  	s13 =	simm.s32 $0x80;
	s14 =	simm.s32 $0x5000;
	s15 =	simm.s32 $0x5800  }
0x4: {  	s17 =	simm.s32 $0x6000;
	s19 =	simm.s32 $0x6800;
	s20 =	simm.s32 $0x7000  }
0x5: {  	s21 =	simm.s32 $0x9;
	s22 =	simm.s32 $0x1;
	s28 =	simm.s32 $0x5  }
0x6: {  	s30 =	simm.s32 $0x4;
	s10 =	simm.s32 $0x8;
	s16 =	simm.s32 $0x4F00  }
0x7: {  	s18 =	simm.s32 $0x4F80;
	s12 =	simm.s32 $0x10;
	s0 =	sand.u32 $0x1, s0  }
0x8: {  	[smem:$0x7FF] =	sst s4;
	s7 =	smul.u32 $0x62200, s8;
	s5 =	sadd.s32 $0x19000, s1  }
0x9: {  	s25 =	smul.u32 $0xC4400, s8;
	s4 =	simm.s32 $0x2780;
	s2 =	sshll.u32 s0, $0x4  }
0xa: {  	_ =	strace $0x8000004D;
	s23 =	ssub.s32 $0x2, s0;
	s0 =	smul.u32 $0xC44000, s0  }
0xb: {  	s2 =	sor.u32 s8, s2;
	s6 =	sshrl.u32 s23, $0x1;
	s29 =	sshrl.u32 s7, $0x2  }
0xc: {  	s7 =	simm.s32 $0x7;
	s2 =	smul.u32 $0x500, s2;
	s24 =	ssub.s32 s23, s6  }
0xd: {  	s8 =	sadd.s32 s25, s0;
	s9 =	sadd.s32 s29, s3;
	s23 =	simm.s32 $0x2  }
0xe: {  	s25 =	simm.s32 $0x3;
	s31 =	smax.u32 s24, $0x1;
	s2 =	sadd.s32 s2, s1  }
0xf: {  	s0 =	simm.s32 $0x2700;
	[dreg:$0x6] =	wrdreg s31;
	s26 =	sadd.s32 $0xF000, s2  }
0x10: {  	s24 =	simm.s32 $0x0;
	s2 =	sadd.s32 $0x5000, s2;
	[dreg:$0x4] =	wrdreg s26  }
0x11: {  	v0 =	vimm.f32 $0.0e+00;
	s1 =	simm.s32 $0x6;
	[dreg:$0x5] =	wrdreg s2;
	s2 =	simm.s32 $0x4E80  }
.LBB2_1:
0x12: {  	[dreg:$0x7] =	wrdreg s24  }
0x13: {  	s6 =	simm.s32 $0x0;
	s11 =	rddreg [dreg:$0x4];
	s26 =	simm.s32 $0xB  }
0x14: {  	[tilespmem:s6], [sflag:$0xB] =	stream.linear.gather [hbm4b:s11+s6], $0x2800, $0x38;
	[tilespmem:$0x1FB00] =	vst v63  }
0x15: {  	_ =	swait.ge [sflag:s26], $0x2800  }
0x16: {  	[sflag:s26] =	ssyncset.done $0x0  }
0x17: {  	s29 =	simm.s32 $0x2800;
	s31 =	rddreg [dreg:$0x5];
	[sflag:s26] =	ssyncadd.s32 $0xFFFFD800  }
0x18: {  	[tilespmem:s29], [sflag:$0xB] =	stream.linear.gather [hbm4b:s31+s6], $0x2800, $0x38;
	[tilespmem:$0x1FB00] =	vst v63  }
0x19: {  	_ =	swait.ge [sflag:s26], $0x2800  }
0x1a: {  	[sflag:s26] =	ssyncset.done $0x0  }
0x1b: {  	[sflag:s26] =	ssyncadd.s32 $0xFFFFD800  }
0x1c: {  	[tilespmem:$0x7000] =	vst v0  }
0x1d: {  	[tilespmem:$0x7010] =	vst v0  }
0x1e: {  	[tilespmem:$0x7020] =	vst v0  }
0x1f: {  	[tilespmem:$0x7030] =	vst v0  }
0x20: {  	[tilespmem:$0x7040] =	vst v0  }
0x21: {  	[tilespmem:$0x7050] =	vst v0  }
0x22: {  	[tilespmem:$0x7060] =	vst v0  }
0x23: {  	[tilespmem:$0x7070] =	vst v0  }
0x24: {  	[tilespmem:$0x7080] =	vst v0  }
0x25: {  	[tilespmem:$0x7090] =	vst v0  }
0x26: {  	[tilespmem:$0x70A0] =	vst v0  }
0x27: {  	[tilespmem:$0x70B0] =	vst v0  }
0x28: {  	[tilespmem:$0x70C0] =	vst v0  }
0x29: {  	[tilespmem:$0x70D0] =	vst v0  }
0x2a: {  	[tilespmem:$0x70E0] =	vst v0  }
0x2b: {  	[tilespmem:$0x70F0] =	vst v0  }
0x2c: {  	[tilespmem:$0x7100] =	vst v0  }
0x2d: {  	[tilespmem:$0x7110] =	vst v0  }
0x2e: {  	[tilespmem:$0x7120] =	vst v0  }
0x2f: {  	[tilespmem:$0x7130] =	vst v0  }
0x30: {  	[tilespmem:$0x7140] =	vst v0  }
0x31: {  	[tilespmem:$0x7150] =	vst v0  }
0x32: {  	[tilespmem:$0x7160] =	vst v0  }
0x33: {  	[tilespmem:$0x7170] =	vst v0  }
0x34: {  	[tilespmem:$0x7180] =	vst v0  }
0x35: {  	[tilespmem:$0x7190] =	vst v0  }
0x36: {  	[tilespmem:$0x71A0] =	vst v0  }
0x37: {  	[tilespmem:$0x71B0] =	vst v0  }
0x38: {  	[tilespmem:$0x71C0] =	vst v0  }
0x39: {  	[tilespmem:$0x71D0] =	vst v0  }
0x3a: {  	[tilespmem:$0x71E0] =	vst v0  }
0x3b: {  	[tilespmem:$0x71F0] =	vst v0  }
0x3c: {  	[tilespmem:$0x7200] =	vst v0  }
0x3d: {  	[tilespmem:$0x7210] =	vst v0  }
0x3e: {  	[tilespmem:$0x7220] =	vst v0  }
0x3f: {  	[tilespmem:$0x7230] =	vst v0  }
0x40: {  	[tilespmem:$0x7240] =	vst v0  }
0x41: {  	[tilespmem:$0x7250] =	vst v0  }
0x42: {  	[tilespmem:$0x7260] =	vst v0  }
0x43: {  	s24 =	simm.s32 $0x0;
	s11 =	simm.s32 $0x0;
	[tilespmem:$0x7270] =	vst v0  }
.LBB2_2:
0x44: {  	s26 =	smul.u32 $0x4E20, s24  }
0x45: {  	s6 =	rddreg [dreg:$0x0]  }
0x46: {  	s26 =	sadd.s32 s6, s26  }
0x47: {  	[tilespmem:s14], [sflag:$0x1] =	stream.indirect.gather [hbm4b:s26+s13], $0x10, s11, s13, $0xb8;
	[tilespmem:$0x1FB00] =	vst v63  }
0x48: {  	_ = 	snop  }
0x49: {  	[tilespmem:s15], [sflag:$0x2] =	stream.indirect.gather [hbm4b:s26+s13], $0x10, s13, s13, $0xb8;
	[tilespmem:$0x1FB00] =	vst v63  }
0x4a: {  	s31 =	simm.s32 $0x100;
	p0 =	seq.s32 s24, $0x0  }
0x4b: {  	[tilespmem:s17], [sflag:$0x3] =	stream.indirect.gather [hbm4b:s26+s13], $0x10, s31, s13, $0xb8;
	[tilespmem:$0x1FB00] =	vst v63  }
0x4c: {  	s29 =	simm.s32 @!p0 $0xA;
	s31 =	simm.s32 $0x180  }
0x4d: {  	[tilespmem:s19], [sflag:$0x4] =	stream.indirect.gather [hbm4b:s26+s13], $0x10, s31, s13, $0xb8;
	[tilespmem:$0x1FB00] =	vst v63  }
0x4e: {  	_ =	swait.ge @!p0 [sflag:s29], $0x3110  }
0x4f: {  	[sflag:s29] =	ssyncset.done @!p0 $0x0  }
0x50: {  	[sflag:s29] =	ssyncadd.s32 @!p0 $0xFFFFCEF0;
	s29 =	simm.s32 $0x0  }
.LBB2_3:
0x51: {  	p0 =	sne.s32 s29, $0x61800  }
.Ltmp0:
0x52: {  	_ = 	snop;
	(pc) =	sbr.rel @p0 .LBB2_3-.Ltmp0, $4  }
0x53: {  	_ = 	snop  }
0x54: {  	s31 =	sshra.s32 s29, $0x2  }
0x55: {  	s29 =	sadd.s32 $0xA00, s29;
	s31 =	sadd.s32 s31, s9  }
0x56: {  	[spmem:s31] =	stream.linear.scatter [tilespmem:s20], [sflag:$0x9], $0x280, $0x38;
	[tilespmem:$0x1FB00] =	vst v63  }
0x57: {  	_ =	swait.ge [sflag:s21], $0x280  }
0x58: {  	s29 =	simm.s32 $0x9C;
	[sflag:s21] =	ssyncset.done $0x0  }
.LBB2_5:
0x59: {  	p0 =	sne.s32 s29, $0x1;
	s29 =	sadd.s32 $0xFFFFFFFF, s29;
	[sflag:s21] =	ssyncadd.s32 $0xFFFFFD80  }
.Ltmp1:
0x5a: {  	(pc) =	sbr.rel @p0 .LBB2_5-.Ltmp1, $3  }
0x5b: {  	_ =	sdelay $0x1  }
0x5c: {  	_ =	swait.ge [sflag:s21], $0x280  }
0x5d: {  	[sflag:s21] =	ssyncset.done $0x0  }
0x5e: {  	[sflag:s21] =	ssyncadd.s32 $0xFFFFFD80  }
0x5f: {  	[bflag:$0x0] =	sbarrier.arrive $0xFFFF  }
0x60: {  	_ =	swait.ge [sflag:s22], $0x800  }
0x61: {  	[sflag:s22] =	ssyncset.done $0x0  }
0x62: {  	s6 =	simm.s32 $0x2800;
	[sflag:s22] =	ssyncadd.s32 $0xFFFFF800  }
0x63: {  	[spmem:s3] =	stream.indirect.scatter.add.f32 [tilespmem:s14], [sflag:$0x5], $0x10, s6, s13, $0xb8;
	[tilespmem:$0x1FB00] =	vst v63  }
0x64: {  	_ =	swait.ge [sflag:s23], $0x800  }
0x65: {  	[sflag:s23] =	ssyncset.done $0x0  }
0x66: {  	s6 =	simm.s32 $0x2880;
	[sflag:s23] =	ssyncadd.s32 $0xFFFFF800  }
0x67: {  	[spmem:s3] =	stream.indirect.scatter.add.f32 [tilespmem:s15], [sflag:$0x6], $0x10, s6, s13, $0xb8;
	[tilespmem:$0x1FB00] =	vst v63  }
0x68: {  	_ =	swait.ge [sflag:s25], $0x800  }
0x69: {  	[sflag:s25] =	ssyncset.done $0x0  }
0x6a: {  	s6 =	simm.s32 $0x2900;
	[sflag:s25] =	ssyncadd.s32 $0xFFFFF800  }
0x6b: {  	[spmem:s3] =	stream.indirect.scatter.add.f32 [tilespmem:s17], [sflag:$0x7], $0x10, s6, s13, $0xb8;
	[tilespmem:$0x1FB00] =	vst v63  }
0x6c: {  	_ =	swait.ge [sflag:s28], $0x800  }
0x6d: {  	[sflag:s28] =	ssyncset.done $0x0  }
0x6e: {  	s6 =	simm.s32 $0x200;
	[sflag:s28] =	ssyncadd.s32 $0xFFFFF800  }
0x6f: {  	[tilespmem:s14], [sflag:$0x1] =	stream.indirect.gather [hbm4b:s26+s13], $0x10, s6, s13, $0xb8;
	[tilespmem:$0x1FB00] =	vst v63  }
0x70: {  	_ =	swait.ge [sflag:s30], $0x800  }
0x71: {  	[sflag:s30] =	ssyncset.done $0x0  }
0x72: {  	s6 =	simm.s32 $0x2980;
	[sflag:s30] =	ssyncadd.s32 $0xFFFFF800  }
0x73: {  	[spmem:s3] =	stream.indirect.scatter.add.f32 [tilespmem:s19], [sflag:$0x8], $0x10, s6, s13, $0xb8;
	[tilespmem:$0x1FB00] =	vst v63  }
0x74: {  	_ =	swait.ge [sflag:s1], $0x800  }
0x75: {  	[sflag:s1] =	ssyncset.done $0x0  }
0x76: {  	s6 =	simm.s32 $0x280;
	[sflag:s1] =	ssyncadd.s32 $0xFFFFF800  }
0x77: {  	[tilespmem:s15], [sflag:$0x2] =	stream.indirect.gather [hbm4b:s26+s13], $0x10, s6, s13, $0xb8;
	[tilespmem:$0x1FB00] =	vst v63  }
0x78: {  	_ =	swait.ge [sflag:s22], $0x800  }
0x79: {  	[sflag:s22] =	ssyncset.done $0x0  }
0x7a: {  	s29 =	simm.s32 $0x2A00;
	[sflag:s22] =	ssyncadd.s32 $0xFFFFF800  }
0x7b: {  	[spmem:s3] =	stream.indirect.scatter.add.f32 [tilespmem:s14], [sflag:$0x5], $0x10, s29, s13, $0xb8;
	[tilespmem:$0x1FB00] =	vst v63  }
0x7c: {  	_ =	swait.ge [sflag:s7], $0x800  }
0x7d: {  	[sflag:s7] =	ssyncset.done $0x0  }
0x7e: {  	s29 =	simm.s32 $0x300;
	[sflag:s7] =	ssyncadd.s32 $0xFFFFF800  }
0x7f: {  	[tilespmem:s17], [sflag:$0x3] =	stream.indirect.gather [hbm4b:s26+s13], $0x10, s29, s13, $0xb8;
	[tilespmem:$0x1FB00] =	vst v63  }
0x80: {  	_ =	swait.ge [sflag:s23], $0x800  }
0x81: {  	[sflag:s23] =	ssyncset.done $0x0  }
0x82: {  	s29 =	simm.s32 $0x2A80;
	[sflag:s23] =	ssyncadd.s32 $0xFFFFF800  }
0x83: {  	[spmem:s3] =	stream.indirect.scatter.add.f32 [tilespmem:s15], [sflag:$0x6], $0x10, s29, s13, $0xb8;
	[tilespmem:$0x1FB00] =	vst v63  }
0x84: {  	_ =	swait.ge [sflag:s10], $0x800  }
0x85: {  	[sflag:s10] =	ssyncset.done $0x0  }
0x86: {  	s29 =	simm.s32 $0x380;
	[sflag:s10] =	ssyncadd.s32 $0xFFFFF800  }
0x87: {  	[tilespmem:s19], [sflag:$0x4] =	stream.indirect.gather [hbm4b:s26+s13], $0x10, s29, s13, $0xb8;
	[tilespmem:$0x1FB00] =	vst v63  }
0x88: {  	_ =	swait.ge [sflag:s25], $0x800  }
0x89: {  	[sflag:s25] =	ssyncset.done $0x0  }
0x8a: {  	s29 =	simm.s32 $0x2B00;
	[sflag:s25] =	ssyncadd.s32 $0xFFFFF800  }
0x8b: {  	[spmem:s3] =	stream.indirect.scatter.add.f32 [tilespmem:s17], [sflag:$0x7], $0x10, s29, s13, $0xb8;
	[tilespmem:$0x1FB00] =	vst v63  }
0x8c: {  	_ =	swait.ge [sflag:s28], $0x800  }
0x8d: {  	[sflag:s28] =	ssyncset.done $0x0  }
0x8e: {  	s29 =	simm.s32 $0x400;
	[sflag:s28] =	ssyncadd.s32 $0xFFFFF800  }
0x8f: {  	[tilespmem:s14], [sflag:$0x1] =	stream.indirect.gather [hbm4b:s26+s13], $0x10, s29, s13, $0xb8;
	[tilespmem:$0x1FB00] =	vst v63  }
0x90: {  	_ =	swait.ge [sflag:s30], $0x800  }
0x91: {  	[sflag:s30] =	ssyncset.done $0x0  }
0x92: {  	s29 =	simm.s32 $0x2B80;
	[sflag:s30] =	ssyncadd.s32 $0xFFFFF800  }
0x93: {  	[spmem:s3] =	stream.indirect.scatter.add.f32 [tilespmem:s19], [sflag:$0x8], $0x10, s29, s13, $0xb8;
	[tilespmem:$0x1FB00] =	vst v63  }
0x94: {  	_ =	swait.ge [sflag:s1], $0x800  }
0x95: {  	[sflag:s1] =	ssyncset.done $0x0  }
0x96: {  	s31 =	simm.s32 $0x480;
	s29 =	simm.s32 $0x800;
	[sflag:s1] =	ssyncadd.s32 $0xFFFFF800  }
.LBB2_7:
0x97: {  	[tilespmem:s15], [sflag:$0x2] =	stream.indirect.gather [hbm4b:s26+s13], $0x10, s31, s13, $0xb8;
	[tilespmem:$0x1FB00] =	vst v63  }
0x98: {  	s31 =	smov.u32 s29  }
0x99: {  	p0 =	sne.s32 s29, $0x8800;
	s29 =	sadd.s32 $0x800, s29;
	_ =	swait.ge [sflag:s22], $0x800  }
0x9a: {  	s31 =	sshra.s32 s31, $0x2;
	[sflag:s22] =	ssyncset.done $0x0  }
0x9b: {  	s6 =	sadd.s32 $0x2A00, s31;
	[sflag:s22] =	ssyncadd.s32 $0xFFFFF800  }
0x9c: {  	[spmem:s3] =	stream.indirect.scatter.add.f32 [tilespmem:s14], [sflag:$0x5], $0x10, s6, s13, $0xb8;
	[tilespmem:$0x1FB00] =	vst v63  }
0x9d: {  	_ =	swait.ge [sflag:s7], $0x800  }
0x9e: {  	[sflag:s7] =	ssyncset.done $0x0  }
0x9f: {  	s6 =	sadd.s32 $0x300, s31;
	[sflag:s7] =	ssyncadd.s32 $0xFFFFF800  }
0xa0: {  	[tilespmem:s17], [sflag:$0x3] =	stream.indirect.gather [hbm4b:s26+s13], $0x10, s6, s13, $0xb8;
	[tilespmem:$0x1FB00] =	vst v63  }
0xa1: {  	_ =	swait.ge [sflag:s23], $0x800  }
0xa2: {  	[sflag:s23] =	ssyncset.done $0x0  }
0xa3: {  	s6 =	sadd.s32 $0x2A80, s31;
	[sflag:s23] =	ssyncadd.s32 $0xFFFFF800  }
0xa4: {  	[spmem:s3] =	stream.indirect.scatter.add.f32 [tilespmem:s15], [sflag:$0x6], $0x10, s6, s13, $0xb8;
	[tilespmem:$0x1FB00] =	vst v63  }
0xa5: {  	_ =	swait.ge [sflag:s10], $0x800  }
0xa6: {  	[sflag:s10] =	ssyncset.done $0x0  }
0xa7: {  	s6 =	sadd.s32 $0x380, s31;
	[sflag:s10] =	ssyncadd.s32 $0xFFFFF800  }
0xa8: {  	[tilespmem:s19], [sflag:$0x4] =	stream.indirect.gather [hbm4b:s26+s13], $0x10, s6, s13, $0xb8;
	[tilespmem:$0x1FB00] =	vst v63  }
0xa9: {  	_ =	swait.ge [sflag:s25], $0x800  }
0xaa: {  	[sflag:s25] =	ssyncset.done $0x0  }
0xab: {  	s6 =	sadd.s32 $0x2B00, s31;
	[sflag:s25] =	ssyncadd.s32 $0xFFFFF800  }
0xac: {  	[spmem:s3] =	stream.indirect.scatter.add.f32 [tilespmem:s17], [sflag:$0x7], $0x10, s6, s13, $0xb8;
	[tilespmem:$0x1FB00] =	vst v63  }
0xad: {  	_ =	swait.ge [sflag:s28], $0x800  }
0xae: {  	[sflag:s28] =	ssyncset.done $0x0  }
0xaf: {  	s6 =	sadd.s32 $0x400, s31;
	[sflag:s28] =	ssyncadd.s32 $0xFFFFF800  }
0xb0: {  	[tilespmem:s14], [sflag:$0x1] =	stream.indirect.gather [hbm4b:s26+s13], $0x10, s6, s13, $0xb8;
	[tilespmem:$0x1FB00] =	vst v63  }
0xb1: {  	_ =	swait.ge [sflag:s30], $0x800  }
0xb2: {  	[sflag:s30] =	ssyncset.done $0x0  }
.Ltmp2:
0xb3: {  	s6 =	sadd.s32 $0x2B80, s31;
	[sflag:s30] =	ssyncadd.s32 $0xFFFFF800;
	(pc) =	sbr.rel @p0 .LBB2_7-.Ltmp2, $4  }
0xb4: {  	[spmem:s3] =	stream.indirect.scatter.add.f32 [tilespmem:s19], [sflag:$0x8], $0x10, s6, s13, $0xb8;
	[tilespmem:$0x1FB00] =	vst v63  }
0xb5: {  	_ =	swait.ge [sflag:s1], $0x800  }
0xb6: {  	[sflag:s1] =	ssyncset.done $0x0  }
0xb7: {  	s31 =	sadd.s32 $0x480, s31;
	[sflag:s1] =	ssyncadd.s32 $0xFFFFF800  }
0xb8: {  	[tilespmem:s15], [sflag:$0x2] =	stream.indirect.gather [hbm4b:s26+s13], $0x10, s31, s13, $0xb8;
	[tilespmem:$0x1FB00] =	vst v63  }
0xb9: {  	_ =	swait.ge [sflag:s22], $0x800  }
0xba: {  	[sflag:s22] =	ssyncset.done $0x0  }
0xbb: {  	s6 =	simm.s32 $0x4E00;
	[sflag:s22] =	ssyncadd.s32 $0xFFFFF800  }
0xbc: {  	[spmem:s3] =	stream.indirect.scatter.add.f32 [tilespmem:s14], [sflag:$0x5], $0x10, s6, s13, $0xb8;
	[tilespmem:$0x1FB00] =	vst v63  }
0xbd: {  	_ =	swait.ge [sflag:s7], $0x800  }
0xbe: {  	[sflag:s7] =	ssyncset.done $0x0  }
0xbf: {  	[sflag:s7] =	ssyncadd.s32 $0xFFFFF800  }
0xc0: {  	[tilespmem:s17], [sflag:$0x3] =	stream.indirect.gather [hbm4b:s26+s13], $0x10, s0, s13, $0xb8;
	[tilespmem:$0x1FB00] =	vst v63  }
0xc1: {  	_ =	swait.ge [sflag:s23], $0x800  }
0xc2: {  	[sflag:s23] =	ssyncset.done $0x0  }
0xc3: {  	[sflag:s23] =	ssyncadd.s32 $0xFFFFF800  }
0xc4: {  	[spmem:s3] =	stream.indirect.scatter.add.f32 [tilespmem:s15], [sflag:$0x6], $0x10, s2, s13, $0xb8;
	[tilespmem:$0x1FB00] =	vst v63  }
0xc5: {  	_ =	swait.ge [sflag:s10], $0x800  }
0xc6: {  	[sflag:s10] =	ssyncset.done $0x0  }
0xc7: {  	[sflag:s10] =	ssyncadd.s32 $0xFFFFF800  }
0xc8: {  	[tilespmem:s19], [sflag:$0x4] =	stream.indirect.gather [hbm4b:s26+s13], $0x10, s4, s13, $0xb8;
	[tilespmem:$0x1FB00] =	vst v63  }
0xc9: {  	_ =	swait.ge [sflag:s25], $0x800  }
0xca: {  	[sflag:s25] =	ssyncset.done $0x0  }
0xcb: {  	[sflag:s25] =	ssyncadd.s32 $0xFFFFF800  }
0xcc: {  	[spmem:s3] =	stream.indirect.scatter.add.f32 [tilespmem:s17], [sflag:$0x7], $0x10, s16, s13, $0xb8;
	[tilespmem:$0x1FB00] =	vst v63  }
0xcd: {  	_ =	swait.ge [sflag:s30], $0x800  }
0xce: {  	[sflag:s30] =	ssyncset.done $0x0  }
0xcf: {  	[sflag:s30] =	ssyncadd.s32 $0xFFFFF800  }
0xd0: {  	[spmem:s3] =	stream.indirect.scatter.add.f32 [tilespmem:s19], [sflag:$0x8], $0x10, s18, s13, $0xb8;
	[tilespmem:$0x1FB00] =	vst v63  }
0xd1: {  	_ =	swait.ge [sflag:s28], $0x800  }
0xd2: {  	[sflag:s28] =	ssyncset.done $0x0  }
0xd3: {  	[sflag:s28] =	ssyncadd.s32 $0xFFFFF800  }
0xd4: {  	_ =	swait.ge [sflag:s1], $0x800  }
0xd5: {  	[sflag:s1] =	ssyncset.done $0x0  }
0xd6: {  	[sflag:s1] =	ssyncadd.s32 $0xFFFFF800  }
0xd7: {  	_ =	swait.ge [sflag:s7], $0x800  }
0xd8: {  	s29 =	sshll.u32 s24, $0x4;
	s24 =	sadd.s32 $0x1, s24;
	[sflag:s7] =	ssyncset.done $0x0  }
0xd9: {  	p0 =	sne.s32 s24, $0x8;
	[sflag:s7] =	ssyncadd.s32 $0xFFFFF800  }
.Ltmp3:
0xda: {  	s31 =	stileid.u32;
	_ =	swait.ge [sflag:s10], $0x800;
	(pc) =	sbr.rel @p0 .LBB2_2-.Ltmp3, $4  }
0xdb: {  	s6 =	sadd.s32 s8, s29;
	s29 =	sshrl.u32 s9, $0x3;
	[sflag:s10] =	ssyncset.done $0x0  }
0xdc: {  	s6 =	sshrl.u32 s6, $0x3;
	s26 =	sshll.u32 s31, $0x6;
	[sflag:s10] =	ssyncadd.s32 $0xFFFFF800  }
0xdd: {  	s6 =	sadd.s32 s5, s6;
	s26 =	sor.u32 $0x1C0A, s26;
	[bflag:$0x0] =	sbarrier.arrive $0xFFFF  }
0xde: {  	[hbm:s6@s12], [sflag:s26] =	dma.strided [spmem:s29@s23], $0x3110, s22, $0x2   }
0xdf: {  	s11 =	simm.s32 $0xA  }
0xe0: {  	_ =	swait.ge [sflag:s11], $0x3110  }
0xe1: {  	s24 =	rddreg [dreg:$0x7]  }
0xe2: {  	s6 =	rddreg [dreg:$0x6];
	s24 =	sadd.s32 $0x1, s24  }
0xe3: {  	p0 =	sne.s32 s24, s6  }
.Ltmp4:
0xe4: {  	_ = 	snop;
	(pc) =	sbr.rel @p0 .LBB2_1-.Ltmp4, $3  }
0xe5: {  	_ =	sdelay $0x1  }
0xe6: {  	[sflag:s11] =	ssyncset.done $0x0  }
0xe7: {  	[sflag:s11] =	ssyncadd.s32 $0xFFFFCEF0  }
0xe8: {  	_ =	sfence.sel $0x180000  }
0xe9: {  	[bflag:$0x0] =	sbarrier.arrive $0xFFFF  }
0xea: {  	_ =	strace $0x9000004D  }
0xeb: {  	s0 =	stileid.u32;
	[bflag:$0x2] =	sbarrier.arrive $0xFFFF  }
0xec: {  	p0 =	sne.s32 s0, $0x0;
	s0 =	rddreg [dreg:$0x3]  }
0xed: {  	s0 =	sadd.s32 @!p0 $0x100000, s0  }
0xee: {  	[sflag:s0] =	ssyncadd.tile.s32 @!p0 $0x1;
	_ =	shalt  }
.Lfunc_end2:
_tile_overlayer_lowered:
.L_overlay_start_2:
0xef: {  	(tag) =	ssettag $0x2  }
0xf0: {  	s0 =	rddreg [dreg:$0x0];
	s2 =	stileid.u32  }
0xf1: {  	s1 =	rddreg [dreg:$0x1];
	p0 =	sne.s32 s2, $0x0  }
0xf2: {  	s3 =	rddreg [dreg:$0x2];
	[bflag:$0x3] =	sbarrier.arrive $0xFFFF;
	s2 =	simm.s32 @!p0 $0x1C0B  }
0xf3: {  	[timem:s3], [sflag:s2] =	dma.local @!p0 [hbm:s0], s1  }
0xf4: {  	s0 =	simm.s32 @!p0 $0xB  }
0xf5: {  	_ =	swait.ge @!p0 [sflag:s0], s1  }
0xf6: {  	s1 =	ssub.s32 @!p0 $0x0, s1;
	[sflag:s0] =	ssyncset.done @!p0 $0x0  }
0xf7: {  	[sflag:s0] =	ssyncadd.s32 @!p0 s1  }
0xf8: {  	[bflag:$0x3] =	sbarrier.arrive $0xFFFF  }
0xf9: {  	_ =	shalt  }

</sc_bundles>
